<compile_context>
chip_gen: v7x
topology: tpu7x:2x2x1
jax: 0.10.2.dev20260603
libtpu: 0.0.44.dev20260713+nightly
codegen_flags: <defaults>
</compile_context>

<pallas_src>
import functools

import jax
import jax.numpy as jnp
from jax import lax
from jax.experimental import pallas as pl
from jax.experimental.pallas import tpu as pltpu
from jax.experimental.pallas import tpu_sc as plsc

C = 21
CP = 24
K = 64
K2 = 2 * K
CSTR = 2 * K2
SUBSTR = CP * CSTR
NSUB = 16
SUBSHIFT = SUBSTR + 1
HPAD = NSUB * SUBSHIFT

NW = 32
SUB = 32


def _err_body(x_ref, t_ref, o_ref):
    x = x_ref[0]
    ex = jnp.exp(x)
    p = ex / jnp.sum(ex, axis=0, keepdims=True)
    tgt = t_ref[...]
    cls = lax.broadcasted_iota(jnp.int32, (C, SUB, 512), 0)
    fg = cls == tgt
    e = jnp.abs(p - fg.astype(jnp.float32))
    kq = (e * (K * (1.0 - 1e-6))).astype(jnp.int32)
    key = kq + jnp.where(fg, K, 0)
    ebits = lax.bitcast_convert_type(
        e.astype(jnp.bfloat16), jnp.uint16).astype(jnp.int32)
    o_ref[0] = (key << 16) | ebits


def _stage1_b(x, t, b, hh, ww):
    return pl.pallas_call(
        _err_body,
        grid=(hh // SUB,),
        in_specs=[
            pl.BlockSpec((1, C, SUB, ww), lambda j: (b, 0, j, 0)),
            pl.BlockSpec((1, SUB, ww), lambda j: (b, j, 0)),
        ],
        out_specs=pl.BlockSpec((1, C, SUB, ww), lambda j: (0, 0, j, 0)),
        out_shape=jax.ShapeDtypeStruct((1, C, hh, ww), jnp.int32),
    )(x, t)


def _make_hist_kernel(hh, ww):
    rows = C
    rpw = hh // NW
    ch = rpw * ww
    nv = ch // 16
    vpr = ww // 16
    mesh = plsc.VectorSubcoreMesh(core_axis_name="c", subcore_axis_name="s")

    @functools.partial(
        pl.kernel,
        mesh=mesh,
        out_type=jax.ShapeDtypeStruct((NW * SUBSTR,), jnp.float32),
        compiler_params=pltpu.CompilerParams(needs_layout_passes=False),
        scratch_types=[
            pltpu.VMEM((2, rpw, ww), jnp.int32),
            pltpu.VMEM((HPAD,), jnp.float32),
            pltpu.SemaphoreType.DMA,
            pltpu.SemaphoreType.DMA,
        ],
    )
    def hist_kernel(ep_hbm, out_hbm, buf, hist, sem0, sem1):
        wid = lax.axis_index("s") * 2 + lax.axis_index("c")
        zero16 = jnp.zeros((16,), jnp.float32)

        @plsc.parallel_loop(0, HPAD // 16, unroll=8)
        def _zero(i):
            hist[pl.ds(i * 16, 16)] = zero16

        r0w = wid * rpw
        ones16 = jnp.ones((16,), jnp.float32)
        laneoff = lax.iota(jnp.int32, 16) * SUBSHIFT
        sems = (sem0, sem1)

        def src(r):
            return ep_hbm.at[0, r, pl.ds(r0w, rpw), :]

        def start(r, slot):
            pltpu.async_copy(src(r), buf.at[slot], sems[slot])

        def wait(r, slot):
            pltpu.make_async_copy(src(r), buf.at[slot], sems[slot]).wait()

        def process(r, slot):
            cbase = r * CSTR + laneoff

            def rowbody(row, carry):
                @plsc.parallel_loop(0, vpr, unroll=16)
                def _vbody(j):
                    w = buf[slot, row, pl.ds(j * 16, 16)]
                    key = cbase + (w >> 16)
                    e = lax.bitcast_convert_type(w << 16, jnp.float32)
                    plsc.addupdate_scatter(hist, [key], ones16)
                    plsc.addupdate_scatter(hist, [key + K2], e)

                return carry

            lax.fori_loop(0, rpw, rowbody, 0)

        start(0, 0)

        def row_pair(rp, carry):
            r0 = rp * 2
            start(r0 + 1, 1)
            wait(r0, 0)
            process(r0, 0)
            start(r0 + 2, 0)
            wait(r0 + 1, 1)
            process(r0 + 1, 1)
            return carry

        lax.fori_loop(0, rows // 2, row_pair, 0)
        wait(rows - 1, 0)
        process(rows - 1, 0)

        @plsc.parallel_loop(0, SUBSTR // 16, unroll=2)
        def _fold(i):
            o = i * 16
            acc = hist[pl.ds(o, 16)]
            for sub in range(1, NSUB):
                acc = acc + hist[pl.ds(sub * SUBSHIFT + o, 16)]
            hist[pl.ds(o, 16)] = acc

        pltpu.sync_copy(hist.at[pl.ds(0, SUBSTR)],
                        out_hbm.at[pl.ds(wid * SUBSTR, SUBSTR)])

    return hist_kernel


GF = 4


def _fin_body(h0_ref, h1_ref, h2_ref, h3_ref, o_ref, acc_ref):
    w = pl.program_id(0)

    @pl.when(w == 0)
    def _():
        acc_ref[...] = jnp.zeros_like(acc_ref)

    for h_ref in (h0_ref, h1_ref, h2_ref, h3_ref):
        acc = h_ref[0:CP, :]
        for g in range(1, GF):
            acc = acc + h_ref[g * CP:(g + 1) * CP, :]
        acc_ref[...] += acc

    @pl.when(w == NW // GF - 1)
    def _():
        h = acc_ref[0:C, :]
        gcnt = h[:, 0:K]
        fcnt = h[:, K:K2]
        ges = h[:, K2:K2 + K]
        fes = h[:, K2 + K:CSTR]
        G = jnp.sum(fcnt, axis=1, keepdims=True)
        es = fes + ges
        E = jnp.sum(es, axis=1, keepdims=True)
        rio = lax.broadcasted_iota(jnp.int32, (K, K), 0)
        cio = lax.broadcasted_iota(jnp.int32, (K, K), 1)
        upper = (rio > cio).astype(jnp.float32)
        dims = (((1,), (0,)), ((), ()))
        S0 = lax.dot_general(fcnt, upper, dims,
                             precision=lax.Precision.HIGHEST,
                             preferred_element_type=jnp.float32)
        B0 = lax.dot_general(gcnt, upper, dims,
                             precision=lax.Precision.HIGHEST,
                             preferred_element_type=jnp.float32)
        denom = jnp.maximum(G + B0 + gcnt * 0.5, 1.0)
        r = (G - S0 - fcnt * 0.5) / denom
        T = jnp.sum(es * r, axis=1, keepdims=True)
        kidx = lax.broadcasted_iota(jnp.int32, (C, K), 1).astype(jnp.float32)
        kmax = jnp.max(jnp.where(gcnt + fcnt > 0, kidx, -1.0),
                       axis=1, keepdims=True)
        emax = (kmax + 1.0) * (1.0 / K)
        Gs = jnp.maximum(G, 1.0)
        loss_c = jnp.where(G > 0, E - T - (E - emax) / Gs, 0.0)
        present = (G > 0).astype(jnp.float32)
        loss = jnp.sum(loss_c) / jnp.maximum(jnp.sum(present), 1.0)
        o_ref[...] = jnp.full((8, 128), loss, jnp.float32)


def _stage3(hists):
    spec = pl.BlockSpec((GF * CP, CSTR), lambda w: (w, 0))
    out = pl.pallas_call(
        _fin_body,
        grid=(NW // GF,),
        in_specs=[spec, spec, spec, spec],
        out_specs=pl.BlockSpec((8, 128), lambda w: (0, 0)),
        out_shape=jax.ShapeDtypeStruct((8, 128), jnp.float32),
        scratch_shapes=[pltpu.VMEM((CP, CSTR), jnp.float32)],
    )(*hists)
    return out[0, 0]


def kernel(input, target):
    nb, _, hh, ww = input.shape
    hist_call = _make_hist_kernel(hh, ww)
    hists = []
    for b in range(nb):
        ep_b = _stage1_b(input, target, b, hh, ww)
        hists.append(hist_call(ep_b).reshape(NW * CP, CSTR))
    return _stage3(hists)

# --- scband reference (transcript-rebuilt; emitter-appended) ---
"""Pipeline reference for scband-lovasz-softmax-loss-29884382445875 (READ-ONLY COPY).

The authoritative reference and input builder live on the scoring server;
editing this copy changes nothing except your own understanding.
"""

import jax, jax.numpy as jnp
import numpy as np

NUM_CLASSES = 21
IGNORE_INDEX = -100


def lovasz_grad(gt_sorted):
    p = gt_sorted.shape[0]
    gts = jnp.sum(gt_sorted)
    intersection = gts - jnp.cumsum(gt_sorted, axis=0)
    union = gts + jnp.cumsum(1.0 - gt_sorted, axis=0)
    jaccard = 1.0 - intersection / union
    if p > 1:
        jaccard = jaccard.at[1:].set(jaccard[1:] - jaccard[0])
    return jaccard


def setup_inputs(seed: int = 0) -> dict:
    key = jax.random.key(seed)
    k1, k2 = jax.random.split(key)
    inp = jax.random.normal(k1, (4, NUM_CLASSES, 512, 512), dtype=jnp.float32)
    target = jax.random.randint(k2, (4, 512, 512), 0, NUM_CLASSES, dtype=jnp.int32)
    return {"input": inp, "target": target}


def reference(input, target):
    probs = jax.nn.softmax(input, axis=1)
    probs = jnp.transpose(probs, (0, 2, 3, 1)).reshape(-1, NUM_CLASSES)
    target_flat = target.reshape(-1)
    mask = target_flat != IGNORE_INDEX
    maskf = mask.astype(jnp.float32)
    losses = []
    present = []
    for c in range(NUM_CLASSES):
        fg = ((target_flat == c) & mask).astype(jnp.float32)
        pred = probs[:, c]
        errors = jnp.abs(fg - pred) * maskf
        indices = jnp.argsort(-errors)
        errors_sorted = errors[indices]
        fg_sorted = fg[indices]
        loss_c = jnp.dot(errors_sorted, lovasz_grad(fg_sorted))
        has_fg = jnp.sum(fg) > 0
        losses.append(jnp.where(has_fg, loss_c, 0.0))
        present.append(has_fg.astype(jnp.float32))
    return jnp.sum(jnp.stack(losses)) / jnp.sum(jnp.stack(present))

if __name__ == "__main__":
    import jax
    _d = setup_inputs()
    print(jax.jit(kernel)(*tuple(_d.values())))

</pallas_src>

<mosaic_0001>
#map = affine_map<(d0, d1) -> (0, 0, 0, 0)>
#map1 = affine_map<(d0, d1) -> (0)>
module attributes {stable_mosaic.version = 14 : i64} {
  func.func @hist_kernel(%arg0: i32, %arg1: i32, %arg2: memref<1x21x512x512xi32, #tpu.memory_space<hbm>>, %arg3: memref<196608xf32, #tpu.memory_space<hbm>>, %arg4: memref<2x16x512xi32, #tpu.memory_space<vmem>>, %arg5: memref<98320xf32, #tpu.memory_space<vmem>>, %arg6: memref<!tpu.dma_semaphore, #tpu.memory_space<semaphore_mem>>, %arg7: memref<!tpu.dma_semaphore, #tpu.memory_space<semaphore_mem>>) attributes {dimension_semantics = [#tpu.dimension_semantics<core_parallel>, #tpu.dimension_semantics<subcore_parallel>], iteration_bounds = array<i64: 2, 16>, scalar_prefetch = 0 : i64, scratch_operands = 4 : i64, tpu.core_type = #tpu.core_type<sc_vector_subcore>, window_params = [{transform_indices = #map}, {transform_indices = #map1}]} {
    %mul3A = arith.constant 2 : i32
    %mul3A_0 = arith.muli %arg1, %mul3A : i32
    %add3A = arith.addi %mul3A_0, %arg0 : i32
    %broadcast_in_dim3A = arith.constant 0.000000e+00 : f32
    %broadcast_in_dim3A_1 = vector.broadcast %broadcast_in_dim3A : f32 to vector<16xf32>
    %parallel_loop3A = arith.constant 0 : i32
    %parallel_loop3A_2 = arith.constant 6145 : i32
    %parallel_loop3A_3 = arith.constant 1 : i32
    scf.for %parallel_loop3A_62 = %parallel_loop3A to %parallel_loop3A_2 step %parallel_loop3A_3  : i32 {
      %parallel_loop3A_63 = arith.constant 16 : i32
      %parallel_loop3A_64 = arith.muli %parallel_loop3A_62, %parallel_loop3A_63 : i32
      %parallel_loop3A_65 = arith.index_cast %parallel_loop3A_64 : i32 to index
      %parallel_loop3A_66 = tpu.vector_load %arg5[%parallel_loop3A_65] {strides = array<i32>} : memref<98320xf32, #tpu.memory_space<vmem>>, vector<16xf32>,
      tpu.vector_store %arg5[%parallel_loop3A_65], %broadcast_in_dim3A_1 {strides = array<i32>} : memref<98320xf32, #tpu.memory_space<vmem>>, vector<16xf32>,
    } {sc.loop_unroll_factor = 8 : i64, sc.parallel_access}
    %mul3A_4 = arith.constant 16 : i32
    %mul3A_5 = arith.muli %add3A, %mul3A_4 : i32
    %broadcast_in_dim3A_6 = arith.constant 1.000000e+00 : f32
    %broadcast_in_dim3A_7 = vector.broadcast %broadcast_in_dim3A_6 : f32 to vector<16xf32>
    %iota3A = tpu.iota {dimensions = array<i32: 0>} : vector<16xi32>
    %mul3A_8 = arith.constant 6145 : i32
    %mul3A_9 = vector.broadcast %mul3A_8 : i32 to vector<16xi32>
    %mul3A_10 = arith.muli %iota3A, %mul3A_9 : vector<16xi32>
    %dma_start3A = arith.constant 0 : i32
    %dma_start3A_11 = arith.constant 0 : i32
    %dma_start3A_12 = arith.constant 0 : i32
    %dma_start3A_13 = arith.constant 0 : i32
    %dma_start3A_14 = arith.constant 0 : i32
    %dma_start3A_15 = tpu.memref_slice %arg4[%dma_start3A_12, %dma_start3A_13, %dma_start3A_14] : memref<2x16x512xi32, #tpu.memory_space<vmem>> -> memref<1x16x512xi32, #tpu.memory_space<vmem>>
    %dma_start3A_16 = tpu.memref_squeeze %dma_start3A_15 : memref<1x16x512xi32, #tpu.memory_space<vmem>> -> memref<16x512xi32, #tpu.memory_space<vmem>>
    %dma_start3A_17 = arith.constant 0 : i32
    %dma_start3A_18 = tpu.memref_slice %arg2[%dma_start3A, %dma_start3A_11, %mul3A_5, %dma_start3A_17] : memref<1x21x512x512xi32, #tpu.memory_space<hbm>> -> memref<1x1x16x512xi32, #tpu.memory_space<hbm>>
    %dma_start3A_19 = tpu.memref_squeeze %dma_start3A_18 : memref<1x1x16x512xi32, #tpu.memory_space<hbm>> -> memref<16x512xi32, #tpu.memory_space<hbm>>
    %dma_start3A_20 = arith.constant 0 : i32
    %dma_start3A_21 = arith.constant 0 : i32
    %dma_start3A_22 = tpu.memref_slice %arg4[%dma_start3A_12, %dma_start3A_20, %dma_start3A_21] : memref<2x16x512xi32, #tpu.memory_space<vmem>> -> memref<1x16x512xi32, #tpu.memory_space<vmem>>
    %dma_start3A_23 = tpu.memref_squeeze %dma_start3A_22 : memref<1x16x512xi32, #tpu.memory_space<vmem>> -> memref<16x512xi32, #tpu.memory_space<vmem>>
    %dma_start3A_24 = arith.constant 0 : i32
    %dma_start3A_25 = tpu.memref_slice %arg2[%dma_start3A, %dma_start3A_11, %mul3A_5, %dma_start3A_24] : memref<1x21x512x512xi32, #tpu.memory_space<hbm>> -> memref<1x1x16x512xi32, #tpu.memory_space<hbm>>
    %dma_start3A_26 = tpu.memref_squeeze %dma_start3A_25 : memref<1x1x16x512xi32, #tpu.memory_space<hbm>> -> memref<16x512xi32, #tpu.memory_space<hbm>>
    tpu.enqueue_dma source(%dma_start3A_26 : memref<16x512xi32, #tpu.memory_space<hbm>>) target(%dma_start3A_23 : memref<16x512xi32, #tpu.memory_space<vmem>>) target_semaphore(%arg6 : memref<!tpu.dma_semaphore, #tpu.memory_space<semaphore_mem>>)
    %scan3A = arith.constant 0 : i32
    %scan3A_27 = arith.constant 0 : i32
    %scan3A_28 = arith.constant 10 : i32
    %scan3A_29 = arith.addi %scan3A_27, %scan3A_28 : i32
    %scan3A_30 = arith.constant 1 : i32
    scf.for %scan3A_62 = %scan3A_27 to %scan3A_29 step %scan3A_30  : i32 {
      %mul3A_63 = arith.constant 2 : i32
      %mul3A_64 = arith.muli %scan3A_62, %mul3A_63 : i32
      %add3A_65 = arith.constant 1 : i32
      %add3A_66 = arith.addi %mul3A_64, %add3A_65 : i32
      %dma_start3A_67 = arith.constant 0 : i32
      %dma_start3A_68 = arith.constant 1 : i32
      %dma_start3A_69 = arith.constant 0 : i32
      %dma_start3A_70 = arith.constant 0 : i32
      %dma_start3A_71 = tpu.memref_slice %arg4[%dma_start3A_68, %dma_start3A_69, %dma_start3A_70] : memref<2x16x512xi32, #tpu.memory_space<vmem>> -> memref<1x16x512xi32, #tpu.memory_space<vmem>>
      %dma_start3A_72 = tpu.memref_squeeze %dma_start3A_71 : memref<1x16x512xi32, #tpu.memory_space<vmem>> -> memref<16x512xi32, #tpu.memory_space<vmem>>
      %dma_start3A_73 = arith.constant 0 : i32
      %dma_start3A_74 = tpu.memref_slice %arg2[%dma_start3A_67, %add3A_66, %mul3A_5, %dma_start3A_73] : memref<1x21x512x512xi32, #tpu.memory_space<hbm>> -> memref<1x1x16x512xi32, #tpu.memory_space<hbm>>
      %dma_start3A_75 = tpu.memref_squeeze %dma_start3A_74 : memref<1x1x16x512xi32, #tpu.memory_space<hbm>> -> memref<16x512xi32, #tpu.memory_space<hbm>>
      %dma_start3A_76 = arith.constant 0 : i32
      %dma_start3A_77 = arith.constant 0 : i32
      %dma_start3A_78 = tpu.memref_slice %arg4[%dma_start3A_68, %dma_start3A_76, %dma_start3A_77] : memref<2x16x512xi32, #tpu.memory_space<vmem>> -> memref<1x16x512xi32, #tpu.memory_space<vmem>>
      %dma_start3A_79 = tpu.memref_squeeze %dma_start3A_78 : memref<1x16x512xi32, #tpu.memory_space<vmem>> -> memref<16x512xi32, #tpu.memory_space<vmem>>
      %dma_start3A_80 = arith.constant 0 : i32
      %dma_start3A_81 = tpu.memref_slice %arg2[%dma_start3A_67, %add3A_66, %mul3A_5, %dma_start3A_80] : memref<1x21x512x512xi32, #tpu.memory_space<hbm>> -> memref<1x1x16x512xi32, #tpu.memory_space<hbm>>
      %dma_start3A_82 = tpu.memref_squeeze %dma_start3A_81 : memref<1x1x16x512xi32, #tpu.memory_space<hbm>> -> memref<16x512xi32, #tpu.memory_space<hbm>>
      tpu.enqueue_dma source(%dma_start3A_82 : memref<16x512xi32, #tpu.memory_space<hbm>>) target(%dma_start3A_79 : memref<16x512xi32, #tpu.memory_space<vmem>>) target_semaphore(%arg7 : memref<!tpu.dma_semaphore, #tpu.memory_space<semaphore_mem>>)
      %dma_wait3A_83 = arith.constant 0 : i32
      %dma_wait3A_84 = arith.constant 0 : i32
      %dma_wait3A_85 = arith.constant 0 : i32
      %dma_wait3A_86 = arith.constant 0 : i32
      %dma_wait3A_87 = tpu.memref_slice %arg4[%dma_wait3A_84, %dma_wait3A_85, %dma_wait3A_86] : memref<2x16x512xi32, #tpu.memory_space<vmem>> -> memref<1x16x512xi32, #tpu.memory_space<vmem>>
      %dma_wait3A_88 = tpu.memref_squeeze %dma_wait3A_87 : memref<1x16x512xi32, #tpu.memory_space<vmem>> -> memref<16x512xi32, #tpu.memory_space<vmem>>
      %dma_wait3A_89 = arith.constant 0 : i32
      %dma_wait3A_90 = tpu.memref_slice %arg2[%dma_wait3A_83, %mul3A_64, %mul3A_5, %dma_wait3A_89] : memref<1x21x512x512xi32, #tpu.memory_space<hbm>> -> memref<1x1x16x512xi32, #tpu.memory_space<hbm>>
      %dma_wait3A_91 = tpu.memref_squeeze %dma_wait3A_90 : memref<1x1x16x512xi32, #tpu.memory_space<hbm>> -> memref<16x512xi32, #tpu.memory_space<hbm>>
      %dma_wait3A_92 = arith.constant 0 : i32
      %dma_wait3A_93 = arith.constant 0 : i32
      %dma_wait3A_94 = tpu.memref_slice %arg4[%dma_wait3A_84, %dma_wait3A_92, %dma_wait3A_93] : memref<2x16x512xi32, #tpu.memory_space<vmem>> -> memref<1x16x512xi32, #tpu.memory_space<vmem>>
      %dma_wait3A_95 = tpu.memref_squeeze %dma_wait3A_94 : memref<1x16x512xi32, #tpu.memory_space<vmem>> -> memref<16x512xi32, #tpu.memory_space<vmem>>
      %dma_wait3A_96 = arith.constant 0 : i32
      %dma_wait3A_97 = tpu.memref_slice %arg2[%dma_wait3A_83, %mul3A_64, %mul3A_5, %dma_wait3A_96] : memref<1x21x512x512xi32, #tpu.memory_space<hbm>> -> memref<1x1x16x512xi32, #tpu.memory_space<hbm>>
      %dma_wait3A_98 = tpu.memref_squeeze %dma_wait3A_97 : memref<1x1x16x512xi32, #tpu.memory_space<hbm>> -> memref<16x512xi32, #tpu.memory_space<hbm>>
      tpu.wait_dma2 semaphore(%arg6 : memref<!tpu.dma_semaphore, #tpu.memory_space<semaphore_mem>>) src(%dma_wait3A_98 : memref<16x512xi32, #tpu.memory_space<hbm>>) dst(%dma_wait3A_95 : memref<16x512xi32, #tpu.memory_space<vmem>>)
      %mul3A_99 = arith.constant 256 : i32
      %mul3A_100 = arith.muli %mul3A_64, %mul3A_99 : i32
      %add3A_101 = vector.broadcast %mul3A_100 : i32 to vector<16xi32>
      %add3A_102 = arith.addi %add3A_101, %mul3A_10 : vector<16xi32>
      %scan3A_103 = arith.constant 0 : i32
      %scan3A_104 = arith.constant 0 : i32
      %scan3A_105 = arith.constant 16 : i32
      %scan3A_106 = arith.addi %scan3A_104, %scan3A_105 : i32
      %scan3A_107 = arith.constant 1 : i32
      scf.for %scan3A_157 = %scan3A_104 to %scan3A_106 step %scan3A_107  : i32 {
        %parallel_loop3A_158 = arith.constant 0 : i32
        %parallel_loop3A_159 = arith.constant 32 : i32
        %parallel_loop3A_160 = arith.constant 1 : i32
        scf.for %parallel_loop3A_161 = %parallel_loop3A_158 to %parallel_loop3A_159 step %parallel_loop3A_160  : i32 {
          %parallel_loop3A_162 = arith.constant 16 : i32
          %parallel_loop3A_163 = arith.muli %parallel_loop3A_161, %parallel_loop3A_162 : i32
          %parallel_loop3A_164 = arith.constant 0 : i32
          %parallel_loop3A_165 = arith.index_cast %parallel_loop3A_164 : i32 to index
          %parallel_loop3A_166 = arith.index_cast %scan3A_157 : i32 to index
          %parallel_loop3A_167 = arith.index_cast %parallel_loop3A_163 : i32 to index
          %parallel_loop3A_168 = tpu.vector_load %arg4[%parallel_loop3A_165, %parallel_loop3A_166, %parallel_loop3A_167] {strides = array<i32>} : memref<2x16x512xi32, #tpu.memory_space<vmem>>, vector<16xi32>,
          %parallel_loop3A_169 = arith.constant 16 : i32
          %parallel_loop3A_170 = vector.broadcast %parallel_loop3A_169 : i32 to vector<16xi32>
          %parallel_loop3A_171 = arith.shrsi %parallel_loop3A_168, %parallel_loop3A_170 : vector<16xi32>
          %parallel_loop3A_172 = arith.addi %add3A_102, %parallel_loop3A_171 : vector<16xi32>
          %parallel_loop3A_173 = arith.constant 16 : i32
          %parallel_loop3A_174 = vector.broadcast %parallel_loop3A_173 : i32 to vector<16xi32>
          %parallel_loop3A_175 = arith.shli %parallel_loop3A_168, %parallel_loop3A_174 : vector<16xi32>
          %parallel_loop3A_176 = tpu.bitcast %parallel_loop3A_175 : vector<16xi32> -> vector<16xf32>
          tpu.vector_store_idx %arg5[%parallel_loop3A_172], %broadcast_in_dim3A_7 {add = true} : memref<98320xf32, #tpu.memory_space<vmem>>[vector<16xi32>], vector<16xf32>,
          %parallel_loop3A_177 = arith.constant 128 : i32
          %parallel_loop3A_178 = vector.broadcast %parallel_loop3A_177 : i32 to vector<16xi32>
          %parallel_loop3A_179 = arith.addi %parallel_loop3A_172, %parallel_loop3A_178 : vector<16xi32>
          tpu.vector_store_idx %arg5[%parallel_loop3A_179], %parallel_loop3A_176 {add = true} : memref<98320xf32, #tpu.memory_space<vmem>>[vector<16xi32>], vector<16xf32>,
        } {sc.loop_unroll_factor = 16 : i64, sc.parallel_access}
      }
      %scan3A_108 = arith.constant 16 : i32
      %add3A_109 = arith.constant 2 : i32
      %add3A_110 = arith.addi %mul3A_64, %add3A_109 : i32
      %dma_start3A_111 = arith.constant 0 : i32
      %dma_start3A_112 = arith.constant 0 : i32
      %dma_start3A_113 = arith.constant 0 : i32
      %dma_start3A_114 = arith.constant 0 : i32
      %dma_start3A_115 = tpu.memref_slice %arg4[%dma_start3A_112, %dma_start3A_113, %dma_start3A_114] : memref<2x16x512xi32, #tpu.memory_space<vmem>> -> memref<1x16x512xi32, #tpu.memory_space<vmem>>
      %dma_start3A_116 = tpu.memref_squeeze %dma_start3A_115 : memref<1x16x512xi32, #tpu.memory_space<vmem>> -> memref<16x512xi32, #tpu.memory_space<vmem>>
      %dma_start3A_117 = arith.constant 0 : i32
      %dma_start3A_118 = tpu.memref_slice %arg2[%dma_start3A_111, %add3A_110, %mul3A_5, %dma_start3A_117] : memref<1x21x512x512xi32, #tpu.memory_space<hbm>> -> memref<1x1x16x512xi32, #tpu.memory_space<hbm>>
      %dma_start3A_119 = tpu.memref_squeeze %dma_start3A_118 : memref<1x1x16x512xi32, #tpu.memory_space<hbm>> -> memref<16x512xi32, #tpu.memory_space<hbm>>
      %dma_start3A_120 = arith.constant 0 : i32
      %dma_start3A_121 = arith.constant 0 : i32
      %dma_start3A_122 = tpu.memref_slice %arg4[%dma_start3A_112, %dma_start3A_120, %dma_start3A_121] : memref<2x16x512xi32, #tpu.memory_space<vmem>> -> memref<1x16x512xi32, #tpu.memory_space<vmem>>
      %dma_start3A_123 = tpu.memref_squeeze %dma_start3A_122 : memref<1x16x512xi32, #tpu.memory_space<vmem>> -> memref<16x512xi32, #tpu.memory_space<vmem>>
      %dma_start3A_124 = arith.constant 0 : i32
      %dma_start3A_125 = tpu.memref_slice %arg2[%dma_start3A_111, %add3A_110, %mul3A_5, %dma_start3A_124] : memref<1x21x512x512xi32, #tpu.memory_space<hbm>> -> memref<1x1x16x512xi32, #tpu.memory_space<hbm>>
      %dma_start3A_126 = tpu.memref_squeeze %dma_start3A_125 : memref<1x1x16x512xi32, #tpu.memory_space<hbm>> -> memref<16x512xi32, #tpu.memory_space<hbm>>
      tpu.enqueue_dma source(%dma_start3A_126 : memref<16x512xi32, #tpu.memory_space<hbm>>) target(%dma_start3A_123 : memref<16x512xi32, #tpu.memory_space<vmem>>) target_semaphore(%arg6 : memref<!tpu.dma_semaphore, #tpu.memory_space<semaphore_mem>>)
      %add3A_127 = arith.constant 1 : i32
      %add3A_128 = arith.addi %mul3A_64, %add3A_127 : i32
      %dma_wait3A_129 = arith.constant 0 : i32
      %dma_wait3A_130 = arith.constant 1 : i32
      %dma_wait3A_131 = arith.constant 0 : i32
      %dma_wait3A_132 = arith.constant 0 : i32
      %dma_wait3A_133 = tpu.memref_slice %arg4[%dma_wait3A_130, %dma_wait3A_131, %dma_wait3A_132] : memref<2x16x512xi32, #tpu.memory_space<vmem>> -> memref<1x16x512xi32, #tpu.memory_space<vmem>>
      %dma_wait3A_134 = tpu.memref_squeeze %dma_wait3A_133 : memref<1x16x512xi32, #tpu.memory_space<vmem>> -> memref<16x512xi32, #tpu.memory_space<vmem>>
      %dma_wait3A_135 = arith.constant 0 : i32
      %dma_wait3A_136 = tpu.memref_slice %arg2[%dma_wait3A_129, %add3A_128, %mul3A_5, %dma_wait3A_135] : memref<1x21x512x512xi32, #tpu.memory_space<hbm>> -> memref<1x1x16x512xi32, #tpu.memory_space<hbm>>
      %dma_wait3A_137 = tpu.memref_squeeze %dma_wait3A_136 : memref<1x1x16x512xi32, #tpu.memory_space<hbm>> -> memref<16x512xi32, #tpu.memory_space<hbm>>
      %dma_wait3A_138 = arith.constant 0 : i32
      %dma_wait3A_139 = arith.constant 0 : i32
      %dma_wait3A_140 = tpu.memref_slice %arg4[%dma_wait3A_130, %dma_wait3A_138, %dma_wait3A_139] : memref<2x16x512xi32, #tpu.memory_space<vmem>> -> memref<1x16x512xi32, #tpu.memory_space<vmem>>
      %dma_wait3A_141 = tpu.memref_squeeze %dma_wait3A_140 : memref<1x16x512xi32, #tpu.memory_space<vmem>> -> memref<16x512xi32, #tpu.memory_space<vmem>>
      %dma_wait3A_142 = arith.constant 0 : i32
      %dma_wait3A_143 = tpu.memref_slice %arg2[%dma_wait3A_129, %add3A_128, %mul3A_5, %dma_wait3A_142] : memref<1x21x512x512xi32, #tpu.memory_space<hbm>> -> memref<1x1x16x512xi32, #tpu.memory_space<hbm>>
      %dma_wait3A_144 = tpu.memref_squeeze %dma_wait3A_143 : memref<1x1x16x512xi32, #tpu.memory_space<hbm>> -> memref<16x512xi32, #tpu.memory_space<hbm>>
      tpu.wait_dma2 semaphore(%arg7 : memref<!tpu.dma_semaphore, #tpu.memory_space<semaphore_mem>>) src(%dma_wait3A_144 : memref<16x512xi32, #tpu.memory_space<hbm>>) dst(%dma_wait3A_141 : memref<16x512xi32, #tpu.memory_space<vmem>>)
      %add3A_145 = arith.constant 1 : i32
      %add3A_146 = arith.addi %mul3A_64, %add3A_145 : i32
      %mul3A_147 = arith.constant 256 : i32
      %mul3A_148 = arith.muli %add3A_146, %mul3A_147 : i32
      %add3A_149 = vector.broadcast %mul3A_148 : i32 to vector<16xi32>
      %add3A_150 = arith.addi %add3A_149, %mul3A_10 : vector<16xi32>
      %scan3A_151 = arith.constant 0 : i32
      %scan3A_152 = arith.constant 0 : i32
      %scan3A_153 = arith.constant 16 : i32
      %scan3A_154 = arith.addi %scan3A_152, %scan3A_153 : i32
      %scan3A_155 = arith.constant 1 : i32
      scf.for %scan3A_157 = %scan3A_152 to %scan3A_154 step %scan3A_155  : i32 {
        %parallel_loop3A_158 = arith.constant 0 : i32
        %parallel_loop3A_159 = arith.constant 32 : i32
        %parallel_loop3A_160 = arith.constant 1 : i32
        scf.for %parallel_loop3A_161 = %parallel_loop3A_158 to %parallel_loop3A_159 step %parallel_loop3A_160  : i32 {
          %parallel_loop3A_162 = arith.constant 16 : i32
          %parallel_loop3A_163 = arith.muli %parallel_loop3A_161, %parallel_loop3A_162 : i32
          %parallel_loop3A_164 = arith.constant 1 : i32
          %parallel_loop3A_165 = arith.index_cast %parallel_loop3A_164 : i32 to index
          %parallel_loop3A_166 = arith.index_cast %scan3A_157 : i32 to index
          %parallel_loop3A_167 = arith.index_cast %parallel_loop3A_163 : i32 to index
          %parallel_loop3A_168 = tpu.vector_load %arg4[%parallel_loop3A_165, %parallel_loop3A_166, %parallel_loop3A_167] {strides = array<i32>} : memref<2x16x512xi32, #tpu.memory_space<vmem>>, vector<16xi32>,
          %parallel_loop3A_169 = arith.constant 16 : i32
          %parallel_loop3A_170 = vector.broadcast %parallel_loop3A_169 : i32 to vector<16xi32>
          %parallel_loop3A_171 = arith.shrsi %parallel_loop3A_168, %parallel_loop3A_170 : vector<16xi32>
          %parallel_loop3A_172 = arith.addi %add3A_150, %parallel_loop3A_171 : vector<16xi32>
          %parallel_loop3A_173 = arith.constant 16 : i32
          %parallel_loop3A_174 = vector.broadcast %parallel_loop3A_173 : i32 to vector<16xi32>
          %parallel_loop3A_175 = arith.shli %parallel_loop3A_168, %parallel_loop3A_174 : vector<16xi32>
          %parallel_loop3A_176 = tpu.bitcast %parallel_loop3A_175 : vector<16xi32> -> vector<16xf32>
          tpu.vector_store_idx %arg5[%parallel_loop3A_172], %broadcast_in_dim3A_7 {add = true} : memref<98320xf32, #tpu.memory_space<vmem>>[vector<16xi32>], vector<16xf32>,
          %parallel_loop3A_177 = arith.constant 128 : i32
          %parallel_loop3A_178 = vector.broadcast %parallel_loop3A_177 : i32 to vector<16xi32>
          %parallel_loop3A_179 = arith.addi %parallel_loop3A_172, %parallel_loop3A_178 : vector<16xi32>
          tpu.vector_store_idx %arg5[%parallel_loop3A_179], %parallel_loop3A_176 {add = true} : memref<98320xf32, #tpu.memory_space<vmem>>[vector<16xi32>], vector<16xf32>,
        } {sc.loop_unroll_factor = 16 : i64, sc.parallel_access}
      }
      %scan3A_156 = arith.constant 16 : i32
    }
    %scan3A_31 = arith.constant 10 : i32
    %dma_wait3A = arith.constant 0 : i32
    %dma_wait3A_32 = arith.constant 20 : i32
    %dma_wait3A_33 = arith.constant 0 : i32
    %dma_wait3A_34 = arith.constant 0 : i32
    %dma_wait3A_35 = arith.constant 0 : i32
    %dma_wait3A_36 = tpu.memref_slice %arg4[%dma_wait3A_33, %dma_wait3A_34, %dma_wait3A_35] : memref<2x16x512xi32, #tpu.memory_space<vmem>> -> memref<1x16x512xi32, #tpu.memory_space<vmem>>
    %dma_wait3A_37 = tpu.memref_squeeze %dma_wait3A_36 : memref<1x16x512xi32, #tpu.memory_space<vmem>> -> memref<16x512xi32, #tpu.memory_space<vmem>>
    %dma_wait3A_38 = arith.constant 0 : i32
    %dma_wait3A_39 = tpu.memref_slice %arg2[%dma_wait3A, %dma_wait3A_32, %mul3A_5, %dma_wait3A_38] : memref<1x21x512x512xi32, #tpu.memory_space<hbm>> -> memref<1x1x16x512xi32, #tpu.memory_space<hbm>>
    %dma_wait3A_40 = tpu.memref_squeeze %dma_wait3A_39 : memref<1x1x16x512xi32, #tpu.memory_space<hbm>> -> memref<16x512xi32, #tpu.memory_space<hbm>>
    %dma_wait3A_41 = arith.constant 0 : i32
    %dma_wait3A_42 = arith.constant 0 : i32
    %dma_wait3A_43 = tpu.memref_slice %arg4[%dma_wait3A_33, %dma_wait3A_41, %dma_wait3A_42] : memref<2x16x512xi32, #tpu.memory_space<vmem>> -> memref<1x16x512xi32, #tpu.memory_space<vmem>>
    %dma_wait3A_44 = tpu.memref_squeeze %dma_wait3A_43 : memref<1x16x512xi32, #tpu.memory_space<vmem>> -> memref<16x512xi32, #tpu.memory_space<vmem>>
    %dma_wait3A_45 = arith.constant 0 : i32
    %dma_wait3A_46 = tpu.memref_slice %arg2[%dma_wait3A, %dma_wait3A_32, %mul3A_5, %dma_wait3A_45] : memref<1x21x512x512xi32, #tpu.memory_space<hbm>> -> memref<1x1x16x512xi32, #tpu.memory_space<hbm>>
    %dma_wait3A_47 = tpu.memref_squeeze %dma_wait3A_46 : memref<1x1x16x512xi32, #tpu.memory_space<hbm>> -> memref<16x512xi32, #tpu.memory_space<hbm>>
    tpu.wait_dma2 semaphore(%arg6 : memref<!tpu.dma_semaphore, #tpu.memory_space<semaphore_mem>>) src(%dma_wait3A_47 : memref<16x512xi32, #tpu.memory_space<hbm>>) dst(%dma_wait3A_44 : memref<16x512xi32, #tpu.memory_space<vmem>>)
    %add3A_48 = arith.constant 5120 : i32
    %add3A_49 = vector.broadcast %add3A_48 : i32 to vector<16xi32>
    %add3A_50 = arith.addi %add3A_49, %mul3A_10 : vector<16xi32>
    %scan3A_51 = arith.constant 0 : i32
    %scan3A_52 = arith.constant 0 : i32
    %scan3A_53 = arith.constant 16 : i32
    %scan3A_54 = arith.addi %scan3A_52, %scan3A_53 : i32
    %scan3A_55 = arith.constant 1 : i32
    scf.for %scan3A_62 = %scan3A_52 to %scan3A_54 step %scan3A_55  : i32 {
      %parallel_loop3A_63 = arith.constant 0 : i32
      %parallel_loop3A_64 = arith.constant 32 : i32
      %parallel_loop3A_65 = arith.constant 1 : i32
      scf.for %parallel_loop3A_66 = %parallel_loop3A_63 to %parallel_loop3A_64 step %parallel_loop3A_65  : i32 {
        %parallel_loop3A_67 = arith.constant 16 : i32
        %parallel_loop3A_68 = arith.muli %parallel_loop3A_66, %parallel_loop3A_67 : i32
        %parallel_loop3A_69 = arith.constant 0 : i32
        %parallel_loop3A_70 = arith.index_cast %parallel_loop3A_69 : i32 to index
        %parallel_loop3A_71 = arith.index_cast %scan3A_62 : i32 to index
        %parallel_loop3A_72 = arith.index_cast %parallel_loop3A_68 : i32 to index
        %parallel_loop3A_73 = tpu.vector_load %arg4[%parallel_loop3A_70, %parallel_loop3A_71, %parallel_loop3A_72] {strides = array<i32>} : memref<2x16x512xi32, #tpu.memory_space<vmem>>, vector<16xi32>,
        %parallel_loop3A_74 = arith.constant 16 : i32
        %parallel_loop3A_75 = vector.broadcast %parallel_loop3A_74 : i32 to vector<16xi32>
        %parallel_loop3A_76 = arith.shrsi %parallel_loop3A_73, %parallel_loop3A_75 : vector<16xi32>
        %parallel_loop3A_77 = arith.addi %add3A_50, %parallel_loop3A_76 : vector<16xi32>
        %parallel_loop3A_78 = arith.constant 16 : i32
        %parallel_loop3A_79 = vector.broadcast %parallel_loop3A_78 : i32 to vector<16xi32>
        %parallel_loop3A_80 = arith.shli %parallel_loop3A_73, %parallel_loop3A_79 : vector<16xi32>
        %parallel_loop3A_81 = tpu.bitcast %parallel_loop3A_80 : vector<16xi32> -> vector<16xf32>
        tpu.vector_store_idx %arg5[%parallel_loop3A_77], %broadcast_in_dim3A_7 {add = true} : memref<98320xf32, #tpu.memory_space<vmem>>[vector<16xi32>], vector<16xf32>,
        %parallel_loop3A_82 = arith.constant 128 : i32
        %parallel_loop3A_83 = vector.broadcast %parallel_loop3A_82 : i32 to vector<16xi32>
        %parallel_loop3A_84 = arith.addi %parallel_loop3A_77, %parallel_loop3A_83 : vector<16xi32>
        tpu.vector_store_idx %arg5[%parallel_loop3A_84], %parallel_loop3A_81 {add = true} : memref<98320xf32, #tpu.memory_space<vmem>>[vector<16xi32>], vector<16xf32>,
      } {sc.loop_unroll_factor = 16 : i64, sc.parallel_access}
    }
    %scan3A_56 = arith.constant 16 : i32
    %parallel_loop3A_57 = arith.constant 0 : i32
    %parallel_loop3A_58 = arith.constant 384 : i32
    %parallel_loop3A_59 = arith.constant 1 : i32
    scf.for %parallel_loop3A_62 = %parallel_loop3A_57 to %parallel_loop3A_58 step %parallel_loop3A_59  : i32 {
      %parallel_loop3A_63 = arith.constant 16 : i32
      %parallel_loop3A_64 = arith.muli %parallel_loop3A_62, %parallel_loop3A_63 : i32
      %parallel_loop3A_65 = arith.index_cast %parallel_loop3A_64 : i32 to index
      %parallel_loop3A_66 = tpu.vector_load %arg5[%parallel_loop3A_65] {strides = array<i32>} : memref<98320xf32, #tpu.memory_space<vmem>>, vector<16xf32>,
      %parallel_loop3A_67 = arith.constant 6145 : i32
      %parallel_loop3A_68 = arith.addi %parallel_loop3A_67, %parallel_loop3A_64 : i32
      %parallel_loop3A_69 = arith.index_cast %parallel_loop3A_68 : i32 to index
      %parallel_loop3A_70 = tpu.vector_load %arg5[%parallel_loop3A_69] {strides = array<i32>} : memref<98320xf32, #tpu.memory_space<vmem>>, vector<16xf32>,
      %parallel_loop3A_71 = arith.addf %parallel_loop3A_66, %parallel_loop3A_70 : vector<16xf32>
      %parallel_loop3A_72 = arith.constant 12290 : i32
      %parallel_loop3A_73 = arith.addi %parallel_loop3A_72, %parallel_loop3A_64 : i32
      %parallel_loop3A_74 = arith.index_cast %parallel_loop3A_73 : i32 to index
      %parallel_loop3A_75 = tpu.vector_load %arg5[%parallel_loop3A_74] {strides = array<i32>} : memref<98320xf32, #tpu.memory_space<vmem>>, vector<16xf32>,
      %parallel_loop3A_76 = arith.addf %parallel_loop3A_71, %parallel_loop3A_75 : vector<16xf32>
      %parallel_loop3A_77 = arith.constant 18435 : i32
      %parallel_loop3A_78 = arith.addi %parallel_loop3A_77, %parallel_loop3A_64 : i32
      %parallel_loop3A_79 = arith.index_cast %parallel_loop3A_78 : i32 to index
      %parallel_loop3A_80 = tpu.vector_load %arg5[%parallel_loop3A_79] {strides = array<i32>} : memref<98320xf32, #tpu.memory_space<vmem>>, vector<16xf32>,
      %parallel_loop3A_81 = arith.addf %parallel_loop3A_76, %parallel_loop3A_80 : vector<16xf32>
      %parallel_loop3A_82 = arith.constant 24580 : i32
      %parallel_loop3A_83 = arith.addi %parallel_loop3A_82, %parallel_loop3A_64 : i32
      %parallel_loop3A_84 = arith.index_cast %parallel_loop3A_83 : i32 to index
      %parallel_loop3A_85 = tpu.vector_load %arg5[%parallel_loop3A_84] {strides = array<i32>} : memref<98320xf32, #tpu.memory_space<vmem>>, vector<16xf32>,
      %parallel_loop3A_86 = arith.addf %parallel_loop3A_81, %parallel_loop3A_85 : vector<16xf32>
      %parallel_loop3A_87 = arith.constant 30725 : i32
      %parallel_loop3A_88 = arith.addi %parallel_loop3A_87, %parallel_loop3A_64 : i32
      %parallel_loop3A_89 = arith.index_cast %parallel_loop3A_88 : i32 to index
      %parallel_loop3A_90 = tpu.vector_load %arg5[%parallel_loop3A_89] {strides = array<i32>} : memref<98320xf32, #tpu.memory_space<vmem>>, vector<16xf32>,
      %parallel_loop3A_91 = arith.addf %parallel_loop3A_86, %parallel_loop3A_90 : vector<16xf32>
      %parallel_loop3A_92 = arith.constant 36870 : i32
      %parallel_loop3A_93 = arith.addi %parallel_loop3A_92, %parallel_loop3A_64 : i32
      %parallel_loop3A_94 = arith.index_cast %parallel_loop3A_93 : i32 to index
      %parallel_loop3A_95 = tpu.vector_load %arg5[%parallel_loop3A_94] {strides = array<i32>} : memref<98320xf32, #tpu.memory_space<vmem>>, vector<16xf32>,
      %parallel_loop3A_96 = arith.addf %parallel_loop3A_91, %parallel_loop3A_95 : vector<16xf32>
      %parallel_loop3A_97 = arith.constant 43015 : i32
      %parallel_loop3A_98 = arith.addi %parallel_loop3A_97, %parallel_loop3A_64 : i32
      %parallel_loop3A_99 = arith.index_cast %parallel_loop3A_98 : i32 to index
      %parallel_loop3A_100 = tpu.vector_load %arg5[%parallel_loop3A_99] {strides = array<i32>} : memref<98320xf32, #tpu.memory_space<vmem>>, vector<16xf32>,
      %parallel_loop3A_101 = arith.addf %parallel_loop3A_96, %parallel_loop3A_100 : vector<16xf32>
      %parallel_loop3A_102 = arith.constant 49160 : i32
      %parallel_loop3A_103 = arith.addi %parallel_loop3A_102, %parallel_loop3A_64 : i32
      %parallel_loop3A_104 = arith.index_cast %parallel_loop3A_103 : i32 to index
      %parallel_loop3A_105 = tpu.vector_load %arg5[%parallel_loop3A_104] {strides = array<i32>} : memref<98320xf32, #tpu.memory_space<vmem>>, vector<16xf32>,
      %parallel_loop3A_106 = arith.addf %parallel_loop3A_101, %parallel_loop3A_105 : vector<16xf32>
      %parallel_loop3A_107 = arith.constant 55305 : i32
      %parallel_loop3A_108 = arith.addi %parallel_loop3A_107, %parallel_loop3A_64 : i32
      %parallel_loop3A_109 = arith.index_cast %parallel_loop3A_108 : i32 to index
      %parallel_loop3A_110 = tpu.vector_load %arg5[%parallel_loop3A_109] {strides = array<i32>} : memref<98320xf32, #tpu.memory_space<vmem>>, vector<16xf32>,
      %parallel_loop3A_111 = arith.addf %parallel_loop3A_106, %parallel_loop3A_110 : vector<16xf32>
      %parallel_loop3A_112 = arith.constant 61450 : i32
      %parallel_loop3A_113 = arith.addi %parallel_loop3A_112, %parallel_loop3A_64 : i32
      %parallel_loop3A_114 = arith.index_cast %parallel_loop3A_113 : i32 to index
      %parallel_loop3A_115 = tpu.vector_load %arg5[%parallel_loop3A_114] {strides = array<i32>} : memref<98320xf32, #tpu.memory_space<vmem>>, vector<16xf32>,
      %parallel_loop3A_116 = arith.addf %parallel_loop3A_111, %parallel_loop3A_115 : vector<16xf32>
      %parallel_loop3A_117 = arith.constant 67595 : i32
      %parallel_loop3A_118 = arith.addi %parallel_loop3A_117, %parallel_loop3A_64 : i32
      %parallel_loop3A_119 = arith.index_cast %parallel_loop3A_118 : i32 to index
      %parallel_loop3A_120 = tpu.vector_load %arg5[%parallel_loop3A_119] {strides = array<i32>} : memref<98320xf32, #tpu.memory_space<vmem>>, vector<16xf32>,
      %parallel_loop3A_121 = arith.addf %parallel_loop3A_116, %parallel_loop3A_120 : vector<16xf32>
      %parallel_loop3A_122 = arith.constant 73740 : i32
      %parallel_loop3A_123 = arith.addi %parallel_loop3A_122, %parallel_loop3A_64 : i32
      %parallel_loop3A_124 = arith.index_cast %parallel_loop3A_123 : i32 to index
      %parallel_loop3A_125 = tpu.vector_load %arg5[%parallel_loop3A_124] {strides = array<i32>} : memref<98320xf32, #tpu.memory_space<vmem>>, vector<16xf32>,
      %parallel_loop3A_126 = arith.addf %parallel_loop3A_121, %parallel_loop3A_125 : vector<16xf32>
      %parallel_loop3A_127 = arith.constant 79885 : i32
      %parallel_loop3A_128 = arith.addi %parallel_loop3A_127, %parallel_loop3A_64 : i32
      %parallel_loop3A_129 = arith.index_cast %parallel_loop3A_128 : i32 to index
      %parallel_loop3A_130 = tpu.vector_load %arg5[%parallel_loop3A_129] {strides = array<i32>} : memref<98320xf32, #tpu.memory_space<vmem>>, vector<16xf32>,
      %parallel_loop3A_131 = arith.addf %parallel_loop3A_126, %parallel_loop3A_130 : vector<16xf32>
      %parallel_loop3A_132 = arith.constant 86030 : i32
      %parallel_loop3A_133 = arith.addi %parallel_loop3A_132, %parallel_loop3A_64 : i32
      %parallel_loop3A_134 = arith.index_cast %parallel_loop3A_133 : i32 to index
      %parallel_loop3A_135 = tpu.vector_load %arg5[%parallel_loop3A_134] {strides = array<i32>} : memref<98320xf32, #tpu.memory_space<vmem>>, vector<16xf32>,
      %parallel_loop3A_136 = arith.addf %parallel_loop3A_131, %parallel_loop3A_135 : vector<16xf32>
      %parallel_loop3A_137 = arith.constant 92175 : i32
      %parallel_loop3A_138 = arith.addi %parallel_loop3A_137, %parallel_loop3A_64 : i32
      %parallel_loop3A_139 = arith.index_cast %parallel_loop3A_138 : i32 to index
      %parallel_loop3A_140 = tpu.vector_load %arg5[%parallel_loop3A_139] {strides = array<i32>} : memref<98320xf32, #tpu.memory_space<vmem>>, vector<16xf32>,
      %parallel_loop3A_141 = arith.addf %parallel_loop3A_136, %parallel_loop3A_140 : vector<16xf32>
      %parallel_loop3A_142 = arith.index_cast %parallel_loop3A_64 : i32 to index
      %parallel_loop3A_143 = tpu.vector_load %arg5[%parallel_loop3A_142] {strides = array<i32>} : memref<98320xf32, #tpu.memory_space<vmem>>, vector<16xf32>,
      tpu.vector_store %arg5[%parallel_loop3A_142], %parallel_loop3A_141 {strides = array<i32>} : memref<98320xf32, #tpu.memory_space<vmem>>, vector<16xf32>,
    } {sc.loop_unroll_factor = 2 : i64, sc.parallel_access}
    %mul3A_60 = arith.constant 6144 : i32
    %mul3A_61 = arith.muli %add3A, %mul3A_60 : i32
    "tpu.region"() ({
      %run_scoped3A = tpu.sem_alloc : memref<!tpu.dma_semaphore, #tpu.memory_space<semaphore_mem>>
      %dma_start3A_62 = arith.constant 0 : i32
      %dma_start3A_63 = tpu.memref_slice %arg5[%dma_start3A_62] : memref<98320xf32, #tpu.memory_space<vmem>> -> memref<6144xf32, #tpu.memory_space<vmem>>
      %dma_start3A_64 = tpu.memref_slice %arg3[%mul3A_61] : memref<196608xf32, #tpu.memory_space<hbm>> -> memref<6144xf32, #tpu.memory_space<hbm>>
      %dma_start3A_65 = tpu.memref_slice %arg3[%mul3A_61] : memref<196608xf32, #tpu.memory_space<hbm>> -> memref<6144xf32, #tpu.memory_space<hbm>>
      %dma_start3A_66 = arith.constant 0 : i32
      %dma_start3A_67 = tpu.memref_slice %arg5[%dma_start3A_66] : memref<98320xf32, #tpu.memory_space<vmem>> -> memref<6144xf32, #tpu.memory_space<vmem>>
      tpu.enqueue_dma source(%dma_start3A_67 : memref<6144xf32, #tpu.memory_space<vmem>>) target(%dma_start3A_65 : memref<6144xf32, #tpu.memory_space<hbm>>) target_semaphore(%run_scoped3A : memref<!tpu.dma_semaphore, #tpu.memory_space<semaphore_mem>>)
      %dma_wait3A_68 = arith.constant 0 : i32
      %dma_wait3A_69 = tpu.memref_slice %arg5[%dma_wait3A_68] : memref<98320xf32, #tpu.memory_space<vmem>> -> memref<6144xf32, #tpu.memory_space<vmem>>
      %dma_wait3A_70 = tpu.memref_slice %arg3[%mul3A_61] : memref<196608xf32, #tpu.memory_space<hbm>> -> memref<6144xf32, #tpu.memory_space<hbm>>
      %dma_wait3A_71 = tpu.memref_slice %arg3[%mul3A_61] : memref<196608xf32, #tpu.memory_space<hbm>> -> memref<6144xf32, #tpu.memory_space<hbm>>
      %dma_wait3A_72 = arith.constant 0 : i32
      %dma_wait3A_73 = tpu.memref_slice %arg5[%dma_wait3A_72] : memref<98320xf32, #tpu.memory_space<vmem>> -> memref<6144xf32, #tpu.memory_space<vmem>>
      tpu.wait_dma2 semaphore(%run_scoped3A : memref<!tpu.dma_semaphore, #tpu.memory_space<semaphore_mem>>) src(%dma_wait3A_73 : memref<6144xf32, #tpu.memory_space<vmem>>) dst(%dma_wait3A_71 : memref<6144xf32, #tpu.memory_space<hbm>>)
      tpu.yield
    }) : () -> ()
    return
  }
}

#map = affine_map<(d0, d1) -> (0, 0, 0, 0)>
#map1 = affine_map<(d0, d1) -> (0)>
module attributes {stable_mosaic.version = 14 : i64} {
  func.func @hist_kernel(%arg0: i32, %arg1: i32, %arg2: memref<1x21x512x512xi32, #tpu.memory_space<hbm>>, %arg3: memref<196608xf32, #tpu.memory_space<hbm>>, %arg4: memref<2x16x512xi32, #tpu.memory_space<vmem>>, %arg5: memref<98320xf32, #tpu.memory_space<vmem>>, %arg6: memref<!tpu.dma_semaphore, #tpu.memory_space<semaphore_mem>>, %arg7: memref<!tpu.dma_semaphore, #tpu.memory_space<semaphore_mem>>) attributes {dimension_semantics = [#tpu.dimension_semantics<core_parallel>, #tpu.dimension_semantics<subcore_parallel>], iteration_bounds = array<i64: 2, 16>, scalar_prefetch = 0 : i64, scratch_operands = 4 : i64, tpu.core_type = #tpu.core_type<sc_vector_subcore>, window_params = [{transform_indices = #map}, {transform_indices = #map1}]} {
    %mul3A = arith.constant 2 : i32
    %mul3A_0 = arith.muli %arg1, %mul3A : i32
    %add3A = arith.addi %mul3A_0, %arg0 : i32
    %broadcast_in_dim3A = arith.constant 0.000000e+00 : f32
    %broadcast_in_dim3A_1 = vector.broadcast %broadcast_in_dim3A : f32 to vector<16xf32>
    %parallel_loop3A = arith.constant 0 : i32
    %parallel_loop3A_2 = arith.constant 6145 : i32
    %parallel_loop3A_3 = arith.constant 1 : i32
    scf.for %parallel_loop3A_62 = %parallel_loop3A to %parallel_loop3A_2 step %parallel_loop3A_3  : i32 {
      %parallel_loop3A_63 = arith.constant 16 : i32
      %parallel_loop3A_64 = arith.muli %parallel_loop3A_62, %parallel_loop3A_63 : i32
      %parallel_loop3A_65 = arith.index_cast %parallel_loop3A_64 : i32 to index
      %parallel_loop3A_66 = tpu.vector_load %arg5[%parallel_loop3A_65] {strides = array<i32>} : memref<98320xf32, #tpu.memory_space<vmem>>, vector<16xf32>,
      tpu.vector_store %arg5[%parallel_loop3A_65], %broadcast_in_dim3A_1 {strides = array<i32>} : memref<98320xf32, #tpu.memory_space<vmem>>, vector<16xf32>,
    } {sc.loop_unroll_factor = 8 : i64, sc.parallel_access}
    %mul3A_4 = arith.constant 16 : i32
    %mul3A_5 = arith.muli %add3A, %mul3A_4 : i32
    %broadcast_in_dim3A_6 = arith.constant 1.000000e+00 : f32
    %broadcast_in_dim3A_7 = vector.broadcast %broadcast_in_dim3A_6 : f32 to vector<16xf32>
    %iota3A = tpu.iota {dimensions = array<i32: 0>} : vector<16xi32>
    %mul3A_8 = arith.constant 6145 : i32
    %mul3A_9 = vector.broadcast %mul3A_8 : i32 to vector<16xi32>
    %mul3A_10 = arith.muli %iota3A, %mul3A_9 : vector<16xi32>
    %dma_start3A = arith.constant 0 : i32
    %dma_start3A_11 = arith.constant 0 : i32
    %dma_start3A_12 = arith.constant 0 : i32
    %dma_start3A_13 = arith.constant 0 : i32
    %dma_start3A_14 = arith.constant 0 : i32
    %dma_start3A_15 = tpu.memref_slice %arg4[%dma_start3A_12, %dma_start3A_13, %dma_start3A_14] : memref<2x16x512xi32, #tpu.memory_space<vmem>> -> memref<1x16x512xi32, #tpu.memory_space<vmem>>
    %dma_start3A_16 = tpu.memref_squeeze %dma_start3A_15 : memref<1x16x512xi32, #tpu.memory_space<vmem>> -> memref<16x512xi32, #tpu.memory_space<vmem>>
    %dma_start3A_17 = arith.constant 0 : i32
    %dma_start3A_18 = tpu.memref_slice %arg2[%dma_start3A, %dma_start3A_11, %mul3A_5, %dma_start3A_17] : memref<1x21x512x512xi32, #tpu.memory_space<hbm>> -> memref<1x1x16x512xi32, #tpu.memory_space<hbm>>
    %dma_start3A_19 = tpu.memref_squeeze %dma_start3A_18 : memref<1x1x16x512xi32, #tpu.memory_space<hbm>> -> memref<16x512xi32, #tpu.memory_space<hbm>>
    %dma_start3A_20 = arith.constant 0 : i32
    %dma_start3A_21 = arith.constant 0 : i32
    %dma_start3A_22 = tpu.memref_slice %arg4[%dma_start3A_12, %dma_start3A_20, %dma_start3A_21] : memref<2x16x512xi32, #tpu.memory_space<vmem>> -> memref<1x16x512xi32, #tpu.memory_space<vmem>>
    %dma_start3A_23 = tpu.memref_squeeze %dma_start3A_22 : memref<1x16x512xi32, #tpu.memory_space<vmem>> -> memref<16x512xi32, #tpu.memory_space<vmem>>
    %dma_start3A_24 = arith.constant 0 : i32
    %dma_start3A_25 = tpu.memref_slice %arg2[%dma_start3A, %dma_start3A_11, %mul3A_5, %dma_start3A_24] : memref<1x21x512x512xi32, #tpu.memory_space<hbm>> -> memref<1x1x16x512xi32, #tpu.memory_space<hbm>>
    %dma_start3A_26 = tpu.memref_squeeze %dma_start3A_25 : memref<1x1x16x512xi32, #tpu.memory_space<hbm>> -> memref<16x512xi32, #tpu.memory_space<hbm>>
    tpu.enqueue_dma source(%dma_start3A_26 : memref<16x512xi32, #tpu.memory_space<hbm>>) target(%dma_start3A_23 : memref<16x512xi32, #tpu.memory_space<vmem>>) target_semaphore(%arg6 : memref<!tpu.dma_semaphore, #tpu.memory_space<semaphore_mem>>)
    %scan3A = arith.constant 0 : i32
    %scan3A_27 = arith.constant 0 : i32
    %scan3A_28 = arith.constant 10 : i32
    %scan3A_29 = arith.addi %scan3A_27, %scan3A_28 : i32
    %scan3A_30 = arith.constant 1 : i32
    scf.for %scan3A_62 = %scan3A_27 to %scan3A_29 step %scan3A_30  : i32 {
      %mul3A_63 = arith.constant 2 : i32
      %mul3A_64 = arith.muli %scan3A_62, %mul3A_63 : i32
      %add3A_65 = arith.constant 1 : i32
      %add3A_66 = arith.addi %mul3A_64, %add3A_65 : i32
      %dma_start3A_67 = arith.constant 0 : i32
      %dma_start3A_68 = arith.constant 1 : i32
      %dma_start3A_69 = arith.constant 0 : i32
      %dma_start3A_70 = arith.constant 0 : i32
      %dma_start3A_71 = tpu.memref_slice %arg4[%dma_start3A_68, %dma_start3A_69, %dma_start3A_70] : memref<2x16x512xi32, #tpu.memory_space<vmem>> -> memref<1x16x512xi32, #tpu.memory_space<vmem>>
      %dma_start3A_72 = tpu.memref_squeeze %dma_start3A_71 : memref<1x16x512xi32, #tpu.memory_space<vmem>> -> memref<16x512xi32, #tpu.memory_space<vmem>>
      %dma_start3A_73 = arith.constant 0 : i32
      %dma_start3A_74 = tpu.memref_slice %arg2[%dma_start3A_67, %add3A_66, %mul3A_5, %dma_start3A_73] : memref<1x21x512x512xi32, #tpu.memory_space<hbm>> -> memref<1x1x16x512xi32, #tpu.memory_space<hbm>>
      %dma_start3A_75 = tpu.memref_squeeze %dma_start3A_74 : memref<1x1x16x512xi32, #tpu.memory_space<hbm>> -> memref<16x512xi32, #tpu.memory_space<hbm>>
      %dma_start3A_76 = arith.constant 0 : i32
      %dma_start3A_77 = arith.constant 0 : i32
      %dma_start3A_78 = tpu.memref_slice %arg4[%dma_start3A_68, %dma_start3A_76, %dma_start3A_77] : memref<2x16x512xi32, #tpu.memory_space<vmem>> -> memref<1x16x512xi32, #tpu.memory_space<vmem>>
      %dma_start3A_79 = tpu.memref_squeeze %dma_start3A_78 : memref<1x16x512xi32, #tpu.memory_space<vmem>> -> memref<16x512xi32, #tpu.memory_space<vmem>>
      %dma_start3A_80 = arith.constant 0 : i32
      %dma_start3A_81 = tpu.memref_slice %arg2[%dma_start3A_67, %add3A_66, %mul3A_5, %dma_start3A_80] : memref<1x21x512x512xi32, #tpu.memory_space<hbm>> -> memref<1x1x16x512xi32, #tpu.memory_space<hbm>>
      %dma_start3A_82 = tpu.memref_squeeze %dma_start3A_81 : memref<1x1x16x512xi32, #tpu.memory_space<hbm>> -> memref<16x512xi32, #tpu.memory_space<hbm>>
      tpu.enqueue_dma source(%dma_start3A_82 : memref<16x512xi32, #tpu.memory_space<hbm>>) target(%dma_start3A_79 : memref<16x512xi32, #tpu.memory_space<vmem>>) target_semaphore(%arg7 : memref<!tpu.dma_semaphore, #tpu.memory_space<semaphore_mem>>)
      %dma_wait3A_83 = arith.constant 0 : i32
      %dma_wait3A_84 = arith.constant 0 : i32
      %dma_wait3A_85 = arith.constant 0 : i32
      %dma_wait3A_86 = arith.constant 0 : i32
      %dma_wait3A_87 = tpu.memref_slice %arg4[%dma_wait3A_84, %dma_wait3A_85, %dma_wait3A_86] : memref<2x16x512xi32, #tpu.memory_space<vmem>> -> memref<1x16x512xi32, #tpu.memory_space<vmem>>
      %dma_wait3A_88 = tpu.memref_squeeze %dma_wait3A_87 : memref<1x16x512xi32, #tpu.memory_space<vmem>> -> memref<16x512xi32, #tpu.memory_space<vmem>>
      %dma_wait3A_89 = arith.constant 0 : i32
      %dma_wait3A_90 = tpu.memref_slice %arg2[%dma_wait3A_83, %mul3A_64, %mul3A_5, %dma_wait3A_89] : memref<1x21x512x512xi32, #tpu.memory_space<hbm>> -> memref<1x1x16x512xi32, #tpu.memory_space<hbm>>
      %dma_wait3A_91 = tpu.memref_squeeze %dma_wait3A_90 : memref<1x1x16x512xi32, #tpu.memory_space<hbm>> -> memref<16x512xi32, #tpu.memory_space<hbm>>
      %dma_wait3A_92 = arith.constant 0 : i32
      %dma_wait3A_93 = arith.constant 0 : i32
      %dma_wait3A_94 = tpu.memref_slice %arg4[%dma_wait3A_84, %dma_wait3A_92, %dma_wait3A_93] : memref<2x16x512xi32, #tpu.memory_space<vmem>> -> memref<1x16x512xi32, #tpu.memory_space<vmem>>
      %dma_wait3A_95 = tpu.memref_squeeze %dma_wait3A_94 : memref<1x16x512xi32, #tpu.memory_space<vmem>> -> memref<16x512xi32, #tpu.memory_space<vmem>>
      %dma_wait3A_96 = arith.constant 0 : i32
      %dma_wait3A_97 = tpu.memref_slice %arg2[%dma_wait3A_83, %mul3A_64, %mul3A_5, %dma_wait3A_96] : memref<1x21x512x512xi32, #tpu.memory_space<hbm>> -> memref<1x1x16x512xi32, #tpu.memory_space<hbm>>
      %dma_wait3A_98 = tpu.memref_squeeze %dma_wait3A_97 : memref<1x1x16x512xi32, #tpu.memory_space<hbm>> -> memref<16x512xi32, #tpu.memory_space<hbm>>
      tpu.wait_dma2 semaphore(%arg6 : memref<!tpu.dma_semaphore, #tpu.memory_space<semaphore_mem>>) src(%dma_wait3A_98 : memref<16x512xi32, #tpu.memory_space<hbm>>) dst(%dma_wait3A_95 : memref<16x512xi32, #tpu.memory_space<vmem>>)
      %mul3A_99 = arith.constant 256 : i32
      %mul3A_100 = arith.muli %mul3A_64, %mul3A_99 : i32
      %add3A_101 = vector.broadcast %mul3A_100 : i32 to vector<16xi32>
      %add3A_102 = arith.addi %add3A_101, %mul3A_10 : vector<16xi32>
      %scan3A_103 = arith.constant 0 : i32
      %scan3A_104 = arith.constant 0 : i32
      %scan3A_105 = arith.constant 16 : i32
      %scan3A_106 = arith.addi %scan3A_104, %scan3A_105 : i32
      %scan3A_107 = arith.constant 1 : i32
      scf.for %scan3A_157 = %scan3A_104 to %scan3A_106 step %scan3A_107  : i32 {
        %parallel_loop3A_158 = arith.constant 0 : i32
        %parallel_loop3A_159 = arith.constant 32 : i32
        %parallel_loop3A_160 = arith.constant 1 : i32
        scf.for %parallel_loop3A_161 = %parallel_loop3A_158 to %parallel_loop3A_159 step %parallel_loop3A_160  : i32 {
          %parallel_loop3A_162 = arith.constant 16 : i32
          %parallel_loop3A_163 = arith.muli %parallel_loop3A_161, %parallel_loop3A_162 : i32
          %parallel_loop3A_164 = arith.constant 0 : i32
          %parallel_loop3A_165 = arith.index_cast %parallel_loop3A_164 : i32 to index
          %parallel_loop3A_166 = arith.index_cast %scan3A_157 : i32 to index
          %parallel_loop3A_167 = arith.index_cast %parallel_loop3A_163 : i32 to index
          %parallel_loop3A_168 = tpu.vector_load %arg4[%parallel_loop3A_165, %parallel_loop3A_166, %parallel_loop3A_167] {strides = array<i32>} : memref<2x16x512xi32, #tpu.memory_space<vmem>>, vector<16xi32>,
          %parallel_loop3A_169 = arith.constant 16 : i32
          %parallel_loop3A_170 = vector.broadcast %parallel_loop3A_169 : i32 to vector<16xi32>
          %parallel_loop3A_171 = arith.shrsi %parallel_loop3A_168, %parallel_loop3A_170 : vector<16xi32>
          %parallel_loop3A_172 = arith.addi %add3A_102, %parallel_loop3A_171 : vector<16xi32>
          %parallel_loop3A_173 = arith.constant 16 : i32
          %parallel_loop3A_174 = vector.broadcast %parallel_loop3A_173 : i32 to vector<16xi32>
          %parallel_loop3A_175 = arith.shli %parallel_loop3A_168, %parallel_loop3A_174 : vector<16xi32>
          %parallel_loop3A_176 = tpu.bitcast %parallel_loop3A_175 : vector<16xi32> -> vector<16xf32>
          tpu.vector_store_idx %arg5[%parallel_loop3A_172], %broadcast_in_dim3A_7 {add = true} : memref<98320xf32, #tpu.memory_space<vmem>>[vector<16xi32>], vector<16xf32>,
          %parallel_loop3A_177 = arith.constant 128 : i32
          %parallel_loop3A_178 = vector.broadcast %parallel_loop3A_177 : i32 to vector<16xi32>
          %parallel_loop3A_179 = arith.addi %parallel_loop3A_172, %parallel_loop3A_178 : vector<16xi32>
          tpu.vector_store_idx %arg5[%parallel_loop3A_179], %parallel_loop3A_176 {add = true} : memref<98320xf32, #tpu.memory_space<vmem>>[vector<16xi32>], vector<16xf32>,
        } {sc.loop_unroll_factor = 16 : i64, sc.parallel_access}
      }
      %scan3A_108 = arith.constant 16 : i32
      %add3A_109 = arith.constant 2 : i32
      %add3A_110 = arith.addi %mul3A_64, %add3A_109 : i32
      %dma_start3A_111 = arith.constant 0 : i32
      %dma_start3A_112 = arith.constant 0 : i32
      %dma_start3A_113 = arith.constant 0 : i32
      %dma_start3A_114 = arith.constant 0 : i32
      %dma_start3A_115 = tpu.memref_slice %arg4[%dma_start3A_112, %dma_start3A_113, %dma_start3A_114] : memref<2x16x512xi32, #tpu.memory_space<vmem>> -> memref<1x16x512xi32, #tpu.memory_space<vmem>>
      %dma_start3A_116 = tpu.memref_squeeze %dma_start3A_115 : memref<1x16x512xi32, #tpu.memory_space<vmem>> -> memref<16x512xi32, #tpu.memory_space<vmem>>
      %dma_start3A_117 = arith.constant 0 : i32
      %dma_start3A_118 = tpu.memref_slice %arg2[%dma_start3A_111, %add3A_110, %mul3A_5, %dma_start3A_117] : memref<1x21x512x512xi32, #tpu.memory_space<hbm>> -> memref<1x1x16x512xi32, #tpu.memory_space<hbm>>
      %dma_start3A_119 = tpu.memref_squeeze %dma_start3A_118 : memref<1x1x16x512xi32, #tpu.memory_space<hbm>> -> memref<16x512xi32, #tpu.memory_space<hbm>>
      %dma_start3A_120 = arith.constant 0 : i32
      %dma_start3A_121 = arith.constant 0 : i32
      %dma_start3A_122 = tpu.memref_slice %arg4[%dma_start3A_112, %dma_start3A_120, %dma_start3A_121] : memref<2x16x512xi32, #tpu.memory_space<vmem>> -> memref<1x16x512xi32, #tpu.memory_space<vmem>>
      %dma_start3A_123 = tpu.memref_squeeze %dma_start3A_122 : memref<1x16x512xi32, #tpu.memory_space<vmem>> -> memref<16x512xi32, #tpu.memory_space<vmem>>
      %dma_start3A_124 = arith.constant 0 : i32
      %dma_start3A_125 = tpu.memref_slice %arg2[%dma_start3A_111, %add3A_110, %mul3A_5, %dma_start3A_124] : memref<1x21x512x512xi32, #tpu.memory_space<hbm>> -> memref<1x1x16x512xi32, #tpu.memory_space<hbm>>
      %dma_start3A_126 = tpu.memref_squeeze %dma_start3A_125 : memref<1x1x16x512xi32, #tpu.memory_space<hbm>> -> memref<16x512xi32, #tpu.memory_space<hbm>>
      tpu.enqueue_dma source(%dma_start3A_126 : memref<16x512xi32, #tpu.memory_space<hbm>>) target(%dma_start3A_123 : memref<16x512xi32, #tpu.memory_space<vmem>>) target_semaphore(%arg6 : memref<!tpu.dma_semaphore, #tpu.memory_space<semaphore_mem>>)
      %add3A_127 = arith.constant 1 : i32
      %add3A_128 = arith.addi %mul3A_64, %add3A_127 : i32
      %dma_wait3A_129 = arith.constant 0 : i32
      %dma_wait3A_130 = arith.constant 1 : i32
      %dma_wait3A_131 = arith.constant 0 : i32
      %dma_wait3A_132 = arith.constant 0 : i32
      %dma_wait3A_133 = tpu.memref_slice %arg4[%dma_wait3A_130, %dma_wait3A_131, %dma_wait3A_132] : memref<2x16x512xi32, #tpu.memory_space<vmem>> -> memref<1x16x512xi32, #tpu.memory_space<vmem>>
      %dma_wait3A_134 = tpu.memref_squeeze %dma_wait3A_133 : memref<1x16x512xi32, #tpu.memory_space<vmem>> -> memref<16x512xi32, #tpu.memory_space<vmem>>
      %dma_wait3A_135 = arith.constant 0 : i32
      %dma_wait3A_136 = tpu.memref_slice %arg2[%dma_wait3A_129, %add3A_128, %mul3A_5, %dma_wait3A_135] : memref<1x21x512x512xi32, #tpu.memory_space<hbm>> -> memref<1x1x16x512xi32, #tpu.memory_space<hbm>>
      %dma_wait3A_137 = tpu.memref_squeeze %dma_wait3A_136 : memref<1x1x16x512xi32, #tpu.memory_space<hbm>> -> memref<16x512xi32, #tpu.memory_space<hbm>>
      %dma_wait3A_138 = arith.constant 0 : i32
      %dma_wait3A_139 = arith.constant 0 : i32
      %dma_wait3A_140 = tpu.memref_slice %arg4[%dma_wait3A_130, %dma_wait3A_138, %dma_wait3A_139] : memref<2x16x512xi32, #tpu.memory_space<vmem>> -> memref<1x16x512xi32, #tpu.memory_space<vmem>>
      %dma_wait3A_141 = tpu.memref_squeeze %dma_wait3A_140 : memref<1x16x512xi32, #tpu.memory_space<vmem>> -> memref<16x512xi32, #tpu.memory_space<vmem>>
      %dma_wait3A_142 = arith.constant 0 : i32
      %dma_wait3A_143 = tpu.memref_slice %arg2[%dma_wait3A_129, %add3A_128, %mul3A_5, %dma_wait3A_142] : memref<1x21x512x512xi32, #tpu.memory_space<hbm>> -> memref<1x1x16x512xi32, #tpu.memory_space<hbm>>
      %dma_wait3A_144 = tpu.memref_squeeze %dma_wait3A_143 : memref<1x1x16x512xi32, #tpu.memory_space<hbm>> -> memref<16x512xi32, #tpu.memory_space<hbm>>
      tpu.wait_dma2 semaphore(%arg7 : memref<!tpu.dma_semaphore, #tpu.memory_space<semaphore_mem>>) src(%dma_wait3A_144 : memref<16x512xi32, #tpu.memory_space<hbm>>) dst(%dma_wait3A_141 : memref<16x512xi32, #tpu.memory_space<vmem>>)
      %add3A_145 = arith.constant 1 : i32
      %add3A_146 = arith.addi %mul3A_64, %add3A_145 : i32
      %mul3A_147 = arith.constant 256 : i32
      %mul3A_148 = arith.muli %add3A_146, %mul3A_147 : i32
      %add3A_149 = vector.broadcast %mul3A_148 : i32 to vector<16xi32>
      %add3A_150 = arith.addi %add3A_149, %mul3A_10 : vector<16xi32>
      %scan3A_151 = arith.constant 0 : i32
      %scan3A_152 = arith.constant 0 : i32
      %scan3A_153 = arith.constant 16 : i32
      %scan3A_154 = arith.addi %scan3A_152, %scan3A_153 : i32
      %scan3A_155 = arith.constant 1 : i32
      scf.for %scan3A_157 = %scan3A_152 to %scan3A_154 step %scan3A_155  : i32 {
        %parallel_loop3A_158 = arith.constant 0 : i32
        %parallel_loop3A_159 = arith.constant 32 : i32
        %parallel_loop3A_160 = arith.constant 1 : i32
        scf.for %parallel_loop3A_161 = %parallel_loop3A_158 to %parallel_loop3A_159 step %parallel_loop3A_160  : i32 {
          %parallel_loop3A_162 = arith.constant 16 : i32
          %parallel_loop3A_163 = arith.muli %parallel_loop3A_161, %parallel_loop3A_162 : i32
          %parallel_loop3A_164 = arith.constant 1 : i32
          %parallel_loop3A_165 = arith.index_cast %parallel_loop3A_164 : i32 to index
          %parallel_loop3A_166 = arith.index_cast %scan3A_157 : i32 to index
          %parallel_loop3A_167 = arith.index_cast %parallel_loop3A_163 : i32 to index
          %parallel_loop3A_168 = tpu.vector_load %arg4[%parallel_loop3A_165, %parallel_loop3A_166, %parallel_loop3A_167] {strides = array<i32>} : memref<2x16x512xi32, #tpu.memory_space<vmem>>, vector<16xi32>,
          %parallel_loop3A_169 = arith.constant 16 : i32
          %parallel_loop3A_170 = vector.broadcast %parallel_loop3A_169 : i32 to vector<16xi32>
          %parallel_loop3A_171 = arith.shrsi %parallel_loop3A_168, %parallel_loop3A_170 : vector<16xi32>
          %parallel_loop3A_172 = arith.addi %add3A_150, %parallel_loop3A_171 : vector<16xi32>
          %parallel_loop3A_173 = arith.constant 16 : i32
          %parallel_loop3A_174 = vector.broadcast %parallel_loop3A_173 : i32 to vector<16xi32>
          %parallel_loop3A_175 = arith.shli %parallel_loop3A_168, %parallel_loop3A_174 : vector<16xi32>
          %parallel_loop3A_176 = tpu.bitcast %parallel_loop3A_175 : vector<16xi32> -> vector<16xf32>
          tpu.vector_store_idx %arg5[%parallel_loop3A_172], %broadcast_in_dim3A_7 {add = true} : memref<98320xf32, #tpu.memory_space<vmem>>[vector<16xi32>], vector<16xf32>,
          %parallel_loop3A_177 = arith.constant 128 : i32
          %parallel_loop3A_178 = vector.broadcast %parallel_loop3A_177 : i32 to vector<16xi32>
          %parallel_loop3A_179 = arith.addi %parallel_loop3A_172, %parallel_loop3A_178 : vector<16xi32>
          tpu.vector_store_idx %arg5[%parallel_loop3A_179], %parallel_loop3A_176 {add = true} : memref<98320xf32, #tpu.memory_space<vmem>>[vector<16xi32>], vector<16xf32>,
        } {sc.loop_unroll_factor = 16 : i64, sc.parallel_access}
      }
      %scan3A_156 = arith.constant 16 : i32
    }
    %scan3A_31 = arith.constant 10 : i32
    %dma_wait3A = arith.constant 0 : i32
    %dma_wait3A_32 = arith.constant 20 : i32
    %dma_wait3A_33 = arith.constant 0 : i32
    %dma_wait3A_34 = arith.constant 0 : i32
    %dma_wait3A_35 = arith.constant 0 : i32
    %dma_wait3A_36 = tpu.memref_slice %arg4[%dma_wait3A_33, %dma_wait3A_34, %dma_wait3A_35] : memref<2x16x512xi32, #tpu.memory_space<vmem>> -> memref<1x16x512xi32, #tpu.memory_space<vmem>>
    %dma_wait3A_37 = tpu.memref_squeeze %dma_wait3A_36 : memref<1x16x512xi32, #tpu.memory_space<vmem>> -> memref<16x512xi32, #tpu.memory_space<vmem>>
    %dma_wait3A_38 = arith.constant 0 : i32
    %dma_wait3A_39 = tpu.memref_slice %arg2[%dma_wait3A, %dma_wait3A_32, %mul3A_5, %dma_wait3A_38] : memref<1x21x512x512xi32, #tpu.memory_space<hbm>> -> memref<1x1x16x512xi32, #tpu.memory_space<hbm>>
    %dma_wait3A_40 = tpu.memref_squeeze %dma_wait3A_39 : memref<1x1x16x512xi32, #tpu.memory_space<hbm>> -> memref<16x512xi32, #tpu.memory_space<hbm>>
    %dma_wait3A_41 = arith.constant 0 : i32
    %dma_wait3A_42 = arith.constant 0 : i32
    %dma_wait3A_43 = tpu.memref_slice %arg4[%dma_wait3A_33, %dma_wait3A_41, %dma_wait3A_42] : memref<2x16x512xi32, #tpu.memory_space<vmem>> -> memref<1x16x512xi32, #tpu.memory_space<vmem>>
    %dma_wait3A_44 = tpu.memref_squeeze %dma_wait3A_43 : memref<1x16x512xi32, #tpu.memory_space<vmem>> -> memref<16x512xi32, #tpu.memory_space<vmem>>
    %dma_wait3A_45 = arith.constant 0 : i32
    %dma_wait3A_46 = tpu.memref_slice %arg2[%dma_wait3A, %dma_wait3A_32, %mul3A_5, %dma_wait3A_45] : memref<1x21x512x512xi32, #tpu.memory_space<hbm>> -> memref<1x1x16x512xi32, #tpu.memory_space<hbm>>
    %dma_wait3A_47 = tpu.memref_squeeze %dma_wait3A_46 : memref<1x1x16x512xi32, #tpu.memory_space<hbm>> -> memref<16x512xi32, #tpu.memory_space<hbm>>
    tpu.wait_dma2 semaphore(%arg6 : memref<!tpu.dma_semaphore, #tpu.memory_space<semaphore_mem>>) src(%dma_wait3A_47 : memref<16x512xi32, #tpu.memory_space<hbm>>) dst(%dma_wait3A_44 : memref<16x512xi32, #tpu.memory_space<vmem>>)
    %add3A_48 = arith.constant 5120 : i32
    %add3A_49 = vector.broadcast %add3A_48 : i32 to vector<16xi32>
    %add3A_50 = arith.addi %add3A_49, %mul3A_10 : vector<16xi32>
    %scan3A_51 = arith.constant 0 : i32
    %scan3A_52 = arith.constant 0 : i32
    %scan3A_53 = arith.constant 16 : i32
    %scan3A_54 = arith.addi %scan3A_52, %scan3A_53 : i32
    %scan3A_55 = arith.constant 1 : i32
    scf.for %scan3A_62 = %scan3A_52 to %scan3A_54 step %scan3A_55  : i32 {
      %parallel_loop3A_63 = arith.constant 0 : i32
      %parallel_loop3A_64 = arith.constant 32 : i32
      %parallel_loop3A_65 = arith.constant 1 : i32
      scf.for %parallel_loop3A_66 = %parallel_loop3A_63 to %parallel_loop3A_64 step %parallel_loop3A_65  : i32 {
        %parallel_loop3A_67 = arith.constant 16 : i32
        %parallel_loop3A_68 = arith.muli %parallel_loop3A_66, %parallel_loop3A_67 : i32
        %parallel_loop3A_69 = arith.constant 0 : i32
        %parallel_loop3A_70 = arith.index_cast %parallel_loop3A_69 : i32 to index
        %parallel_loop3A_71 = arith.index_cast %scan3A_62 : i32 to index
        %parallel_loop3A_72 = arith.index_cast %parallel_loop3A_68 : i32 to index
        %parallel_loop3A_73 = tpu.vector_load %arg4[%parallel_loop3A_70, %parallel_loop3A_71, %parallel_loop3A_72] {strides = array<i32>} : memref<2x16x512xi32, #tpu.memory_space<vmem>>, vector<16xi32>,
        %parallel_loop3A_74 = arith.constant 16 : i32
        %parallel_loop3A_75 = vector.broadcast %parallel_loop3A_74 : i32 to vector<16xi32>
        %parallel_loop3A_76 = arith.shrsi %parallel_loop3A_73, %parallel_loop3A_75 : vector<16xi32>
        %parallel_loop3A_77 = arith.addi %add3A_50, %parallel_loop3A_76 : vector<16xi32>
        %parallel_loop3A_78 = arith.constant 16 : i32
        %parallel_loop3A_79 = vector.broadcast %parallel_loop3A_78 : i32 to vector<16xi32>
        %parallel_loop3A_80 = arith.shli %parallel_loop3A_73, %parallel_loop3A_79 : vector<16xi32>
        %parallel_loop3A_81 = tpu.bitcast %parallel_loop3A_80 : vector<16xi32> -> vector<16xf32>
        tpu.vector_store_idx %arg5[%parallel_loop3A_77], %broadcast_in_dim3A_7 {add = true} : memref<98320xf32, #tpu.memory_space<vmem>>[vector<16xi32>], vector<16xf32>,
        %parallel_loop3A_82 = arith.constant 128 : i32
        %parallel_loop3A_83 = vector.broadcast %parallel_loop3A_82 : i32 to vector<16xi32>
        %parallel_loop3A_84 = arith.addi %parallel_loop3A_77, %parallel_loop3A_83 : vector<16xi32>
        tpu.vector_store_idx %arg5[%parallel_loop3A_84], %parallel_loop3A_81 {add = true} : memref<98320xf32, #tpu.memory_space<vmem>>[vector<16xi32>], vector<16xf32>,
      } {sc.loop_unroll_factor = 16 : i64, sc.parallel_access}
    }
    %scan3A_56 = arith.constant 16 : i32
    %parallel_loop3A_57 = arith.constant 0 : i32
    %parallel_loop3A_58 = arith.constant 384 : i32
    %parallel_loop3A_59 = arith.constant 1 : i32
    scf.for %parallel_loop3A_62 = %parallel_loop3A_57 to %parallel_loop3A_58 step %parallel_loop3A_59  : i32 {
      %parallel_loop3A_63 = arith.constant 16 : i32
      %parallel_loop3A_64 = arith.muli %parallel_loop3A_62, %parallel_loop3A_63 : i32
      %parallel_loop3A_65 = arith.index_cast %parallel_loop3A_64 : i32 to index
      %parallel_loop3A_66 = tpu.vector_load %arg5[%parallel_loop3A_65] {strides = array<i32>} : memref<98320xf32, #tpu.memory_space<vmem>>, vector<16xf32>,
      %parallel_loop3A_67 = arith.constant 6145 : i32
      %parallel_loop3A_68 = arith.addi %parallel_loop3A_67, %parallel_loop3A_64 : i32
      %parallel_loop3A_69 = arith.index_cast %parallel_loop3A_68 : i32 to index
      %parallel_loop3A_70 = tpu.vector_load %arg5[%parallel_loop3A_69] {strides = array<i32>} : memref<98320xf32, #tpu.memory_space<vmem>>, vector<16xf32>,
      %parallel_loop3A_71 = arith.addf %parallel_loop3A_66, %parallel_loop3A_70 : vector<16xf32>
      %parallel_loop3A_72 = arith.constant 12290 : i32
      %parallel_loop3A_73 = arith.addi %parallel_loop3A_72, %parallel_loop3A_64 : i32
      %parallel_loop3A_74 = arith.index_cast %parallel_loop3A_73 : i32 to index
      %parallel_loop3A_75 = tpu.vector_load %arg5[%parallel_loop3A_74] {strides = array<i32>} : memref<98320xf32, #tpu.memory_space<vmem>>, vector<16xf32>,
      %parallel_loop3A_76 = arith.addf %parallel_loop3A_71, %parallel_loop3A_75 : vector<16xf32>
      %parallel_loop3A_77 = arith.constant 18435 : i32
      %parallel_loop3A_78 = arith.addi %parallel_loop3A_77, %parallel_loop3A_64 : i32
      %parallel_loop3A_79 = arith.index_cast %parallel_loop3A_78 : i32 to index
      %parallel_loop3A_80 = tpu.vector_load %arg5[%parallel_loop3A_79] {strides = array<i32>} : memref<98320xf32, #tpu.memory_space<vmem>>, vector<16xf32>,
      %parallel_loop3A_81 = arith.addf %parallel_loop3A_76, %parallel_loop3A_80 : vector<16xf32>
      %parallel_loop3A_82 = arith.constant 24580 : i32
      %parallel_loop3A_83 = arith.addi %parallel_loop3A_82, %parallel_loop3A_64 : i32
      %parallel_loop3A_84 = arith.index_cast %parallel_loop3A_83 : i32 to index
      %parallel_loop3A_85 = tpu.vector_load %arg5[%parallel_loop3A_84] {strides = array<i32>} : memref<98320xf32, #tpu.memory_space<vmem>>, vector<16xf32>,
      %parallel_loop3A_86 = arith.addf %parallel_loop3A_81, %parallel_loop3A_85 : vector<16xf32>
      %parallel_loop3A_87 = arith.constant 30725 : i32
      %parallel_loop3A_88 = arith.addi %parallel_loop3A_87, %parallel_loop3A_64 : i32
      %parallel_loop3A_89 = arith.index_cast %parallel_loop3A_88 : i32 to index
      %parallel_loop3A_90 = tpu.vector_load %arg5[%parallel_loop3A_89] {strides = array<i32>} : memref<98320xf32, #tpu.memory_space<vmem>>, vector<16xf32>,
      %parallel_loop3A_91 = arith.addf %parallel_loop3A_86, %parallel_loop3A_90 : vector<16xf32>
      %parallel_loop3A_92 = arith.constant 36870 : i32
      %parallel_loop3A_93 = arith.addi %parallel_loop3A_92, %parallel_loop3A_64 : i32
      %parallel_loop3A_94 = arith.index_cast %parallel_loop3A_93 : i32 to index
      %parallel_loop3A_95 = tpu.vector_load %arg5[%parallel_loop3A_94] {strides = array<i32>} : memref<98320xf32, #tpu.memory_space<vmem>>, vector<16xf32>,
      %parallel_loop3A_96 = arith.addf %parallel_loop3A_91, %parallel_loop3A_95 : vector<16xf32>
      %parallel_loop3A_97 = arith.constant 43015 : i32
      %parallel_loop3A_98 = arith.addi %parallel_loop3A_97, %parallel_loop3A_64 : i32
      %parallel_loop3A_99 = arith.index_cast %parallel_loop3A_98 : i32 to index
      %parallel_loop3A_100 = tpu.vector_load %arg5[%parallel_loop3A_99] {strides = array<i32>} : memref<98320xf32, #tpu.memory_space<vmem>>, vector<16xf32>,
      %parallel_loop3A_101 = arith.addf %parallel_loop3A_96, %parallel_loop3A_100 : vector<16xf32>
      %parallel_loop3A_102 = arith.constant 49160 : i32
      %parallel_loop3A_103 = arith.addi %parallel_loop3A_102, %parallel_loop3A_64 : i32
      %parallel_loop3A_104 = arith.index_cast %parallel_loop3A_103 : i32 to index
      %parallel_loop3A_105 = tpu.vector_load %arg5[%parallel_loop3A_104] {strides = array<i32>} : memref<98320xf32, #tpu.memory_space<vmem>>, vector<16xf32>,
      %parallel_loop3A_106 = arith.addf %parallel_loop3A_101, %parallel_loop3A_105 : vector<16xf32>
      %parallel_loop3A_107 = arith.constant 55305 : i32
      %parallel_loop3A_108 = arith.addi %parallel_loop3A_107, %parallel_loop3A_64 : i32
      %parallel_loop3A_109 = arith.index_cast %parallel_loop3A_108 : i32 to index
      %parallel_loop3A_110 = tpu.vector_load %arg5[%parallel_loop3A_109] {strides = array<i32>} : memref<98320xf32, #tpu.memory_space<vmem>>, vector<16xf32>,
      %parallel_loop3A_111 = arith.addf %parallel_loop3A_106, %parallel_loop3A_110 : vector<16xf32>
      %parallel_loop3A_112 = arith.constant 61450 : i32
      %parallel_loop3A_113 = arith.addi %parallel_loop3A_112, %parallel_loop3A_64 : i32
      %parallel_loop3A_114 = arith.index_cast %parallel_loop3A_113 : i32 to index
      %parallel_loop3A_115 = tpu.vector_load %arg5[%parallel_loop3A_114] {strides = array<i32>} : memref<98320xf32, #tpu.memory_space<vmem>>, vector<16xf32>,
      %parallel_loop3A_116 = arith.addf %parallel_loop3A_111, %parallel_loop3A_115 : vector<16xf32>
      %parallel_loop3A_117 = arith.constant 67595 : i32
      %parallel_loop3A_118 = arith.addi %parallel_loop3A_117, %parallel_loop3A_64 : i32
      %parallel_loop3A_119 = arith.index_cast %parallel_loop3A_118 : i32 to index
      %parallel_loop3A_120 = tpu.vector_load %arg5[%parallel_loop3A_119] {strides = array<i32>} : memref<98320xf32, #tpu.memory_space<vmem>>, vector<16xf32>,
      %parallel_loop3A_121 = arith.addf %parallel_loop3A_116, %parallel_loop3A_120 : vector<16xf32>
      %parallel_loop3A_122 = arith.constant 73740 : i32
      %parallel_loop3A_123 = arith.addi %parallel_loop3A_122, %parallel_loop3A_64 : i32
      %parallel_loop3A_124 = arith.index_cast %parallel_loop3A_123 : i32 to index
      %parallel_loop3A_125 = tpu.vector_load %arg5[%parallel_loop3A_124] {strides = array<i32>} : memref<98320xf32, #tpu.memory_space<vmem>>, vector<16xf32>,
      %parallel_loop3A_126 = arith.addf %parallel_loop3A_121, %parallel_loop3A_125 : vector<16xf32>
      %parallel_loop3A_127 = arith.constant 79885 : i32
      %parallel_loop3A_128 = arith.addi %parallel_loop3A_127, %parallel_loop3A_64 : i32
      %parallel_loop3A_129 = arith.index_cast %parallel_loop3A_128 : i32 to index
      %parallel_loop3A_130 = tpu.vector_load %arg5[%parallel_loop3A_129] {strides = array<i32>} : memref<98320xf32, #tpu.memory_space<vmem>>, vector<16xf32>,
      %parallel_loop3A_131 = arith.addf %parallel_loop3A_126, %parallel_loop3A_130 : vector<16xf32>
      %parallel_loop3A_132 = arith.constant 86030 : i32
      %parallel_loop3A_133 = arith.addi %parallel_loop3A_132, %parallel_loop3A_64 : i32
      %parallel_loop3A_134 = arith.index_cast %parallel_loop3A_133 : i32 to index
      %parallel_loop3A_135 = tpu.vector_load %arg5[%parallel_loop3A_134] {strides = array<i32>} : memref<98320xf32, #tpu.memory_space<vmem>>, vector<16xf32>,
      %parallel_loop3A_136 = arith.addf %parallel_loop3A_131, %parallel_loop3A_135 : vector<16xf32>
      %parallel_loop3A_137 = arith.constant 92175 : i32
      %parallel_loop3A_138 = arith.addi %parallel_loop3A_137, %parallel_loop3A_64 : i32
      %parallel_loop3A_139 = arith.index_cast %parallel_loop3A_138 : i32 to index
      %parallel_loop3A_140 = tpu.vector_load %arg5[%parallel_loop3A_139] {strides = array<i32>} : memref<98320xf32, #tpu.memory_space<vmem>>, vector<16xf32>,
      %parallel_loop3A_141 = arith.addf %parallel_loop3A_136, %parallel_loop3A_140 : vector<16xf32>
      %parallel_loop3A_142 = arith.index_cast %parallel_loop3A_64 : i32 to index
      %parallel_loop3A_143 = tpu.vector_load %arg5[%parallel_loop3A_142] {strides = array<i32>} : memref<98320xf32, #tpu.memory_space<vmem>>, vector<16xf32>,
      tpu.vector_store %arg5[%parallel_loop3A_142], %parallel_loop3A_141 {strides = array<i32>} : memref<98320xf32, #tpu.memory_space<vmem>>, vector<16xf32>,
    } {sc.loop_unroll_factor = 2 : i64, sc.parallel_access}
    %mul3A_60 = arith.constant 6144 : i32
    %mul3A_61 = arith.muli %add3A, %mul3A_60 : i32
    "tpu.region"() ({
      %run_scoped3A = tpu.sem_alloc : memref<!tpu.dma_semaphore, #tpu.memory_space<semaphore_mem>>
      %dma_start3A_62 = arith.constant 0 : i32
      %dma_start3A_63 = tpu.memref_slice %arg5[%dma_start3A_62] : memref<98320xf32, #tpu.memory_space<vmem>> -> memref<6144xf32, #tpu.memory_space<vmem>>
      %dma_start3A_64 = tpu.memref_slice %arg3[%mul3A_61] : memref<196608xf32, #tpu.memory_space<hbm>> -> memref<6144xf32, #tpu.memory_space<hbm>>
      %dma_start3A_65 = tpu.memref_slice %arg3[%mul3A_61] : memref<196608xf32, #tpu.memory_space<hbm>> -> memref<6144xf32, #tpu.memory_space<hbm>>
      %dma_start3A_66 = arith.constant 0 : i32
      %dma_start3A_67 = tpu.memref_slice %arg5[%dma_start3A_66] : memref<98320xf32, #tpu.memory_space<vmem>> -> memref<6144xf32, #tpu.memory_space<vmem>>
      tpu.enqueue_dma source(%dma_start3A_67 : memref<6144xf32, #tpu.memory_space<vmem>>) target(%dma_start3A_65 : memref<6144xf32, #tpu.memory_space<hbm>>) target_semaphore(%run_scoped3A : memref<!tpu.dma_semaphore, #tpu.memory_space<semaphore_mem>>)
      %dma_wait3A_68 = arith.constant 0 : i32
      %dma_wait3A_69 = tpu.memref_slice %arg5[%dma_wait3A_68] : memref<98320xf32, #tpu.memory_space<vmem>> -> memref<6144xf32, #tpu.memory_space<vmem>>
      %dma_wait3A_70 = tpu.memref_slice %arg3[%mul3A_61] : memref<196608xf32, #tpu.memory_space<hbm>> -> memref<6144xf32, #tpu.memory_space<hbm>>
      %dma_wait3A_71 = tpu.memref_slice %arg3[%mul3A_61] : memref<196608xf32, #tpu.memory_space<hbm>> -> memref<6144xf32, #tpu.memory_space<hbm>>
      %dma_wait3A_72 = arith.constant 0 : i32
      %dma_wait3A_73 = tpu.memref_slice %arg5[%dma_wait3A_72] : memref<98320xf32, #tpu.memory_space<vmem>> -> memref<6144xf32, #tpu.memory_space<vmem>>
      tpu.wait_dma2 semaphore(%run_scoped3A : memref<!tpu.dma_semaphore, #tpu.memory_space<semaphore_mem>>) src(%dma_wait3A_73 : memref<6144xf32, #tpu.memory_space<vmem>>) dst(%dma_wait3A_71 : memref<6144xf32, #tpu.memory_space<hbm>>)
      tpu.yield
    }) : () -> ()
    return
  }
}

#map = affine_map<(d0, d1) -> (0, 0, 0, 0)>
#map1 = affine_map<(d0, d1) -> (0)>
module attributes {stable_mosaic.version = 14 : i64} {
  func.func @hist_kernel(%arg0: i32, %arg1: i32, %arg2: memref<1x21x512x512xi32, #tpu.memory_space<hbm>>, %arg3: memref<196608xf32, #tpu.memory_space<hbm>>, %arg4: memref<2x16x512xi32, #tpu.memory_space<vmem>>, %arg5: memref<98320xf32, #tpu.memory_space<vmem>>, %arg6: memref<!tpu.dma_semaphore, #tpu.memory_space<semaphore_mem>>, %arg7: memref<!tpu.dma_semaphore, #tpu.memory_space<semaphore_mem>>) attributes {dimension_semantics = [#tpu.dimension_semantics<core_parallel>, #tpu.dimension_semantics<subcore_parallel>], iteration_bounds = array<i64: 2, 16>, scalar_prefetch = 0 : i64, scratch_operands = 4 : i64, tpu.core_type = #tpu.core_type<sc_vector_subcore>, window_params = [{transform_indices = #map}, {transform_indices = #map1}]} {
    %mul3A = arith.constant 2 : i32
    %mul3A_0 = arith.muli %arg1, %mul3A : i32
    %add3A = arith.addi %mul3A_0, %arg0 : i32
    %broadcast_in_dim3A = arith.constant 0.000000e+00 : f32
    %broadcast_in_dim3A_1 = vector.broadcast %broadcast_in_dim3A : f32 to vector<16xf32>
    %parallel_loop3A = arith.constant 0 : i32
    %parallel_loop3A_2 = arith.constant 6145 : i32
    %parallel_loop3A_3 = arith.constant 1 : i32
    scf.for %parallel_loop3A_62 = %parallel_loop3A to %parallel_loop3A_2 step %parallel_loop3A_3  : i32 {
      %parallel_loop3A_63 = arith.constant 16 : i32
      %parallel_loop3A_64 = arith.muli %parallel_loop3A_62, %parallel_loop3A_63 : i32
      %parallel_loop3A_65 = arith.index_cast %parallel_loop3A_64 : i32 to index
      %parallel_loop3A_66 = tpu.vector_load %arg5[%parallel_loop3A_65] {strides = array<i32>} : memref<98320xf32, #tpu.memory_space<vmem>>, vector<16xf32>,
      tpu.vector_store %arg5[%parallel_loop3A_65], %broadcast_in_dim3A_1 {strides = array<i32>} : memref<98320xf32, #tpu.memory_space<vmem>>, vector<16xf32>,
    } {sc.loop_unroll_factor = 8 : i64, sc.parallel_access}
    %mul3A_4 = arith.constant 16 : i32
    %mul3A_5 = arith.muli %add3A, %mul3A_4 : i32
    %broadcast_in_dim3A_6 = arith.constant 1.000000e+00 : f32
    %broadcast_in_dim3A_7 = vector.broadcast %broadcast_in_dim3A_6 : f32 to vector<16xf32>
    %iota3A = tpu.iota {dimensions = array<i32: 0>} : vector<16xi32>
    %mul3A_8 = arith.constant 6145 : i32
    %mul3A_9 = vector.broadcast %mul3A_8 : i32 to vector<16xi32>
    %mul3A_10 = arith.muli %iota3A, %mul3A_9 : vector<16xi32>
    %dma_start3A = arith.constant 0 : i32
    %dma_start3A_11 = arith.constant 0 : i32
    %dma_start3A_12 = arith.constant 0 : i32
    %dma_start3A_13 = arith.constant 0 : i32
    %dma_start3A_14 = arith.constant 0 : i32
    %dma_start3A_15 = tpu.memref_slice %arg4[%dma_start3A_12, %dma_start3A_13, %dma_start3A_14] : memref<2x16x512xi32, #tpu.memory_space<vmem>> -> memref<1x16x512xi32, #tpu.memory_space<vmem>>
    %dma_start3A_16 = tpu.memref_squeeze %dma_start3A_15 : memref<1x16x512xi32, #tpu.memory_space<vmem>> -> memref<16x512xi32, #tpu.memory_space<vmem>>
    %dma_start3A_17 = arith.constant 0 : i32
    %dma_start3A_18 = tpu.memref_slice %arg2[%dma_start3A, %dma_start3A_11, %mul3A_5, %dma_start3A_17] : memref<1x21x512x512xi32, #tpu.memory_space<hbm>> -> memref<1x1x16x512xi32, #tpu.memory_space<hbm>>
    %dma_start3A_19 = tpu.memref_squeeze %dma_start3A_18 : memref<1x1x16x512xi32, #tpu.memory_space<hbm>> -> memref<16x512xi32, #tpu.memory_space<hbm>>
    %dma_start3A_20 = arith.constant 0 : i32
    %dma_start3A_21 = arith.constant 0 : i32
    %dma_start3A_22 = tpu.memref_slice %arg4[%dma_start3A_12, %dma_start3A_20, %dma_start3A_21] : memref<2x16x512xi32, #tpu.memory_space<vmem>> -> memref<1x16x512xi32, #tpu.memory_space<vmem>>
    %dma_start3A_23 = tpu.memref_squeeze %dma_start3A_22 : memref<1x16x512xi32, #tpu.memory_space<vmem>> -> memref<16x512xi32, #tpu.memory_space<vmem>>
    %dma_start3A_24 = arith.constant 0 : i32
    %dma_start3A_25 = tpu.memref_slice %arg2[%dma_start3A, %dma_start3A_11, %mul3A_5, %dma_start3A_24] : memref<1x21x512x512xi32, #tpu.memory_space<hbm>> -> memref<1x1x16x512xi32, #tpu.memory_space<hbm>>
    %dma_start3A_26 = tpu.memref_squeeze %dma_start3A_25 : memref<1x1x16x512xi32, #tpu.memory_space<hbm>> -> memref<16x512xi32, #tpu.memory_space<hbm>>
    tpu.enqueue_dma source(%dma_start3A_26 : memref<16x512xi32, #tpu.memory_space<hbm>>) target(%dma_start3A_23 : memref<16x512xi32, #tpu.memory_space<vmem>>) target_semaphore(%arg6 : memref<!tpu.dma_semaphore, #tpu.memory_space<semaphore_mem>>)
    %scan3A = arith.constant 0 : i32
    %scan3A_27 = arith.constant 0 : i32
    %scan3A_28 = arith.constant 10 : i32
    %scan3A_29 = arith.addi %scan3A_27, %scan3A_28 : i32
    %scan3A_30 = arith.constant 1 : i32
    scf.for %scan3A_62 = %scan3A_27 to %scan3A_29 step %scan3A_30  : i32 {
      %mul3A_63 = arith.constant 2 : i32
      %mul3A_64 = arith.muli %scan3A_62, %mul3A_63 : i32
      %add3A_65 = arith.constant 1 : i32
      %add3A_66 = arith.addi %mul3A_64, %add3A_65 : i32
      %dma_start3A_67 = arith.constant 0 : i32
      %dma_start3A_68 = arith.constant 1 : i32
      %dma_start3A_69 = arith.constant 0 : i32
      %dma_start3A_70 = arith.constant 0 : i32
      %dma_start3A_71 = tpu.memref_slice %arg4[%dma_start3A_68, %dma_start3A_69, %dma_start3A_70] : memref<2x16x512xi32, #tpu.memory_space<vmem>> -> memref<1x16x512xi32, #tpu.memory_space<vmem>>
      %dma_start3A_72 = tpu.memref_squeeze %dma_start3A_71 : memref<1x16x512xi32, #tpu.memory_space<vmem>> -> memref<16x512xi32, #tpu.memory_space<vmem>>
      %dma_start3A_73 = arith.constant 0 : i32
      %dma_start3A_74 = tpu.memref_slice %arg2[%dma_start3A_67, %add3A_66, %mul3A_5, %dma_start3A_73] : memref<1x21x512x512xi32, #tpu.memory_space<hbm>> -> memref<1x1x16x512xi32, #tpu.memory_space<hbm>>
      %dma_start3A_75 = tpu.memref_squeeze %dma_start3A_74 : memref<1x1x16x512xi32, #tpu.memory_space<hbm>> -> memref<16x512xi32, #tpu.memory_space<hbm>>
      %dma_start3A_76 = arith.constant 0 : i32
      %dma_start3A_77 = arith.constant 0 : i32
      %dma_start3A_78 = tpu.memref_slice %arg4[%dma_start3A_68, %dma_start3A_76, %dma_start3A_77] : memref<2x16x512xi32, #tpu.memory_space<vmem>> -> memref<1x16x512xi32, #tpu.memory_space<vmem>>
      %dma_start3A_79 = tpu.memref_squeeze %dma_start3A_78 : memref<1x16x512xi32, #tpu.memory_space<vmem>> -> memref<16x512xi32, #tpu.memory_space<vmem>>
      %dma_start3A_80 = arith.constant 0 : i32
      %dma_start3A_81 = tpu.memref_slice %arg2[%dma_start3A_67, %add3A_66, %mul3A_5, %dma_start3A_80] : memref<1x21x512x512xi32, #tpu.memory_space<hbm>> -> memref<1x1x16x512xi32, #tpu.memory_space<hbm>>
      %dma_start3A_82 = tpu.memref_squeeze %dma_start3A_81 : memref<1x1x16x512xi32, #tpu.memory_space<hbm>> -> memref<16x512xi32, #tpu.memory_space<hbm>>
      tpu.enqueue_dma source(%dma_start3A_82 : memref<16x512xi32, #tpu.memory_space<hbm>>) target(%dma_start3A_79 : memref<16x512xi32, #tpu.memory_space<vmem>>) target_semaphore(%arg7 : memref<!tpu.dma_semaphore, #tpu.memory_space<semaphore_mem>>)
      %dma_wait3A_83 = arith.constant 0 : i32
      %dma_wait3A_84 = arith.constant 0 : i32
      %dma_wait3A_85 = arith.constant 0 : i32
      %dma_wait3A_86 = arith.constant 0 : i32
      %dma_wait3A_87 = tpu.memref_slice %arg4[%dma_wait3A_84, %dma_wait3A_85, %dma_wait3A_86] : memref<2x16x512xi32, #tpu.memory_space<vmem>> -> memref<1x16x512xi32, #tpu.memory_space<vmem>>
      %dma_wait3A_88 = tpu.memref_squeeze %dma_wait3A_87 : memref<1x16x512xi32, #tpu.memory_space<vmem>> -> memref<16x512xi32, #tpu.memory_space<vmem>>
      %dma_wait3A_89 = arith.constant 0 : i32
      %dma_wait3A_90 = tpu.memref_slice %arg2[%dma_wait3A_83, %mul3A_64, %mul3A_5, %dma_wait3A_89] : memref<1x21x512x512xi32, #tpu.memory_space<hbm>> -> memref<1x1x16x512xi32, #tpu.memory_space<hbm>>
      %dma_wait3A_91 = tpu.memref_squeeze %dma_wait3A_90 : memref<1x1x16x512xi32, #tpu.memory_space<hbm>> -> memref<16x512xi32, #tpu.memory_space<hbm>>
      %dma_wait3A_92 = arith.constant 0 : i32
      %dma_wait3A_93 = arith.constant 0 : i32
      %dma_wait3A_94 = tpu.memref_slice %arg4[%dma_wait3A_84, %dma_wait3A_92, %dma_wait3A_93] : memref<2x16x512xi32, #tpu.memory_space<vmem>> -> memref<1x16x512xi32, #tpu.memory_space<vmem>>
      %dma_wait3A_95 = tpu.memref_squeeze %dma_wait3A_94 : memref<1x16x512xi32, #tpu.memory_space<vmem>> -> memref<16x512xi32, #tpu.memory_space<vmem>>
      %dma_wait3A_96 = arith.constant 0 : i32
      %dma_wait3A_97 = tpu.memref_slice %arg2[%dma_wait3A_83, %mul3A_64, %mul3A_5, %dma_wait3A_96] : memref<1x21x512x512xi32, #tpu.memory_space<hbm>> -> memref<1x1x16x512xi32, #tpu.memory_space<hbm>>
      %dma_wait3A_98 = tpu.memref_squeeze %dma_wait3A_97 : memref<1x1x16x512xi32, #tpu.memory_space<hbm>> -> memref<16x512xi32, #tpu.memory_space<hbm>>
      tpu.wait_dma2 semaphore(%arg6 : memref<!tpu.dma_semaphore, #tpu.memory_space<semaphore_mem>>) src(%dma_wait3A_98 : memref<16x512xi32, #tpu.memory_space<hbm>>) dst(%dma_wait3A_95 : memref<16x512xi32, #tpu.memory_space<vmem>>)
      %mul3A_99 = arith.constant 256 : i32
      %mul3A_100 = arith.muli %mul3A_64, %mul3A_99 : i32
      %add3A_101 = vector.broadcast %mul3A_100 : i32 to vector<16xi32>
      %add3A_102 = arith.addi %add3A_101, %mul3A_10 : vector<16xi32>
      %scan3A_103 = arith.constant 0 : i32
      %scan3A_104 = arith.constant 0 : i32
      %scan3A_105 = arith.constant 16 : i32
      %scan3A_106 = arith.addi %scan3A_104, %scan3A_105 : i32
      %scan3A_107 = arith.constant 1 : i32
      scf.for %scan3A_157 = %scan3A_104 to %scan3A_106 step %scan3A_107  : i32 {
        %parallel_loop3A_158 = arith.constant 0 : i32
        %parallel_loop3A_159 = arith.constant 32 : i32
        %parallel_loop3A_160 = arith.constant 1 : i32
        scf.for %parallel_loop3A_161 = %parallel_loop3A_158 to %parallel_loop3A_159 step %parallel_loop3A_160  : i32 {
          %parallel_loop3A_162 = arith.constant 16 : i32
          %parallel_loop3A_163 = arith.muli %parallel_loop3A_161, %parallel_loop3A_162 : i32
          %parallel_loop3A_164 = arith.constant 0 : i32
          %parallel_loop3A_165 = arith.index_cast %parallel_loop3A_164 : i32 to index
          %parallel_loop3A_166 = arith.index_cast %scan3A_157 : i32 to index
          %parallel_loop3A_167 = arith.index_cast %parallel_loop3A_163 : i32 to index
          %parallel_loop3A_168 = tpu.vector_load %arg4[%parallel_loop3A_165, %parallel_loop3A_166, %parallel_loop3A_167] {strides = array<i32>} : memref<2x16x512xi32, #tpu.memory_space<vmem>>, vector<16xi32>,
          %parallel_loop3A_169 = arith.constant 16 : i32
          %parallel_loop3A_170 = vector.broadcast %parallel_loop3A_169 : i32 to vector<16xi32>
          %parallel_loop3A_171 = arith.shrsi %parallel_loop3A_168, %parallel_loop3A_170 : vector<16xi32>
          %parallel_loop3A_172 = arith.addi %add3A_102, %parallel_loop3A_171 : vector<16xi32>
          %parallel_loop3A_173 = arith.constant 16 : i32
          %parallel_loop3A_174 = vector.broadcast %parallel_loop3A_173 : i32 to vector<16xi32>
          %parallel_loop3A_175 = arith.shli %parallel_loop3A_168, %parallel_loop3A_174 : vector<16xi32>
          %parallel_loop3A_176 = tpu.bitcast %parallel_loop3A_175 : vector<16xi32> -> vector<16xf32>
          tpu.vector_store_idx %arg5[%parallel_loop3A_172], %broadcast_in_dim3A_7 {add = true} : memref<98320xf32, #tpu.memory_space<vmem>>[vector<16xi32>], vector<16xf32>,
          %parallel_loop3A_177 = arith.constant 128 : i32
          %parallel_loop3A_178 = vector.broadcast %parallel_loop3A_177 : i32 to vector<16xi32>
          %parallel_loop3A_179 = arith.addi %parallel_loop3A_172, %parallel_loop3A_178 : vector<16xi32>
          tpu.vector_store_idx %arg5[%parallel_loop3A_179], %parallel_loop3A_176 {add = true} : memref<98320xf32, #tpu.memory_space<vmem>>[vector<16xi32>], vector<16xf32>,
        } {sc.loop_unroll_factor = 16 : i64, sc.parallel_access}
      }
      %scan3A_108 = arith.constant 16 : i32
      %add3A_109 = arith.constant 2 : i32
      %add3A_110 = arith.addi %mul3A_64, %add3A_109 : i32
      %dma_start3A_111 = arith.constant 0 : i32
      %dma_start3A_112 = arith.constant 0 : i32
      %dma_start3A_113 = arith.constant 0 : i32
      %dma_start3A_114 = arith.constant 0 : i32
      %dma_start3A_115 = tpu.memref_slice %arg4[%dma_start3A_112, %dma_start3A_113, %dma_start3A_114] : memref<2x16x512xi32, #tpu.memory_space<vmem>> -> memref<1x16x512xi32, #tpu.memory_space<vmem>>
      %dma_start3A_116 = tpu.memref_squeeze %dma_start3A_115 : memref<1x16x512xi32, #tpu.memory_space<vmem>> -> memref<16x512xi32, #tpu.memory_space<vmem>>
      %dma_start3A_117 = arith.constant 0 : i32
      %dma_start3A_118 = tpu.memref_slice %arg2[%dma_start3A_111, %add3A_110, %mul3A_5, %dma_start3A_117] : memref<1x21x512x512xi32, #tpu.memory_space<hbm>> -> memref<1x1x16x512xi32, #tpu.memory_space<hbm>>
      %dma_start3A_119 = tpu.memref_squeeze %dma_start3A_118 : memref<1x1x16x512xi32, #tpu.memory_space<hbm>> -> memref<16x512xi32, #tpu.memory_space<hbm>>
      %dma_start3A_120 = arith.constant 0 : i32
      %dma_start3A_121 = arith.constant 0 : i32
      %dma_start3A_122 = tpu.memref_slice %arg4[%dma_start3A_112, %dma_start3A_120, %dma_start3A_121] : memref<2x16x512xi32, #tpu.memory_space<vmem>> -> memref<1x16x512xi32, #tpu.memory_space<vmem>>
      %dma_start3A_123 = tpu.memref_squeeze %dma_start3A_122 : memref<1x16x512xi32, #tpu.memory_space<vmem>> -> memref<16x512xi32, #tpu.memory_space<vmem>>
      %dma_start3A_124 = arith.constant 0 : i32
      %dma_start3A_125 = tpu.memref_slice %arg2[%dma_start3A_111, %add3A_110, %mul3A_5, %dma_start3A_124] : memref<1x21x512x512xi32, #tpu.memory_space<hbm>> -> memref<1x1x16x512xi32, #tpu.memory_space<hbm>>
      %dma_start3A_126 = tpu.memref_squeeze %dma_start3A_125 : memref<1x1x16x512xi32, #tpu.memory_space<hbm>> -> memref<16x512xi32, #tpu.memory_space<hbm>>
      tpu.enqueue_dma source(%dma_start3A_126 : memref<16x512xi32, #tpu.memory_space<hbm>>) target(%dma_start3A_123 : memref<16x512xi32, #tpu.memory_space<vmem>>) target_semaphore(%arg6 : memref<!tpu.dma_semaphore, #tpu.memory_space<semaphore_mem>>)
      %add3A_127 = arith.constant 1 : i32
      %add3A_128 = arith.addi %mul3A_64, %add3A_127 : i32
      %dma_wait3A_129 = arith.constant 0 : i32
      %dma_wait3A_130 = arith.constant 1 : i32
      %dma_wait3A_131 = arith.constant 0 : i32
      %dma_wait3A_132 = arith.constant 0 : i32
      %dma_wait3A_133 = tpu.memref_slice %arg4[%dma_wait3A_130, %dma_wait3A_131, %dma_wait3A_132] : memref<2x16x512xi32, #tpu.memory_space<vmem>> -> memref<1x16x512xi32, #tpu.memory_space<vmem>>
      %dma_wait3A_134 = tpu.memref_squeeze %dma_wait3A_133 : memref<1x16x512xi32, #tpu.memory_space<vmem>> -> memref<16x512xi32, #tpu.memory_space<vmem>>
      %dma_wait3A_135 = arith.constant 0 : i32
      %dma_wait3A_136 = tpu.memref_slice %arg2[%dma_wait3A_129, %add3A_128, %mul3A_5, %dma_wait3A_135] : memref<1x21x512x512xi32, #tpu.memory_space<hbm>> -> memref<1x1x16x512xi32, #tpu.memory_space<hbm>>
      %dma_wait3A_137 = tpu.memref_squeeze %dma_wait3A_136 : memref<1x1x16x512xi32, #tpu.memory_space<hbm>> -> memref<16x512xi32, #tpu.memory_space<hbm>>
      %dma_wait3A_138 = arith.constant 0 : i32
      %dma_wait3A_139 = arith.constant 0 : i32
      %dma_wait3A_140 = tpu.memref_slice %arg4[%dma_wait3A_130, %dma_wait3A_138, %dma_wait3A_139] : memref<2x16x512xi32, #tpu.memory_space<vmem>> -> memref<1x16x512xi32, #tpu.memory_space<vmem>>
      %dma_wait3A_141 = tpu.memref_squeeze %dma_wait3A_140 : memref<1x16x512xi32, #tpu.memory_space<vmem>> -> memref<16x512xi32, #tpu.memory_space<vmem>>
      %dma_wait3A_142 = arith.constant 0 : i32
      %dma_wait3A_143 = tpu.memref_slice %arg2[%dma_wait3A_129, %add3A_128, %mul3A_5, %dma_wait3A_142] : memref<1x21x512x512xi32, #tpu.memory_space<hbm>> -> memref<1x1x16x512xi32, #tpu.memory_space<hbm>>
      %dma_wait3A_144 = tpu.memref_squeeze %dma_wait3A_143 : memref<1x1x16x512xi32, #tpu.memory_space<hbm>> -> memref<16x512xi32, #tpu.memory_space<hbm>>
      tpu.wait_dma2 semaphore(%arg7 : memref<!tpu.dma_semaphore, #tpu.memory_space<semaphore_mem>>) src(%dma_wait3A_144 : memref<16x512xi32, #tpu.memory_space<hbm>>) dst(%dma_wait3A_141 : memref<16x512xi32, #tpu.memory_space<vmem>>)
      %add3A_145 = arith.constant 1 : i32
      %add3A_146 = arith.addi %mul3A_64, %add3A_145 : i32
      %mul3A_147 = arith.constant 256 : i32
      %mul3A_148 = arith.muli %add3A_146, %mul3A_147 : i32
      %add3A_149 = vector.broadcast %mul3A_148 : i32 to vector<16xi32>
      %add3A_150 = arith.addi %add3A_149, %mul3A_10 : vector<16xi32>
      %scan3A_151 = arith.constant 0 : i32
      %scan3A_152 = arith.constant 0 : i32
      %scan3A_153 = arith.constant 16 : i32
      %scan3A_154 = arith.addi %scan3A_152, %scan3A_153 : i32
      %scan3A_155 = arith.constant 1 : i32
      scf.for %scan3A_157 = %scan3A_152 to %scan3A_154 step %scan3A_155  : i32 {
        %parallel_loop3A_158 = arith.constant 0 : i32
        %parallel_loop3A_159 = arith.constant 32 : i32
        %parallel_loop3A_160 = arith.constant 1 : i32
        scf.for %parallel_loop3A_161 = %parallel_loop3A_158 to %parallel_loop3A_159 step %parallel_loop3A_160  : i32 {
          %parallel_loop3A_162 = arith.constant 16 : i32
          %parallel_loop3A_163 = arith.muli %parallel_loop3A_161, %parallel_loop3A_162 : i32
          %parallel_loop3A_164 = arith.constant 1 : i32
          %parallel_loop3A_165 = arith.index_cast %parallel_loop3A_164 : i32 to index
          %parallel_loop3A_166 = arith.index_cast %scan3A_157 : i32 to index
          %parallel_loop3A_167 = arith.index_cast %parallel_loop3A_163 : i32 to index
          %parallel_loop3A_168 = tpu.vector_load %arg4[%parallel_loop3A_165, %parallel_loop3A_166, %parallel_loop3A_167] {strides = array<i32>} : memref<2x16x512xi32, #tpu.memory_space<vmem>>, vector<16xi32>,
          %parallel_loop3A_169 = arith.constant 16 : i32
          %parallel_loop3A_170 = vector.broadcast %parallel_loop3A_169 : i32 to vector<16xi32>
          %parallel_loop3A_171 = arith.shrsi %parallel_loop3A_168, %parallel_loop3A_170 : vector<16xi32>
          %parallel_loop3A_172 = arith.addi %add3A_150, %parallel_loop3A_171 : vector<16xi32>
          %parallel_loop3A_173 = arith.constant 16 : i32
          %parallel_loop3A_174 = vector.broadcast %parallel_loop3A_173 : i32 to vector<16xi32>
          %parallel_loop3A_175 = arith.shli %parallel_loop3A_168, %parallel_loop3A_174 : vector<16xi32>
          %parallel_loop3A_176 = tpu.bitcast %parallel_loop3A_175 : vector<16xi32> -> vector<16xf32>
          tpu.vector_store_idx %arg5[%parallel_loop3A_172], %broadcast_in_dim3A_7 {add = true} : memref<98320xf32, #tpu.memory_space<vmem>>[vector<16xi32>], vector<16xf32>,
          %parallel_loop3A_177 = arith.constant 128 : i32
          %parallel_loop3A_178 = vector.broadcast %parallel_loop3A_177 : i32 to vector<16xi32>
          %parallel_loop3A_179 = arith.addi %parallel_loop3A_172, %parallel_loop3A_178 : vector<16xi32>
          tpu.vector_store_idx %arg5[%parallel_loop3A_179], %parallel_loop3A_176 {add = true} : memref<98320xf32, #tpu.memory_space<vmem>>[vector<16xi32>], vector<16xf32>,
        } {sc.loop_unroll_factor = 16 : i64, sc.parallel_access}
      }
      %scan3A_156 = arith.constant 16 : i32
    }
    %scan3A_31 = arith.constant 10 : i32
    %dma_wait3A = arith.constant 0 : i32
    %dma_wait3A_32 = arith.constant 20 : i32
    %dma_wait3A_33 = arith.constant 0 : i32
    %dma_wait3A_34 = arith.constant 0 : i32
    %dma_wait3A_35 = arith.constant 0 : i32
    %dma_wait3A_36 = tpu.memref_slice %arg4[%dma_wait3A_33, %dma_wait3A_34, %dma_wait3A_35] : memref<2x16x512xi32, #tpu.memory_space<vmem>> -> memref<1x16x512xi32, #tpu.memory_space<vmem>>
    %dma_wait3A_37 = tpu.memref_squeeze %dma_wait3A_36 : memref<1x16x512xi32, #tpu.memory_space<vmem>> -> memref<16x512xi32, #tpu.memory_space<vmem>>
    %dma_wait3A_38 = arith.constant 0 : i32
    %dma_wait3A_39 = tpu.memref_slice %arg2[%dma_wait3A, %dma_wait3A_32, %mul3A_5, %dma_wait3A_38] : memref<1x21x512x512xi32, #tpu.memory_space<hbm>> -> memref<1x1x16x512xi32, #tpu.memory_space<hbm>>
    %dma_wait3A_40 = tpu.memref_squeeze %dma_wait3A_39 : memref<1x1x16x512xi32, #tpu.memory_space<hbm>> -> memref<16x512xi32, #tpu.memory_space<hbm>>
    %dma_wait3A_41 = arith.constant 0 : i32
    %dma_wait3A_42 = arith.constant 0 : i32
    %dma_wait3A_43 = tpu.memref_slice %arg4[%dma_wait3A_33, %dma_wait3A_41, %dma_wait3A_42] : memref<2x16x512xi32, #tpu.memory_space<vmem>> -> memref<1x16x512xi32, #tpu.memory_space<vmem>>
    %dma_wait3A_44 = tpu.memref_squeeze %dma_wait3A_43 : memref<1x16x512xi32, #tpu.memory_space<vmem>> -> memref<16x512xi32, #tpu.memory_space<vmem>>
    %dma_wait3A_45 = arith.constant 0 : i32
    %dma_wait3A_46 = tpu.memref_slice %arg2[%dma_wait3A, %dma_wait3A_32, %mul3A_5, %dma_wait3A_45] : memref<1x21x512x512xi32, #tpu.memory_space<hbm>> -> memref<1x1x16x512xi32, #tpu.memory_space<hbm>>
    %dma_wait3A_47 = tpu.memref_squeeze %dma_wait3A_46 : memref<1x1x16x512xi32, #tpu.memory_space<hbm>> -> memref<16x512xi32, #tpu.memory_space<hbm>>
    tpu.wait_dma2 semaphore(%arg6 : memref<!tpu.dma_semaphore, #tpu.memory_space<semaphore_mem>>) src(%dma_wait3A_47 : memref<16x512xi32, #tpu.memory_space<hbm>>) dst(%dma_wait3A_44 : memref<16x512xi32, #tpu.memory_space<vmem>>)
    %add3A_48 = arith.constant 5120 : i32
    %add3A_49 = vector.broadcast %add3A_48 : i32 to vector<16xi32>
    %add3A_50 = arith.addi %add3A_49, %mul3A_10 : vector<16xi32>
    %scan3A_51 = arith.constant 0 : i32
    %scan3A_52 = arith.constant 0 : i32
    %scan3A_53 = arith.constant 16 : i32
    %scan3A_54 = arith.addi %scan3A_52, %scan3A_53 : i32
    %scan3A_55 = arith.constant 1 : i32
    scf.for %scan3A_62 = %scan3A_52 to %scan3A_54 step %scan3A_55  : i32 {
      %parallel_loop3A_63 = arith.constant 0 : i32
      %parallel_loop3A_64 = arith.constant 32 : i32
      %parallel_loop3A_65 = arith.constant 1 : i32
      scf.for %parallel_loop3A_66 = %parallel_loop3A_63 to %parallel_loop3A_64 step %parallel_loop3A_65  : i32 {
        %parallel_loop3A_67 = arith.constant 16 : i32
        %parallel_loop3A_68 = arith.muli %parallel_loop3A_66, %parallel_loop3A_67 : i32
        %parallel_loop3A_69 = arith.constant 0 : i32
        %parallel_loop3A_70 = arith.index_cast %parallel_loop3A_69 : i32 to index
        %parallel_loop3A_71 = arith.index_cast %scan3A_62 : i32 to index
        %parallel_loop3A_72 = arith.index_cast %parallel_loop3A_68 : i32 to index
        %parallel_loop3A_73 = tpu.vector_load %arg4[%parallel_loop3A_70, %parallel_loop3A_71, %parallel_loop3A_72] {strides = array<i32>} : memref<2x16x512xi32, #tpu.memory_space<vmem>>, vector<16xi32>,
        %parallel_loop3A_74 = arith.constant 16 : i32
        %parallel_loop3A_75 = vector.broadcast %parallel_loop3A_74 : i32 to vector<16xi32>
        %parallel_loop3A_76 = arith.shrsi %parallel_loop3A_73, %parallel_loop3A_75 : vector<16xi32>
        %parallel_loop3A_77 = arith.addi %add3A_50, %parallel_loop3A_76 : vector<16xi32>
        %parallel_loop3A_78 = arith.constant 16 : i32
        %parallel_loop3A_79 = vector.broadcast %parallel_loop3A_78 : i32 to vector<16xi32>
        %parallel_loop3A_80 = arith.shli %parallel_loop3A_73, %parallel_loop3A_79 : vector<16xi32>
        %parallel_loop3A_81 = tpu.bitcast %parallel_loop3A_80 : vector<16xi32> -> vector<16xf32>
        tpu.vector_store_idx %arg5[%parallel_loop3A_77], %broadcast_in_dim3A_7 {add = true} : memref<98320xf32, #tpu.memory_space<vmem>>[vector<16xi32>], vector<16xf32>,
        %parallel_loop3A_82 = arith.constant 128 : i32
        %parallel_loop3A_83 = vector.broadcast %parallel_loop3A_82 : i32 to vector<16xi32>
        %parallel_loop3A_84 = arith.addi %parallel_loop3A_77, %parallel_loop3A_83 : vector<16xi32>
        tpu.vector_store_idx %arg5[%parallel_loop3A_84], %parallel_loop3A_81 {add = true} : memref<98320xf32, #tpu.memory_space<vmem>>[vector<16xi32>], vector<16xf32>,
      } {sc.loop_unroll_factor = 16 : i64, sc.parallel_access}
    }
    %scan3A_56 = arith.constant 16 : i32
    %parallel_loop3A_57 = arith.constant 0 : i32
    %parallel_loop3A_58 = arith.constant 384 : i32
    %parallel_loop3A_59 = arith.constant 1 : i32
    scf.for %parallel_loop3A_62 = %parallel_loop3A_57 to %parallel_loop3A_58 step %parallel_loop3A_59  : i32 {
      %parallel_loop3A_63 = arith.constant 16 : i32
      %parallel_loop3A_64 = arith.muli %parallel_loop3A_62, %parallel_loop3A_63 : i32
      %parallel_loop3A_65 = arith.index_cast %parallel_loop3A_64 : i32 to index
      %parallel_loop3A_66 = tpu.vector_load %arg5[%parallel_loop3A_65] {strides = array<i32>} : memref<98320xf32, #tpu.memory_space<vmem>>, vector<16xf32>,
      %parallel_loop3A_67 = arith.constant 6145 : i32
      %parallel_loop3A_68 = arith.addi %parallel_loop3A_67, %parallel_loop3A_64 : i32
      %parallel_loop3A_69 = arith.index_cast %parallel_loop3A_68 : i32 to index
      %parallel_loop3A_70 = tpu.vector_load %arg5[%parallel_loop3A_69] {strides = array<i32>} : memref<98320xf32, #tpu.memory_space<vmem>>, vector<16xf32>,
      %parallel_loop3A_71 = arith.addf %parallel_loop3A_66, %parallel_loop3A_70 : vector<16xf32>
      %parallel_loop3A_72 = arith.constant 12290 : i32
      %parallel_loop3A_73 = arith.addi %parallel_loop3A_72, %parallel_loop3A_64 : i32
      %parallel_loop3A_74 = arith.index_cast %parallel_loop3A_73 : i32 to index
      %parallel_loop3A_75 = tpu.vector_load %arg5[%parallel_loop3A_74] {strides = array<i32>} : memref<98320xf32, #tpu.memory_space<vmem>>, vector<16xf32>,
      %parallel_loop3A_76 = arith.addf %parallel_loop3A_71, %parallel_loop3A_75 : vector<16xf32>
      %parallel_loop3A_77 = arith.constant 18435 : i32
      %parallel_loop3A_78 = arith.addi %parallel_loop3A_77, %parallel_loop3A_64 : i32
      %parallel_loop3A_79 = arith.index_cast %parallel_loop3A_78 : i32 to index
      %parallel_loop3A_80 = tpu.vector_load %arg5[%parallel_loop3A_79] {strides = array<i32>} : memref<98320xf32, #tpu.memory_space<vmem>>, vector<16xf32>,
      %parallel_loop3A_81 = arith.addf %parallel_loop3A_76, %parallel_loop3A_80 : vector<16xf32>
      %parallel_loop3A_82 = arith.constant 24580 : i32
      %parallel_loop3A_83 = arith.addi %parallel_loop3A_82, %parallel_loop3A_64 : i32
      %parallel_loop3A_84 = arith.index_cast %parallel_loop3A_83 : i32 to index
      %parallel_loop3A_85 = tpu.vector_load %arg5[%parallel_loop3A_84] {strides = array<i32>} : memref<98320xf32, #tpu.memory_space<vmem>>, vector<16xf32>,
      %parallel_loop3A_86 = arith.addf %parallel_loop3A_81, %parallel_loop3A_85 : vector<16xf32>
      %parallel_loop3A_87 = arith.constant 30725 : i32
      %parallel_loop3A_88 = arith.addi %parallel_loop3A_87, %parallel_loop3A_64 : i32
      %parallel_loop3A_89 = arith.index_cast %parallel_loop3A_88 : i32 to index
      %parallel_loop3A_90 = tpu.vector_load %arg5[%parallel_loop3A_89] {strides = array<i32>} : memref<98320xf32, #tpu.memory_space<vmem>>, vector<16xf32>,
      %parallel_loop3A_91 = arith.addf %parallel_loop3A_86, %parallel_loop3A_90 : vector<16xf32>
      %parallel_loop3A_92 = arith.constant 36870 : i32
      %parallel_loop3A_93 = arith.addi %parallel_loop3A_92, %parallel_loop3A_64 : i32
      %parallel_loop3A_94 = arith.index_cast %parallel_loop3A_93 : i32 to index
      %parallel_loop3A_95 = tpu.vector_load %arg5[%parallel_loop3A_94] {strides = array<i32>} : memref<98320xf32, #tpu.memory_space<vmem>>, vector<16xf32>,
      %parallel_loop3A_96 = arith.addf %parallel_loop3A_91, %parallel_loop3A_95 : vector<16xf32>
      %parallel_loop3A_97 = arith.constant 43015 : i32
      %parallel_loop3A_98 = arith.addi %parallel_loop3A_97, %parallel_loop3A_64 : i32
      %parallel_loop3A_99 = arith.index_cast %parallel_loop3A_98 : i32 to index
      %parallel_loop3A_100 = tpu.vector_load %arg5[%parallel_loop3A_99] {strides = array<i32>} : memref<98320xf32, #tpu.memory_space<vmem>>, vector<16xf32>,
      %parallel_loop3A_101 = arith.addf %parallel_loop3A_96, %parallel_loop3A_100 : vector<16xf32>
      %parallel_loop3A_102 = arith.constant 49160 : i32
      %parallel_loop3A_103 = arith.addi %parallel_loop3A_102, %parallel_loop3A_64 : i32
      %parallel_loop3A_104 = arith.index_cast %parallel_loop3A_103 : i32 to index
      %parallel_loop3A_105 = tpu.vector_load %arg5[%parallel_loop3A_104] {strides = array<i32>} : memref<98320xf32, #tpu.memory_space<vmem>>, vector<16xf32>,
      %parallel_loop3A_106 = arith.addf %parallel_loop3A_101, %parallel_loop3A_105 : vector<16xf32>
      %parallel_loop3A_107 = arith.constant 55305 : i32
      %parallel_loop3A_108 = arith.addi %parallel_loop3A_107, %parallel_loop3A_64 : i32
      %parallel_loop3A_109 = arith.index_cast %parallel_loop3A_108 : i32 to index
      %parallel_loop3A_110 = tpu.vector_load %arg5[%parallel_loop3A_109] {strides = array<i32>} : memref<98320xf32, #tpu.memory_space<vmem>>, vector<16xf32>,
      %parallel_loop3A_111 = arith.addf %parallel_loop3A_106, %parallel_loop3A_110 : vector<16xf32>
      %parallel_loop3A_112 = arith.constant 61450 : i32
      %parallel_loop3A_113 = arith.addi %parallel_loop3A_112, %parallel_loop3A_64 : i32
      %parallel_loop3A_114 = arith.index_cast %parallel_loop3A_113 : i32 to index
      %parallel_loop3A_115 = tpu.vector_load %arg5[%parallel_loop3A_114] {strides = array<i32>} : memref<98320xf32, #tpu.memory_space<vmem>>, vector<16xf32>,
      %parallel_loop3A_116 = arith.addf %parallel_loop3A_111, %parallel_loop3A_115 : vector<16xf32>
      %parallel_loop3A_117 = arith.constant 67595 : i32
      %parallel_loop3A_118 = arith.addi %parallel_loop3A_117, %parallel_loop3A_64 : i32
      %parallel_loop3A_119 = arith.index_cast %parallel_loop3A_118 : i32 to index
      %parallel_loop3A_120 = tpu.vector_load %arg5[%parallel_loop3A_119] {strides = array<i32>} : memref<98320xf32, #tpu.memory_space<vmem>>, vector<16xf32>,
      %parallel_loop3A_121 = arith.addf %parallel_loop3A_116, %parallel_loop3A_120 : vector<16xf32>
      %parallel_loop3A_122 = arith.constant 73740 : i32
      %parallel_loop3A_123 = arith.addi %parallel_loop3A_122, %parallel_loop3A_64 : i32
      %parallel_loop3A_124 = arith.index_cast %parallel_loop3A_123 : i32 to index
      %parallel_loop3A_125 = tpu.vector_load %arg5[%parallel_loop3A_124] {strides = array<i32>} : memref<98320xf32, #tpu.memory_space<vmem>>, vector<16xf32>,
      %parallel_loop3A_126 = arith.addf %parallel_loop3A_121, %parallel_loop3A_125 : vector<16xf32>
      %parallel_loop3A_127 = arith.constant 79885 : i32
      %parallel_loop3A_128 = arith.addi %parallel_loop3A_127, %parallel_loop3A_64 : i32
      %parallel_loop3A_129 = arith.index_cast %parallel_loop3A_128 : i32 to index
      %parallel_loop3A_130 = tpu.vector_load %arg5[%parallel_loop3A_129] {strides = array<i32>} : memref<98320xf32, #tpu.memory_space<vmem>>, vector<16xf32>,
      %parallel_loop3A_131 = arith.addf %parallel_loop3A_126, %parallel_loop3A_130 : vector<16xf32>
      %parallel_loop3A_132 = arith.constant 86030 : i32
      %parallel_loop3A_133 = arith.addi %parallel_loop3A_132, %parallel_loop3A_64 : i32
      %parallel_loop3A_134 = arith.index_cast %parallel_loop3A_133 : i32 to index
      %parallel_loop3A_135 = tpu.vector_load %arg5[%parallel_loop3A_134] {strides = array<i32>} : memref<98320xf32, #tpu.memory_space<vmem>>, vector<16xf32>,
      %parallel_loop3A_136 = arith.addf %parallel_loop3A_131, %parallel_loop3A_135 : vector<16xf32>
      %parallel_loop3A_137 = arith.constant 92175 : i32
      %parallel_loop3A_138 = arith.addi %parallel_loop3A_137, %parallel_loop3A_64 : i32
      %parallel_loop3A_139 = arith.index_cast %parallel_loop3A_138 : i32 to index
      %parallel_loop3A_140 = tpu.vector_load %arg5[%parallel_loop3A_139] {strides = array<i32>} : memref<98320xf32, #tpu.memory_space<vmem>>, vector<16xf32>,
      %parallel_loop3A_141 = arith.addf %parallel_loop3A_136, %parallel_loop3A_140 : vector<16xf32>
      %parallel_loop3A_142 = arith.index_cast %parallel_loop3A_64 : i32 to index
      %parallel_loop3A_143 = tpu.vector_load %arg5[%parallel_loop3A_142] {strides = array<i32>} : memref<98320xf32, #tpu.memory_space<vmem>>, vector<16xf32>,
      tpu.vector_store %arg5[%parallel_loop3A_142], %parallel_loop3A_141 {strides = array<i32>} : memref<98320xf32, #tpu.memory_space<vmem>>, vector<16xf32>,
    } {sc.loop_unroll_factor = 2 : i64, sc.parallel_access}
    %mul3A_60 = arith.constant 6144 : i32
    %mul3A_61 = arith.muli %add3A, %mul3A_60 : i32
    "tpu.region"() ({
      %run_scoped3A = tpu.sem_alloc : memref<!tpu.dma_semaphore, #tpu.memory_space<semaphore_mem>>
      %dma_start3A_62 = arith.constant 0 : i32
      %dma_start3A_63 = tpu.memref_slice %arg5[%dma_start3A_62] : memref<98320xf32, #tpu.memory_space<vmem>> -> memref<6144xf32, #tpu.memory_space<vmem>>
      %dma_start3A_64 = tpu.memref_slice %arg3[%mul3A_61] : memref<196608xf32, #tpu.memory_space<hbm>> -> memref<6144xf32, #tpu.memory_space<hbm>>
      %dma_start3A_65 = tpu.memref_slice %arg3[%mul3A_61] : memref<196608xf32, #tpu.memory_space<hbm>> -> memref<6144xf32, #tpu.memory_space<hbm>>
      %dma_start3A_66 = arith.constant 0 : i32
      %dma_start3A_67 = tpu.memref_slice %arg5[%dma_start3A_66] : memref<98320xf32, #tpu.memory_space<vmem>> -> memref<6144xf32, #tpu.memory_space<vmem>>
      tpu.enqueue_dma source(%dma_start3A_67 : memref<6144xf32, #tpu.memory_space<vmem>>) target(%dma_start3A_65 : memref<6144xf32, #tpu.memory_space<hbm>>) target_semaphore(%run_scoped3A : memref<!tpu.dma_semaphore, #tpu.memory_space<semaphore_mem>>)
      %dma_wait3A_68 = arith.constant 0 : i32
      %dma_wait3A_69 = tpu.memref_slice %arg5[%dma_wait3A_68] : memref<98320xf32, #tpu.memory_space<vmem>> -> memref<6144xf32, #tpu.memory_space<vmem>>
      %dma_wait3A_70 = tpu.memref_slice %arg3[%mul3A_61] : memref<196608xf32, #tpu.memory_space<hbm>> -> memref<6144xf32, #tpu.memory_space<hbm>>
      %dma_wait3A_71 = tpu.memref_slice %arg3[%mul3A_61] : memref<196608xf32, #tpu.memory_space<hbm>> -> memref<6144xf32, #tpu.memory_space<hbm>>
      %dma_wait3A_72 = arith.constant 0 : i32
      %dma_wait3A_73 = tpu.memref_slice %arg5[%dma_wait3A_72] : memref<98320xf32, #tpu.memory_space<vmem>> -> memref<6144xf32, #tpu.memory_space<vmem>>
      tpu.wait_dma2 semaphore(%run_scoped3A : memref<!tpu.dma_semaphore, #tpu.memory_space<semaphore_mem>>) src(%dma_wait3A_73 : memref<6144xf32, #tpu.memory_space<vmem>>) dst(%dma_wait3A_71 : memref<6144xf32, #tpu.memory_space<hbm>>)
      tpu.yield
    }) : () -> ()
    return
  }
}

#map = affine_map<(d0, d1) -> (0, 0, 0, 0)>
#map1 = affine_map<(d0, d1) -> (0)>
module attributes {stable_mosaic.version = 14 : i64} {
  func.func @hist_kernel(%arg0: i32, %arg1: i32, %arg2: memref<1x21x512x512xi32, #tpu.memory_space<hbm>>, %arg3: memref<196608xf32, #tpu.memory_space<hbm>>, %arg4: memref<2x16x512xi32, #tpu.memory_space<vmem>>, %arg5: memref<98320xf32, #tpu.memory_space<vmem>>, %arg6: memref<!tpu.dma_semaphore, #tpu.memory_space<semaphore_mem>>, %arg7: memref<!tpu.dma_semaphore, #tpu.memory_space<semaphore_mem>>) attributes {dimension_semantics = [#tpu.dimension_semantics<core_parallel>, #tpu.dimension_semantics<subcore_parallel>], iteration_bounds = array<i64: 2, 16>, scalar_prefetch = 0 : i64, scratch_operands = 4 : i64, tpu.core_type = #tpu.core_type<sc_vector_subcore>, window_params = [{transform_indices = #map}, {transform_indices = #map1}]} {
    %mul3A = arith.constant 2 : i32
    %mul3A_0 = arith.muli %arg1, %mul3A : i32
    %add3A = arith.addi %mul3A_0, %arg0 : i32
    %broadcast_in_dim3A = arith.constant 0.000000e+00 : f32
    %broadcast_in_dim3A_1 = vector.broadcast %broadcast_in_dim3A : f32 to vector<16xf32>
    %parallel_loop3A = arith.constant 0 : i32
    %parallel_loop3A_2 = arith.constant 6145 : i32
    %parallel_loop3A_3 = arith.constant 1 : i32
    scf.for %parallel_loop3A_62 = %parallel_loop3A to %parallel_loop3A_2 step %parallel_loop3A_3  : i32 {
      %parallel_loop3A_63 = arith.constant 16 : i32
      %parallel_loop3A_64 = arith.muli %parallel_loop3A_62, %parallel_loop3A_63 : i32
      %parallel_loop3A_65 = arith.index_cast %parallel_loop3A_64 : i32 to index
      %parallel_loop3A_66 = tpu.vector_load %arg5[%parallel_loop3A_65] {strides = array<i32>} : memref<98320xf32, #tpu.memory_space<vmem>>, vector<16xf32>,
      tpu.vector_store %arg5[%parallel_loop3A_65], %broadcast_in_dim3A_1 {strides = array<i32>} : memref<98320xf32, #tpu.memory_space<vmem>>, vector<16xf32>,
    } {sc.loop_unroll_factor = 8 : i64, sc.parallel_access}
    %mul3A_4 = arith.constant 16 : i32
    %mul3A_5 = arith.muli %add3A, %mul3A_4 : i32
    %broadcast_in_dim3A_6 = arith.constant 1.000000e+00 : f32
    %broadcast_in_dim3A_7 = vector.broadcast %broadcast_in_dim3A_6 : f32 to vector<16xf32>
    %iota3A = tpu.iota {dimensions = array<i32: 0>} : vector<16xi32>
    %mul3A_8 = arith.constant 6145 : i32
    %mul3A_9 = vector.broadcast %mul3A_8 : i32 to vector<16xi32>
    %mul3A_10 = arith.muli %iota3A, %mul3A_9 : vector<16xi32>
    %dma_start3A = arith.constant 0 : i32
    %dma_start3A_11 = arith.constant 0 : i32
    %dma_start3A_12 = arith.constant 0 : i32
    %dma_start3A_13 = arith.constant 0 : i32
    %dma_start3A_14 = arith.constant 0 : i32
    %dma_start3A_15 = tpu.memref_slice %arg4[%dma_start3A_12, %dma_start3A_13, %dma_start3A_14] : memref<2x16x512xi32, #tpu.memory_space<vmem>> -> memref<1x16x512xi32, #tpu.memory_space<vmem>>
    %dma_start3A_16 = tpu.memref_squeeze %dma_start3A_15 : memref<1x16x512xi32, #tpu.memory_space<vmem>> -> memref<16x512xi32, #tpu.memory_space<vmem>>
    %dma_start3A_17 = arith.constant 0 : i32
    %dma_start3A_18 = tpu.memref_slice %arg2[%dma_start3A, %dma_start3A_11, %mul3A_5, %dma_start3A_17] : memref<1x21x512x512xi32, #tpu.memory_space<hbm>> -> memref<1x1x16x512xi32, #tpu.memory_space<hbm>>
    %dma_start3A_19 = tpu.memref_squeeze %dma_start3A_18 : memref<1x1x16x512xi32, #tpu.memory_space<hbm>> -> memref<16x512xi32, #tpu.memory_space<hbm>>
    %dma_start3A_20 = arith.constant 0 : i32
    %dma_start3A_21 = arith.constant 0 : i32
    %dma_start3A_22 = tpu.memref_slice %arg4[%dma_start3A_12, %dma_start3A_20, %dma_start3A_21] : memref<2x16x512xi32, #tpu.memory_space<vmem>> -> memref<1x16x512xi32, #tpu.memory_space<vmem>>
    %dma_start3A_23 = tpu.memref_squeeze %dma_start3A_22 : memref<1x16x512xi32, #tpu.memory_space<vmem>> -> memref<16x512xi32, #tpu.memory_space<vmem>>
    %dma_start3A_24 = arith.constant 0 : i32
    %dma_start3A_25 = tpu.memref_slice %arg2[%dma_start3A, %dma_start3A_11, %mul3A_5, %dma_start3A_24] : memref<1x21x512x512xi32, #tpu.memory_space<hbm>> -> memref<1x1x16x512xi32, #tpu.memory_space<hbm>>
    %dma_start3A_26 = tpu.memref_squeeze %dma_start3A_25 : memref<1x1x16x512xi32, #tpu.memory_space<hbm>> -> memref<16x512xi32, #tpu.memory_space<hbm>>
    tpu.enqueue_dma source(%dma_start3A_26 : memref<16x512xi32, #tpu.memory_space<hbm>>) target(%dma_start3A_23 : memref<16x512xi32, #tpu.memory_space<vmem>>) target_semaphore(%arg6 : memref<!tpu.dma_semaphore, #tpu.memory_space<semaphore_mem>>)
    %scan3A = arith.constant 0 : i32
    %scan3A_27 = arith.constant 0 : i32
    %scan3A_28 = arith.constant 10 : i32
    %scan3A_29 = arith.addi %scan3A_27, %scan3A_28 : i32
    %scan3A_30 = arith.constant 1 : i32
    scf.for %scan3A_62 = %scan3A_27 to %scan3A_29 step %scan3A_30  : i32 {
      %mul3A_63 = arith.constant 2 : i32
      %mul3A_64 = arith.muli %scan3A_62, %mul3A_63 : i32
      %add3A_65 = arith.constant 1 : i32
      %add3A_66 = arith.addi %mul3A_64, %add3A_65 : i32
      %dma_start3A_67 = arith.constant 0 : i32
      %dma_start3A_68 = arith.constant 1 : i32
      %dma_start3A_69 = arith.constant 0 : i32
      %dma_start3A_70 = arith.constant 0 : i32
      %dma_start3A_71 = tpu.memref_slice %arg4[%dma_start3A_68, %dma_start3A_69, %dma_start3A_70] : memref<2x16x512xi32, #tpu.memory_space<vmem>> -> memref<1x16x512xi32, #tpu.memory_space<vmem>>
      %dma_start3A_72 = tpu.memref_squeeze %dma_start3A_71 : memref<1x16x512xi32, #tpu.memory_space<vmem>> -> memref<16x512xi32, #tpu.memory_space<vmem>>
      %dma_start3A_73 = arith.constant 0 : i32
      %dma_start3A_74 = tpu.memref_slice %arg2[%dma_start3A_67, %add3A_66, %mul3A_5, %dma_start3A_73] : memref<1x21x512x512xi32, #tpu.memory_space<hbm>> -> memref<1x1x16x512xi32, #tpu.memory_space<hbm>>
      %dma_start3A_75 = tpu.memref_squeeze %dma_start3A_74 : memref<1x1x16x512xi32, #tpu.memory_space<hbm>> -> memref<16x512xi32, #tpu.memory_space<hbm>>
      %dma_start3A_76 = arith.constant 0 : i32
      %dma_start3A_77 = arith.constant 0 : i32
      %dma_start3A_78 = tpu.memref_slice %arg4[%dma_start3A_68, %dma_start3A_76, %dma_start3A_77] : memref<2x16x512xi32, #tpu.memory_space<vmem>> -> memref<1x16x512xi32, #tpu.memory_space<vmem>>
      %dma_start3A_79 = tpu.memref_squeeze %dma_start3A_78 : memref<1x16x512xi32, #tpu.memory_space<vmem>> -> memref<16x512xi32, #tpu.memory_space<vmem>>
      %dma_start3A_80 = arith.constant 0 : i32
      %dma_start3A_81 = tpu.memref_slice %arg2[%dma_start3A_67, %add3A_66, %mul3A_5, %dma_start3A_80] : memref<1x21x512x512xi32, #tpu.memory_space<hbm>> -> memref<1x1x16x512xi32, #tpu.memory_space<hbm>>
      %dma_start3A_82 = tpu.memref_squeeze %dma_start3A_81 : memref<1x1x16x512xi32, #tpu.memory_space<hbm>> -> memref<16x512xi32, #tpu.memory_space<hbm>>
      tpu.enqueue_dma source(%dma_start3A_82 : memref<16x512xi32, #tpu.memory_space<hbm>>) target(%dma_start3A_79 : memref<16x512xi32, #tpu.memory_space<vmem>>) target_semaphore(%arg7 : memref<!tpu.dma_semaphore, #tpu.memory_space<semaphore_mem>>)
      %dma_wait3A_83 = arith.constant 0 : i32
      %dma_wait3A_84 = arith.constant 0 : i32
      %dma_wait3A_85 = arith.constant 0 : i32
      %dma_wait3A_86 = arith.constant 0 : i32
      %dma_wait3A_87 = tpu.memref_slice %arg4[%dma_wait3A_84, %dma_wait3A_85, %dma_wait3A_86] : memref<2x16x512xi32, #tpu.memory_space<vmem>> -> memref<1x16x512xi32, #tpu.memory_space<vmem>>
      %dma_wait3A_88 = tpu.memref_squeeze %dma_wait3A_87 : memref<1x16x512xi32, #tpu.memory_space<vmem>> -> memref<16x512xi32, #tpu.memory_space<vmem>>
      %dma_wait3A_89 = arith.constant 0 : i32
      %dma_wait3A_90 = tpu.memref_slice %arg2[%dma_wait3A_83, %mul3A_64, %mul3A_5, %dma_wait3A_89] : memref<1x21x512x512xi32, #tpu.memory_space<hbm>> -> memref<1x1x16x512xi32, #tpu.memory_space<hbm>>
      %dma_wait3A_91 = tpu.memref_squeeze %dma_wait3A_90 : memref<1x1x16x512xi32, #tpu.memory_space<hbm>> -> memref<16x512xi32, #tpu.memory_space<hbm>>
      %dma_wait3A_92 = arith.constant 0 : i32
      %dma_wait3A_93 = arith.constant 0 : i32
      %dma_wait3A_94 = tpu.memref_slice %arg4[%dma_wait3A_84, %dma_wait3A_92, %dma_wait3A_93] : memref<2x16x512xi32, #tpu.memory_space<vmem>> -> memref<1x16x512xi32, #tpu.memory_space<vmem>>
      %dma_wait3A_95 = tpu.memref_squeeze %dma_wait3A_94 : memref<1x16x512xi32, #tpu.memory_space<vmem>> -> memref<16x512xi32, #tpu.memory_space<vmem>>
      %dma_wait3A_96 = arith.constant 0 : i32
      %dma_wait3A_97 = tpu.memref_slice %arg2[%dma_wait3A_83, %mul3A_64, %mul3A_5, %dma_wait3A_96] : memref<1x21x512x512xi32, #tpu.memory_space<hbm>> -> memref<1x1x16x512xi32, #tpu.memory_space<hbm>>
      %dma_wait3A_98 = tpu.memref_squeeze %dma_wait3A_97 : memref<1x1x16x512xi32, #tpu.memory_space<hbm>> -> memref<16x512xi32, #tpu.memory_space<hbm>>
      tpu.wait_dma2 semaphore(%arg6 : memref<!tpu.dma_semaphore, #tpu.memory_space<semaphore_mem>>) src(%dma_wait3A_98 : memref<16x512xi32, #tpu.memory_space<hbm>>) dst(%dma_wait3A_95 : memref<16x512xi32, #tpu.memory_space<vmem>>)
      %mul3A_99 = arith.constant 256 : i32
      %mul3A_100 = arith.muli %mul3A_64, %mul3A_99 : i32
      %add3A_101 = vector.broadcast %mul3A_100 : i32 to vector<16xi32>
      %add3A_102 = arith.addi %add3A_101, %mul3A_10 : vector<16xi32>
      %scan3A_103 = arith.constant 0 : i32
      %scan3A_104 = arith.constant 0 : i32
      %scan3A_105 = arith.constant 16 : i32
      %scan3A_106 = arith.addi %scan3A_104, %scan3A_105 : i32
      %scan3A_107 = arith.constant 1 : i32
      scf.for %scan3A_157 = %scan3A_104 to %scan3A_106 step %scan3A_107  : i32 {
        %parallel_loop3A_158 = arith.constant 0 : i32
        %parallel_loop3A_159 = arith.constant 32 : i32
        %parallel_loop3A_160 = arith.constant 1 : i32
        scf.for %parallel_loop3A_161 = %parallel_loop3A_158 to %parallel_loop3A_159 step %parallel_loop3A_160  : i32 {
          %parallel_loop3A_162 = arith.constant 16 : i32
          %parallel_loop3A_163 = arith.muli %parallel_loop3A_161, %parallel_loop3A_162 : i32
          %parallel_loop3A_164 = arith.constant 0 : i32
          %parallel_loop3A_165 = arith.index_cast %parallel_loop3A_164 : i32 to index
          %parallel_loop3A_166 = arith.index_cast %scan3A_157 : i32 to index
          %parallel_loop3A_167 = arith.index_cast %parallel_loop3A_163 : i32 to index
          %parallel_loop3A_168 = tpu.vector_load %arg4[%parallel_loop3A_165, %parallel_loop3A_166, %parallel_loop3A_167] {strides = array<i32>} : memref<2x16x512xi32, #tpu.memory_space<vmem>>, vector<16xi32>,
          %parallel_loop3A_169 = arith.constant 16 : i32
          %parallel_loop3A_170 = vector.broadcast %parallel_loop3A_169 : i32 to vector<16xi32>
          %parallel_loop3A_171 = arith.shrsi %parallel_loop3A_168, %parallel_loop3A_170 : vector<16xi32>
          %parallel_loop3A_172 = arith.addi %add3A_102, %parallel_loop3A_171 : vector<16xi32>
          %parallel_loop3A_173 = arith.constant 16 : i32
          %parallel_loop3A_174 = vector.broadcast %parallel_loop3A_173 : i32 to vector<16xi32>
          %parallel_loop3A_175 = arith.shli %parallel_loop3A_168, %parallel_loop3A_174 : vector<16xi32>
          %parallel_loop3A_176 = tpu.bitcast %parallel_loop3A_175 : vector<16xi32> -> vector<16xf32>
          tpu.vector_store_idx %arg5[%parallel_loop3A_172], %broadcast_in_dim3A_7 {add = true} : memref<98320xf32, #tpu.memory_space<vmem>>[vector<16xi32>], vector<16xf32>,
          %parallel_loop3A_177 = arith.constant 128 : i32
          %parallel_loop3A_178 = vector.broadcast %parallel_loop3A_177 : i32 to vector<16xi32>
          %parallel_loop3A_179 = arith.addi %parallel_loop3A_172, %parallel_loop3A_178 : vector<16xi32>
          tpu.vector_store_idx %arg5[%parallel_loop3A_179], %parallel_loop3A_176 {add = true} : memref<98320xf32, #tpu.memory_space<vmem>>[vector<16xi32>], vector<16xf32>,
        } {sc.loop_unroll_factor = 16 : i64, sc.parallel_access}
      }
      %scan3A_108 = arith.constant 16 : i32
      %add3A_109 = arith.constant 2 : i32
      %add3A_110 = arith.addi %mul3A_64, %add3A_109 : i32
      %dma_start3A_111 = arith.constant 0 : i32
      %dma_start3A_112 = arith.constant 0 : i32
      %dma_start3A_113 = arith.constant 0 : i32
      %dma_start3A_114 = arith.constant 0 : i32
      %dma_start3A_115 = tpu.memref_slice %arg4[%dma_start3A_112, %dma_start3A_113, %dma_start3A_114] : memref<2x16x512xi32, #tpu.memory_space<vmem>> -> memref<1x16x512xi32, #tpu.memory_space<vmem>>
      %dma_start3A_116 = tpu.memref_squeeze %dma_start3A_115 : memref<1x16x512xi32, #tpu.memory_space<vmem>> -> memref<16x512xi32, #tpu.memory_space<vmem>>
      %dma_start3A_117 = arith.constant 0 : i32
      %dma_start3A_118 = tpu.memref_slice %arg2[%dma_start3A_111, %add3A_110, %mul3A_5, %dma_start3A_117] : memref<1x21x512x512xi32, #tpu.memory_space<hbm>> -> memref<1x1x16x512xi32, #tpu.memory_space<hbm>>
      %dma_start3A_119 = tpu.memref_squeeze %dma_start3A_118 : memref<1x1x16x512xi32, #tpu.memory_space<hbm>> -> memref<16x512xi32, #tpu.memory_space<hbm>>
      %dma_start3A_120 = arith.constant 0 : i32
      %dma_start3A_121 = arith.constant 0 : i32
      %dma_start3A_122 = tpu.memref_slice %arg4[%dma_start3A_112, %dma_start3A_120, %dma_start3A_121] : memref<2x16x512xi32, #tpu.memory_space<vmem>> -> memref<1x16x512xi32, #tpu.memory_space<vmem>>
      %dma_start3A_123 = tpu.memref_squeeze %dma_start3A_122 : memref<1x16x512xi32, #tpu.memory_space<vmem>> -> memref<16x512xi32, #tpu.memory_space<vmem>>
      %dma_start3A_124 = arith.constant 0 : i32
      %dma_start3A_125 = tpu.memref_slice %arg2[%dma_start3A_111, %add3A_110, %mul3A_5, %dma_start3A_124] : memref<1x21x512x512xi32, #tpu.memory_space<hbm>> -> memref<1x1x16x512xi32, #tpu.memory_space<hbm>>
      %dma_start3A_126 = tpu.memref_squeeze %dma_start3A_125 : memref<1x1x16x512xi32, #tpu.memory_space<hbm>> -> memref<16x512xi32, #tpu.memory_space<hbm>>
      tpu.enqueue_dma source(%dma_start3A_126 : memref<16x512xi32, #tpu.memory_space<hbm>>) target(%dma_start3A_123 : memref<16x512xi32, #tpu.memory_space<vmem>>) target_semaphore(%arg6 : memref<!tpu.dma_semaphore, #tpu.memory_space<semaphore_mem>>)
      %add3A_127 = arith.constant 1 : i32
      %add3A_128 = arith.addi %mul3A_64, %add3A_127 : i32
      %dma_wait3A_129 = arith.constant 0 : i32
      %dma_wait3A_130 = arith.constant 1 : i32
      %dma_wait3A_131 = arith.constant 0 : i32
      %dma_wait3A_132 = arith.constant 0 : i32
      %dma_wait3A_133 = tpu.memref_slice %arg4[%dma_wait3A_130, %dma_wait3A_131, %dma_wait3A_132] : memref<2x16x512xi32, #tpu.memory_space<vmem>> -> memref<1x16x512xi32, #tpu.memory_space<vmem>>
      %dma_wait3A_134 = tpu.memref_squeeze %dma_wait3A_133 : memref<1x16x512xi32, #tpu.memory_space<vmem>> -> memref<16x512xi32, #tpu.memory_space<vmem>>
      %dma_wait3A_135 = arith.constant 0 : i32
      %dma_wait3A_136 = tpu.memref_slice %arg2[%dma_wait3A_129, %add3A_128, %mul3A_5, %dma_wait3A_135] : memref<1x21x512x512xi32, #tpu.memory_space<hbm>> -> memref<1x1x16x512xi32, #tpu.memory_space<hbm>>
      %dma_wait3A_137 = tpu.memref_squeeze %dma_wait3A_136 : memref<1x1x16x512xi32, #tpu.memory_space<hbm>> -> memref<16x512xi32, #tpu.memory_space<hbm>>
      %dma_wait3A_138 = arith.constant 0 : i32
      %dma_wait3A_139 = arith.constant 0 : i32
      %dma_wait3A_140 = tpu.memref_slice %arg4[%dma_wait3A_130, %dma_wait3A_138, %dma_wait3A_139] : memref<2x16x512xi32, #tpu.memory_space<vmem>> -> memref<1x16x512xi32, #tpu.memory_space<vmem>>
      %dma_wait3A_141 = tpu.memref_squeeze %dma_wait3A_140 : memref<1x16x512xi32, #tpu.memory_space<vmem>> -> memref<16x512xi32, #tpu.memory_space<vmem>>
      %dma_wait3A_142 = arith.constant 0 : i32
      %dma_wait3A_143 = tpu.memref_slice %arg2[%dma_wait3A_129, %add3A_128, %mul3A_5, %dma_wait3A_142] : memref<1x21x512x512xi32, #tpu.memory_space<hbm>> -> memref<1x1x16x512xi32, #tpu.memory_space<hbm>>
      %dma_wait3A_144 = tpu.memref_squeeze %dma_wait3A_143 : memref<1x1x16x512xi32, #tpu.memory_space<hbm>> -> memref<16x512xi32, #tpu.memory_space<hbm>>
      tpu.wait_dma2 semaphore(%arg7 : memref<!tpu.dma_semaphore, #tpu.memory_space<semaphore_mem>>) src(%dma_wait3A_144 : memref<16x512xi32, #tpu.memory_space<hbm>>) dst(%dma_wait3A_141 : memref<16x512xi32, #tpu.memory_space<vmem>>)
      %add3A_145 = arith.constant 1 : i32
      %add3A_146 = arith.addi %mul3A_64, %add3A_145 : i32
      %mul3A_147 = arith.constant 256 : i32
      %mul3A_148 = arith.muli %add3A_146, %mul3A_147 : i32
      %add3A_149 = vector.broadcast %mul3A_148 : i32 to vector<16xi32>
      %add3A_150 = arith.addi %add3A_149, %mul3A_10 : vector<16xi32>
      %scan3A_151 = arith.constant 0 : i32
      %scan3A_152 = arith.constant 0 : i32
      %scan3A_153 = arith.constant 16 : i32
      %scan3A_154 = arith.addi %scan3A_152, %scan3A_153 : i32
      %scan3A_155 = arith.constant 1 : i32
      scf.for %scan3A_157 = %scan3A_152 to %scan3A_154 step %scan3A_155  : i32 {
        %parallel_loop3A_158 = arith.constant 0 : i32
        %parallel_loop3A_159 = arith.constant 32 : i32
        %parallel_loop3A_160 = arith.constant 1 : i32
        scf.for %parallel_loop3A_161 = %parallel_loop3A_158 to %parallel_loop3A_159 step %parallel_loop3A_160  : i32 {
          %parallel_loop3A_162 = arith.constant 16 : i32
          %parallel_loop3A_163 = arith.muli %parallel_loop3A_161, %parallel_loop3A_162 : i32
          %parallel_loop3A_164 = arith.constant 1 : i32
          %parallel_loop3A_165 = arith.index_cast %parallel_loop3A_164 : i32 to index
          %parallel_loop3A_166 = arith.index_cast %scan3A_157 : i32 to index
          %parallel_loop3A_167 = arith.index_cast %parallel_loop3A_163 : i32 to index
          %parallel_loop3A_168 = tpu.vector_load %arg4[%parallel_loop3A_165, %parallel_loop3A_166, %parallel_loop3A_167] {strides = array<i32>} : memref<2x16x512xi32, #tpu.memory_space<vmem>>, vector<16xi32>,
          %parallel_loop3A_169 = arith.constant 16 : i32
          %parallel_loop3A_170 = vector.broadcast %parallel_loop3A_169 : i32 to vector<16xi32>
          %parallel_loop3A_171 = arith.shrsi %parallel_loop3A_168, %parallel_loop3A_170 : vector<16xi32>
          %parallel_loop3A_172 = arith.addi %add3A_150, %parallel_loop3A_171 : vector<16xi32>
          %parallel_loop3A_173 = arith.constant 16 : i32
          %parallel_loop3A_174 = vector.broadcast %parallel_loop3A_173 : i32 to vector<16xi32>
          %parallel_loop3A_175 = arith.shli %parallel_loop3A_168, %parallel_loop3A_174 : vector<16xi32>
          %parallel_loop3A_176 = tpu.bitcast %parallel_loop3A_175 : vector<16xi32> -> vector<16xf32>
          tpu.vector_store_idx %arg5[%parallel_loop3A_172], %broadcast_in_dim3A_7 {add = true} : memref<98320xf32, #tpu.memory_space<vmem>>[vector<16xi32>], vector<16xf32>,
          %parallel_loop3A_177 = arith.constant 128 : i32
          %parallel_loop3A_178 = vector.broadcast %parallel_loop3A_177 : i32 to vector<16xi32>
          %parallel_loop3A_179 = arith.addi %parallel_loop3A_172, %parallel_loop3A_178 : vector<16xi32>
          tpu.vector_store_idx %arg5[%parallel_loop3A_179], %parallel_loop3A_176 {add = true} : memref<98320xf32, #tpu.memory_space<vmem>>[vector<16xi32>], vector<16xf32>,
        } {sc.loop_unroll_factor = 16 : i64, sc.parallel_access}
      }
      %scan3A_156 = arith.constant 16 : i32
    }
    %scan3A_31 = arith.constant 10 : i32
    %dma_wait3A = arith.constant 0 : i32
    %dma_wait3A_32 = arith.constant 20 : i32
    %dma_wait3A_33 = arith.constant 0 : i32
    %dma_wait3A_34 = arith.constant 0 : i32
    %dma_wait3A_35 = arith.constant 0 : i32
    %dma_wait3A_36 = tpu.memref_slice %arg4[%dma_wait3A_33, %dma_wait3A_34, %dma_wait3A_35] : memref<2x16x512xi32, #tpu.memory_space<vmem>> -> memref<1x16x512xi32, #tpu.memory_space<vmem>>
    %dma_wait3A_37 = tpu.memref_squeeze %dma_wait3A_36 : memref<1x16x512xi32, #tpu.memory_space<vmem>> -> memref<16x512xi32, #tpu.memory_space<vmem>>
    %dma_wait3A_38 = arith.constant 0 : i32
    %dma_wait3A_39 = tpu.memref_slice %arg2[%dma_wait3A, %dma_wait3A_32, %mul3A_5, %dma_wait3A_38] : memref<1x21x512x512xi32, #tpu.memory_space<hbm>> -> memref<1x1x16x512xi32, #tpu.memory_space<hbm>>
    %dma_wait3A_40 = tpu.memref_squeeze %dma_wait3A_39 : memref<1x1x16x512xi32, #tpu.memory_space<hbm>> -> memref<16x512xi32, #tpu.memory_space<hbm>>
    %dma_wait3A_41 = arith.constant 0 : i32
    %dma_wait3A_42 = arith.constant 0 : i32
    %dma_wait3A_43 = tpu.memref_slice %arg4[%dma_wait3A_33, %dma_wait3A_41, %dma_wait3A_42] : memref<2x16x512xi32, #tpu.memory_space<vmem>> -> memref<1x16x512xi32, #tpu.memory_space<vmem>>
    %dma_wait3A_44 = tpu.memref_squeeze %dma_wait3A_43 : memref<1x16x512xi32, #tpu.memory_space<vmem>> -> memref<16x512xi32, #tpu.memory_space<vmem>>
    %dma_wait3A_45 = arith.constant 0 : i32
    %dma_wait3A_46 = tpu.memref_slice %arg2[%dma_wait3A, %dma_wait3A_32, %mul3A_5, %dma_wait3A_45] : memref<1x21x512x512xi32, #tpu.memory_space<hbm>> -> memref<1x1x16x512xi32, #tpu.memory_space<hbm>>
    %dma_wait3A_47 = tpu.memref_squeeze %dma_wait3A_46 : memref<1x1x16x512xi32, #tpu.memory_space<hbm>> -> memref<16x512xi32, #tpu.memory_space<hbm>>
    tpu.wait_dma2 semaphore(%arg6 : memref<!tpu.dma_semaphore, #tpu.memory_space<semaphore_mem>>) src(%dma_wait3A_47 : memref<16x512xi32, #tpu.memory_space<hbm>>) dst(%dma_wait3A_44 : memref<16x512xi32, #tpu.memory_space<vmem>>)
    %add3A_48 = arith.constant 5120 : i32
    %add3A_49 = vector.broadcast %add3A_48 : i32 to vector<16xi32>
    %add3A_50 = arith.addi %add3A_49, %mul3A_10 : vector<16xi32>
    %scan3A_51 = arith.constant 0 : i32
    %scan3A_52 = arith.constant 0 : i32
    %scan3A_53 = arith.constant 16 : i32
    %scan3A_54 = arith.addi %scan3A_52, %scan3A_53 : i32
    %scan3A_55 = arith.constant 1 : i32
    scf.for %scan3A_62 = %scan3A_52 to %scan3A_54 step %scan3A_55  : i32 {
      %parallel_loop3A_63 = arith.constant 0 : i32
      %parallel_loop3A_64 = arith.constant 32 : i32
      %parallel_loop3A_65 = arith.constant 1 : i32
      scf.for %parallel_loop3A_66 = %parallel_loop3A_63 to %parallel_loop3A_64 step %parallel_loop3A_65  : i32 {
        %parallel_loop3A_67 = arith.constant 16 : i32
        %parallel_loop3A_68 = arith.muli %parallel_loop3A_66, %parallel_loop3A_67 : i32
        %parallel_loop3A_69 = arith.constant 0 : i32
        %parallel_loop3A_70 = arith.index_cast %parallel_loop3A_69 : i32 to index
        %parallel_loop3A_71 = arith.index_cast %scan3A_62 : i32 to index
        %parallel_loop3A_72 = arith.index_cast %parallel_loop3A_68 : i32 to index
        %parallel_loop3A_73 = tpu.vector_load %arg4[%parallel_loop3A_70, %parallel_loop3A_71, %parallel_loop3A_72] {strides = array<i32>} : memref<2x16x512xi32, #tpu.memory_space<vmem>>, vector<16xi32>,
        %parallel_loop3A_74 = arith.constant 16 : i32
        %parallel_loop3A_75 = vector.broadcast %parallel_loop3A_74 : i32 to vector<16xi32>
        %parallel_loop3A_76 = arith.shrsi %parallel_loop3A_73, %parallel_loop3A_75 : vector<16xi32>
        %parallel_loop3A_77 = arith.addi %add3A_50, %parallel_loop3A_76 : vector<16xi32>
        %parallel_loop3A_78 = arith.constant 16 : i32
        %parallel_loop3A_79 = vector.broadcast %parallel_loop3A_78 : i32 to vector<16xi32>
        %parallel_loop3A_80 = arith.shli %parallel_loop3A_73, %parallel_loop3A_79 : vector<16xi32>
        %parallel_loop3A_81 = tpu.bitcast %parallel_loop3A_80 : vector<16xi32> -> vector<16xf32>
        tpu.vector_store_idx %arg5[%parallel_loop3A_77], %broadcast_in_dim3A_7 {add = true} : memref<98320xf32, #tpu.memory_space<vmem>>[vector<16xi32>], vector<16xf32>,
        %parallel_loop3A_82 = arith.constant 128 : i32
        %parallel_loop3A_83 = vector.broadcast %parallel_loop3A_82 : i32 to vector<16xi32>
        %parallel_loop3A_84 = arith.addi %parallel_loop3A_77, %parallel_loop3A_83 : vector<16xi32>
        tpu.vector_store_idx %arg5[%parallel_loop3A_84], %parallel_loop3A_81 {add = true} : memref<98320xf32, #tpu.memory_space<vmem>>[vector<16xi32>], vector<16xf32>,
      } {sc.loop_unroll_factor = 16 : i64, sc.parallel_access}
    }
    %scan3A_56 = arith.constant 16 : i32
    %parallel_loop3A_57 = arith.constant 0 : i32
    %parallel_loop3A_58 = arith.constant 384 : i32
    %parallel_loop3A_59 = arith.constant 1 : i32
    scf.for %parallel_loop3A_62 = %parallel_loop3A_57 to %parallel_loop3A_58 step %parallel_loop3A_59  : i32 {
      %parallel_loop3A_63 = arith.constant 16 : i32
      %parallel_loop3A_64 = arith.muli %parallel_loop3A_62, %parallel_loop3A_63 : i32
      %parallel_loop3A_65 = arith.index_cast %parallel_loop3A_64 : i32 to index
      %parallel_loop3A_66 = tpu.vector_load %arg5[%parallel_loop3A_65] {strides = array<i32>} : memref<98320xf32, #tpu.memory_space<vmem>>, vector<16xf32>,
      %parallel_loop3A_67 = arith.constant 6145 : i32
      %parallel_loop3A_68 = arith.addi %parallel_loop3A_67, %parallel_loop3A_64 : i32
      %parallel_loop3A_69 = arith.index_cast %parallel_loop3A_68 : i32 to index
      %parallel_loop3A_70 = tpu.vector_load %arg5[%parallel_loop3A_69] {strides = array<i32>} : memref<98320xf32, #tpu.memory_space<vmem>>, vector<16xf32>,
      %parallel_loop3A_71 = arith.addf %parallel_loop3A_66, %parallel_loop3A_70 : vector<16xf32>
      %parallel_loop3A_72 = arith.constant 12290 : i32
      %parallel_loop3A_73 = arith.addi %parallel_loop3A_72, %parallel_loop3A_64 : i32
      %parallel_loop3A_74 = arith.index_cast %parallel_loop3A_73 : i32 to index
      %parallel_loop3A_75 = tpu.vector_load %arg5[%parallel_loop3A_74] {strides = array<i32>} : memref<98320xf32, #tpu.memory_space<vmem>>, vector<16xf32>,
      %parallel_loop3A_76 = arith.addf %parallel_loop3A_71, %parallel_loop3A_75 : vector<16xf32>
      %parallel_loop3A_77 = arith.constant 18435 : i32
      %parallel_loop3A_78 = arith.addi %parallel_loop3A_77, %parallel_loop3A_64 : i32
      %parallel_loop3A_79 = arith.index_cast %parallel_loop3A_78 : i32 to index
      %parallel_loop3A_80 = tpu.vector_load %arg5[%parallel_loop3A_79] {strides = array<i32>} : memref<98320xf32, #tpu.memory_space<vmem>>, vector<16xf32>,
      %parallel_loop3A_81 = arith.addf %parallel_loop3A_76, %parallel_loop3A_80 : vector<16xf32>
      %parallel_loop3A_82 = arith.constant 24580 : i32
      %parallel_loop3A_83 = arith.addi %parallel_loop3A_82, %parallel_loop3A_64 : i32
      %parallel_loop3A_84 = arith.index_cast %parallel_loop3A_83 : i32 to index
      %parallel_loop3A_85 = tpu.vector_load %arg5[%parallel_loop3A_84] {strides = array<i32>} : memref<98320xf32, #tpu.memory_space<vmem>>, vector<16xf32>,
      %parallel_loop3A_86 = arith.addf %parallel_loop3A_81, %parallel_loop3A_85 : vector<16xf32>
      %parallel_loop3A_87 = arith.constant 30725 : i32
      %parallel_loop3A_88 = arith.addi %parallel_loop3A_87, %parallel_loop3A_64 : i32
      %parallel_loop3A_89 = arith.index_cast %parallel_loop3A_88 : i32 to index
      %parallel_loop3A_90 = tpu.vector_load %arg5[%parallel_loop3A_89] {strides = array<i32>} : memref<98320xf32, #tpu.memory_space<vmem>>, vector<16xf32>,
      %parallel_loop3A_91 = arith.addf %parallel_loop3A_86, %parallel_loop3A_90 : vector<16xf32>
      %parallel_loop3A_92 = arith.constant 36870 : i32
      %parallel_loop3A_93 = arith.addi %parallel_loop3A_92, %parallel_loop3A_64 : i32
      %parallel_loop3A_94 = arith.index_cast %parallel_loop3A_93 : i32 to index
      %parallel_loop3A_95 = tpu.vector_load %arg5[%parallel_loop3A_94] {strides = array<i32>} : memref<98320xf32, #tpu.memory_space<vmem>>, vector<16xf32>,
      %parallel_loop3A_96 = arith.addf %parallel_loop3A_91, %parallel_loop3A_95 : vector<16xf32>
      %parallel_loop3A_97 = arith.constant 43015 : i32
      %parallel_loop3A_98 = arith.addi %parallel_loop3A_97, %parallel_loop3A_64 : i32
      %parallel_loop3A_99 = arith.index_cast %parallel_loop3A_98 : i32 to index
      %parallel_loop3A_100 = tpu.vector_load %arg5[%parallel_loop3A_99] {strides = array<i32>} : memref<98320xf32, #tpu.memory_space<vmem>>, vector<16xf32>,
      %parallel_loop3A_101 = arith.addf %parallel_loop3A_96, %parallel_loop3A_100 : vector<16xf32>
      %parallel_loop3A_102 = arith.constant 49160 : i32
      %parallel_loop3A_103 = arith.addi %parallel_loop3A_102, %parallel_loop3A_64 : i32
      %parallel_loop3A_104 = arith.index_cast %parallel_loop3A_103 : i32 to index
      %parallel_loop3A_105 = tpu.vector_load %arg5[%parallel_loop3A_104] {strides = array<i32>} : memref<98320xf32, #tpu.memory_space<vmem>>, vector<16xf32>,
      %parallel_loop3A_106 = arith.addf %parallel_loop3A_101, %parallel_loop3A_105 : vector<16xf32>
      %parallel_loop3A_107 = arith.constant 55305 : i32
      %parallel_loop3A_108 = arith.addi %parallel_loop3A_107, %parallel_loop3A_64 : i32
      %parallel_loop3A_109 = arith.index_cast %parallel_loop3A_108 : i32 to index
      %parallel_loop3A_110 = tpu.vector_load %arg5[%parallel_loop3A_109] {strides = array<i32>} : memref<98320xf32, #tpu.memory_space<vmem>>, vector<16xf32>,
      %parallel_loop3A_111 = arith.addf %parallel_loop3A_106, %parallel_loop3A_110 : vector<16xf32>
      %parallel_loop3A_112 = arith.constant 61450 : i32
      %parallel_loop3A_113 = arith.addi %parallel_loop3A_112, %parallel_loop3A_64 : i32
      %parallel_loop3A_114 = arith.index_cast %parallel_loop3A_113 : i32 to index
      %parallel_loop3A_115 = tpu.vector_load %arg5[%parallel_loop3A_114] {strides = array<i32>} : memref<98320xf32, #tpu.memory_space<vmem>>, vector<16xf32>,
      %parallel_loop3A_116 = arith.addf %parallel_loop3A_111, %parallel_loop3A_115 : vector<16xf32>
      %parallel_loop3A_117 = arith.constant 67595 : i32
      %parallel_loop3A_118 = arith.addi %parallel_loop3A_117, %parallel_loop3A_64 : i32
      %parallel_loop3A_119 = arith.index_cast %parallel_loop3A_118 : i32 to index
      %parallel_loop3A_120 = tpu.vector_load %arg5[%parallel_loop3A_119] {strides = array<i32>} : memref<98320xf32, #tpu.memory_space<vmem>>, vector<16xf32>,
      %parallel_loop3A_121 = arith.addf %parallel_loop3A_116, %parallel_loop3A_120 : vector<16xf32>
      %parallel_loop3A_122 = arith.constant 73740 : i32
      %parallel_loop3A_123 = arith.addi %parallel_loop3A_122, %parallel_loop3A_64 : i32
      %parallel_loop3A_124 = arith.index_cast %parallel_loop3A_123 : i32 to index
      %parallel_loop3A_125 = tpu.vector_load %arg5[%parallel_loop3A_124] {strides = array<i32>} : memref<98320xf32, #tpu.memory_space<vmem>>, vector<16xf32>,
      %parallel_loop3A_126 = arith.addf %parallel_loop3A_121, %parallel_loop3A_125 : vector<16xf32>
      %parallel_loop3A_127 = arith.constant 79885 : i32
      %parallel_loop3A_128 = arith.addi %parallel_loop3A_127, %parallel_loop3A_64 : i32
      %parallel_loop3A_129 = arith.index_cast %parallel_loop3A_128 : i32 to index
      %parallel_loop3A_130 = tpu.vector_load %arg5[%parallel_loop3A_129] {strides = array<i32>} : memref<98320xf32, #tpu.memory_space<vmem>>, vector<16xf32>,
      %parallel_loop3A_131 = arith.addf %parallel_loop3A_126, %parallel_loop3A_130 : vector<16xf32>
      %parallel_loop3A_132 = arith.constant 86030 : i32
      %parallel_loop3A_133 = arith.addi %parallel_loop3A_132, %parallel_loop3A_64 : i32
      %parallel_loop3A_134 = arith.index_cast %parallel_loop3A_133 : i32 to index
      %parallel_loop3A_135 = tpu.vector_load %arg5[%parallel_loop3A_134] {strides = array<i32>} : memref<98320xf32, #tpu.memory_space<vmem>>, vector<16xf32>,
      %parallel_loop3A_136 = arith.addf %parallel_loop3A_131, %parallel_loop3A_135 : vector<16xf32>
      %parallel_loop3A_137 = arith.constant 92175 : i32
      %parallel_loop3A_138 = arith.addi %parallel_loop3A_137, %parallel_loop3A_64 : i32
      %parallel_loop3A_139 = arith.index_cast %parallel_loop3A_138 : i32 to index
      %parallel_loop3A_140 = tpu.vector_load %arg5[%parallel_loop3A_139] {strides = array<i32>} : memref<98320xf32, #tpu.memory_space<vmem>>, vector<16xf32>,
      %parallel_loop3A_141 = arith.addf %parallel_loop3A_136, %parallel_loop3A_140 : vector<16xf32>
      %parallel_loop3A_142 = arith.index_cast %parallel_loop3A_64 : i32 to index
      %parallel_loop3A_143 = tpu.vector_load %arg5[%parallel_loop3A_142] {strides = array<i32>} : memref<98320xf32, #tpu.memory_space<vmem>>, vector<16xf32>,
      tpu.vector_store %arg5[%parallel_loop3A_142], %parallel_loop3A_141 {strides = array<i32>} : memref<98320xf32, #tpu.memory_space<vmem>>, vector<16xf32>,
    } {sc.loop_unroll_factor = 2 : i64, sc.parallel_access}
    %mul3A_60 = arith.constant 6144 : i32
    %mul3A_61 = arith.muli %add3A, %mul3A_60 : i32
    "tpu.region"() ({
      %run_scoped3A = tpu.sem_alloc : memref<!tpu.dma_semaphore, #tpu.memory_space<semaphore_mem>>
      %dma_start3A_62 = arith.constant 0 : i32
      %dma_start3A_63 = tpu.memref_slice %arg5[%dma_start3A_62] : memref<98320xf32, #tpu.memory_space<vmem>> -> memref<6144xf32, #tpu.memory_space<vmem>>
      %dma_start3A_64 = tpu.memref_slice %arg3[%mul3A_61] : memref<196608xf32, #tpu.memory_space<hbm>> -> memref<6144xf32, #tpu.memory_space<hbm>>
      %dma_start3A_65 = tpu.memref_slice %arg3[%mul3A_61] : memref<196608xf32, #tpu.memory_space<hbm>> -> memref<6144xf32, #tpu.memory_space<hbm>>
      %dma_start3A_66 = arith.constant 0 : i32
      %dma_start3A_67 = tpu.memref_slice %arg5[%dma_start3A_66] : memref<98320xf32, #tpu.memory_space<vmem>> -> memref<6144xf32, #tpu.memory_space<vmem>>
      tpu.enqueue_dma source(%dma_start3A_67 : memref<6144xf32, #tpu.memory_space<vmem>>) target(%dma_start3A_65 : memref<6144xf32, #tpu.memory_space<hbm>>) target_semaphore(%run_scoped3A : memref<!tpu.dma_semaphore, #tpu.memory_space<semaphore_mem>>)
      %dma_wait3A_68 = arith.constant 0 : i32
      %dma_wait3A_69 = tpu.memref_slice %arg5[%dma_wait3A_68] : memref<98320xf32, #tpu.memory_space<vmem>> -> memref<6144xf32, #tpu.memory_space<vmem>>
      %dma_wait3A_70 = tpu.memref_slice %arg3[%mul3A_61] : memref<196608xf32, #tpu.memory_space<hbm>> -> memref<6144xf32, #tpu.memory_space<hbm>>
      %dma_wait3A_71 = tpu.memref_slice %arg3[%mul3A_61] : memref<196608xf32, #tpu.memory_space<hbm>> -> memref<6144xf32, #tpu.memory_space<hbm>>
      %dma_wait3A_72 = arith.constant 0 : i32
      %dma_wait3A_73 = tpu.memref_slice %arg5[%dma_wait3A_72] : memref<98320xf32, #tpu.memory_space<vmem>> -> memref<6144xf32, #tpu.memory_space<vmem>>
      tpu.wait_dma2 semaphore(%run_scoped3A : memref<!tpu.dma_semaphore, #tpu.memory_space<semaphore_mem>>) src(%dma_wait3A_73 : memref<6144xf32, #tpu.memory_space<vmem>>) dst(%dma_wait3A_71 : memref<6144xf32, #tpu.memory_space<hbm>>)
      tpu.yield
    }) : () -> ()
    return
  }
}

module attributes {stable_mosaic.version = 14 : i64} {
  func.func @_err_body(%arg0: i32, %arg1: memref<1x21x32x512xf32, #tpu.memory_space<vmem>>, %arg2: memref<1x32x512xi32, #tpu.memory_space<vmem>>, %arg3: memref<1x21x32x512xi32, #tpu.memory_space<vmem>>) attributes {dimension_semantics = [#tpu.dimension_semantics<arbitrary>], iteration_bounds = array<i64: 16>, scalar_prefetch = 0 : i64, scratch_operands = 0 : i64, tpu.core_type = #tpu.core_type<tc>, window_params = [{transform_indices = @transform_0, window_bounds = array<i64: 1, 21, 32, 512>}, {transform_indices = @transform_1, window_bounds = array<i64: 1, 32, 512>}, {transform_indices = @transform_2, window_bounds = array<i64: 1, 21, 32, 512>}]} {
    %get3A = arith.constant 0 : index
    %get3A_0 = arith.constant 0 : index
    %get3A_1 = arith.constant 0 : index
    %get3A_2 = arith.constant 0 : index
    %get3A_3 = vector.load %arg1[%get3A, %get3A_0, %get3A_1, %get3A_2] : memref<1x21x32x512xf32, #tpu.memory_space<vmem>>, vector<1x21x32x512xf32>
    %get3A_4 = vector.shape_cast %get3A_3 : vector<1x21x32x512xf32> to vector<21x32x512xf32>
    %exp3A = math.exp %get3A_4 : vector<21x32x512xf32>
    %reduce_sum3A = arith.constant dense<0.000000e+00> : vector<32x512xf32>
    %reduce_sum3A_5 = vector.multi_reduction <add>, %exp3A, %reduce_sum3A [0] : vector<21x32x512xf32> to vector<32x512xf32>
    %broadcast_in_dim3A = vector.shape_cast %reduce_sum3A_5 : vector<32x512xf32> to vector<1x32x512xf32>
    %div3A = vector.broadcast %broadcast_in_dim3A : vector<1x32x512xf32> to vector<21x32x512xf32>
    %div3A_6 = arith.divf %exp3A, %div3A : vector<21x32x512xf32>
    %get3A_7 = arith.constant 0 : index
    %get3A_8 = arith.constant 0 : index
    %get3A_9 = arith.constant 0 : index
    %get3A_10 = vector.load %arg2[%get3A_7, %get3A_8, %get3A_9] : memref<1x32x512xi32, #tpu.memory_space<vmem>>, vector<1x32x512xi32>
    %iota3A = tpu.iota {dimensions = array<i32: 0>} : vector<21x32x512xi32>
    %eq3A = vector.broadcast %get3A_10 : vector<1x32x512xi32> to vector<21x32x512xi32>
    %eq3A_11 = arith.cmpi eq, %iota3A, %eq3A : vector<21x32x512xi32>
    %convert_element_type3A = arith.extui %eq3A_11 : vector<21x32x512xi1> to vector<21x32x512xi32>
    %convert_element_type3A_12 = arith.sitofp %convert_element_type3A : vector<21x32x512xi32> to vector<21x32x512xf32>
    %sub3A = arith.subf %div3A_6, %convert_element_type3A_12 : vector<21x32x512xf32>
    %abs3A = math.absf %sub3A : vector<21x32x512xf32>
    %mul3A = arith.constant 63.9999352 : f32
    %mul3A_13 = vector.broadcast %mul3A : f32 to vector<21x32x512xf32>
    %mul3A_14 = arith.mulf %abs3A, %mul3A_13 : vector<21x32x512xf32>
    %convert_element_type3A_15 = arith.fptosi %mul3A_14 : vector<21x32x512xf32> to vector<21x32x512xi32>
    %jit3A = arith.constant 64 : i32
    %jit3A_16 = arith.constant 0 : i32
    %broadcast_in_dim3A_17 = vector.broadcast %jit3A : i32 to vector<21x32x512xi32>
    %broadcast_in_dim3A_18 = vector.broadcast %jit3A_16 : i32 to vector<21x32x512xi32>
    %select_n3A = arith.select %eq3A_11, %broadcast_in_dim3A_17, %broadcast_in_dim3A_18 : vector<21x32x512xi1>, vector<21x32x512xi32>
    %add3A = arith.addi %convert_element_type3A_15, %select_n3A : vector<21x32x512xi32>
    %convert_element_type3A_19 = arith.truncf %abs3A : vector<21x32x512xf32> to vector<21x32x512xbf16>
    %bitcast_convert_type3A = tpu.bitcast %convert_element_type3A_19 : vector<21x32x512xbf16> -> vector<21x32x512xi16>
    %convert_element_type3A_20 = arith.extui %bitcast_convert_type3A : vector<21x32x512xi16> to vector<21x32x512xi32>
    %shift_left3A = arith.constant 16 : i32
    %shift_left3A_21 = vector.broadcast %shift_left3A : i32 to vector<21x32x512xi32>
    %shift_left3A_22 = arith.shli %add3A, %shift_left3A_21 : vector<21x32x512xi32>
    %or3A = arith.ori %shift_left3A_22, %convert_element_type3A_20 : vector<21x32x512xi32>
    %swap3A = arith.constant 0 : index
    %swap3A_23 = arith.constant 0 : index
    %swap3A_24 = arith.constant 0 : index
    %swap3A_25 = arith.constant 0 : index
    %swap3A_26 = vector.load %arg3[%swap3A, %swap3A_23, %swap3A_24, %swap3A_25] : memref<1x21x32x512xi32, #tpu.memory_space<vmem>>, vector<1x21x32x512xi32>
    %swap3A_27 = vector.shape_cast %swap3A_26 : vector<1x21x32x512xi32> to vector<21x32x512xi32>
    %swap3A_28 = vector.shape_cast %or3A : vector<21x32x512xi32> to vector<1x21x32x512xi32>
    tpu.vector_store %arg3[%swap3A, %swap3A_23, %swap3A_24, %swap3A_25], %swap3A_28 {strides = array<i32>} : memref<1x21x32x512xi32, #tpu.memory_space<vmem>>, vector<1x21x32x512xi32>,
    return
  }
  func.func @transform_0(%arg0: i32) -> (i32, i32, i32, i32) {
    %c0_i32 = arith.constant 0 : i32
    %c0_i32_0 = arith.constant 0 : i32
    %c0_i32_1 = arith.constant 0 : i32
    %c0_i32_2 = arith.constant 0 : i32
    return %c0_i32, %c0_i32_0, %arg0, %c0_i32_1 : i32, i32, i32, i32
  }
  func.func @transform_1(%arg0: i32) -> (i32, i32, i32) {
    %c0_i32 = arith.constant 0 : i32
    %c0_i32_0 = arith.constant 0 : i32
    %c0_i32_1 = arith.constant 0 : i32
    return %c0_i32, %arg0, %c0_i32_0 : i32, i32, i32
  }
  func.func @transform_2(%arg0: i32) -> (i32, i32, i32, i32) {
    %c0_i32 = arith.constant 0 : i32
    %c0_i32_0 = arith.constant 0 : i32
    %c0_i32_1 = arith.constant 0 : i32
    %c0_i32_2 = arith.constant 0 : i32
    return %c0_i32, %c0_i32_0, %arg0, %c0_i32_1 : i32, i32, i32, i32
  }
}

module attributes {stable_mosaic.version = 14 : i64} {
  func.func @_err_body(%arg0: i32, %arg1: memref<1x21x32x512xf32, #tpu.memory_space<vmem>>, %arg2: memref<1x32x512xi32, #tpu.memory_space<vmem>>, %arg3: memref<1x21x32x512xi32, #tpu.memory_space<vmem>>) attributes {dimension_semantics = [#tpu.dimension_semantics<arbitrary>], iteration_bounds = array<i64: 16>, scalar_prefetch = 0 : i64, scratch_operands = 0 : i64, tpu.core_type = #tpu.core_type<tc>, window_params = [{transform_indices = @transform_0, window_bounds = array<i64: 1, 21, 32, 512>}, {transform_indices = @transform_1, window_bounds = array<i64: 1, 32, 512>}, {transform_indices = @transform_2, window_bounds = array<i64: 1, 21, 32, 512>}]} {
    %get3A = arith.constant 0 : index
    %get3A_0 = arith.constant 0 : index
    %get3A_1 = arith.constant 0 : index
    %get3A_2 = arith.constant 0 : index
    %get3A_3 = vector.load %arg1[%get3A, %get3A_0, %get3A_1, %get3A_2] : memref<1x21x32x512xf32, #tpu.memory_space<vmem>>, vector<1x21x32x512xf32>
    %get3A_4 = vector.shape_cast %get3A_3 : vector<1x21x32x512xf32> to vector<21x32x512xf32>
    %exp3A = math.exp %get3A_4 : vector<21x32x512xf32>
    %reduce_sum3A = arith.constant dense<0.000000e+00> : vector<32x512xf32>
    %reduce_sum3A_5 = vector.multi_reduction <add>, %exp3A, %reduce_sum3A [0] : vector<21x32x512xf32> to vector<32x512xf32>
    %broadcast_in_dim3A = vector.shape_cast %reduce_sum3A_5 : vector<32x512xf32> to vector<1x32x512xf32>
    %div3A = vector.broadcast %broadcast_in_dim3A : vector<1x32x512xf32> to vector<21x32x512xf32>
    %div3A_6 = arith.divf %exp3A, %div3A : vector<21x32x512xf32>
    %get3A_7 = arith.constant 0 : index
    %get3A_8 = arith.constant 0 : index
    %get3A_9 = arith.constant 0 : index
    %get3A_10 = vector.load %arg2[%get3A_7, %get3A_8, %get3A_9] : memref<1x32x512xi32, #tpu.memory_space<vmem>>, vector<1x32x512xi32>
    %iota3A = tpu.iota {dimensions = array<i32: 0>} : vector<21x32x512xi32>
    %eq3A = vector.broadcast %get3A_10 : vector<1x32x512xi32> to vector<21x32x512xi32>
    %eq3A_11 = arith.cmpi eq, %iota3A, %eq3A : vector<21x32x512xi32>
    %convert_element_type3A = arith.extui %eq3A_11 : vector<21x32x512xi1> to vector<21x32x512xi32>
    %convert_element_type3A_12 = arith.sitofp %convert_element_type3A : vector<21x32x512xi32> to vector<21x32x512xf32>
    %sub3A = arith.subf %div3A_6, %convert_element_type3A_12 : vector<21x32x512xf32>
    %abs3A = math.absf %sub3A : vector<21x32x512xf32>
    %mul3A = arith.constant 63.9999352 : f32
    %mul3A_13 = vector.broadcast %mul3A : f32 to vector<21x32x512xf32>
    %mul3A_14 = arith.mulf %abs3A, %mul3A_13 : vector<21x32x512xf32>
    %convert_element_type3A_15 = arith.fptosi %mul3A_14 : vector<21x32x512xf32> to vector<21x32x512xi32>
    %jit3A = arith.constant 64 : i32
    %jit3A_16 = arith.constant 0 : i32
    %broadcast_in_dim3A_17 = vector.broadcast %jit3A : i32 to vector<21x32x512xi32>
    %broadcast_in_dim3A_18 = vector.broadcast %jit3A_16 : i32 to vector<21x32x512xi32>
    %select_n3A = arith.select %eq3A_11, %broadcast_in_dim3A_17, %broadcast_in_dim3A_18 : vector<21x32x512xi1>, vector<21x32x512xi32>
    %add3A = arith.addi %convert_element_type3A_15, %select_n3A : vector<21x32x512xi32>
    %convert_element_type3A_19 = arith.truncf %abs3A : vector<21x32x512xf32> to vector<21x32x512xbf16>
    %bitcast_convert_type3A = tpu.bitcast %convert_element_type3A_19 : vector<21x32x512xbf16> -> vector<21x32x512xi16>
    %convert_element_type3A_20 = arith.extui %bitcast_convert_type3A : vector<21x32x512xi16> to vector<21x32x512xi32>
    %shift_left3A = arith.constant 16 : i32
    %shift_left3A_21 = vector.broadcast %shift_left3A : i32 to vector<21x32x512xi32>
    %shift_left3A_22 = arith.shli %add3A, %shift_left3A_21 : vector<21x32x512xi32>
    %or3A = arith.ori %shift_left3A_22, %convert_element_type3A_20 : vector<21x32x512xi32>
    %swap3A = arith.constant 0 : index
    %swap3A_23 = arith.constant 0 : index
    %swap3A_24 = arith.constant 0 : index
    %swap3A_25 = arith.constant 0 : index
    %swap3A_26 = vector.load %arg3[%swap3A, %swap3A_23, %swap3A_24, %swap3A_25] : memref<1x21x32x512xi32, #tpu.memory_space<vmem>>, vector<1x21x32x512xi32>
    %swap3A_27 = vector.shape_cast %swap3A_26 : vector<1x21x32x512xi32> to vector<21x32x512xi32>
    %swap3A_28 = vector.shape_cast %or3A : vector<21x32x512xi32> to vector<1x21x32x512xi32>
    tpu.vector_store %arg3[%swap3A, %swap3A_23, %swap3A_24, %swap3A_25], %swap3A_28 {strides = array<i32>} : memref<1x21x32x512xi32, #tpu.memory_space<vmem>>, vector<1x21x32x512xi32>,
    return
  }
  func.func @transform_0(%arg0: i32) -> (i32, i32, i32, i32) {
    %c1_i32 = arith.constant 1 : i32
    %c0_i32 = arith.constant 0 : i32
    %c0_i32_0 = arith.constant 0 : i32
    %c0_i32_1 = arith.constant 0 : i32
    return %c1_i32, %c0_i32, %arg0, %c0_i32_0 : i32, i32, i32, i32
  }
  func.func @transform_1(%arg0: i32) -> (i32, i32, i32) {
    %c1_i32 = arith.constant 1 : i32
    %c0_i32 = arith.constant 0 : i32
    %c0_i32_0 = arith.constant 0 : i32
    return %c1_i32, %arg0, %c0_i32 : i32, i32, i32
  }
  func.func @transform_2(%arg0: i32) -> (i32, i32, i32, i32) {
    %c0_i32 = arith.constant 0 : i32
    %c0_i32_0 = arith.constant 0 : i32
    %c0_i32_1 = arith.constant 0 : i32
    %c0_i32_2 = arith.constant 0 : i32
    return %c0_i32, %c0_i32_0, %arg0, %c0_i32_1 : i32, i32, i32, i32
  }
}

module attributes {stable_mosaic.version = 14 : i64} {
  func.func @_err_body(%arg0: i32, %arg1: memref<1x21x32x512xf32, #tpu.memory_space<vmem>>, %arg2: memref<1x32x512xi32, #tpu.memory_space<vmem>>, %arg3: memref<1x21x32x512xi32, #tpu.memory_space<vmem>>) attributes {dimension_semantics = [#tpu.dimension_semantics<arbitrary>], iteration_bounds = array<i64: 16>, scalar_prefetch = 0 : i64, scratch_operands = 0 : i64, tpu.core_type = #tpu.core_type<tc>, window_params = [{transform_indices = @transform_0, window_bounds = array<i64: 1, 21, 32, 512>}, {transform_indices = @transform_1, window_bounds = array<i64: 1, 32, 512>}, {transform_indices = @transform_2, window_bounds = array<i64: 1, 21, 32, 512>}]} {
    %get3A = arith.constant 0 : index
    %get3A_0 = arith.constant 0 : index
    %get3A_1 = arith.constant 0 : index
    %get3A_2 = arith.constant 0 : index
    %get3A_3 = vector.load %arg1[%get3A, %get3A_0, %get3A_1, %get3A_2] : memref<1x21x32x512xf32, #tpu.memory_space<vmem>>, vector<1x21x32x512xf32>
    %get3A_4 = vector.shape_cast %get3A_3 : vector<1x21x32x512xf32> to vector<21x32x512xf32>
    %exp3A = math.exp %get3A_4 : vector<21x32x512xf32>
    %reduce_sum3A = arith.constant dense<0.000000e+00> : vector<32x512xf32>
    %reduce_sum3A_5 = vector.multi_reduction <add>, %exp3A, %reduce_sum3A [0] : vector<21x32x512xf32> to vector<32x512xf32>
    %broadcast_in_dim3A = vector.shape_cast %reduce_sum3A_5 : vector<32x512xf32> to vector<1x32x512xf32>
    %div3A = vector.broadcast %broadcast_in_dim3A : vector<1x32x512xf32> to vector<21x32x512xf32>
    %div3A_6 = arith.divf %exp3A, %div3A : vector<21x32x512xf32>
    %get3A_7 = arith.constant 0 : index
    %get3A_8 = arith.constant 0 : index
    %get3A_9 = arith.constant 0 : index
    %get3A_10 = vector.load %arg2[%get3A_7, %get3A_8, %get3A_9] : memref<1x32x512xi32, #tpu.memory_space<vmem>>, vector<1x32x512xi32>
    %iota3A = tpu.iota {dimensions = array<i32: 0>} : vector<21x32x512xi32>
    %eq3A = vector.broadcast %get3A_10 : vector<1x32x512xi32> to vector<21x32x512xi32>
    %eq3A_11 = arith.cmpi eq, %iota3A, %eq3A : vector<21x32x512xi32>
    %convert_element_type3A = arith.extui %eq3A_11 : vector<21x32x512xi1> to vector<21x32x512xi32>
    %convert_element_type3A_12 = arith.sitofp %convert_element_type3A : vector<21x32x512xi32> to vector<21x32x512xf32>
    %sub3A = arith.subf %div3A_6, %convert_element_type3A_12 : vector<21x32x512xf32>
    %abs3A = math.absf %sub3A : vector<21x32x512xf32>
    %mul3A = arith.constant 63.9999352 : f32
    %mul3A_13 = vector.broadcast %mul3A : f32 to vector<21x32x512xf32>
    %mul3A_14 = arith.mulf %abs3A, %mul3A_13 : vector<21x32x512xf32>
    %convert_element_type3A_15 = arith.fptosi %mul3A_14 : vector<21x32x512xf32> to vector<21x32x512xi32>
    %jit3A = arith.constant 64 : i32
    %jit3A_16 = arith.constant 0 : i32
    %broadcast_in_dim3A_17 = vector.broadcast %jit3A : i32 to vector<21x32x512xi32>
    %broadcast_in_dim3A_18 = vector.broadcast %jit3A_16 : i32 to vector<21x32x512xi32>
    %select_n3A = arith.select %eq3A_11, %broadcast_in_dim3A_17, %broadcast_in_dim3A_18 : vector<21x32x512xi1>, vector<21x32x512xi32>
    %add3A = arith.addi %convert_element_type3A_15, %select_n3A : vector<21x32x512xi32>
    %convert_element_type3A_19 = arith.truncf %abs3A : vector<21x32x512xf32> to vector<21x32x512xbf16>
    %bitcast_convert_type3A = tpu.bitcast %convert_element_type3A_19 : vector<21x32x512xbf16> -> vector<21x32x512xi16>
    %convert_element_type3A_20 = arith.extui %bitcast_convert_type3A : vector<21x32x512xi16> to vector<21x32x512xi32>
    %shift_left3A = arith.constant 16 : i32
    %shift_left3A_21 = vector.broadcast %shift_left3A : i32 to vector<21x32x512xi32>
    %shift_left3A_22 = arith.shli %add3A, %shift_left3A_21 : vector<21x32x512xi32>
    %or3A = arith.ori %shift_left3A_22, %convert_element_type3A_20 : vector<21x32x512xi32>
    %swap3A = arith.constant 0 : index
    %swap3A_23 = arith.constant 0 : index
    %swap3A_24 = arith.constant 0 : index
    %swap3A_25 = arith.constant 0 : index
    %swap3A_26 = vector.load %arg3[%swap3A, %swap3A_23, %swap3A_24, %swap3A_25] : memref<1x21x32x512xi32, #tpu.memory_space<vmem>>, vector<1x21x32x512xi32>
    %swap3A_27 = vector.shape_cast %swap3A_26 : vector<1x21x32x512xi32> to vector<21x32x512xi32>
    %swap3A_28 = vector.shape_cast %or3A : vector<21x32x512xi32> to vector<1x21x32x512xi32>
    tpu.vector_store %arg3[%swap3A, %swap3A_23, %swap3A_24, %swap3A_25], %swap3A_28 {strides = array<i32>} : memref<1x21x32x512xi32, #tpu.memory_space<vmem>>, vector<1x21x32x512xi32>,
    return
  }
  func.func @transform_0(%arg0: i32) -> (i32, i32, i32, i32) {
    %c2_i32 = arith.constant 2 : i32
    %c0_i32 = arith.constant 0 : i32
    %c0_i32_0 = arith.constant 0 : i32
    %c0_i32_1 = arith.constant 0 : i32
    return %c2_i32, %c0_i32, %arg0, %c0_i32_0 : i32, i32, i32, i32
  }
  func.func @transform_1(%arg0: i32) -> (i32, i32, i32) {
    %c2_i32 = arith.constant 2 : i32
    %c0_i32 = arith.constant 0 : i32
    %c0_i32_0 = arith.constant 0 : i32
    return %c2_i32, %arg0, %c0_i32 : i32, i32, i32
  }
  func.func @transform_2(%arg0: i32) -> (i32, i32, i32, i32) {
    %c0_i32 = arith.constant 0 : i32
    %c0_i32_0 = arith.constant 0 : i32
    %c0_i32_1 = arith.constant 0 : i32
    %c0_i32_2 = arith.constant 0 : i32
    return %c0_i32, %c0_i32_0, %arg0, %c0_i32_1 : i32, i32, i32, i32
  }
}

module attributes {stable_mosaic.version = 14 : i64} {
  func.func @_err_body(%arg0: i32, %arg1: memref<1x21x32x512xf32, #tpu.memory_space<vmem>>, %arg2: memref<1x32x512xi32, #tpu.memory_space<vmem>>, %arg3: memref<1x21x32x512xi32, #tpu.memory_space<vmem>>) attributes {dimension_semantics = [#tpu.dimension_semantics<arbitrary>], iteration_bounds = array<i64: 16>, scalar_prefetch = 0 : i64, scratch_operands = 0 : i64, tpu.core_type = #tpu.core_type<tc>, window_params = [{transform_indices = @transform_0, window_bounds = array<i64: 1, 21, 32, 512>}, {transform_indices = @transform_1, window_bounds = array<i64: 1, 32, 512>}, {transform_indices = @transform_2, window_bounds = array<i64: 1, 21, 32, 512>}]} {
    %get3A = arith.constant 0 : index
    %get3A_0 = arith.constant 0 : index
    %get3A_1 = arith.constant 0 : index
    %get3A_2 = arith.constant 0 : index
    %get3A_3 = vector.load %arg1[%get3A, %get3A_0, %get3A_1, %get3A_2] : memref<1x21x32x512xf32, #tpu.memory_space<vmem>>, vector<1x21x32x512xf32>
    %get3A_4 = vector.shape_cast %get3A_3 : vector<1x21x32x512xf32> to vector<21x32x512xf32>
    %exp3A = math.exp %get3A_4 : vector<21x32x512xf32>
    %reduce_sum3A = arith.constant dense<0.000000e+00> : vector<32x512xf32>
    %reduce_sum3A_5 = vector.multi_reduction <add>, %exp3A, %reduce_sum3A [0] : vector<21x32x512xf32> to vector<32x512xf32>
    %broadcast_in_dim3A = vector.shape_cast %reduce_sum3A_5 : vector<32x512xf32> to vector<1x32x512xf32>
    %div3A = vector.broadcast %broadcast_in_dim3A : vector<1x32x512xf32> to vector<21x32x512xf32>
    %div3A_6 = arith.divf %exp3A, %div3A : vector<21x32x512xf32>
    %get3A_7 = arith.constant 0 : index
    %get3A_8 = arith.constant 0 : index
    %get3A_9 = arith.constant 0 : index
    %get3A_10 = vector.load %arg2[%get3A_7, %get3A_8, %get3A_9] : memref<1x32x512xi32, #tpu.memory_space<vmem>>, vector<1x32x512xi32>
    %iota3A = tpu.iota {dimensions = array<i32: 0>} : vector<21x32x512xi32>
    %eq3A = vector.broadcast %get3A_10 : vector<1x32x512xi32> to vector<21x32x512xi32>
    %eq3A_11 = arith.cmpi eq, %iota3A, %eq3A : vector<21x32x512xi32>
    %convert_element_type3A = arith.extui %eq3A_11 : vector<21x32x512xi1> to vector<21x32x512xi32>
    %convert_element_type3A_12 = arith.sitofp %convert_element_type3A : vector<21x32x512xi32> to vector<21x32x512xf32>
    %sub3A = arith.subf %div3A_6, %convert_element_type3A_12 : vector<21x32x512xf32>
    %abs3A = math.absf %sub3A : vector<21x32x512xf32>
    %mul3A = arith.constant 63.9999352 : f32
    %mul3A_13 = vector.broadcast %mul3A : f32 to vector<21x32x512xf32>
    %mul3A_14 = arith.mulf %abs3A, %mul3A_13 : vector<21x32x512xf32>
    %convert_element_type3A_15 = arith.fptosi %mul3A_14 : vector<21x32x512xf32> to vector<21x32x512xi32>
    %jit3A = arith.constant 64 : i32
    %jit3A_16 = arith.constant 0 : i32
    %broadcast_in_dim3A_17 = vector.broadcast %jit3A : i32 to vector<21x32x512xi32>
    %broadcast_in_dim3A_18 = vector.broadcast %jit3A_16 : i32 to vector<21x32x512xi32>
    %select_n3A = arith.select %eq3A_11, %broadcast_in_dim3A_17, %broadcast_in_dim3A_18 : vector<21x32x512xi1>, vector<21x32x512xi32>
    %add3A = arith.addi %convert_element_type3A_15, %select_n3A : vector<21x32x512xi32>
    %convert_element_type3A_19 = arith.truncf %abs3A : vector<21x32x512xf32> to vector<21x32x512xbf16>
    %bitcast_convert_type3A = tpu.bitcast %convert_element_type3A_19 : vector<21x32x512xbf16> -> vector<21x32x512xi16>
    %convert_element_type3A_20 = arith.extui %bitcast_convert_type3A : vector<21x32x512xi16> to vector<21x32x512xi32>
    %shift_left3A = arith.constant 16 : i32
    %shift_left3A_21 = vector.broadcast %shift_left3A : i32 to vector<21x32x512xi32>
    %shift_left3A_22 = arith.shli %add3A, %shift_left3A_21 : vector<21x32x512xi32>
    %or3A = arith.ori %shift_left3A_22, %convert_element_type3A_20 : vector<21x32x512xi32>
    %swap3A = arith.constant 0 : index
    %swap3A_23 = arith.constant 0 : index
    %swap3A_24 = arith.constant 0 : index
    %swap3A_25 = arith.constant 0 : index
    %swap3A_26 = vector.load %arg3[%swap3A, %swap3A_23, %swap3A_24, %swap3A_25] : memref<1x21x32x512xi32, #tpu.memory_space<vmem>>, vector<1x21x32x512xi32>
    %swap3A_27 = vector.shape_cast %swap3A_26 : vector<1x21x32x512xi32> to vector<21x32x512xi32>
    %swap3A_28 = vector.shape_cast %or3A : vector<21x32x512xi32> to vector<1x21x32x512xi32>
    tpu.vector_store %arg3[%swap3A, %swap3A_23, %swap3A_24, %swap3A_25], %swap3A_28 {strides = array<i32>} : memref<1x21x32x512xi32, #tpu.memory_space<vmem>>, vector<1x21x32x512xi32>,
    return
  }
  func.func @transform_0(%arg0: i32) -> (i32, i32, i32, i32) {
    %c3_i32 = arith.constant 3 : i32
    %c0_i32 = arith.constant 0 : i32
    %c0_i32_0 = arith.constant 0 : i32
    %c0_i32_1 = arith.constant 0 : i32
    return %c3_i32, %c0_i32, %arg0, %c0_i32_0 : i32, i32, i32, i32
  }
  func.func @transform_1(%arg0: i32) -> (i32, i32, i32) {
    %c3_i32 = arith.constant 3 : i32
    %c0_i32 = arith.constant 0 : i32
    %c0_i32_0 = arith.constant 0 : i32
    return %c3_i32, %arg0, %c0_i32 : i32, i32, i32
  }
  func.func @transform_2(%arg0: i32) -> (i32, i32, i32, i32) {
    %c0_i32 = arith.constant 0 : i32
    %c0_i32_0 = arith.constant 0 : i32
    %c0_i32_1 = arith.constant 0 : i32
    %c0_i32_2 = arith.constant 0 : i32
    return %c0_i32, %c0_i32_0, %arg0, %c0_i32_1 : i32, i32, i32, i32
  }
}

module attributes {stable_mosaic.version = 14 : i64} {
  func.func @_fin_body(%arg0: i32, %arg1: memref<96x256xf32, #tpu.memory_space<vmem>>, %arg2: memref<96x256xf32, #tpu.memory_space<vmem>>, %arg3: memref<96x256xf32, #tpu.memory_space<vmem>>, %arg4: memref<96x256xf32, #tpu.memory_space<vmem>>, %arg5: memref<8x128xf32, #tpu.memory_space<vmem>>, %arg6: memref<24x256xf32, #tpu.memory_space<vmem>>) attributes {dimension_semantics = [#tpu.dimension_semantics<arbitrary>], iteration_bounds = array<i64: 8>, scalar_prefetch = 0 : i64, scratch_operands = 1 : i64, tpu.core_type = #tpu.core_type<tc>, window_params = [{transform_indices = @transform_0, window_bounds = array<i64: 96, 256>}, {transform_indices = @transform_1, window_bounds = array<i64: 96, 256>}, {transform_indices = @transform_2, window_bounds = array<i64: 96, 256>}, {transform_indices = @transform_3, window_bounds = array<i64: 96, 256>}, {pipeline_mode = #tpu.pipeline_mode<synchronous>, transform_indices = @transform_4, window_bounds = array<i64: 8, 128>}]} {
    %eq3A = arith.constant 0 : i32
    %eq3A_0 = arith.cmpi eq, %arg0, %eq3A : i32
    %convert_element_type3A = arith.extui %eq3A_0 : i1 to i32
    %cond3A = arith.constant 0 : i32
    %cond3A_1 = arith.cmpi ne, %convert_element_type3A, %cond3A : i32
    scf.if %cond3A_1 {
      %broadcast_in_dim3A = arith.constant 0.000000e+00 : f32
      %broadcast_in_dim3A_92 = vector.broadcast %broadcast_in_dim3A : f32 to vector<24x256xf32>
      %swap3A_93 = arith.constant 0 : index
      %swap3A_94 = arith.constant 0 : index
      %swap3A_95 = vector.load %arg6[%swap3A_93, %swap3A_94] : memref<24x256xf32, #tpu.memory_space<vmem>>, vector<24x256xf32>
      tpu.vector_store %arg6[%swap3A_93, %swap3A_94], %broadcast_in_dim3A_92 {strides = array<i32>} : memref<24x256xf32, #tpu.memory_space<vmem>>, vector<24x256xf32>,
    } else {
    }
    %get3A = arith.constant 0 : index
    %get3A_2 = arith.constant 0 : index
    %get3A_3 = vector.load %arg1[%get3A, %get3A_2] : memref<96x256xf32, #tpu.memory_space<vmem>>, vector<24x256xf32>
    %get3A_4 = arith.constant 24 : index
    %get3A_5 = arith.constant 0 : index
    %get3A_6 = vector.load %arg1[%get3A_4, %get3A_5] : memref<96x256xf32, #tpu.memory_space<vmem>>, vector<24x256xf32>
    %add3A = arith.addf %get3A_3, %get3A_6 : vector<24x256xf32>
    %get3A_7 = arith.constant 48 : index
    %get3A_8 = arith.constant 0 : index
    %get3A_9 = vector.load %arg1[%get3A_7, %get3A_8] : memref<96x256xf32, #tpu.memory_space<vmem>>, vector<24x256xf32>
    %add3A_10 = arith.addf %add3A, %get3A_9 : vector<24x256xf32>
    %get3A_11 = arith.constant 72 : index
    %get3A_12 = arith.constant 0 : index
    %get3A_13 = vector.load %arg1[%get3A_11, %get3A_12] : memref<96x256xf32, #tpu.memory_space<vmem>>, vector<24x256xf32>
    %add3A_14 = arith.addf %add3A_10, %get3A_13 : vector<24x256xf32>
    %get3A_15 = arith.constant 0 : index
    %get3A_16 = arith.constant 0 : index
    %get3A_17 = vector.load %arg6[%get3A_15, %get3A_16] : memref<24x256xf32, #tpu.memory_space<vmem>>, vector<24x256xf32>
    %add3A_18 = arith.addf %get3A_17, %add3A_14 : vector<24x256xf32>
    %swap3A = arith.constant 0 : index
    %swap3A_19 = arith.constant 0 : index
    %swap3A_20 = vector.load %arg6[%swap3A, %swap3A_19] : memref<24x256xf32, #tpu.memory_space<vmem>>, vector<24x256xf32>
    tpu.vector_store %arg6[%swap3A, %swap3A_19], %add3A_18 {strides = array<i32>} : memref<24x256xf32, #tpu.memory_space<vmem>>, vector<24x256xf32>,
    %get3A_21 = arith.constant 0 : index
    %get3A_22 = arith.constant 0 : index
    %get3A_23 = vector.load %arg2[%get3A_21, %get3A_22] : memref<96x256xf32, #tpu.memory_space<vmem>>, vector<24x256xf32>
    %get3A_24 = arith.constant 24 : index
    %get3A_25 = arith.constant 0 : index
    %get3A_26 = vector.load %arg2[%get3A_24, %get3A_25] : memref<96x256xf32, #tpu.memory_space<vmem>>, vector<24x256xf32>
    %add3A_27 = arith.addf %get3A_23, %get3A_26 : vector<24x256xf32>
    %get3A_28 = arith.constant 48 : index
    %get3A_29 = arith.constant 0 : index
    %get3A_30 = vector.load %arg2[%get3A_28, %get3A_29] : memref<96x256xf32, #tpu.memory_space<vmem>>, vector<24x256xf32>
    %add3A_31 = arith.addf %add3A_27, %get3A_30 : vector<24x256xf32>
    %get3A_32 = arith.constant 72 : index
    %get3A_33 = arith.constant 0 : index
    %get3A_34 = vector.load %arg2[%get3A_32, %get3A_33] : memref<96x256xf32, #tpu.memory_space<vmem>>, vector<24x256xf32>
    %add3A_35 = arith.addf %add3A_31, %get3A_34 : vector<24x256xf32>
    %get3A_36 = arith.constant 0 : index
    %get3A_37 = arith.constant 0 : index
    %get3A_38 = vector.load %arg6[%get3A_36, %get3A_37] : memref<24x256xf32, #tpu.memory_space<vmem>>, vector<24x256xf32>
    %add3A_39 = arith.addf %get3A_38, %add3A_35 : vector<24x256xf32>
    %swap3A_40 = arith.constant 0 : index
    %swap3A_41 = arith.constant 0 : index
    %swap3A_42 = vector.load %arg6[%swap3A_40, %swap3A_41] : memref<24x256xf32, #tpu.memory_space<vmem>>, vector<24x256xf32>
    tpu.vector_store %arg6[%swap3A_40, %swap3A_41], %add3A_39 {strides = array<i32>} : memref<24x256xf32, #tpu.memory_space<vmem>>, vector<24x256xf32>,
    %get3A_43 = arith.constant 0 : index
    %get3A_44 = arith.constant 0 : index
    %get3A_45 = vector.load %arg3[%get3A_43, %get3A_44] : memref<96x256xf32, #tpu.memory_space<vmem>>, vector<24x256xf32>
    %get3A_46 = arith.constant 24 : index
    %get3A_47 = arith.constant 0 : index
    %get3A_48 = vector.load %arg3[%get3A_46, %get3A_47] : memref<96x256xf32, #tpu.memory_space<vmem>>, vector<24x256xf32>
    %add3A_49 = arith.addf %get3A_45, %get3A_48 : vector<24x256xf32>
    %get3A_50 = arith.constant 48 : index
    %get3A_51 = arith.constant 0 : index
    %get3A_52 = vector.load %arg3[%get3A_50, %get3A_51] : memref<96x256xf32, #tpu.memory_space<vmem>>, vector<24x256xf32>
    %add3A_53 = arith.addf %add3A_49, %get3A_52 : vector<24x256xf32>
    %get3A_54 = arith.constant 72 : index
    %get3A_55 = arith.constant 0 : index
    %get3A_56 = vector.load %arg3[%get3A_54, %get3A_55] : memref<96x256xf32, #tpu.memory_space<vmem>>, vector<24x256xf32>
    %add3A_57 = arith.addf %add3A_53, %get3A_56 : vector<24x256xf32>
    %get3A_58 = arith.constant 0 : index
    %get3A_59 = arith.constant 0 : index
    %get3A_60 = vector.load %arg6[%get3A_58, %get3A_59] : memref<24x256xf32, #tpu.memory_space<vmem>>, vector<24x256xf32>
    %add3A_61 = arith.addf %get3A_60, %add3A_57 : vector<24x256xf32>
    %swap3A_62 = arith.constant 0 : index
    %swap3A_63 = arith.constant 0 : index
    %swap3A_64 = vector.load %arg6[%swap3A_62, %swap3A_63] : memref<24x256xf32, #tpu.memory_space<vmem>>, vector<24x256xf32>
    tpu.vector_store %arg6[%swap3A_62, %swap3A_63], %add3A_61 {strides = array<i32>} : memref<24x256xf32, #tpu.memory_space<vmem>>, vector<24x256xf32>,
    %get3A_65 = arith.constant 0 : index
    %get3A_66 = arith.constant 0 : index
    %get3A_67 = vector.load %arg4[%get3A_65, %get3A_66] : memref<96x256xf32, #tpu.memory_space<vmem>>, vector<24x256xf32>
    %get3A_68 = arith.constant 24 : index
    %get3A_69 = arith.constant 0 : index
    %get3A_70 = vector.load %arg4[%get3A_68, %get3A_69] : memref<96x256xf32, #tpu.memory_space<vmem>>, vector<24x256xf32>
    %add3A_71 = arith.addf %get3A_67, %get3A_70 : vector<24x256xf32>
    %get3A_72 = arith.constant 48 : index
    %get3A_73 = arith.constant 0 : index
    %get3A_74 = vector.load %arg4[%get3A_72, %get3A_73] : memref<96x256xf32, #tpu.memory_space<vmem>>, vector<24x256xf32>
    %add3A_75 = arith.addf %add3A_71, %get3A_74 : vector<24x256xf32>
    %get3A_76 = arith.constant 72 : index
    %get3A_77 = arith.constant 0 : index
    %get3A_78 = vector.load %arg4[%get3A_76, %get3A_77] : memref<96x256xf32, #tpu.memory_space<vmem>>, vector<24x256xf32>
    %add3A_79 = arith.addf %add3A_75, %get3A_78 : vector<24x256xf32>
    %get3A_80 = arith.constant 0 : index
    %get3A_81 = arith.constant 0 : index
    %get3A_82 = vector.load %arg6[%get3A_80, %get3A_81] : memref<24x256xf32, #tpu.memory_space<vmem>>, vector<24x256xf32>
    %add3A_83 = arith.addf %get3A_82, %add3A_79 : vector<24x256xf32>
    %swap3A_84 = arith.constant 0 : index
    %swap3A_85 = arith.constant 0 : index
    %swap3A_86 = vector.load %arg6[%swap3A_84, %swap3A_85] : memref<24x256xf32, #tpu.memory_space<vmem>>, vector<24x256xf32>
    tpu.vector_store %arg6[%swap3A_84, %swap3A_85], %add3A_83 {strides = array<i32>} : memref<24x256xf32, #tpu.memory_space<vmem>>, vector<24x256xf32>,
    %eq3A_87 = arith.constant 7 : i32
    %eq3A_88 = arith.cmpi eq, %arg0, %eq3A_87 : i32
    %convert_element_type3A_89 = arith.extui %eq3A_88 : i1 to i32
    %cond3A_90 = arith.constant 0 : i32
    %cond3A_91 = arith.cmpi ne, %convert_element_type3A_89, %cond3A_90 : i32
    scf.if %cond3A_91 {
      %get3A_92 = arith.constant 0 : index
      %get3A_93 = arith.constant 0 : index
      %get3A_94 = vector.load %arg6[%get3A_92, %get3A_93] : memref<24x256xf32, #tpu.memory_space<vmem>>, vector<21x256xf32>
      %slice3A = vector.extract_strided_slice %get3A_94 {offsets = [0, 0], sizes = [21, 64], strides = [1, 1]} : vector<21x256xf32> to vector<21x64xf32>
      %slice3A_95 = vector.extract_strided_slice %get3A_94 {offsets = [0, 64], sizes = [21, 64], strides = [1, 1]} : vector<21x256xf32> to vector<21x64xf32>
      %slice3A_96 = vector.extract_strided_slice %get3A_94 {offsets = [0, 128], sizes = [21, 64], strides = [1, 1]} : vector<21x256xf32> to vector<21x64xf32>
      %slice3A_97 = vector.extract_strided_slice %get3A_94 {offsets = [0, 192], sizes = [21, 64], strides = [1, 1]} : vector<21x256xf32> to vector<21x64xf32>
      %reduce_sum3A = arith.constant dense<0.000000e+00> : vector<21xf32>
      %reduce_sum3A_98 = vector.multi_reduction <add>, %slice3A_95, %reduce_sum3A [1] : vector<21x64xf32> to vector<21xf32>
      %broadcast_in_dim3A = vector.shape_cast %reduce_sum3A_98 : vector<21xf32> to vector<21x1xf32>
      %add3A_99 = arith.addf %slice3A_97, %slice3A_96 : vector<21x64xf32>
      %reduce_sum3A_100 = arith.constant dense<0.000000e+00> : vector<21xf32>
      %reduce_sum3A_101 = vector.multi_reduction <add>, %add3A_99, %reduce_sum3A_100 [1] : vector<21x64xf32> to vector<21xf32>
      %broadcast_in_dim3A_102 = vector.shape_cast %reduce_sum3A_101 : vector<21xf32> to vector<21x1xf32>
      %iota3A = tpu.iota {dimensions = array<i32: 0>} : vector<64x64xi32>
      %iota3A_103 = tpu.iota {dimensions = array<i32: 1>} : vector<64x64xi32>
      %gt3A = arith.cmpi sgt, %iota3A, %iota3A_103 : vector<64x64xi32>
      %convert_element_type3A_104 = arith.extui %gt3A : vector<64x64xi1> to vector<64x64xi32>
      %convert_element_type3A_105 = arith.sitofp %convert_element_type3A_104 : vector<64x64xi32> to vector<64x64xf32>
      %dot_general3A = arith.constant dense<0.000000e+00> : vector<21x64xf32>
      %dot_general3A_106 = tpu.matmul %slice3A_95, %convert_element_type3A_105, %dot_general3A {dimension_numbers = #tpu.dot_dimension_numbers<[1], [0], [0], [1], [0, 0, 1, 1], [], []>, precision = #tpu.contract_precision<fp32>, transpose_lhs_hint = false} : vector<21x64xf32>, vector<64x64xf32>, vector<21x64xf32> -> vector<21x64xf32>
      %dot_general3A_107 = arith.constant dense<0.000000e+00> : vector<21x64xf32>
      %dot_general3A_108 = tpu.matmul %slice3A, %convert_element_type3A_105, %dot_general3A_107 {dimension_numbers = #tpu.dot_dimension_numbers<[1], [0], [0], [1], [0, 0, 1, 1], [], []>, precision = #tpu.contract_precision<fp32>, transpose_lhs_hint = false} : vector<21x64xf32>, vector<64x64xf32>, vector<21x64xf32> -> vector<21x64xf32>
      %add3A_109 = vector.broadcast %broadcast_in_dim3A : vector<21x1xf32> to vector<21x64xf32>
      %add3A_110 = arith.addf %add3A_109, %dot_general3A_108 : vector<21x64xf32>
      %mul3A = arith.constant 5.000000e-01 : f32
      %mul3A_111 = vector.broadcast %mul3A : f32 to vector<21x64xf32>
      %mul3A_112 = arith.mulf %slice3A, %mul3A_111 : vector<21x64xf32>
      %add3A_113 = arith.addf %add3A_110, %mul3A_112 : vector<21x64xf32>
      %max3A = arith.constant 1.000000e+00 : f32
      %max3A_114 = vector.broadcast %max3A : f32 to vector<21x64xf32>
      %max3A_115 = arith.maximumf %add3A_113, %max3A_114 : vector<21x64xf32>
      %sub3A = vector.broadcast %broadcast_in_dim3A : vector<21x1xf32> to vector<21x64xf32>
      %sub3A_116 = arith.subf %sub3A, %dot_general3A_106 : vector<21x64xf32>
      %mul3A_117 = arith.constant 5.000000e-01 : f32
      %mul3A_118 = vector.broadcast %mul3A_117 : f32 to vector<21x64xf32>
      %mul3A_119 = arith.mulf %slice3A_95, %mul3A_118 : vector<21x64xf32>
      %sub3A_120 = arith.subf %sub3A_116, %mul3A_119 : vector<21x64xf32>
      %div3A = arith.divf %sub3A_120, %max3A_115 : vector<21x64xf32>
      %mul3A_121 = arith.mulf %add3A_99, %div3A : vector<21x64xf32>
      %reduce_sum3A_122 = arith.constant dense<0.000000e+00> : vector<21xf32>
      %reduce_sum3A_123 = vector.multi_reduction <add>, %mul3A_121, %reduce_sum3A_122 [1] : vector<21x64xf32> to vector<21xf32>
      %broadcast_in_dim3A_124 = vector.shape_cast %reduce_sum3A_123 : vector<21xf32> to vector<21x1xf32>
      %iota3A_125 = tpu.iota {dimensions = array<i32: 1>} : vector<21x64xi32>
      %convert_element_type3A_126 = arith.sitofp %iota3A_125 : vector<21x64xi32> to vector<21x64xf32>
      %add3A_127 = arith.addf %slice3A, %slice3A_95 : vector<21x64xf32>
      %gt3A_128 = arith.constant 0.000000e+00 : f32
      %gt3A_129 = vector.broadcast %gt3A_128 : f32 to vector<21x64xf32>
      %gt3A_130 = arith.cmpf ogt, %add3A_127, %gt3A_129 : vector<21x64xf32>
      %jit3A = arith.constant -1.000000e+00 : f32
      %broadcast_in_dim3A_131 = vector.broadcast %jit3A : f32 to vector<21x64xf32>
      %select_n3A = arith.select %gt3A_130, %convert_element_type3A_126, %broadcast_in_dim3A_131 : vector<21x64xi1>, vector<21x64xf32>
      %reduce_max3A = arith.constant dense<0xFF800000> : vector<21xf32>
      %reduce_max3A_132 = vector.multi_reduction <maximumf>, %select_n3A, %reduce_max3A [1] : vector<21x64xf32> to vector<21xf32>
      %broadcast_in_dim3A_133 = vector.shape_cast %reduce_max3A_132 : vector<21xf32> to vector<21x1xf32>
      %add3A_134 = arith.constant 1.000000e+00 : f32
      %add3A_135 = vector.broadcast %add3A_134 : f32 to vector<21x1xf32>
      %add3A_136 = arith.addf %broadcast_in_dim3A_133, %add3A_135 : vector<21x1xf32>
      %mul3A_137 = arith.constant 1.562500e-02 : f32
      %mul3A_138 = vector.broadcast %mul3A_137 : f32 to vector<21x1xf32>
      %mul3A_139 = arith.mulf %add3A_136, %mul3A_138 : vector<21x1xf32>
      %max3A_140 = arith.constant 1.000000e+00 : f32
      %max3A_141 = vector.broadcast %max3A_140 : f32 to vector<21x1xf32>
      %max3A_142 = arith.maximumf %broadcast_in_dim3A, %max3A_141 : vector<21x1xf32>
      %gt3A_143 = arith.constant 0.000000e+00 : f32
      %gt3A_144 = vector.broadcast %gt3A_143 : f32 to vector<21x1xf32>
      %gt3A_145 = arith.cmpf ogt, %broadcast_in_dim3A, %gt3A_144 : vector<21x1xf32>
      %sub3A_146 = arith.subf %broadcast_in_dim3A_102, %broadcast_in_dim3A_124 : vector<21x1xf32>
      %sub3A_147 = arith.subf %broadcast_in_dim3A_102, %mul3A_139 : vector<21x1xf32>
      %div3A_148 = arith.divf %sub3A_147, %max3A_142 : vector<21x1xf32>
      %sub3A_149 = arith.subf %sub3A_146, %div3A_148 : vector<21x1xf32>
      %jit3A_150 = arith.constant 0.000000e+00 : f32
      %broadcast_in_dim3A_151 = vector.broadcast %jit3A_150 : f32 to vector<21x1xf32>
      %select_n3A_152 = arith.select %gt3A_145, %sub3A_149, %broadcast_in_dim3A_151 : vector<21x1xi1>, vector<21x1xf32>
      %gt3A_153 = arith.constant 0.000000e+00 : f32
      %gt3A_154 = vector.broadcast %gt3A_153 : f32 to vector<21x1xf32>
      %gt3A_155 = arith.cmpf ogt, %broadcast_in_dim3A, %gt3A_154 : vector<21x1xf32>
      %convert_element_type3A_156 = arith.extui %gt3A_155 : vector<21x1xi1> to vector<21x1xi32>
      %convert_element_type3A_157 = arith.sitofp %convert_element_type3A_156 : vector<21x1xi32> to vector<21x1xf32>
      %reduce_sum3A_158 = vector.shape_cast %select_n3A_152 : vector<21x1xf32> to vector<1x21x1xf32>
      %reduce_sum3A_159 = arith.constant dense<0.000000e+00> : vector<1xf32>
      %reduce_sum3A_160 = vector.multi_reduction <add>, %reduce_sum3A_158, %reduce_sum3A_159 [1, 2] : vector<1x21x1xf32> to vector<1xf32>
      %reduce_sum3A_161 = vector.shape_cast %reduce_sum3A_160 : vector<1xf32> to vector<1x1x1xf32>
      %reduce_sum3A_162 = vector.extract %reduce_sum3A_161[0, 0, 0] : f32 from vector<1x1x1xf32>
      %reduce_sum3A_163 = vector.shape_cast %convert_element_type3A_157 : vector<21x1xf32> to vector<1x21x1xf32>
      %reduce_sum3A_164 = arith.constant dense<0.000000e+00> : vector<1xf32>
      %reduce_sum3A_165 = vector.multi_reduction <add>, %reduce_sum3A_163, %reduce_sum3A_164 [1, 2] : vector<1x21x1xf32> to vector<1xf32>
      %reduce_sum3A_166 = vector.shape_cast %reduce_sum3A_165 : vector<1xf32> to vector<1x1x1xf32>
      %reduce_sum3A_167 = vector.extract %reduce_sum3A_166[0, 0, 0] : f32 from vector<1x1x1xf32>
      %max3A_168 = arith.constant 1.000000e+00 : f32
      %max3A_169 = arith.maximumf %reduce_sum3A_167, %max3A_168 : f32
      %div3A_170 = arith.divf %reduce_sum3A_162, %max3A_169 : f32
      %broadcast_in_dim3A_171 = vector.broadcast %div3A_170 : f32 to vector<8x128xf32>
      %swap3A_172 = arith.constant 0 : index
      %swap3A_173 = arith.constant 0 : index
      %swap3A_174 = vector.load %arg5[%swap3A_172, %swap3A_173] : memref<8x128xf32, #tpu.memory_space<vmem>>, vector<8x128xf32>
      tpu.vector_store %arg5[%swap3A_172, %swap3A_173], %broadcast_in_dim3A_171 {strides = array<i32>} : memref<8x128xf32, #tpu.memory_space<vmem>>, vector<8x128xf32>,
    } else {
    }
    return
  }
  func.func @transform_0(%arg0: i32) -> (i32, i32) {
    %c0_i32 = arith.constant 0 : i32
    %c0_i32_0 = arith.constant 0 : i32
    return %arg0, %c0_i32 : i32, i32
  }
  func.func @transform_1(%arg0: i32) -> (i32, i32) {
    %c0_i32 = arith.constant 0 : i32
    %c0_i32_0 = arith.constant 0 : i32
    return %arg0, %c0_i32 : i32, i32
  }
  func.func @transform_2(%arg0: i32) -> (i32, i32) {
    %c0_i32 = arith.constant 0 : i32
    %c0_i32_0 = arith.constant 0 : i32
    return %arg0, %c0_i32 : i32, i32
  }
  func.func @transform_3(%arg0: i32) -> (i32, i32) {
    %c0_i32 = arith.constant 0 : i32
    %c0_i32_0 = arith.constant 0 : i32
    return %arg0, %c0_i32 : i32, i32
  }
  func.func @transform_4(%arg0: i32) -> (i32, i32) {
    %c0_i32 = arith.constant 0 : i32
    %c0_i32_0 = arith.constant 0 : i32
    %c0_i32_1 = arith.constant 0 : i32
    return %c0_i32, %c0_i32_0 : i32, i32
  }
}

</mosaic_0001>

<sc_bundles>
// kernel: kernel.11.cloned.1.call-start
scs
__scs_entry_jumppad:
0x0: {  	(pc) =	sbr.rel $0x88, $3  }
0x1: {  	(tag) =	ssettag $0x0;
	lr =	simm.s32 $0x1  }
0x2: {  	[smem:$0x3F9F] =	sst lr;
	_ =	strace $0xD0000000  }
0x3: {  	_ = 	snop  }
0x4: {  	_ = 	snop  }
0x5: {  	_ = 	snop  }
0x6: {  	_ = 	snop  }
0x7: {  	_ = 	snop  }
__scs_overlays_trampoline_lowered:
0x8: {  	[smem:$0x3FAE] =	sst s0  }
0x9: {  	[smem:$0x3FAF] =	sst s1  }
0xa: {  	[smem:$0x3FB0] =	sst s2  }
0xb: {  	[smem:$0x3FB1] =	sst s3  }
0xc: {  	[smem:$0x3FB2] =	sst s4  }
0xd: {  	[smem:$0x3FB3] =	sst s5  }
0xe: {  	[smem:$0x3FB4] =	sst s6  }
0xf: {  	[smem:$0x3FB5] =	sst s7  }
0x10: {  	[smem:$0x3FB6] =	sst s8  }
0x11: {  	[smem:$0x3FB7] =	sst s9;
	s0 =	simm.s32 @!p0 $0x0  }
0x12: {  	s1 =	sld [smem:$0x3F9D];
	s0 =	simm.s32 @p0 $0x1  }
0x13: {  	[smem:$0x3FB8] =	sst s0;
	s0 =	simm.s32 @!p1 $0x0  }
0x14: {  	s2 =	sld [smem:$0x3F9C];
	s0 =	simm.s32 @p1 $0x1  }
0x15: {  	[smem:$0x3FB9] =	sst s0;
	s0 =	simm.s32 @!p2 $0x0  }
0x16: {  	s3 =	sld [smem:$0x3FDB];
	s0 =	simm.s32 @p2 $0x1  }
0x17: {  	s4 =	simm.s32 $0x1BF5;
	[smem:$0x3FBB] =	sst s0  }
0x18: {  	s0 =	sld [smem:$0x3F9E];
	_ =	swait.ge [sflag:s4], $0x0  }
0x19: {  	s7 =	sld [smem:$0x3F9F]  }
0x1a: {  	s8 =	sadd.s32 $0xFFFFE003, lr  }
0x1b: {  	s9 =	sadd.s32 $0xFFFFFEF7, lr;
	s5 =	simm.s32 $0xFFFFFFFF;
	p2 =	slt.u32 s8, $0xFFFFF086  }
0x1c: {  	p1 =	slt.u32 s9, $0xF7A;
	s5 =	simm.s32 @!p2 $0x0  }
0x1d: {  	s5 =	simm.s32 @p1 $0x1;
	p0 =	seq.s32 s7, s2  }
0x1e: {  	s7 =	smul.u32 @!p0 $0xF7A, s2;
	p2 =	seq.s32 @!p0 s5, $0x0  }
0x1f: {  	s9 =	smul.u32 $0xF7A, s1;
	s8 =	simm.s32 @!p0 $0x1BF5;
	p2 =	por !p2, p0  }
0x20: {  	[sflag:s8] =	ssyncset.s32 @!p0 $0xFFFFF086;
	s6 =	sadd.s32 @!p0 s3, s7;
	s7 =	simm.s32 @!p0 $0x108  }
0x21: {  	s3 =	sadd.s32 s3, s9;
	s6 =	sadd.s32 @!p0 $0x88, s6;
	s7 =	simm.s32 @p2 $0x1082  }
0x22: {  	[simem:s7], [sflag:s8] =	dma.local @!p0 [hbm:s6], $0xF7A  }
0x23: {  	s9 =	sor.u32 $0xD0000000, s2;
	s6 =	simm.s32 $0x108;
	_ =	swait.ge @!p0 [sflag:s8], $0x0  }
0x24: {  	s3 =	sadd.s32 $0x88, s3;
	s6 =	simm.s32 @!p1 $0x1082;
	[sflag:s4] =	ssyncset.s32 $0xFFFFF086  }
0x25: {  	[simem:s6], [sflag:s4] =	dma.local [hbm:s3], $0xF7A  }
0x26: {  	[smem:$0x3F9F] =	sst s1;
	(tag) =	ssettag s2;
	_ =	strace s9  }
0x27: {  	s1 =	sld [smem:$0x3FAF]  }
0x28: {  	s2 =	sld [smem:$0x3FB0]  }
0x29: {  	s4 =	sld [smem:$0x3FB2]  }
0x2a: {  	p0 =	seq.s32 s5, $0x0;
	s5 =	sld [smem:$0x3FB3]  }
0x2b: {  	s6 =	sld [smem:$0x3FB4]  }
0x2c: {  	s7 =	sld [smem:$0x3FB5]  }
0x2d: {  	s3 =	simm.s32 $0x108;
	s8 =	sld [smem:$0x3FB6]  }
0x2e: {  	s3 =	simm.s32 @!p0 $0x1082;
	s9 =	sld [smem:$0x3FB7]  }
0x2f: {  	lr =	sadd.s32 s0, s3;
	s0 =	sld [smem:$0x3FAE]  }
0x30: {  	s3 =	sld [smem:$0x3FB1]  }
0x31: {  	[smem:$0x3FBA] =	sst s10  }
0x32: {  	s10 =	sld [smem:$0x3FB8];
	_ =	sdelay $0x3  }
0x33: {  	p0 =	seq.s32 s10, $0x1;
	s10 =	sld [smem:$0x3FBA];
	_ =	sdelay $0x3  }
0x34: {  	[smem:$0x3FBA] =	sst s10  }
0x35: {  	s10 =	sld [smem:$0x3FB9];
	_ =	sdelay $0x3  }
0x36: {  	p1 =	seq.s32 s10, $0x1;
	s10 =	sld [smem:$0x3FBA];
	_ =	sdelay $0x3  }
0x37: {  	[smem:$0x3FBA] =	sst s10  }
0x38: {  	s10 =	sld [smem:$0x3FBB]  }
0x39: {  	_ = 	snop;
	(pc) =	sbr.ind lr, $3  }
0x3a: {  	_ = 	snop  }
0x3b: {  	_ = 	snop  }
0x3c: {  	p2 =	seq.s32 s10, $0x1;
	s10 =	sld [smem:$0x3FBA]  }
0x3d: {  	_ =	shalt  }
0x3e: {  	_ =	shalt  }
0x3f: {  	_ =	shalt  }
0x40: {  	_ =	shalt  }
0x41: {  	_ =	shalt  }
0x42: {  	_ =	shalt  }
0x43: {  	_ =	shalt  }
0x44: {  	_ =	shalt  }
0x45: {  	_ =	shalt  }
0x46: {  	_ =	shalt  }
0x47: {  	_ =	shalt  }
0x48: {  	_ =	shalt  }
0x49: {  	_ =	shalt  }
0x4a: {  	_ =	shalt  }
0x4b: {  	_ =	shalt  }
0x4c: {  	_ =	shalt  }
0x4d: {  	_ =	shalt  }
0x4e: {  	_ =	shalt  }
0x4f: {  	_ =	shalt  }
0x50: {  	_ =	shalt  }
0x51: {  	_ =	shalt  }
0x52: {  	_ =	shalt  }
0x53: {  	_ =	shalt  }
0x54: {  	_ =	shalt  }
0x55: {  	_ =	shalt  }
0x56: {  	_ =	shalt  }
0x57: {  	_ =	shalt  }
0x58: {  	_ =	shalt  }
0x59: {  	_ =	shalt  }
0x5a: {  	_ =	shalt  }
0x5b: {  	_ =	shalt  }
0x5c: {  	_ =	shalt  }
0x5d: {  	_ =	shalt  }
0x5e: {  	_ =	shalt  }
0x5f: {  	_ =	shalt  }
0x60: {  	_ =	shalt  }
0x61: {  	_ =	shalt  }
0x62: {  	_ =	shalt  }
0x63: {  	_ =	shalt  }
0x64: {  	_ =	shalt  }
0x65: {  	_ =	shalt  }
0x66: {  	_ =	shalt  }
0x67: {  	_ =	shalt  }
0x68: {  	_ =	shalt  }
0x69: {  	_ =	shalt  }
0x6a: {  	_ =	shalt  }
0x6b: {  	_ =	shalt  }
0x6c: {  	_ =	shalt  }
0x6d: {  	_ =	shalt  }
0x6e: {  	_ =	shalt  }
0x6f: {  	_ =	shalt  }
0x70: {  	_ =	shalt  }
0x71: {  	_ =	shalt  }
0x72: {  	_ =	shalt  }
0x73: {  	_ =	shalt  }
0x74: {  	_ =	shalt  }
0x75: {  	_ =	shalt  }
0x76: {  	_ =	shalt  }
0x77: {  	_ =	shalt  }
0x78: {  	_ =	shalt  }
0x79: {  	_ =	shalt  }
0x7a: {  	_ =	shalt  }
0x7b: {  	_ =	shalt  }
0x7c: {  	_ =	shalt  }
0x7d: {  	_ =	shalt  }
0x7e: {  	_ =	shalt  }
0x7f: {  	_ =	shalt  }
0x80: {  	_ =	shalt  }
0x81: {  	_ =	shalt  }
0x82: {  	_ =	shalt  }
0x83: {  	_ =	shalt  }
0x84: {  	_ =	shalt  }
0x85: {  	_ =	shalt  }
0x86: {  	_ =	shalt  }
0x87: {  	_ =	shalt  }
.Lfunc_end0:
.L_simem_size_0:
called_computation_lowered:
.L_overlay_start_0:
0x88: {  	s2 =	sld [smem:$0x3FD9]  }
0x89: {  	s3 =	sld [smem:$0x3FFE];
	_ =	sdelay $0x1  }
0x8a: {  	s1 =	srdreg.scid  }
0x8b: {  	s0 =	sand.u32 $0x1, s1  }
0x8c: {  	s17 =	sshll.u32 s0, $0xA;
	s2 =	sadd.s32 s3, s2  }
0x8d: {  	s2 =	sadd.s32 s2, s17  }
0x8e: {  	[smem:$0x3FC6] =	sst s2  }
0x8f: {  	_ = 	snop  }
0x90: {  	(tm) =	ssettm $0x1  }
0x91: {  	s18 =	sld [smem:$0x3FFB];
	_ =	sdelay $0x3  }
0x92: {  	_ =	strace s18  }
0x93: {  	s2 =	sld [smem:$0x3FFC];
	_ =	sdelay $0x3  }
0x94: {  	_ =	strace s2  }
0x95: {  	s2 =	sld [smem:$0x3FFD];
	_ =	sdelay $0x3  }
0x96: {  	_ =	strace s2  }
0x97: {  	_ =	strace $0x8FFFFFFF  }
0x98: {  	s19 =	sld [smem:$0x3FDB];
	_ =	sdelay $0x1  }
0x99: {  	s20 =	simm.s32 $_scs_section_size  }
0x9a: {  	s4 =	simm.s32 $_size__tile_overlayer_lowered;
	s5 =	simm.s32 $_tile_overlayer_lowered  }
0x9b: {  	s6 =	simm.s32 $0x1BFF;
	s21 =	sshll.u32 s5, $0x1;
	s3 =	sadd.s32 s20, s19  }
0x9c: {  	s22 =	simm.s32 $0x0;
	s4 =	sshll.u32 s4, $0x1;
	s5 =	sadd.s32 s21, s3  }
0x9d: {  	[timem:s22], [sflag:s6] =	dma.local [hbm:s5], s4  }
0x9e: {  	_ =	swait.ge [sflag:s6], s4  }
0x9f: {  	s4 =	ssub.s32 $0x0, s4;
	[sflag:s6] =	ssyncset.done $0x0  }
0xa0: {  	[sflag:s6] =	ssyncadd.s32 s4;
	_ =	sdelay $0x1  }
0xa1: {  	s23 =	simm.s32 $0x1B8B  }
0xa2: {  	_ =	swait.ge [sflag:s23], $0x1  }
0xa3: {  	[sflag:s23] =	ssyncset.done $0x0  }
0xa4: {  	[sflag:s23] =	ssyncadd.s32 $0xFFFFFFFF  }
0xa5: {  	s4 =	sld [smem:$0x0]  }
0xa6: {  	s5 =	sand.u32 $0xFFFFFFFE, s1  }
0xa7: {  	p0 =	sne.s32 s1, s5  }
0xa8: {  	s5 =	sshll.u32 @p0 s5, $0xE  }
0xa9: {  	s5 =	sadd.s32 @p0 $0x11B8D, s5;
	s6 =	sshll.u32 @p0 s4, $0x11  }
0xaa: {  	s5 =	sor.u32 @p0 s6, s5  }
0xab: {  	[sflag:s5] =	ssyncadd.remote.s32 @p0 $0x1;
	_ =	sdelay $0x1  }
0xac: {  	s5 =	simm.s32 @p0 $0x1B8D  }
0xad: {  	_ =	swait.eq @p0 [sflag:s5], $0x1  }
0xae: {  	[sflag:s5] =	ssyncadd.s32 @p0 $0xFFFFFFFF  }
0xaf: {  	s6 =	sshll.u32 @!p0 s1, $0xE  }
0xb0: {  	s6 =	sor.u32 @!p0 $0x4000, s6;
	s5 =	simm.s32 @!p0 $0x1B8D  }
0xb1: {  	s4 =	sshll.u32 @!p0 s4, $0x11;
	s6 =	sadd.s32 @!p0 $0x11B8D, s6;
	_ =	swait.eq @!p0 [sflag:s5], $0x1  }
0xb2: {  	s4 =	sor.u32 @!p0 s4, s6;
	[sflag:s5] =	ssyncadd.s32 @!p0 $0xFFFFFFFF  }
0xb3: {  	s25 =	simm.s32 $0x1B8E;
	s24 =	sld [smem:$0x3FFE];
	[sflag:s4] =	ssyncadd.remote.s32 @!p0 $0x1  }
0xb4: {  	s26 =	simm.s32 $execute0_lowered;
	[smem:$0x3FD2] =	sst s25  }
0xb5: {  	s5 =	sshll.u32 s26, $0x1;
	_ =	strace $0x8000004F;
	[dreg:$0x1] =	wrdreg $0xFFFFFFFF  }
0xb6: {  	s28 =	simm.s32 $_size_execute0_lowered;
	s3 =	sadd.s32 s3, s5;
	[dreg:$0x0] =	wrdreg $0x0  }
0xb7: {  	s5 =	sshll.u32 s28, $0x1;
	[dreg:$0x2] =	wrdreg s3  }
0xb8: {  	[dreg:$0x3] =	wrdreg s5  }
0xb9: {  	[dreg:$0x4] =	wrdreg $0xC0  }
0xba: {  	_ =	task [dreg:s22], $0x5FFFF  }
0xbb: {  	[dreg:$0x1] =	wrdreg $0xFFFFFFFF  }
0xbc: {  	[dreg:$0x0] =	wrdreg $0x60  }
0xbd: {  	[dreg:$0x2] =	wrdreg s24  }
0xbe: {  	[dreg:$0x3] =	wrdreg $0x9  }
0xbf: {  	_ =	task.clear_ibuf [dreg:s22], $0x4FFFF;
	_ =	strace $0x9000004F  }
0xc0: {  	s29 =	simm.s32 $0x9;
	_ =	strace $0x80000051  }
0xc1: {  	_ =	swait.ge [sflag:s29], $0x1  }
0xc2: {  	[sflag:s29] =	ssyncadd.s32 $0xFFFFFFFF  }
0xc3: {  	_ =	strace $0x90000051  }
0xc4: {  	_ =	sfence  }
0xc5: {  	s30 =	sld [smem:$0x0];
	_ =	sdelay $0x2  }
0xc6: {  	s31 =	sshll.u32 s1, $0xD;
	s1 =	sshrl.u32 s1, $0x2  }
0xc7: {  	s4 =	sand.u32 $0x4000, s31;
	s1 =	sadd.s32 s1, s30  }
0xc8: {  	s0 =	sor.u32 s4, s0;
	s1 =	sshll.u32 s1, $0x11  }
0xc9: {  	s0 =	sor.u32 s1, s0  }
0xca: {  	s0 =	sadd.s32 $0x8F2B, s0  }
0xcb: {  	[sflag:s0] =	ssyncadd.remote.s32 $0x1  }
0xcc: {  	_ =	sfence.sel $0xFFFF  }
0xcd: {  	[dreg:$0x0] =	wrdreg $0xFFFFFFFF;
	(pc) =	sbr.abs _section_cstart, $3  }
0xce: {  	[dreg:$0x1] =	wrdreg $0xFFFFFFFF  }
0xcf: {  	_ =	task.clear_ibuf [dreg:s22], $0x2FFFF;
	_ =	strace $0x9FFFFFFF  }
0xd0: {  	(tm) =	ssettm $0x7FFFFFFF  }
0xd1: {  	_ =	shalt  }
tec
execute0_lowered:
.L_overlay_start_1:
0x0: {  	(tag) =	ssettag $0x1  }
0x1: {  	s1 =	srdreg.scid  }
0x2: {  	s0 =	stileid.u32;
	s4 =	rddreg [dreg:$0x0];
	s2 =	simm.s32 $0x0  }
0x3: {  	s10 =	simm.s32 $0x1;
	s11 =	simm.s32 $0x4000;
	s12 =	simm.s32 $0x2  }
0x4: {  	s13 =	simm.s32 $0x3;
	s5 =	sand.u32 $0x1, s1;
	s1 =	rddreg [dreg:$0x1]  }
0x5: {  	s14 =	simm.s32 $0x0;
	s3 =	sshll.u32 s0, $0x1;
	[smem:$0x7FF] =	sst s2  }
0x6: {  	s6 =	sor.u32 s5, s3;
	s3 =	sadd.s32 $0x20B200, s4;
	s5 =	ssub.s32 $0x2, s5  }
0x7: {  	s7 =	smul.u32 $0x300, s6;
	s31 =	sshrl.u32 s5, $0x1;
	s8 =	sshll.u32 s6, $0xA  }
0x8: {  	_ =	strace $0x80000050;
	s9 =	ssub.s32 s5, s31;
	s5 =	sadd.s32 s3, s8  }
0x9: {  	v1 =	vlaneseq.u32;
	s7 =	sadd.s32 s7, s4;
	s4 =	sshll.u32 s6, $0xD;
	s8 =	smax.u32 s9, $0x1  }
0xa: {  	v0 =	vimm.f32 $0.0e+00;
	v2 =	vimm.f32 $1.000000000e+00;
	v1 =	vmul.u32 $0x1801, v1;
	s9 =	simm.s32 $0x2000;
	s6 =	sor.u32 $0x80000, s4;
	s7 =	sadd.s32 $0x2B3200, s7  }
.LBB2_1:
0xb: {  	s15 =	simm.s32 $0x4040  }
0xc: {  	[tilespmem:s15+$0xFFFFFFC0] =	vst v0  }
0xd: {  	[tilespmem:s15+$0x30] =	vst v0  }
0xe: {  	[tilespmem:s15+$0x20] =	vst v0  }
0xf: {  	[tilespmem:s15+$0x10] =	vst v0  }
0x10: {  	[tilespmem:s15+$0x0] =	vst v0  }
0x11: {  	[tilespmem:s15+$0xFFFFFFF0] =	vst v0  }
0x12: {  	s16 =	simm.s32 $0x0;
	[tilespmem:s15+$0xFFFFFFE0] =	vst v0  }
.LBB2_2:
0x13: {  	s16 =	sadd.s32 $0x8, s16;
	[tilespmem:s15+$0xFFFFFFD0] =	vst v0;
	s15 =	sadd.s32 $0x80, s15  }
0x14: {  	[tilespmem:s15+$0xFFFFFFC0] =	vst v0;
	p0 =	slt.u32 s16, $0x17F8  }
0x15: {  	[tilespmem:s15+$0x30] =	vst v0  }
.Ltmp0:
0x16: {  	[tilespmem:s15+$0x20] =	vst v0;
	(pc) =	sbr.rel @p0 .LBB2_2-.Ltmp0, $4  }
0x17: {  	[tilespmem:s15+$0x10] =	vst v0  }
0x18: {  	[tilespmem:s15+$0x0] =	vst v0  }
0x19: {  	[tilespmem:s15+$0xFFFFFFF0] =	vst v0  }
0x1a: {  	[tilespmem:s15+$0xFFFFFFE0] =	vst v0  }
0x1b: {  	[tilespmem:s15+$0xFFFFFFD0] =	vst v0  }
0x1c: {  	s15 =	simm.s32 $0x0;
	s16 =	simm.s32 $0x0;
	[tilespmem:$0x1C000] =	vst v0  }
0x1d: {  	[tilespmem:s15], [sflag:$0x1] =	stream.linear.gather [hbm4b:s5+s15], $0x2000, $0x38;
	[tilespmem:$0x1C080] =	vst v63  }
.LBB2_4:
0x1e: {  	s17 =	sshllo.u32 s16, $0x1  }
0x1f: {  	s18 =	sshll.u32 s17, $0x12  }
0x20: {  	s18 =	sor.u32 s4, s18  }
0x21: {  	s18 =	sshrl.u32 s18, $0x3  }
0x22: {  	s18 =	sadd.s32 s3, s18  }
0x23: {  	[tilespmem:s9], [sflag:$0x2] =	stream.linear.gather [hbm4b:s18+s15], $0x2000, $0x38;
	[tilespmem:$0x1C080] =	vst v63  }
0x24: {  	_ =	swait.ge [sflag:s10], $0x2000  }
0x25: {  	s31 =	sshll.u32 s16, $0x9;
	[sflag:s10] =	ssyncset.done $0x0  }
0x26: {  	v3 =	vadd.s32 s31, v1;
	s18 =	simm.s32 $0x0;
	[sflag:s10] =	ssyncadd.s32 $0xFFFFE000  }
.LBB2_5:
0x27: {  	s19 =	sshll.u32 s18, $0x7  }
0x28: {  	s21 =	sand.u32 $0x380, s19  }
0x29: {  	v4 =	vmov s21  }
0x2a: {  	s20 =	sshll.u32 s18, $0x9  }
0x2b: {  	p0 =	por $0x1, $0x1;
	s19 =	sand.u32 $0x1000, s20;
	s20 =	simm.s32 $0x0  }
.LBB2_6:
0x2c: {  	s20 =	sshra.s32 s20, $0x2  }
0x2d: {  	s20 =	sadd.s32 s20, s19  }
0x2e: {  	v5 =	vld.idx.msk [tilespmem:v4+s20+$0x0 ss:$0x1], $0xffff;
	_ =	sdelay $0x3  }
0x2f: {  	v6 =	vld.idx.msk [tilespmem:v4+s20+$0x10 ss:$0x1], $0xffff  }
0x30: {  	v7 =	vshra.s32 v5, $0x10  }
0x31: {  	v7 =	vadd.s32 v3, v7  }
0x32: {  	v8 =	vld.idx.msk [tilespmem:v4+s20+$0x20 ss:$0x1], $0xffff  }
0x33: {  	v11 =	vld.idx.msk [tilespmem:v4+s20+$0x30 ss:$0x1], $0xffff  }
0x34: {  	v13 =	vld.idx.msk [tilespmem:v4+s20+$0x40 ss:$0x1], $0xffff;
	v10 =	vshra.s32 v6, $0x10;
	v9 =	vadd.s32 $0x80, v7  }
0x35: {  	v40 =	vld.idx.msk [tilespmem:v4+s20+$0x50 ss:$0x1], $0xffff;
	v10 =	vadd.s32 v3, v10  }
0x36: {  	[tilespmem:v7+s11+$0x0] =	vst.idx.add.f32.msk $0xffff, v2;
	v7 =	vadd.s32 $0x80, v10  }
0x37: {  	v42 =	vld.idx.msk [tilespmem:v4+s20+$0x60 ss:$0x1], $0xffff;
	v12 =	vshra.s32 v8, $0x10  }
0x38: {  	v14 =	vld.idx.msk [tilespmem:v4+s20+$0x70 ss:$0x1], $0xffff;
	v5 =	vshll.u32 v5, $0x10;
	v12 =	vadd.s32 v3, v12  }
0x39: {  	[tilespmem:v9+s11+$0x0] =	vst.idx.add.f32.msk $0xffff, v5;
	v5 =	vadd.s32 $0x80, v12  }
0x3a: {  	v6 =	vshll.u32 v6, $0x10;
	v39 =	vshra.s32 v11, $0x10;
	[tilespmem:v10+s11+$0x0] =	vst.idx.add.f32.msk $0xffff, v2  }
0x3b: {  	[tilespmem:v7+s11+$0x0] =	vst.idx.add.f32.msk $0xffff, v6;
	v6 =	vadd.s32 v3, v39  }
0x3c: {  	v46 =	vld.idx.msk [tilespmem:v4+s20+$0x400 ss:$0x1], $0xffff;
	v41 =	vshra.s32 v13, $0x10;
	v7 =	vadd.s32 $0x80, v6  }
0x3d: {  	v8 =	vshll.u32 v8, $0x10;
	[tilespmem:v12+s11+$0x0] =	vst.idx.add.f32.msk $0xffff, v2;
	v9 =	vadd.s32 v3, v41  }
0x3e: {  	[tilespmem:v5+s11+$0x0] =	vst.idx.add.f32.msk $0xffff, v8;
	v5 =	vadd.s32 $0x80, v9  }
0x3f: {  	v48 =	vld.idx.msk [tilespmem:v4+s20+$0x410 ss:$0x1], $0xffff;
	v43 =	vshra.s32 v40, $0x10  }
0x40: {  	v11 =	vshll.u32 v11, $0x10;
	[tilespmem:v6+s11+$0x0] =	vst.idx.add.f32.msk $0xffff, v2;
	v6 =	vadd.s32 v3, v43  }
0x41: {  	v44 =	vshra.s32 v42, $0x10;
	[tilespmem:v7+s11+$0x0] =	vst.idx.add.f32.msk $0xffff, v11;
	v7 =	vadd.s32 $0x80, v6  }
0x42: {  	v45 =	vshll.u32 v13, $0x10;
	[tilespmem:v9+s11+$0x0] =	vst.idx.add.f32.msk $0xffff, v2;
	v8 =	vadd.s32 v3, v44  }
0x43: {  	[tilespmem:v5+s11+$0x0] =	vst.idx.add.f32.msk $0xffff, v45;
	v5 =	vadd.s32 $0x80, v8  }
0x44: {  	v51 =	vld.idx.msk [tilespmem:v4+s20+$0x420 ss:$0x1], $0xffff;
	v47 =	vshra.s32 v14, $0x10  }
0x45: {  	v10 =	vshll.u32 v40, $0x10;
	[tilespmem:v6+s11+$0x0] =	vst.idx.add.f32.msk $0xffff, v2;
	v6 =	vadd.s32 v3, v47  }
0x46: {  	[tilespmem:v7+s11+$0x0] =	vst.idx.add.f32.msk $0xffff, v10;
	v7 =	vadd.s32 $0x80, v6  }
0x47: {  	v49 =	vshll.u32 v42, $0x10;
	v50 =	vshra.s32 v46, $0x10;
	[tilespmem:v8+s11+$0x0] =	vst.idx.add.f32.msk $0xffff, v2  }
0x48: {  	[tilespmem:v5+s11+$0x0] =	vst.idx.add.f32.msk $0xffff, v49;
	v5 =	vadd.s32 v3, v50  }
0x49: {  	v53 =	vld.idx.msk [tilespmem:v4+s20+$0x440 ss:$0x1], $0xffff;
	v8 =	vadd.s32 $0x80, v5  }
0x4a: {  	[tilespmem:v6+s11+$0x0] =	vst.idx.add.f32.msk $0xffff, v2;
	v6 =	vshll.u32 v14, $0x10  }
0x4b: {  	[tilespmem:v7+s11+$0x0] =	vst.idx.add.f32.msk $0xffff, v6;
	v6 =	vshra.s32 v48, $0x10  }
0x4c: {  	v7 =	vld.idx.msk [tilespmem:v4+s20+$0x430 ss:$0x1], $0xffff;
	v6 =	vadd.s32 v3, v6  }
0x4d: {  	[tilespmem:v5+s11+$0x0] =	vst.idx.add.f32.msk $0xffff, v2;
	v5 =	vshll.u32 v46, $0x10  }
0x4e: {  	[tilespmem:v8+s11+$0x0] =	vst.idx.add.f32.msk $0xffff, v5;
	v5 =	vshra.s32 v51, $0x10  }
0x4f: {  	v58 =	vshra.s32 v53, $0x10;
	v5 =	vadd.s32 v3, v5  }
0x50: {  	v54 =	vld.idx.msk [tilespmem:v4+s20+$0x450 ss:$0x1], $0xffff;
	v11 =	vadd.s32 v3, v58  }
0x51: {  	v52 =	vadd.s32 $0x80, v6;
	v55 =	vshra.s32 v7, $0x10;
	[tilespmem:v6+s11+$0x0] =	vst.idx.add.f32.msk $0xffff, v2;
	v6 =	vadd.s32 $0x80, v5  }
0x52: {  	v56 =	vld.idx.msk [tilespmem:v4+s20+$0x460 ss:$0x1], $0xffff;
	v13 =	vadd.s32 v3, v55  }
0x53: {  	v15 =	vld.idx.msk [tilespmem:v4+s20+$0x470 ss:$0x1], $0xffff;
	v57 =	vadd.s32 $0x80, v13  }
0x54: {  	[tilespmem:v5+s11+$0x0] =	vst.idx.add.f32.msk $0xffff, v2;
	v5 =	vadd.s32 $0x80, v11  }
0x55: {  	v16 =	vshra.s32 v54, $0x10;
	v10 =	vshll.u32 v51, $0x10;
	[tilespmem:v11+s11+$0x0] =	vst.idx.add.f32.msk $0xffff, v2  }
0x56: {  	[tilespmem:v6+s11+$0x0] =	vst.idx.add.f32.msk $0xffff, v10;
	v6 =	vadd.s32 v3, v16  }
0x57: {  	v60 =	vshra.s32 v56, $0x10;
	v7 =	vshll.u32 v7, $0x10;
	[tilespmem:v13+s11+$0x0] =	vst.idx.add.f32.msk $0xffff, v2;
	v59 =	vadd.s32 $0x80, v6  }
0x58: {  	v61 =	vshll.u32 v53, $0x10;
	v63 =	vshra.s32 v15, $0x10;
	[tilespmem:v57+s11+$0x0] =	vst.idx.add.f32.msk $0xffff, v7;
	v7 =	vadd.s32 v3, v60  }
0x59: {  	v9 =	vshll.u32 v48, $0x10;
	[tilespmem:v5+s11+$0x0] =	vst.idx.add.f32.msk $0xffff, v61;
	v5 =	vadd.s32 v3, v63  }
0x5a: {  	[tilespmem:v52+s11+$0x0] =	vst.idx.add.f32.msk $0xffff, v9;
	v62 =	vadd.s32 $0x80, v7  }
0x5b: {  	p1 =	por p0, p0;
	v8 =	vshll.u32 v54, $0x10;
	[tilespmem:v6+s11+$0x0] =	vst.idx.add.f32.msk $0xffff, v2;
	v6 =	vadd.s32 $0x80, v5  }
.Ltmp1:
0x5c: {  	[tilespmem:v59+s11+$0x0] =	vst.idx.add.f32.msk $0xffff, v8;
	(pc) =	sbr.rel @p1 .LBB2_6-.Ltmp1, $4  }
0x5d: {  	[tilespmem:v7+s11+$0x0] =	vst.idx.add.f32.msk $0xffff, v2  }
0x5e: {  	v7 =	vshll.u32 v56, $0x10;
	[tilespmem:v5+s11+$0x0] =	vst.idx.add.f32.msk $0xffff, v2  }
0x5f: {  	v5 =	vshll.u32 v15, $0x10;
	[tilespmem:v62+s11+$0x0] =	vst.idx.add.f32.msk $0xffff, v7  }
0x60: {  	p0 =	por $0x0, $0x0;
	s20 =	simm.s32 $0x2000;
	[tilespmem:v6+s11+$0x0] =	vst.idx.add.f32.msk $0xffff, v5  }
0x61: {  	s18 =	sadd.s32 $0x1, s18  }
0x62: {  	p0 =	sne.s32 s18, $0x10  }
.Ltmp2:
0x63: {  	_ = 	snop;
	(pc) =	sbr.rel @p0 .LBB2_5-.Ltmp2, $1  }
0x64: {  	_ =	sdelay $0x3  }
0x65: {  	s18 =	sshll.u32 s16, $0x13  }
0x66: {  	s18 =	sadd.s32 s6, s18  }
0x67: {  	s18 =	sshrl.u32 s18, $0x3  }
0x68: {  	s19 =	sadd.s32 s3, s18;
	s18 =	simm.s32 $0x0  }
0x69: {  	[tilespmem:s18], [sflag:$0x1] =	stream.linear.gather [hbm4b:s19+s18], $0x2000, $0x38;
	[tilespmem:$0x1C080] =	vst v63  }
0x6a: {  	_ =	swait.ge [sflag:s12], $0x2000  }
0x6b: {  	s17 =	sshll.u32 s17, $0x8;
	[sflag:s12] =	ssyncset.done $0x0  }
0x6c: {  	v3 =	vadd.s32 s17, v1;
	[sflag:s12] =	ssyncadd.s32 $0xFFFFE000  }
.LBB2_9:
0x6d: {  	s19 =	sshll.u32 s18, $0x7  }
0x6e: {  	s19 =	sand.u32 $0x380, s19  }
0x6f: {  	s17 =	sshll.u32 s18, $0x9;
	v4 =	vmov s19  }
0x70: {  	s17 =	sand.u32 $0x1000, s17  }
0x71: {  	p0 =	por $0x1, $0x1;
	s17 =	sor.u32 $0x2000, s17;
	s19 =	simm.s32 $0x0  }
.LBB2_10:
0x72: {  	s19 =	sshra.s32 s19, $0x2  }
0x73: {  	s19 =	sadd.s32 s19, s17  }
0x74: {  	v5 =	vld.idx.msk [tilespmem:v4+s19+$0x0 ss:$0x1], $0xffff;
	_ =	sdelay $0x3  }
0x75: {  	v6 =	vld.idx.msk [tilespmem:v4+s19+$0x10 ss:$0x1], $0xffff  }
0x76: {  	v7 =	vshra.s32 v5, $0x10  }
0x77: {  	v7 =	vadd.s32 v3, v7  }
0x78: {  	v8 =	vld.idx.msk [tilespmem:v4+s19+$0x20 ss:$0x1], $0xffff  }
0x79: {  	v11 =	vld.idx.msk [tilespmem:v4+s19+$0x30 ss:$0x1], $0xffff  }
0x7a: {  	v13 =	vld.idx.msk [tilespmem:v4+s19+$0x40 ss:$0x1], $0xffff;
	v10 =	vshra.s32 v6, $0x10;
	v9 =	vadd.s32 $0x80, v7  }
0x7b: {  	v40 =	vld.idx.msk [tilespmem:v4+s19+$0x50 ss:$0x1], $0xffff;
	v10 =	vadd.s32 v3, v10  }
0x7c: {  	[tilespmem:v7+s11+$0x0] =	vst.idx.add.f32.msk $0xffff, v2;
	v7 =	vadd.s32 $0x80, v10  }
0x7d: {  	v42 =	vld.idx.msk [tilespmem:v4+s19+$0x60 ss:$0x1], $0xffff;
	v12 =	vshra.s32 v8, $0x10  }
0x7e: {  	v14 =	vld.idx.msk [tilespmem:v4+s19+$0x70 ss:$0x1], $0xffff;
	v5 =	vshll.u32 v5, $0x10;
	v12 =	vadd.s32 v3, v12  }
0x7f: {  	[tilespmem:v9+s11+$0x0] =	vst.idx.add.f32.msk $0xffff, v5;
	v5 =	vadd.s32 $0x80, v12  }
0x80: {  	v6 =	vshll.u32 v6, $0x10;
	v39 =	vshra.s32 v11, $0x10;
	[tilespmem:v10+s11+$0x0] =	vst.idx.add.f32.msk $0xffff, v2  }
0x81: {  	[tilespmem:v7+s11+$0x0] =	vst.idx.add.f32.msk $0xffff, v6;
	v6 =	vadd.s32 v3, v39  }
0x82: {  	v46 =	vld.idx.msk [tilespmem:v4+s19+$0x400 ss:$0x1], $0xffff;
	v41 =	vshra.s32 v13, $0x10;
	v7 =	vadd.s32 $0x80, v6  }
0x83: {  	v8 =	vshll.u32 v8, $0x10;
	[tilespmem:v12+s11+$0x0] =	vst.idx.add.f32.msk $0xffff, v2;
	v9 =	vadd.s32 v3, v41  }
0x84: {  	[tilespmem:v5+s11+$0x0] =	vst.idx.add.f32.msk $0xffff, v8;
	v5 =	vadd.s32 $0x80, v9  }
0x85: {  	v48 =	vld.idx.msk [tilespmem:v4+s19+$0x410 ss:$0x1], $0xffff;
	v43 =	vshra.s32 v40, $0x10  }
0x86: {  	v11 =	vshll.u32 v11, $0x10;
	[tilespmem:v6+s11+$0x0] =	vst.idx.add.f32.msk $0xffff, v2;
	v6 =	vadd.s32 v3, v43  }
0x87: {  	v44 =	vshra.s32 v42, $0x10;
	[tilespmem:v7+s11+$0x0] =	vst.idx.add.f32.msk $0xffff, v11;
	v7 =	vadd.s32 $0x80, v6  }
0x88: {  	v45 =	vshll.u32 v13, $0x10;
	[tilespmem:v9+s11+$0x0] =	vst.idx.add.f32.msk $0xffff, v2;
	v8 =	vadd.s32 v3, v44  }
0x89: {  	[tilespmem:v5+s11+$0x0] =	vst.idx.add.f32.msk $0xffff, v45;
	v5 =	vadd.s32 $0x80, v8  }
0x8a: {  	v51 =	vld.idx.msk [tilespmem:v4+s19+$0x420 ss:$0x1], $0xffff;
	v47 =	vshra.s32 v14, $0x10  }
0x8b: {  	v10 =	vshll.u32 v40, $0x10;
	[tilespmem:v6+s11+$0x0] =	vst.idx.add.f32.msk $0xffff, v2;
	v6 =	vadd.s32 v3, v47  }
0x8c: {  	[tilespmem:v7+s11+$0x0] =	vst.idx.add.f32.msk $0xffff, v10;
	v7 =	vadd.s32 $0x80, v6  }
0x8d: {  	v49 =	vshll.u32 v42, $0x10;
	v50 =	vshra.s32 v46, $0x10;
	[tilespmem:v8+s11+$0x0] =	vst.idx.add.f32.msk $0xffff, v2  }
0x8e: {  	[tilespmem:v5+s11+$0x0] =	vst.idx.add.f32.msk $0xffff, v49;
	v5 =	vadd.s32 v3, v50  }
0x8f: {  	v53 =	vld.idx.msk [tilespmem:v4+s19+$0x440 ss:$0x1], $0xffff;
	v8 =	vadd.s32 $0x80, v5  }
0x90: {  	[tilespmem:v6+s11+$0x0] =	vst.idx.add.f32.msk $0xffff, v2;
	v6 =	vshll.u32 v14, $0x10  }
0x91: {  	[tilespmem:v7+s11+$0x0] =	vst.idx.add.f32.msk $0xffff, v6;
	v6 =	vshra.s32 v48, $0x10  }
0x92: {  	v7 =	vld.idx.msk [tilespmem:v4+s19+$0x430 ss:$0x1], $0xffff;
	v6 =	vadd.s32 v3, v6  }
0x93: {  	[tilespmem:v5+s11+$0x0] =	vst.idx.add.f32.msk $0xffff, v2;
	v5 =	vshll.u32 v46, $0x10  }
0x94: {  	[tilespmem:v8+s11+$0x0] =	vst.idx.add.f32.msk $0xffff, v5;
	v5 =	vshra.s32 v51, $0x10  }
0x95: {  	v58 =	vshra.s32 v53, $0x10;
	v5 =	vadd.s32 v3, v5  }
0x96: {  	v54 =	vld.idx.msk [tilespmem:v4+s19+$0x450 ss:$0x1], $0xffff;
	v11 =	vadd.s32 v3, v58  }
0x97: {  	v52 =	vadd.s32 $0x80, v6;
	v55 =	vshra.s32 v7, $0x10;
	[tilespmem:v6+s11+$0x0] =	vst.idx.add.f32.msk $0xffff, v2;
	v6 =	vadd.s32 $0x80, v5  }
0x98: {  	v56 =	vld.idx.msk [tilespmem:v4+s19+$0x460 ss:$0x1], $0xffff;
	v13 =	vadd.s32 v3, v55  }
0x99: {  	v15 =	vld.idx.msk [tilespmem:v4+s19+$0x470 ss:$0x1], $0xffff;
	v57 =	vadd.s32 $0x80, v13  }
0x9a: {  	[tilespmem:v5+s11+$0x0] =	vst.idx.add.f32.msk $0xffff, v2;
	v5 =	vadd.s32 $0x80, v11  }
0x9b: {  	v16 =	vshra.s32 v54, $0x10;
	v10 =	vshll.u32 v51, $0x10;
	[tilespmem:v11+s11+$0x0] =	vst.idx.add.f32.msk $0xffff, v2  }
0x9c: {  	[tilespmem:v6+s11+$0x0] =	vst.idx.add.f32.msk $0xffff, v10;
	v6 =	vadd.s32 v3, v16  }
0x9d: {  	v60 =	vshra.s32 v56, $0x10;
	v7 =	vshll.u32 v7, $0x10;
	[tilespmem:v13+s11+$0x0] =	vst.idx.add.f32.msk $0xffff, v2;
	v59 =	vadd.s32 $0x80, v6  }
0x9e: {  	v61 =	vshll.u32 v53, $0x10;
	v63 =	vshra.s32 v15, $0x10;
	[tilespmem:v57+s11+$0x0] =	vst.idx.add.f32.msk $0xffff, v7;
	v7 =	vadd.s32 v3, v60  }
0x9f: {  	v9 =	vshll.u32 v48, $0x10;
	[tilespmem:v5+s11+$0x0] =	vst.idx.add.f32.msk $0xffff, v61;
	v5 =	vadd.s32 v3, v63  }
0xa0: {  	[tilespmem:v52+s11+$0x0] =	vst.idx.add.f32.msk $0xffff, v9;
	v62 =	vadd.s32 $0x80, v7  }
0xa1: {  	p1 =	por p0, p0;
	v8 =	vshll.u32 v54, $0x10;
	[tilespmem:v6+s11+$0x0] =	vst.idx.add.f32.msk $0xffff, v2;
	v6 =	vadd.s32 $0x80, v5  }
.Ltmp3:
0xa2: {  	[tilespmem:v59+s11+$0x0] =	vst.idx.add.f32.msk $0xffff, v8;
	(pc) =	sbr.rel @p1 .LBB2_10-.Ltmp3, $4  }
0xa3: {  	[tilespmem:v7+s11+$0x0] =	vst.idx.add.f32.msk $0xffff, v2  }
0xa4: {  	v7 =	vshll.u32 v56, $0x10;
	[tilespmem:v5+s11+$0x0] =	vst.idx.add.f32.msk $0xffff, v2  }
0xa5: {  	v5 =	vshll.u32 v15, $0x10;
	[tilespmem:v62+s11+$0x0] =	vst.idx.add.f32.msk $0xffff, v7  }
0xa6: {  	p0 =	por $0x0, $0x0;
	s19 =	simm.s32 $0x2000;
	[tilespmem:v6+s11+$0x0] =	vst.idx.add.f32.msk $0xffff, v5  }
0xa7: {  	s18 =	sadd.s32 $0x1, s18  }
0xa8: {  	p0 =	sne.s32 s18, $0x10  }
.Ltmp4:
0xa9: {  	_ = 	snop;
	(pc) =	sbr.rel @p0 .LBB2_9-.Ltmp4, $1  }
0xaa: {  	_ =	sdelay $0x3  }
0xab: {  	s16 =	sadd.s32 $0x1, s16  }
0xac: {  	p0 =	sne.s32 s16, $0xA  }
.Ltmp5:
0xad: {  	_ = 	snop;
	(pc) =	sbr.rel @p0 .LBB2_4-.Ltmp5, $1  }
0xae: {  	_ =	sdelay $0x3  }
0xaf: {  	_ =	swait.ge [sflag:s10], $0x2000  }
0xb0: {  	[sflag:s10] =	ssyncset.done $0x0  }
0xb1: {  	s15 =	simm.s32 $0x0;
	[sflag:s10] =	ssyncadd.s32 $0xFFFFE000  }
.LBB2_14:
0xb2: {  	s16 =	sshll.u32 s15, $0x7  }
0xb3: {  	s18 =	sand.u32 $0x380, s16  }
0xb4: {  	v3 =	vmov s18  }
0xb5: {  	s17 =	sshll.u32 s15, $0x9  }
0xb6: {  	p0 =	por $0x1, $0x1;
	s16 =	sand.u32 $0x1000, s17;
	s17 =	simm.s32 $0x0  }
.LBB2_15:
0xb7: {  	s17 =	sshra.s32 s17, $0x2  }
0xb8: {  	s17 =	sadd.s32 s17, s16  }
0xb9: {  	v4 =	vld.idx.msk [tilespmem:v3+s17+$0x0 ss:$0x1], $0xffff;
	_ =	sdelay $0x1  }
0xba: {  	v5 =	vld.idx.msk [tilespmem:v3+s17+$0x10 ss:$0x1], $0xffff;
	_ =	sdelay $0x2  }
0xbb: {  	v7 =	vadd.s32 $0x1400, v1;
	v9 =	vld.idx.msk [tilespmem:v3+s17+$0x20 ss:$0x1], $0xffff;
	v6 =	vshra.s32 v4, $0x10  }
0xbc: {  	v10 =	vadd.s32 $0x1480, v1;
	v13 =	vld.idx.msk [tilespmem:v3+s17+$0x30 ss:$0x1], $0xffff;
	v8 =	vadd.s32 v7, v6  }
0xbd: {  	v15 =	vld.idx.msk [tilespmem:v3+s17+$0x40 ss:$0x1], $0xffff;
	v11 =	vshra.s32 v5, $0x10;
	v6 =	vadd.s32 v10, v6  }
0xbe: {  	v29 =	vld.idx.msk [tilespmem:v3+s17+$0x50 ss:$0x1], $0xffff;
	v12 =	vadd.s32 v7, v11  }
0xbf: {  	v32 =	vld.idx.msk [tilespmem:v3+s17+$0x60 ss:$0x1], $0xffff;
	v26 =	vadd.s32 v10, v11  }
0xc0: {  	v34 =	vld.idx.msk [tilespmem:v3+s17+$0x70 ss:$0x1], $0xffff;
	v27 =	vshra.s32 v9, $0x10  }
0xc1: {  	v4 =	vshll.u32 v4, $0x10;
	v14 =	vadd.s32 v7, v27;
	[tilespmem:v8+s11+$0x0] =	vst.idx.add.f32.msk $0xffff, v2  }
0xc2: {  	[tilespmem:v6+s11+$0x0] =	vst.idx.add.f32.msk $0xffff, v4;
	v4 =	vadd.s32 v10, v27  }
0xc3: {  	v5 =	vshll.u32 v5, $0x10;
	v28 =	vshra.s32 v13, $0x10;
	[tilespmem:v12+s11+$0x0] =	vst.idx.add.f32.msk $0xffff, v2  }
0xc4: {  	[tilespmem:v26+s11+$0x0] =	vst.idx.add.f32.msk $0xffff, v5;
	v5 =	vadd.s32 v7, v28  }
0xc5: {  	v39 =	vld.idx.msk [tilespmem:v3+s17+$0x400 ss:$0x1], $0xffff;
	v30 =	vshra.s32 v15, $0x10  }
0xc6: {  	v9 =	vshll.u32 v9, $0x10;
	v31 =	vadd.s32 v7, v30;
	[tilespmem:v14+s11+$0x0] =	vst.idx.add.f32.msk $0xffff, v2  }
0xc7: {  	[tilespmem:v4+s11+$0x0] =	vst.idx.add.f32.msk $0xffff, v9;
	v4 =	vadd.s32 v10, v30  }
0xc8: {  	v42 =	vld.idx.msk [tilespmem:v3+s17+$0x410 ss:$0x1], $0xffff;
	v33 =	vshra.s32 v29, $0x10  }
0xc9: {  	[tilespmem:v5+s11+$0x0] =	vst.idx.add.f32.msk $0xffff, v2;
	v5 =	vadd.s32 v7, v33  }
0xca: {  	v46 =	vld.idx.msk [tilespmem:v3+s17+$0x420 ss:$0x1], $0xffff;
	v36 =	vshra.s32 v32, $0x10  }
0xcb: {  	v37 =	vshll.u32 v15, $0x10;
	v38 =	vadd.s32 v7, v36;
	[tilespmem:v31+s11+$0x0] =	vst.idx.add.f32.msk $0xffff, v2  }
0xcc: {  	[tilespmem:v4+s11+$0x0] =	vst.idx.add.f32.msk $0xffff, v37;
	v4 =	vadd.s32 v10, v36  }
0xcd: {  	v48 =	vld.idx.msk [tilespmem:v3+s17+$0x430 ss:$0x1], $0xffff;
	v40 =	vshra.s32 v34, $0x10  }
0xce: {  	[tilespmem:v5+s11+$0x0] =	vst.idx.add.f32.msk $0xffff, v2;
	v5 =	vadd.s32 v7, v40  }
0xcf: {  	v49 =	vld.idx.msk [tilespmem:v3+s17+$0x440 ss:$0x1], $0xffff;
	v41 =	vadd.s32 v10, v40  }
0xd0: {  	v43 =	vshll.u32 v32, $0x10;
	v44 =	vshra.s32 v39, $0x10;
	[tilespmem:v38+s11+$0x0] =	vst.idx.add.f32.msk $0xffff, v2  }
0xd1: {  	[tilespmem:v4+s11+$0x0] =	vst.idx.add.f32.msk $0xffff, v43;
	v4 =	vadd.s32 v7, v44  }
0xd2: {  	v51 =	vld.idx.msk [tilespmem:v3+s17+$0x450 ss:$0x1], $0xffff;
	v45 =	vadd.s32 v10, v44  }
0xd3: {  	v52 =	vshra.s32 v48, $0x10;
	[tilespmem:v5+s11+$0x0] =	vst.idx.add.f32.msk $0xffff, v2;
	v5 =	vshll.u32 v34, $0x10  }
0xd4: {  	v53 =	vadd.s32 v7, v52;
	[tilespmem:v41+s11+$0x0] =	vst.idx.add.f32.msk $0xffff, v5;
	v5 =	vshra.s32 v42, $0x10  }
0xd5: {  	v17 =	vld.idx.msk [tilespmem:v3+s17+$0x470 ss:$0x1], $0xffff;
	v47 =	vadd.s32 v7, v5  }
0xd6: {  	v5 =	vadd.s32 v10, v5;
	[tilespmem:v4+s11+$0x0] =	vst.idx.add.f32.msk $0xffff, v2;
	v4 =	vshll.u32 v39, $0x10  }
0xd7: {  	v35 =	vadd.s32 v10, v33;
	[tilespmem:v45+s11+$0x0] =	vst.idx.add.f32.msk $0xffff, v4;
	v4 =	vshra.s32 v46, $0x10  }
0xd8: {  	v16 =	vld.idx.msk [tilespmem:v3+s17+$0x460 ss:$0x1], $0xffff;
	v50 =	vadd.s32 v7, v4  }
0xd9: {  	[tilespmem:v53+s11+$0x0] =	vst.idx.add.f32.msk $0xffff, v2;
	v4 =	vadd.s32 v10, v4  }
0xda: {  	v8 =	vshll.u32 v42, $0x10;
	v6 =	vadd.s32 v10, v28;
	[tilespmem:v47+s11+$0x0] =	vst.idx.add.f32.msk $0xffff, v2  }
0xdb: {  	v54 =	vshra.s32 v49, $0x10;
	v11 =	vshll.u32 v29, $0x10;
	[tilespmem:v5+s11+$0x0] =	vst.idx.add.f32.msk $0xffff, v8;
	v5 =	vadd.s32 v10, v52  }
0xdc: {  	v61 =	vshra.s32 v17, $0x10;
	v55 =	vadd.s32 v7, v54;
	[tilespmem:v35+s11+$0x0] =	vst.idx.add.f32.msk $0xffff, v11  }
0xdd: {  	v56 =	vshra.s32 v51, $0x10;
	v62 =	vadd.s32 v7, v61;
	v11 =	vshll.u32 v46, $0x10;
	[tilespmem:v50+s11+$0x0] =	vst.idx.add.f32.msk $0xffff, v2  }
0xde: {  	v13 =	vshll.u32 v13, $0x10;
	[tilespmem:v4+s11+$0x0] =	vst.idx.add.f32.msk $0xffff, v11;
	v4 =	vadd.s32 v7, v56  }
0xdf: {  	v57 =	vshll.u32 v48, $0x10;
	v58 =	vshra.s32 v16, $0x10;
	[tilespmem:v6+s11+$0x0] =	vst.idx.add.f32.msk $0xffff, v13;
	v6 =	vadd.s32 v10, v54  }
0xe0: {  	[tilespmem:v5+s11+$0x0] =	vst.idx.add.f32.msk $0xffff, v57;
	v5 =	vadd.s32 v7, v58  }
0xe1: {  	[tilespmem:v55+s11+$0x0] =	vst.idx.add.f32.msk $0xffff, v2;
	v9 =	vadd.s32 v10, v56  }
0xe2: {  	v60 =	vadd.s32 v10, v58;
	[tilespmem:v62+s11+$0x0] =	vst.idx.add.f32.msk $0xffff, v2  }
0xe3: {  	p1 =	por p0, p0;
	v59 =	vshll.u32 v49, $0x10;
	[tilespmem:v4+s11+$0x0] =	vst.idx.add.f32.msk $0xffff, v2;
	v4 =	vadd.s32 v10, v61  }
.Ltmp6:
0xe4: {  	[tilespmem:v6+s11+$0x0] =	vst.idx.add.f32.msk $0xffff, v59;
	(pc) =	sbr.rel @p1 .LBB2_15-.Ltmp6, $4  }
0xe5: {  	v63 =	vshll.u32 v51, $0x10;
	[tilespmem:v5+s11+$0x0] =	vst.idx.add.f32.msk $0xffff, v2  }
0xe6: {  	v5 =	vshll.u32 v16, $0x10;
	[tilespmem:v9+s11+$0x0] =	vst.idx.add.f32.msk $0xffff, v63  }
0xe7: {  	[tilespmem:v60+s11+$0x0] =	vst.idx.add.f32.msk $0xffff, v5;
	v5 =	vshll.u32 v17, $0x10  }
0xe8: {  	p0 =	por $0x0, $0x0;
	s17 =	simm.s32 $0x2000;
	[tilespmem:v4+s11+$0x0] =	vst.idx.add.f32.msk $0xffff, v5  }
0xe9: {  	s15 =	sadd.s32 $0x1, s15  }
0xea: {  	p0 =	sne.s32 s15, $0x10  }
.Ltmp7:
0xeb: {  	_ = 	snop;
	(pc) =	sbr.rel @p0 .LBB2_14-.Ltmp7, $1  }
0xec: {  	_ =	sdelay $0x3  }
0xed: {  	s15 =	simm.s32 $0x4000  }
0xee: {  	v3 =	vld [tilespmem:s15+$0x10]  }
0xef: {  	v4 =	vld [tilespmem:s15+$0x1811]  }
0xf0: {  	v5 =	vld [tilespmem:s15+$0x1801]  }
0xf1: {  	v6 =	vld [tilespmem:s15+$0x3012]  }
0xf2: {  	v7 =	vld [tilespmem:s15+$0x0]  }
0xf3: {  	v8 =	vld [tilespmem:s15+$0x4813]  }
0xf4: {  	v9 =	vld [tilespmem:s15+$0x3002];
	v3 =	vadd.f32 v4, v3  }
0xf5: {  	v4 =	vld [tilespmem:s15+$0x6014]  }
0xf6: {  	v10 =	vld [tilespmem:s15+$0x4803];
	v3 =	vadd.f32 v6, v3  }
0xf7: {  	v5 =	vadd.f32 v5, v7;
	v6 =	vld [tilespmem:s15+$0x7815]  }
0xf8: {  	v7 =	vld [tilespmem:s15+$0x6004];
	v3 =	vadd.f32 v8, v3  }
0xf9: {  	v5 =	vadd.f32 v9, v5;
	v8 =	vld [tilespmem:s15+$0x9016]  }
0xfa: {  	v9 =	vld [tilespmem:s15+$0x7805];
	v3 =	vadd.f32 v4, v3  }
0xfb: {  	v4 =	vadd.f32 v10, v5;
	v5 =	vld [tilespmem:s15+$0xA817]  }
0xfc: {  	v10 =	vld [tilespmem:s15+$0x9006];
	v3 =	vadd.f32 v6, v3  }
0xfd: {  	v4 =	vadd.f32 v7, v4;
	v6 =	vld [tilespmem:s15+$0xC018]  }
0xfe: {  	v7 =	vld [tilespmem:s15+$0xA807];
	v3 =	vadd.f32 v8, v3  }
0xff: {  	v4 =	vadd.f32 v9, v4;
	v8 =	vld [tilespmem:s15+$0xD819]  }
0x100: {  	v9 =	vld [tilespmem:s15+$0xC008];
	v3 =	vadd.f32 v5, v3  }
0x101: {  	v4 =	vadd.f32 v10, v4;
	v5 =	vld [tilespmem:s15+$0xF01A]  }
0x102: {  	v10 =	vld [tilespmem:s15+$0xD809];
	v3 =	vadd.f32 v6, v3  }
0x103: {  	v4 =	vadd.f32 v7, v4;
	v6 =	vld [tilespmem:s15+$0x1081B]  }
0x104: {  	v7 =	vld [tilespmem:s15+$0xF00A];
	v3 =	vadd.f32 v8, v3  }
0x105: {  	v4 =	vadd.f32 v9, v4;
	v8 =	vld [tilespmem:s15+$0x1201C]  }
0x106: {  	v9 =	vld [tilespmem:s15+$0x1080B];
	v3 =	vadd.f32 v5, v3  }
0x107: {  	v4 =	vadd.f32 v10, v4;
	v10 =	vld [tilespmem:s15+$0x1381D]  }
0x108: {  	v11 =	vld [tilespmem:s15+$0x1200C];
	v5 =	vadd.f32 v6, v3  }
0x109: {  	v6 =	vadd.f32 v7, v4;
	v3 =	vld [tilespmem:s15+$0x1501E]  }
0x10a: {  	v4 =	vld [tilespmem:s15+$0x1380D];
	v7 =	vadd.f32 v8, v5  }
0x10b: {  	v9 =	vadd.f32 v9, v6;
	v5 =	vld [tilespmem:s15+$0x1681F]  }
0x10c: {  	v6 =	vld [tilespmem:s15+$0x1500E];
	v8 =	vadd.f32 v10, v7  }
0x10d: {  	s16 =	simm.s32 $0x0;
	s17 =	simm.s32 $0x4020;
	v9 =	vadd.f32 v11, v9;
	v7 =	vld [tilespmem:s15+$0x1680F]  }
.LBB2_18:
0x10e: {  	v10 =	vld [tilespmem:s17+$0x10];
	v3 =	vadd.f32 v3, v8  }
0x10f: {  	s16 =	sadd.s32 $0x2, s16;
	v8 =	vld [tilespmem:s17+$0x1811];
	v4 =	vadd.f32 v4, v9  }
0x110: {  	p0 =	slt.u32 s16, $0x17E;
	v9 =	vld [tilespmem:s17+$0x1801];
	v3 =	vadd.f32 v5, v3  }
0x111: {  	v5 =	vld [tilespmem:s17+$0x3012];
	v4 =	vadd.f32 v6, v4  }
0x112: {  	v6 =	vld [tilespmem:s17+$0x0];
	[tilespmem:s15+$0x10] =	vst v3  }
0x113: {  	v3 =	vld [tilespmem:s17+$0x4813];
	v4 =	vadd.f32 v7, v4  }
0x114: {  	v7 =	vld [tilespmem:s17+$0x3002];
	v8 =	vadd.f32 v8, v10  }
0x115: {  	v10 =	vld [tilespmem:s17+$0x6014];
	[tilespmem:s15+$0x0] =	vst v4;
	s15 =	smov.u32 s17  }
0x116: {  	v4 =	vld [tilespmem:s17+$0x4803];
	v5 =	vadd.f32 v5, v8  }
0x117: {  	v6 =	vadd.f32 v9, v6;
	v8 =	vld [tilespmem:s17+$0x7815]  }
0x118: {  	v9 =	vld [tilespmem:s17+$0x6004];
	v3 =	vadd.f32 v3, v5  }
0x119: {  	v5 =	vadd.f32 v7, v6;
	v6 =	vld [tilespmem:s17+$0x9016]  }
0x11a: {  	v7 =	vld [tilespmem:s17+$0x7805];
	v3 =	vadd.f32 v10, v3  }
0x11b: {  	v4 =	vadd.f32 v4, v5;
	v5 =	vld [tilespmem:s17+$0xA817]  }
0x11c: {  	v10 =	vld [tilespmem:s17+$0x9006];
	v3 =	vadd.f32 v8, v3  }
0x11d: {  	v4 =	vadd.f32 v9, v4;
	v8 =	vld [tilespmem:s17+$0xC018]  }
0x11e: {  	v9 =	vld [tilespmem:s17+$0xA807];
	v3 =	vadd.f32 v6, v3  }
0x11f: {  	v4 =	vadd.f32 v7, v4;
	v6 =	vld [tilespmem:s17+$0xD819]  }
0x120: {  	v7 =	vld [tilespmem:s17+$0xC008];
	v3 =	vadd.f32 v5, v3  }
0x121: {  	v4 =	vadd.f32 v10, v4;
	v5 =	vld [tilespmem:s17+$0xF01A]  }
0x122: {  	v10 =	vld [tilespmem:s17+$0xD809];
	v3 =	vadd.f32 v8, v3  }
0x123: {  	v4 =	vadd.f32 v9, v4;
	v8 =	vld [tilespmem:s17+$0x1081B]  }
0x124: {  	v9 =	vld [tilespmem:s17+$0xF00A];
	v3 =	vadd.f32 v6, v3  }
0x125: {  	v4 =	vadd.f32 v7, v4;
	v6 =	vld [tilespmem:s17+$0x1201C]  }
0x126: {  	v7 =	vld [tilespmem:s17+$0x1080B];
	v3 =	vadd.f32 v5, v3  }
0x127: {  	v4 =	vadd.f32 v10, v4;
	v10 =	vld [tilespmem:s17+$0x1381D]  }
0x128: {  	v11 =	vld [tilespmem:s17+$0x1200C];
	v5 =	vadd.f32 v8, v3  }
.Ltmp8:
0x129: {  	v8 =	vadd.f32 v9, v4;
	v3 =	vld [tilespmem:s17+$0x1501E];
	(pc) =	sbr.rel @p0 .LBB2_18-.Ltmp8, $4  }
0x12a: {  	v4 =	vld [tilespmem:s17+$0x1380D];
	v9 =	vadd.f32 v6, v5  }
0x12b: {  	v7 =	vadd.f32 v7, v8;
	v5 =	vld [tilespmem:s17+$0x1681F]  }
0x12c: {  	v6 =	vld [tilespmem:s17+$0x1500E];
	v8 =	vadd.f32 v10, v9  }
0x12d: {  	s17 =	sadd.s32 $0x20, s17;
	v9 =	vadd.f32 v11, v7;
	v7 =	vld [tilespmem:s15+$0x1680F]  }
0x12e: {  	_ = 	snop  }
0x12f: {  	v4 =	vadd.f32 v4, v9  }
0x130: {  	v3 =	vadd.f32 v3, v8  }
0x131: {  	v4 =	vadd.f32 v6, v4  }
0x132: {  	v3 =	vadd.f32 v5, v3  }
0x133: {  	s14 =	sadd.s32 $0x1, s14;
	v4 =	vadd.f32 v7, v4  }
0x134: {  	p0 =	sne.s32 s14, s8;
	[tilespmem:s15+$0x10] =	vst v3  }
.Ltmp9:
0x135: {  	[tilespmem:s15+$0x0] =	vst v4;
	(pc) =	sbr.rel @p0 .LBB2_1-.Ltmp9, $4  }
0x136: {  	[hbm4b:s7+s2] =	stream.linear.scatter [tilespmem:s11], [sflag:$0x3], $0x1800, $0x38;
	[tilespmem:$0x1C080] =	vst v63  }
0x137: {  	_ =	swait.ge [sflag:s13], $0x1800  }
0x138: {  	[sflag:s13] =	ssyncset.done $0x0  }
0x139: {  	[sflag:s13] =	ssyncadd.s32 $0xFFFFE800  }
0x13a: {  	_ =	sfence.sel $0x180000  }
0x13b: {  	[bflag:$0x0] =	sbarrier.arrive $0xFFFF  }
0x13c: {  	p0 =	sne.s32 s0, $0x0;
	_ =	strace $0x90000050  }
0x13d: {  	s0 =	sadd.s32 @!p0 $0x100000, s1;
	[bflag:$0x2] =	sbarrier.arrive $0xFFFF  }
0x13e: {  	[sflag:s0] =	ssyncadd.tile.s32 @!p0 $0x1;
	_ =	shalt  }
.Lfunc_end2:
_tile_overlayer_lowered:
.L_overlay_start_2:
0x13f: {  	(tag) =	ssettag $0x2  }
0x140: {  	s0 =	rddreg [dreg:$0x0];
	s2 =	stileid.u32  }
0x141: {  	s1 =	rddreg [dreg:$0x1];
	p0 =	sne.s32 s2, $0x0  }
0x142: {  	s3 =	rddreg [dreg:$0x2];
	[bflag:$0x3] =	sbarrier.arrive $0xFFFF;
	s2 =	simm.s32 @!p0 $0x1C03  }
0x143: {  	[timem:s3], [sflag:s2] =	dma.local @!p0 [hbm:s0], s1  }
0x144: {  	s0 =	simm.s32 @!p0 $0x3  }
0x145: {  	_ =	swait.ge @!p0 [sflag:s0], s1  }
0x146: {  	s1 =	ssub.s32 @!p0 $0x0, s1;
	[sflag:s0] =	ssyncset.done @!p0 $0x0  }
0x147: {  	[sflag:s0] =	ssyncadd.s32 @!p0 s1  }
0x148: {  	[bflag:$0x3] =	sbarrier.arrive $0xFFFF  }
0x149: {  	_ =	shalt  }

// kernel: kernel.14.cloned.1.call-start
scs
__scs_entry_jumppad:
0x0: {  	(pc) =	sbr.rel $0x88, $3  }
0x1: {  	(tag) =	ssettag $0x0;
	lr =	simm.s32 $0x1  }
0x2: {  	[smem:$0x3F9F] =	sst lr;
	_ =	strace $0xD0000000  }
0x3: {  	_ = 	snop  }
0x4: {  	_ = 	snop  }
0x5: {  	_ = 	snop  }
0x6: {  	_ = 	snop  }
0x7: {  	_ = 	snop  }
__scs_overlays_trampoline_lowered:
0x8: {  	[smem:$0x3FAE] =	sst s0  }
0x9: {  	[smem:$0x3FAF] =	sst s1  }
0xa: {  	[smem:$0x3FB0] =	sst s2  }
0xb: {  	[smem:$0x3FB1] =	sst s3  }
0xc: {  	[smem:$0x3FB2] =	sst s4  }
0xd: {  	[smem:$0x3FB3] =	sst s5  }
0xe: {  	[smem:$0x3FB4] =	sst s6  }
0xf: {  	[smem:$0x3FB5] =	sst s7  }
0x10: {  	[smem:$0x3FB6] =	sst s8  }
0x11: {  	[smem:$0x3FB7] =	sst s9;
	s0 =	simm.s32 @!p0 $0x0  }
0x12: {  	s1 =	sld [smem:$0x3F9D];
	s0 =	simm.s32 @p0 $0x1  }
0x13: {  	[smem:$0x3FB8] =	sst s0;
	s0 =	simm.s32 @!p1 $0x0  }
0x14: {  	s2 =	sld [smem:$0x3F9C];
	s0 =	simm.s32 @p1 $0x1  }
0x15: {  	[smem:$0x3FB9] =	sst s0;
	s0 =	simm.s32 @!p2 $0x0  }
0x16: {  	s3 =	sld [smem:$0x3FDB];
	s0 =	simm.s32 @p2 $0x1  }
0x17: {  	s4 =	simm.s32 $0x1BF5;
	[smem:$0x3FBB] =	sst s0  }
0x18: {  	s0 =	sld [smem:$0x3F9E];
	_ =	swait.ge [sflag:s4], $0x0  }
0x19: {  	s7 =	sld [smem:$0x3F9F]  }
0x1a: {  	s8 =	sadd.s32 $0xFFFFE003, lr  }
0x1b: {  	s9 =	sadd.s32 $0xFFFFFEF7, lr;
	s5 =	simm.s32 $0xFFFFFFFF;
	p2 =	slt.u32 s8, $0xFFFFF086  }
0x1c: {  	p1 =	slt.u32 s9, $0xF7A;
	s5 =	simm.s32 @!p2 $0x0  }
0x1d: {  	s5 =	simm.s32 @p1 $0x1;
	p0 =	seq.s32 s7, s2  }
0x1e: {  	s7 =	smul.u32 @!p0 $0xF7A, s2;
	p2 =	seq.s32 @!p0 s5, $0x0  }
0x1f: {  	s9 =	smul.u32 $0xF7A, s1;
	s8 =	simm.s32 @!p0 $0x1BF5;
	p2 =	por !p2, p0  }
0x20: {  	[sflag:s8] =	ssyncset.s32 @!p0 $0xFFFFF086;
	s6 =	sadd.s32 @!p0 s3, s7;
	s7 =	simm.s32 @!p0 $0x108  }
0x21: {  	s3 =	sadd.s32 s3, s9;
	s6 =	sadd.s32 @!p0 $0x88, s6;
	s7 =	simm.s32 @p2 $0x1082  }
0x22: {  	[simem:s7], [sflag:s8] =	dma.local @!p0 [hbm:s6], $0xF7A  }
0x23: {  	s9 =	sor.u32 $0xD0000000, s2;
	s6 =	simm.s32 $0x108;
	_ =	swait.ge @!p0 [sflag:s8], $0x0  }
0x24: {  	s3 =	sadd.s32 $0x88, s3;
	s6 =	simm.s32 @!p1 $0x1082;
	[sflag:s4] =	ssyncset.s32 $0xFFFFF086  }
0x25: {  	[simem:s6], [sflag:s4] =	dma.local [hbm:s3], $0xF7A  }
0x26: {  	[smem:$0x3F9F] =	sst s1;
	(tag) =	ssettag s2;
	_ =	strace s9  }
0x27: {  	s1 =	sld [smem:$0x3FAF]  }
0x28: {  	s2 =	sld [smem:$0x3FB0]  }
0x29: {  	s4 =	sld [smem:$0x3FB2]  }
0x2a: {  	p0 =	seq.s32 s5, $0x0;
	s5 =	sld [smem:$0x3FB3]  }
0x2b: {  	s6 =	sld [smem:$0x3FB4]  }
0x2c: {  	s7 =	sld [smem:$0x3FB5]  }
0x2d: {  	s3 =	simm.s32 $0x108;
	s8 =	sld [smem:$0x3FB6]  }
0x2e: {  	s3 =	simm.s32 @!p0 $0x1082;
	s9 =	sld [smem:$0x3FB7]  }
0x2f: {  	lr =	sadd.s32 s0, s3;
	s0 =	sld [smem:$0x3FAE]  }
0x30: {  	s3 =	sld [smem:$0x3FB1]  }
0x31: {  	[smem:$0x3FBA] =	sst s10  }
0x32: {  	s10 =	sld [smem:$0x3FB8];
	_ =	sdelay $0x3  }
0x33: {  	p0 =	seq.s32 s10, $0x1;
	s10 =	sld [smem:$0x3FBA];
	_ =	sdelay $0x3  }
0x34: {  	[smem:$0x3FBA] =	sst s10  }
0x35: {  	s10 =	sld [smem:$0x3FB9];
	_ =	sdelay $0x3  }
0x36: {  	p1 =	seq.s32 s10, $0x1;
	s10 =	sld [smem:$0x3FBA];
	_ =	sdelay $0x3  }
0x37: {  	[smem:$0x3FBA] =	sst s10  }
0x38: {  	s10 =	sld [smem:$0x3FBB]  }
0x39: {  	_ = 	snop;
	(pc) =	sbr.ind lr, $3  }
0x3a: {  	_ = 	snop  }
0x3b: {  	_ = 	snop  }
0x3c: {  	p2 =	seq.s32 s10, $0x1;
	s10 =	sld [smem:$0x3FBA]  }
0x3d: {  	_ =	shalt  }
0x3e: {  	_ =	shalt  }
0x3f: {  	_ =	shalt  }
0x40: {  	_ =	shalt  }
0x41: {  	_ =	shalt  }
0x42: {  	_ =	shalt  }
0x43: {  	_ =	shalt  }
0x44: {  	_ =	shalt  }
0x45: {  	_ =	shalt  }
0x46: {  	_ =	shalt  }
0x47: {  	_ =	shalt  }
0x48: {  	_ =	shalt  }
0x49: {  	_ =	shalt  }
0x4a: {  	_ =	shalt  }
0x4b: {  	_ =	shalt  }
0x4c: {  	_ =	shalt  }
0x4d: {  	_ =	shalt  }
0x4e: {  	_ =	shalt  }
0x4f: {  	_ =	shalt  }
0x50: {  	_ =	shalt  }
0x51: {  	_ =	shalt  }
0x52: {  	_ =	shalt  }
0x53: {  	_ =	shalt  }
0x54: {  	_ =	shalt  }
0x55: {  	_ =	shalt  }
0x56: {  	_ =	shalt  }
0x57: {  	_ =	shalt  }
0x58: {  	_ =	shalt  }
0x59: {  	_ =	shalt  }
0x5a: {  	_ =	shalt  }
0x5b: {  	_ =	shalt  }
0x5c: {  	_ =	shalt  }
0x5d: {  	_ =	shalt  }
0x5e: {  	_ =	shalt  }
0x5f: {  	_ =	shalt  }
0x60: {  	_ =	shalt  }
0x61: {  	_ =	shalt  }
0x62: {  	_ =	shalt  }
0x63: {  	_ =	shalt  }
0x64: {  	_ =	shalt  }
0x65: {  	_ =	shalt  }
0x66: {  	_ =	shalt  }
0x67: {  	_ =	shalt  }
0x68: {  	_ =	shalt  }
0x69: {  	_ =	shalt  }
0x6a: {  	_ =	shalt  }
0x6b: {  	_ =	shalt  }
0x6c: {  	_ =	shalt  }
0x6d: {  	_ =	shalt  }
0x6e: {  	_ =	shalt  }
0x6f: {  	_ =	shalt  }
0x70: {  	_ =	shalt  }
0x71: {  	_ =	shalt  }
0x72: {  	_ =	shalt  }
0x73: {  	_ =	shalt  }
0x74: {  	_ =	shalt  }
0x75: {  	_ =	shalt  }
0x76: {  	_ =	shalt  }
0x77: {  	_ =	shalt  }
0x78: {  	_ =	shalt  }
0x79: {  	_ =	shalt  }
0x7a: {  	_ =	shalt  }
0x7b: {  	_ =	shalt  }
0x7c: {  	_ =	shalt  }
0x7d: {  	_ =	shalt  }
0x7e: {  	_ =	shalt  }
0x7f: {  	_ =	shalt  }
0x80: {  	_ =	shalt  }
0x81: {  	_ =	shalt  }
0x82: {  	_ =	shalt  }
0x83: {  	_ =	shalt  }
0x84: {  	_ =	shalt  }
0x85: {  	_ =	shalt  }
0x86: {  	_ =	shalt  }
0x87: {  	_ =	shalt  }
.Lfunc_end0:
.L_simem_size_0:
called_computation.1_lowered:
.L_overlay_start_0:
0x88: {  	s2 =	sld [smem:$0x3FD9]  }
0x89: {  	s3 =	sld [smem:$0x3FFE];
	_ =	sdelay $0x1  }
0x8a: {  	s1 =	srdreg.scid  }
0x8b: {  	s0 =	sand.u32 $0x1, s1  }
0x8c: {  	s17 =	sshll.u32 s0, $0xA;
	s2 =	sadd.s32 s3, s2  }
0x8d: {  	s2 =	sadd.s32 s2, s17  }
0x8e: {  	[smem:$0x3FC6] =	sst s2  }
0x8f: {  	_ = 	snop  }
0x90: {  	(tm) =	ssettm $0x1  }
0x91: {  	s18 =	sld [smem:$0x3FFB];
	_ =	sdelay $0x3  }
0x92: {  	_ =	strace s18  }
0x93: {  	s2 =	sld [smem:$0x3FFC];
	_ =	sdelay $0x3  }
0x94: {  	_ =	strace s2  }
0x95: {  	s2 =	sld [smem:$0x3FFD];
	_ =	sdelay $0x3  }
0x96: {  	_ =	strace s2  }
0x97: {  	_ =	strace $0x8FFFFFFF  }
0x98: {  	s19 =	sld [smem:$0x3FDB];
	_ =	sdelay $0x1  }
0x99: {  	s20 =	simm.s32 $_scs_section_size  }
0x9a: {  	s4 =	simm.s32 $_size__tile_overlayer_lowered;
	s5 =	simm.s32 $_tile_overlayer_lowered  }
0x9b: {  	s6 =	simm.s32 $0x1BFF;
	s21 =	sshll.u32 s5, $0x1;
	s3 =	sadd.s32 s20, s19  }
0x9c: {  	s22 =	simm.s32 $0x0;
	s4 =	sshll.u32 s4, $0x1;
	s5 =	sadd.s32 s21, s3  }
0x9d: {  	[timem:s22], [sflag:s6] =	dma.local [hbm:s5], s4  }
0x9e: {  	_ =	swait.ge [sflag:s6], s4  }
0x9f: {  	s4 =	ssub.s32 $0x0, s4;
	[sflag:s6] =	ssyncset.done $0x0  }
0xa0: {  	[sflag:s6] =	ssyncadd.s32 s4;
	_ =	sdelay $0x1  }
0xa1: {  	s23 =	simm.s32 $0x1B8B  }
0xa2: {  	_ =	swait.ge [sflag:s23], $0x1  }
0xa3: {  	[sflag:s23] =	ssyncset.done $0x0  }
0xa4: {  	[sflag:s23] =	ssyncadd.s32 $0xFFFFFFFF  }
0xa5: {  	s4 =	sld [smem:$0x0]  }
0xa6: {  	s5 =	sand.u32 $0xFFFFFFFE, s1  }
0xa7: {  	p0 =	sne.s32 s1, s5  }
0xa8: {  	s5 =	sshll.u32 @p0 s5, $0xE  }
0xa9: {  	s5 =	sadd.s32 @p0 $0x11B8D, s5;
	s6 =	sshll.u32 @p0 s4, $0x11  }
0xaa: {  	s5 =	sor.u32 @p0 s6, s5  }
0xab: {  	[sflag:s5] =	ssyncadd.remote.s32 @p0 $0x1;
	_ =	sdelay $0x1  }
0xac: {  	s5 =	simm.s32 @p0 $0x1B8D  }
0xad: {  	_ =	swait.eq @p0 [sflag:s5], $0x1  }
0xae: {  	[sflag:s5] =	ssyncadd.s32 @p0 $0xFFFFFFFF  }
0xaf: {  	s6 =	sshll.u32 @!p0 s1, $0xE  }
0xb0: {  	s6 =	sor.u32 @!p0 $0x4000, s6;
	s5 =	simm.s32 @!p0 $0x1B8D  }
0xb1: {  	s4 =	sshll.u32 @!p0 s4, $0x11;
	s6 =	sadd.s32 @!p0 $0x11B8D, s6;
	_ =	swait.eq @!p0 [sflag:s5], $0x1  }
0xb2: {  	s4 =	sor.u32 @!p0 s4, s6;
	[sflag:s5] =	ssyncadd.s32 @!p0 $0xFFFFFFFF  }
0xb3: {  	s25 =	simm.s32 $0x1B8E;
	s24 =	sld [smem:$0x3FFE];
	[sflag:s4] =	ssyncadd.remote.s32 @!p0 $0x1  }
0xb4: {  	s26 =	simm.s32 $execute0_lowered;
	[smem:$0x3FD2] =	sst s25  }
0xb5: {  	s5 =	sshll.u32 s26, $0x1;
	_ =	strace $0x8000004C;
	[dreg:$0x1] =	wrdreg $0xFFFFFFFF  }
0xb6: {  	s28 =	simm.s32 $_size_execute0_lowered;
	s3 =	sadd.s32 s3, s5;
	[dreg:$0x0] =	wrdreg $0x0  }
0xb7: {  	s5 =	sshll.u32 s28, $0x1;
	[dreg:$0x2] =	wrdreg s3  }
0xb8: {  	[dreg:$0x3] =	wrdreg s5  }
0xb9: {  	[dreg:$0x4] =	wrdreg $0xC0  }
0xba: {  	_ =	task [dreg:s22], $0x5FFFF  }
0xbb: {  	[dreg:$0x1] =	wrdreg $0xFFFFFFFF  }
0xbc: {  	[dreg:$0x0] =	wrdreg $0x60  }
0xbd: {  	[dreg:$0x2] =	wrdreg s24  }
0xbe: {  	[dreg:$0x3] =	wrdreg $0xA  }
0xbf: {  	_ =	task.clear_ibuf [dreg:s22], $0x4FFFF;
	_ =	strace $0x9000004C  }
0xc0: {  	s29 =	simm.s32 $0xA;
	_ =	strace $0x8000004E  }
0xc1: {  	_ =	swait.ge [sflag:s29], $0x1  }
0xc2: {  	[sflag:s29] =	ssyncadd.s32 $0xFFFFFFFF  }
0xc3: {  	_ =	strace $0x9000004E  }
0xc4: {  	_ =	sfence  }
0xc5: {  	s30 =	sld [smem:$0x0];
	_ =	sdelay $0x2  }
0xc6: {  	s31 =	sshll.u32 s1, $0xD;
	s1 =	sshrl.u32 s1, $0x2  }
0xc7: {  	s4 =	sand.u32 $0x4000, s31;
	s1 =	sadd.s32 s1, s30  }
0xc8: {  	s0 =	sor.u32 s4, s0;
	s1 =	sshll.u32 s1, $0x11  }
0xc9: {  	s0 =	sor.u32 s1, s0  }
0xca: {  	s0 =	sadd.s32 $0x8F2B, s0  }
0xcb: {  	[sflag:s0] =	ssyncadd.remote.s32 $0x1  }
0xcc: {  	_ =	sfence.sel $0xFFFF  }
0xcd: {  	[dreg:$0x0] =	wrdreg $0xFFFFFFFF;
	(pc) =	sbr.abs _section_cstart, $3  }
0xce: {  	[dreg:$0x1] =	wrdreg $0xFFFFFFFF  }
0xcf: {  	_ =	task.clear_ibuf [dreg:s22], $0x2FFFF;
	_ =	strace $0x9FFFFFFF  }
0xd0: {  	(tm) =	ssettm $0x7FFFFFFF  }
0xd1: {  	_ =	shalt  }
tec
execute0_lowered:
.L_overlay_start_1:
0x0: {  	(tag) =	ssettag $0x1  }
0x1: {  	s1 =	srdreg.scid  }
0x2: {  	s0 =	stileid.u32;
	s4 =	rddreg [dreg:$0x0];
	s2 =	simm.s32 $0x0  }
0x3: {  	s10 =	simm.s32 $0x1;
	s11 =	simm.s32 $0x4000;
	s12 =	simm.s32 $0x2  }
0x4: {  	s13 =	simm.s32 $0x3;
	s5 =	sand.u32 $0x1, s1;
	s1 =	rddreg [dreg:$0x1]  }
0x5: {  	s14 =	simm.s32 $0x0;
	s3 =	sshll.u32 s0, $0x1;
	[smem:$0x7FF] =	sst s2  }
0x6: {  	s6 =	sor.u32 s5, s3;
	s3 =	sadd.s32 $0x15D200, s4;
	s5 =	ssub.s32 $0x2, s5  }
0x7: {  	s7 =	smul.u32 $0x300, s6;
	s31 =	sshrl.u32 s5, $0x1;
	s8 =	sshll.u32 s6, $0xA  }
0x8: {  	_ =	strace $0x8000004D;
	s9 =	ssub.s32 s5, s31;
	s5 =	sadd.s32 s3, s8  }
0x9: {  	v1 =	vlaneseq.u32;
	s7 =	sadd.s32 s7, s4;
	s4 =	sshll.u32 s6, $0xD;
	s8 =	smax.u32 s9, $0x1  }
0xa: {  	v0 =	vimm.f32 $0.0e+00;
	v2 =	vimm.f32 $1.000000000e+00;
	v1 =	vmul.u32 $0x1801, v1;
	s9 =	simm.s32 $0x2000;
	s6 =	sor.u32 $0x80000, s4;
	s7 =	sadd.s32 $0x205200, s7  }
.LBB2_1:
0xb: {  	s15 =	simm.s32 $0x4040  }
0xc: {  	[tilespmem:s15+$0xFFFFFFC0] =	vst v0  }
0xd: {  	[tilespmem:s15+$0x30] =	vst v0  }
0xe: {  	[tilespmem:s15+$0x20] =	vst v0  }
0xf: {  	[tilespmem:s15+$0x10] =	vst v0  }
0x10: {  	[tilespmem:s15+$0x0] =	vst v0  }
0x11: {  	[tilespmem:s15+$0xFFFFFFF0] =	vst v0  }
0x12: {  	s16 =	simm.s32 $0x0;
	[tilespmem:s15+$0xFFFFFFE0] =	vst v0  }
.LBB2_2:
0x13: {  	s16 =	sadd.s32 $0x8, s16;
	[tilespmem:s15+$0xFFFFFFD0] =	vst v0;
	s15 =	sadd.s32 $0x80, s15  }
0x14: {  	[tilespmem:s15+$0xFFFFFFC0] =	vst v0;
	p0 =	slt.u32 s16, $0x17F8  }
0x15: {  	[tilespmem:s15+$0x30] =	vst v0  }
.Ltmp0:
0x16: {  	[tilespmem:s15+$0x20] =	vst v0;
	(pc) =	sbr.rel @p0 .LBB2_2-.Ltmp0, $4  }
0x17: {  	[tilespmem:s15+$0x10] =	vst v0  }
0x18: {  	[tilespmem:s15+$0x0] =	vst v0  }
0x19: {  	[tilespmem:s15+$0xFFFFFFF0] =	vst v0  }
0x1a: {  	[tilespmem:s15+$0xFFFFFFE0] =	vst v0  }
0x1b: {  	[tilespmem:s15+$0xFFFFFFD0] =	vst v0  }
0x1c: {  	s15 =	simm.s32 $0x0;
	s16 =	simm.s32 $0x0;
	[tilespmem:$0x1C000] =	vst v0  }
0x1d: {  	[tilespmem:s15], [sflag:$0x1] =	stream.linear.gather [hbm4b:s5+s15], $0x2000, $0x38;
	[tilespmem:$0x1C080] =	vst v63  }
.LBB2_4:
0x1e: {  	s17 =	sshllo.u32 s16, $0x1  }
0x1f: {  	s18 =	sshll.u32 s17, $0x12  }
0x20: {  	s18 =	sor.u32 s4, s18  }
0x21: {  	s18 =	sshrl.u32 s18, $0x3  }
0x22: {  	s18 =	sadd.s32 s3, s18  }
0x23: {  	[tilespmem:s9], [sflag:$0x2] =	stream.linear.gather [hbm4b:s18+s15], $0x2000, $0x38;
	[tilespmem:$0x1C080] =	vst v63  }
0x24: {  	_ =	swait.ge [sflag:s10], $0x2000  }
0x25: {  	s31 =	sshll.u32 s16, $0x9;
	[sflag:s10] =	ssyncset.done $0x0  }
0x26: {  	v3 =	vadd.s32 s31, v1;
	s18 =	simm.s32 $0x0;
	[sflag:s10] =	ssyncadd.s32 $0xFFFFE000  }
.LBB2_5:
0x27: {  	s19 =	sshll.u32 s18, $0x7  }
0x28: {  	s21 =	sand.u32 $0x380, s19  }
0x29: {  	v4 =	vmov s21  }
0x2a: {  	s20 =	sshll.u32 s18, $0x9  }
0x2b: {  	p0 =	por $0x1, $0x1;
	s19 =	sand.u32 $0x1000, s20;
	s20 =	simm.s32 $0x0  }
.LBB2_6:
0x2c: {  	s20 =	sshra.s32 s20, $0x2  }
0x2d: {  	s20 =	sadd.s32 s20, s19  }
0x2e: {  	v5 =	vld.idx.msk [tilespmem:v4+s20+$0x0 ss:$0x1], $0xffff;
	_ =	sdelay $0x3  }
0x2f: {  	v6 =	vld.idx.msk [tilespmem:v4+s20+$0x10 ss:$0x1], $0xffff  }
0x30: {  	v7 =	vshra.s32 v5, $0x10  }
0x31: {  	v7 =	vadd.s32 v3, v7  }
0x32: {  	v8 =	vld.idx.msk [tilespmem:v4+s20+$0x20 ss:$0x1], $0xffff  }
0x33: {  	v11 =	vld.idx.msk [tilespmem:v4+s20+$0x30 ss:$0x1], $0xffff  }
0x34: {  	v13 =	vld.idx.msk [tilespmem:v4+s20+$0x40 ss:$0x1], $0xffff;
	v10 =	vshra.s32 v6, $0x10;
	v9 =	vadd.s32 $0x80, v7  }
0x35: {  	v40 =	vld.idx.msk [tilespmem:v4+s20+$0x50 ss:$0x1], $0xffff;
	v10 =	vadd.s32 v3, v10  }
0x36: {  	[tilespmem:v7+s11+$0x0] =	vst.idx.add.f32.msk $0xffff, v2;
	v7 =	vadd.s32 $0x80, v10  }
0x37: {  	v42 =	vld.idx.msk [tilespmem:v4+s20+$0x60 ss:$0x1], $0xffff;
	v12 =	vshra.s32 v8, $0x10  }
0x38: {  	v14 =	vld.idx.msk [tilespmem:v4+s20+$0x70 ss:$0x1], $0xffff;
	v5 =	vshll.u32 v5, $0x10;
	v12 =	vadd.s32 v3, v12  }
0x39: {  	[tilespmem:v9+s11+$0x0] =	vst.idx.add.f32.msk $0xffff, v5;
	v5 =	vadd.s32 $0x80, v12  }
0x3a: {  	v6 =	vshll.u32 v6, $0x10;
	v39 =	vshra.s32 v11, $0x10;
	[tilespmem:v10+s11+$0x0] =	vst.idx.add.f32.msk $0xffff, v2  }
0x3b: {  	[tilespmem:v7+s11+$0x0] =	vst.idx.add.f32.msk $0xffff, v6;
	v6 =	vadd.s32 v3, v39  }
0x3c: {  	v46 =	vld.idx.msk [tilespmem:v4+s20+$0x400 ss:$0x1], $0xffff;
	v41 =	vshra.s32 v13, $0x10;
	v7 =	vadd.s32 $0x80, v6  }
0x3d: {  	v8 =	vshll.u32 v8, $0x10;
	[tilespmem:v12+s11+$0x0] =	vst.idx.add.f32.msk $0xffff, v2;
	v9 =	vadd.s32 v3, v41  }
0x3e: {  	[tilespmem:v5+s11+$0x0] =	vst.idx.add.f32.msk $0xffff, v8;
	v5 =	vadd.s32 $0x80, v9  }
0x3f: {  	v48 =	vld.idx.msk [tilespmem:v4+s20+$0x410 ss:$0x1], $0xffff;
	v43 =	vshra.s32 v40, $0x10  }
0x40: {  	v11 =	vshll.u32 v11, $0x10;
	[tilespmem:v6+s11+$0x0] =	vst.idx.add.f32.msk $0xffff, v2;
	v6 =	vadd.s32 v3, v43  }
0x41: {  	v44 =	vshra.s32 v42, $0x10;
	[tilespmem:v7+s11+$0x0] =	vst.idx.add.f32.msk $0xffff, v11;
	v7 =	vadd.s32 $0x80, v6  }
0x42: {  	v45 =	vshll.u32 v13, $0x10;
	[tilespmem:v9+s11+$0x0] =	vst.idx.add.f32.msk $0xffff, v2;
	v8 =	vadd.s32 v3, v44  }
0x43: {  	[tilespmem:v5+s11+$0x0] =	vst.idx.add.f32.msk $0xffff, v45;
	v5 =	vadd.s32 $0x80, v8  }
0x44: {  	v51 =	vld.idx.msk [tilespmem:v4+s20+$0x420 ss:$0x1], $0xffff;
	v47 =	vshra.s32 v14, $0x10  }
0x45: {  	v10 =	vshll.u32 v40, $0x10;
	[tilespmem:v6+s11+$0x0] =	vst.idx.add.f32.msk $0xffff, v2;
	v6 =	vadd.s32 v3, v47  }
0x46: {  	[tilespmem:v7+s11+$0x0] =	vst.idx.add.f32.msk $0xffff, v10;
	v7 =	vadd.s32 $0x80, v6  }
0x47: {  	v49 =	vshll.u32 v42, $0x10;
	v50 =	vshra.s32 v46, $0x10;
	[tilespmem:v8+s11+$0x0] =	vst.idx.add.f32.msk $0xffff, v2  }
0x48: {  	[tilespmem:v5+s11+$0x0] =	vst.idx.add.f32.msk $0xffff, v49;
	v5 =	vadd.s32 v3, v50  }
0x49: {  	v53 =	vld.idx.msk [tilespmem:v4+s20+$0x440 ss:$0x1], $0xffff;
	v8 =	vadd.s32 $0x80, v5  }
0x4a: {  	[tilespmem:v6+s11+$0x0] =	vst.idx.add.f32.msk $0xffff, v2;
	v6 =	vshll.u32 v14, $0x10  }
0x4b: {  	[tilespmem:v7+s11+$0x0] =	vst.idx.add.f32.msk $0xffff, v6;
	v6 =	vshra.s32 v48, $0x10  }
0x4c: {  	v7 =	vld.idx.msk [tilespmem:v4+s20+$0x430 ss:$0x1], $0xffff;
	v6 =	vadd.s32 v3, v6  }
0x4d: {  	[tilespmem:v5+s11+$0x0] =	vst.idx.add.f32.msk $0xffff, v2;
	v5 =	vshll.u32 v46, $0x10  }
0x4e: {  	[tilespmem:v8+s11+$0x0] =	vst.idx.add.f32.msk $0xffff, v5;
	v5 =	vshra.s32 v51, $0x10  }
0x4f: {  	v58 =	vshra.s32 v53, $0x10;
	v5 =	vadd.s32 v3, v5  }
0x50: {  	v54 =	vld.idx.msk [tilespmem:v4+s20+$0x450 ss:$0x1], $0xffff;
	v11 =	vadd.s32 v3, v58  }
0x51: {  	v52 =	vadd.s32 $0x80, v6;
	v55 =	vshra.s32 v7, $0x10;
	[tilespmem:v6+s11+$0x0] =	vst.idx.add.f32.msk $0xffff, v2;
	v6 =	vadd.s32 $0x80, v5  }
0x52: {  	v56 =	vld.idx.msk [tilespmem:v4+s20+$0x460 ss:$0x1], $0xffff;
	v13 =	vadd.s32 v3, v55  }
0x53: {  	v15 =	vld.idx.msk [tilespmem:v4+s20+$0x470 ss:$0x1], $0xffff;
	v57 =	vadd.s32 $0x80, v13  }
0x54: {  	[tilespmem:v5+s11+$0x0] =	vst.idx.add.f32.msk $0xffff, v2;
	v5 =	vadd.s32 $0x80, v11  }
0x55: {  	v16 =	vshra.s32 v54, $0x10;
	v10 =	vshll.u32 v51, $0x10;
	[tilespmem:v11+s11+$0x0] =	vst.idx.add.f32.msk $0xffff, v2  }
0x56: {  	[tilespmem:v6+s11+$0x0] =	vst.idx.add.f32.msk $0xffff, v10;
	v6 =	vadd.s32 v3, v16  }
0x57: {  	v60 =	vshra.s32 v56, $0x10;
	v7 =	vshll.u32 v7, $0x10;
	[tilespmem:v13+s11+$0x0] =	vst.idx.add.f32.msk $0xffff, v2;
	v59 =	vadd.s32 $0x80, v6  }
0x58: {  	v61 =	vshll.u32 v53, $0x10;
	v63 =	vshra.s32 v15, $0x10;
	[tilespmem:v57+s11+$0x0] =	vst.idx.add.f32.msk $0xffff, v7;
	v7 =	vadd.s32 v3, v60  }
0x59: {  	v9 =	vshll.u32 v48, $0x10;
	[tilespmem:v5+s11+$0x0] =	vst.idx.add.f32.msk $0xffff, v61;
	v5 =	vadd.s32 v3, v63  }
0x5a: {  	[tilespmem:v52+s11+$0x0] =	vst.idx.add.f32.msk $0xffff, v9;
	v62 =	vadd.s32 $0x80, v7  }
0x5b: {  	p1 =	por p0, p0;
	v8 =	vshll.u32 v54, $0x10;
	[tilespmem:v6+s11+$0x0] =	vst.idx.add.f32.msk $0xffff, v2;
	v6 =	vadd.s32 $0x80, v5  }
.Ltmp1:
0x5c: {  	[tilespmem:v59+s11+$0x0] =	vst.idx.add.f32.msk $0xffff, v8;
	(pc) =	sbr.rel @p1 .LBB2_6-.Ltmp1, $4  }
0x5d: {  	[tilespmem:v7+s11+$0x0] =	vst.idx.add.f32.msk $0xffff, v2  }
0x5e: {  	v7 =	vshll.u32 v56, $0x10;
	[tilespmem:v5+s11+$0x0] =	vst.idx.add.f32.msk $0xffff, v2  }
0x5f: {  	v5 =	vshll.u32 v15, $0x10;
	[tilespmem:v62+s11+$0x0] =	vst.idx.add.f32.msk $0xffff, v7  }
0x60: {  	p0 =	por $0x0, $0x0;
	s20 =	simm.s32 $0x2000;
	[tilespmem:v6+s11+$0x0] =	vst.idx.add.f32.msk $0xffff, v5  }
0x61: {  	s18 =	sadd.s32 $0x1, s18  }
0x62: {  	p0 =	sne.s32 s18, $0x10  }
.Ltmp2:
0x63: {  	_ = 	snop;
	(pc) =	sbr.rel @p0 .LBB2_5-.Ltmp2, $1  }
0x64: {  	_ =	sdelay $0x3  }
0x65: {  	s18 =	sshll.u32 s16, $0x13  }
0x66: {  	s18 =	sadd.s32 s6, s18  }
0x67: {  	s18 =	sshrl.u32 s18, $0x3  }
0x68: {  	s19 =	sadd.s32 s3, s18;
	s18 =	simm.s32 $0x0  }
0x69: {  	[tilespmem:s18], [sflag:$0x1] =	stream.linear.gather [hbm4b:s19+s18], $0x2000, $0x38;
	[tilespmem:$0x1C080] =	vst v63  }
0x6a: {  	_ =	swait.ge [sflag:s12], $0x2000  }
0x6b: {  	s17 =	sshll.u32 s17, $0x8;
	[sflag:s12] =	ssyncset.done $0x0  }
0x6c: {  	v3 =	vadd.s32 s17, v1;
	[sflag:s12] =	ssyncadd.s32 $0xFFFFE000  }
.LBB2_9:
0x6d: {  	s19 =	sshll.u32 s18, $0x7  }
0x6e: {  	s19 =	sand.u32 $0x380, s19  }
0x6f: {  	s17 =	sshll.u32 s18, $0x9;
	v4 =	vmov s19  }
0x70: {  	s17 =	sand.u32 $0x1000, s17  }
0x71: {  	p0 =	por $0x1, $0x1;
	s17 =	sor.u32 $0x2000, s17;
	s19 =	simm.s32 $0x0  }
.LBB2_10:
0x72: {  	s19 =	sshra.s32 s19, $0x2  }
0x73: {  	s19 =	sadd.s32 s19, s17  }
0x74: {  	v5 =	vld.idx.msk [tilespmem:v4+s19+$0x0 ss:$0x1], $0xffff;
	_ =	sdelay $0x3  }
0x75: {  	v6 =	vld.idx.msk [tilespmem:v4+s19+$0x10 ss:$0x1], $0xffff  }
0x76: {  	v7 =	vshra.s32 v5, $0x10  }
0x77: {  	v7 =	vadd.s32 v3, v7  }
0x78: {  	v8 =	vld.idx.msk [tilespmem:v4+s19+$0x20 ss:$0x1], $0xffff  }
0x79: {  	v11 =	vld.idx.msk [tilespmem:v4+s19+$0x30 ss:$0x1], $0xffff  }
0x7a: {  	v13 =	vld.idx.msk [tilespmem:v4+s19+$0x40 ss:$0x1], $0xffff;
	v10 =	vshra.s32 v6, $0x10;
	v9 =	vadd.s32 $0x80, v7  }
0x7b: {  	v40 =	vld.idx.msk [tilespmem:v4+s19+$0x50 ss:$0x1], $0xffff;
	v10 =	vadd.s32 v3, v10  }
0x7c: {  	[tilespmem:v7+s11+$0x0] =	vst.idx.add.f32.msk $0xffff, v2;
	v7 =	vadd.s32 $0x80, v10  }
0x7d: {  	v42 =	vld.idx.msk [tilespmem:v4+s19+$0x60 ss:$0x1], $0xffff;
	v12 =	vshra.s32 v8, $0x10  }
0x7e: {  	v14 =	vld.idx.msk [tilespmem:v4+s19+$0x70 ss:$0x1], $0xffff;
	v5 =	vshll.u32 v5, $0x10;
	v12 =	vadd.s32 v3, v12  }
0x7f: {  	[tilespmem:v9+s11+$0x0] =	vst.idx.add.f32.msk $0xffff, v5;
	v5 =	vadd.s32 $0x80, v12  }
0x80: {  	v6 =	vshll.u32 v6, $0x10;
	v39 =	vshra.s32 v11, $0x10;
	[tilespmem:v10+s11+$0x0] =	vst.idx.add.f32.msk $0xffff, v2  }
0x81: {  	[tilespmem:v7+s11+$0x0] =	vst.idx.add.f32.msk $0xffff, v6;
	v6 =	vadd.s32 v3, v39  }
0x82: {  	v46 =	vld.idx.msk [tilespmem:v4+s19+$0x400 ss:$0x1], $0xffff;
	v41 =	vshra.s32 v13, $0x10;
	v7 =	vadd.s32 $0x80, v6  }
0x83: {  	v8 =	vshll.u32 v8, $0x10;
	[tilespmem:v12+s11+$0x0] =	vst.idx.add.f32.msk $0xffff, v2;
	v9 =	vadd.s32 v3, v41  }
0x84: {  	[tilespmem:v5+s11+$0x0] =	vst.idx.add.f32.msk $0xffff, v8;
	v5 =	vadd.s32 $0x80, v9  }
0x85: {  	v48 =	vld.idx.msk [tilespmem:v4+s19+$0x410 ss:$0x1], $0xffff;
	v43 =	vshra.s32 v40, $0x10  }
0x86: {  	v11 =	vshll.u32 v11, $0x10;
	[tilespmem:v6+s11+$0x0] =	vst.idx.add.f32.msk $0xffff, v2;
	v6 =	vadd.s32 v3, v43  }
0x87: {  	v44 =	vshra.s32 v42, $0x10;
	[tilespmem:v7+s11+$0x0] =	vst.idx.add.f32.msk $0xffff, v11;
	v7 =	vadd.s32 $0x80, v6  }
0x88: {  	v45 =	vshll.u32 v13, $0x10;
	[tilespmem:v9+s11+$0x0] =	vst.idx.add.f32.msk $0xffff, v2;
	v8 =	vadd.s32 v3, v44  }
0x89: {  	[tilespmem:v5+s11+$0x0] =	vst.idx.add.f32.msk $0xffff, v45;
	v5 =	vadd.s32 $0x80, v8  }
0x8a: {  	v51 =	vld.idx.msk [tilespmem:v4+s19+$0x420 ss:$0x1], $0xffff;
	v47 =	vshra.s32 v14, $0x10  }
0x8b: {  	v10 =	vshll.u32 v40, $0x10;
	[tilespmem:v6+s11+$0x0] =	vst.idx.add.f32.msk $0xffff, v2;
	v6 =	vadd.s32 v3, v47  }
0x8c: {  	[tilespmem:v7+s11+$0x0] =	vst.idx.add.f32.msk $0xffff, v10;
	v7 =	vadd.s32 $0x80, v6  }
0x8d: {  	v49 =	vshll.u32 v42, $0x10;
	v50 =	vshra.s32 v46, $0x10;
	[tilespmem:v8+s11+$0x0] =	vst.idx.add.f32.msk $0xffff, v2  }
0x8e: {  	[tilespmem:v5+s11+$0x0] =	vst.idx.add.f32.msk $0xffff, v49;
	v5 =	vadd.s32 v3, v50  }
0x8f: {  	v53 =	vld.idx.msk [tilespmem:v4+s19+$0x440 ss:$0x1], $0xffff;
	v8 =	vadd.s32 $0x80, v5  }
0x90: {  	[tilespmem:v6+s11+$0x0] =	vst.idx.add.f32.msk $0xffff, v2;
	v6 =	vshll.u32 v14, $0x10  }
0x91: {  	[tilespmem:v7+s11+$0x0] =	vst.idx.add.f32.msk $0xffff, v6;
	v6 =	vshra.s32 v48, $0x10  }
0x92: {  	v7 =	vld.idx.msk [tilespmem:v4+s19+$0x430 ss:$0x1], $0xffff;
	v6 =	vadd.s32 v3, v6  }
0x93: {  	[tilespmem:v5+s11+$0x0] =	vst.idx.add.f32.msk $0xffff, v2;
	v5 =	vshll.u32 v46, $0x10  }
0x94: {  	[tilespmem:v8+s11+$0x0] =	vst.idx.add.f32.msk $0xffff, v5;
	v5 =	vshra.s32 v51, $0x10  }
0x95: {  	v58 =	vshra.s32 v53, $0x10;
	v5 =	vadd.s32 v3, v5  }
0x96: {  	v54 =	vld.idx.msk [tilespmem:v4+s19+$0x450 ss:$0x1], $0xffff;
	v11 =	vadd.s32 v3, v58  }
0x97: {  	v52 =	vadd.s32 $0x80, v6;
	v55 =	vshra.s32 v7, $0x10;
	[tilespmem:v6+s11+$0x0] =	vst.idx.add.f32.msk $0xffff, v2;
	v6 =	vadd.s32 $0x80, v5  }
0x98: {  	v56 =	vld.idx.msk [tilespmem:v4+s19+$0x460 ss:$0x1], $0xffff;
	v13 =	vadd.s32 v3, v55  }
0x99: {  	v15 =	vld.idx.msk [tilespmem:v4+s19+$0x470 ss:$0x1], $0xffff;
	v57 =	vadd.s32 $0x80, v13  }
0x9a: {  	[tilespmem:v5+s11+$0x0] =	vst.idx.add.f32.msk $0xffff, v2;
	v5 =	vadd.s32 $0x80, v11  }
0x9b: {  	v16 =	vshra.s32 v54, $0x10;
	v10 =	vshll.u32 v51, $0x10;
	[tilespmem:v11+s11+$0x0] =	vst.idx.add.f32.msk $0xffff, v2  }
0x9c: {  	[tilespmem:v6+s11+$0x0] =	vst.idx.add.f32.msk $0xffff, v10;
	v6 =	vadd.s32 v3, v16  }
0x9d: {  	v60 =	vshra.s32 v56, $0x10;
	v7 =	vshll.u32 v7, $0x10;
	[tilespmem:v13+s11+$0x0] =	vst.idx.add.f32.msk $0xffff, v2;
	v59 =	vadd.s32 $0x80, v6  }
0x9e: {  	v61 =	vshll.u32 v53, $0x10;
	v63 =	vshra.s32 v15, $0x10;
	[tilespmem:v57+s11+$0x0] =	vst.idx.add.f32.msk $0xffff, v7;
	v7 =	vadd.s32 v3, v60  }
0x9f: {  	v9 =	vshll.u32 v48, $0x10;
	[tilespmem:v5+s11+$0x0] =	vst.idx.add.f32.msk $0xffff, v61;
	v5 =	vadd.s32 v3, v63  }
0xa0: {  	[tilespmem:v52+s11+$0x0] =	vst.idx.add.f32.msk $0xffff, v9;
	v62 =	vadd.s32 $0x80, v7  }
0xa1: {  	p1 =	por p0, p0;
	v8 =	vshll.u32 v54, $0x10;
	[tilespmem:v6+s11+$0x0] =	vst.idx.add.f32.msk $0xffff, v2;
	v6 =	vadd.s32 $0x80, v5  }
.Ltmp3:
0xa2: {  	[tilespmem:v59+s11+$0x0] =	vst.idx.add.f32.msk $0xffff, v8;
	(pc) =	sbr.rel @p1 .LBB2_10-.Ltmp3, $4  }
0xa3: {  	[tilespmem:v7+s11+$0x0] =	vst.idx.add.f32.msk $0xffff, v2  }
0xa4: {  	v7 =	vshll.u32 v56, $0x10;
	[tilespmem:v5+s11+$0x0] =	vst.idx.add.f32.msk $0xffff, v2  }
0xa5: {  	v5 =	vshll.u32 v15, $0x10;
	[tilespmem:v62+s11+$0x0] =	vst.idx.add.f32.msk $0xffff, v7  }
0xa6: {  	p0 =	por $0x0, $0x0;
	s19 =	simm.s32 $0x2000;
	[tilespmem:v6+s11+$0x0] =	vst.idx.add.f32.msk $0xffff, v5  }
0xa7: {  	s18 =	sadd.s32 $0x1, s18  }
0xa8: {  	p0 =	sne.s32 s18, $0x10  }
.Ltmp4:
0xa9: {  	_ = 	snop;
	(pc) =	sbr.rel @p0 .LBB2_9-.Ltmp4, $1  }
0xaa: {  	_ =	sdelay $0x3  }
0xab: {  	s16 =	sadd.s32 $0x1, s16  }
0xac: {  	p0 =	sne.s32 s16, $0xA  }
.Ltmp5:
0xad: {  	_ = 	snop;
	(pc) =	sbr.rel @p0 .LBB2_4-.Ltmp5, $1  }
0xae: {  	_ =	sdelay $0x3  }
0xaf: {  	_ =	swait.ge [sflag:s10], $0x2000  }
0xb0: {  	[sflag:s10] =	ssyncset.done $0x0  }
0xb1: {  	s15 =	simm.s32 $0x0;
	[sflag:s10] =	ssyncadd.s32 $0xFFFFE000  }
.LBB2_14:
0xb2: {  	s16 =	sshll.u32 s15, $0x7  }
0xb3: {  	s18 =	sand.u32 $0x380, s16  }
0xb4: {  	v3 =	vmov s18  }
0xb5: {  	s17 =	sshll.u32 s15, $0x9  }
0xb6: {  	p0 =	por $0x1, $0x1;
	s16 =	sand.u32 $0x1000, s17;
	s17 =	simm.s32 $0x0  }
.LBB2_15:
0xb7: {  	s17 =	sshra.s32 s17, $0x2  }
0xb8: {  	s17 =	sadd.s32 s17, s16  }
0xb9: {  	v4 =	vld.idx.msk [tilespmem:v3+s17+$0x0 ss:$0x1], $0xffff;
	_ =	sdelay $0x1  }
0xba: {  	v5 =	vld.idx.msk [tilespmem:v3+s17+$0x10 ss:$0x1], $0xffff;
	_ =	sdelay $0x2  }
0xbb: {  	v7 =	vadd.s32 $0x1400, v1;
	v9 =	vld.idx.msk [tilespmem:v3+s17+$0x20 ss:$0x1], $0xffff;
	v6 =	vshra.s32 v4, $0x10  }
0xbc: {  	v10 =	vadd.s32 $0x1480, v1;
	v13 =	vld.idx.msk [tilespmem:v3+s17+$0x30 ss:$0x1], $0xffff;
	v8 =	vadd.s32 v7, v6  }
0xbd: {  	v15 =	vld.idx.msk [tilespmem:v3+s17+$0x40 ss:$0x1], $0xffff;
	v11 =	vshra.s32 v5, $0x10;
	v6 =	vadd.s32 v10, v6  }
0xbe: {  	v29 =	vld.idx.msk [tilespmem:v3+s17+$0x50 ss:$0x1], $0xffff;
	v12 =	vadd.s32 v7, v11  }
0xbf: {  	v32 =	vld.idx.msk [tilespmem:v3+s17+$0x60 ss:$0x1], $0xffff;
	v26 =	vadd.s32 v10, v11  }
0xc0: {  	v34 =	vld.idx.msk [tilespmem:v3+s17+$0x70 ss:$0x1], $0xffff;
	v27 =	vshra.s32 v9, $0x10  }
0xc1: {  	v4 =	vshll.u32 v4, $0x10;
	v14 =	vadd.s32 v7, v27;
	[tilespmem:v8+s11+$0x0] =	vst.idx.add.f32.msk $0xffff, v2  }
0xc2: {  	[tilespmem:v6+s11+$0x0] =	vst.idx.add.f32.msk $0xffff, v4;
	v4 =	vadd.s32 v10, v27  }
0xc3: {  	v5 =	vshll.u32 v5, $0x10;
	v28 =	vshra.s32 v13, $0x10;
	[tilespmem:v12+s11+$0x0] =	vst.idx.add.f32.msk $0xffff, v2  }
0xc4: {  	[tilespmem:v26+s11+$0x0] =	vst.idx.add.f32.msk $0xffff, v5;
	v5 =	vadd.s32 v7, v28  }
0xc5: {  	v39 =	vld.idx.msk [tilespmem:v3+s17+$0x400 ss:$0x1], $0xffff;
	v30 =	vshra.s32 v15, $0x10  }
0xc6: {  	v9 =	vshll.u32 v9, $0x10;
	v31 =	vadd.s32 v7, v30;
	[tilespmem:v14+s11+$0x0] =	vst.idx.add.f32.msk $0xffff, v2  }
0xc7: {  	[tilespmem:v4+s11+$0x0] =	vst.idx.add.f32.msk $0xffff, v9;
	v4 =	vadd.s32 v10, v30  }
0xc8: {  	v42 =	vld.idx.msk [tilespmem:v3+s17+$0x410 ss:$0x1], $0xffff;
	v33 =	vshra.s32 v29, $0x10  }
0xc9: {  	[tilespmem:v5+s11+$0x0] =	vst.idx.add.f32.msk $0xffff, v2;
	v5 =	vadd.s32 v7, v33  }
0xca: {  	v46 =	vld.idx.msk [tilespmem:v3+s17+$0x420 ss:$0x1], $0xffff;
	v36 =	vshra.s32 v32, $0x10  }
0xcb: {  	v37 =	vshll.u32 v15, $0x10;
	v38 =	vadd.s32 v7, v36;
	[tilespmem:v31+s11+$0x0] =	vst.idx.add.f32.msk $0xffff, v2  }
0xcc: {  	[tilespmem:v4+s11+$0x0] =	vst.idx.add.f32.msk $0xffff, v37;
	v4 =	vadd.s32 v10, v36  }
0xcd: {  	v48 =	vld.idx.msk [tilespmem:v3+s17+$0x430 ss:$0x1], $0xffff;
	v40 =	vshra.s32 v34, $0x10  }
0xce: {  	[tilespmem:v5+s11+$0x0] =	vst.idx.add.f32.msk $0xffff, v2;
	v5 =	vadd.s32 v7, v40  }
0xcf: {  	v49 =	vld.idx.msk [tilespmem:v3+s17+$0x440 ss:$0x1], $0xffff;
	v41 =	vadd.s32 v10, v40  }
0xd0: {  	v43 =	vshll.u32 v32, $0x10;
	v44 =	vshra.s32 v39, $0x10;
	[tilespmem:v38+s11+$0x0] =	vst.idx.add.f32.msk $0xffff, v2  }
0xd1: {  	[tilespmem:v4+s11+$0x0] =	vst.idx.add.f32.msk $0xffff, v43;
	v4 =	vadd.s32 v7, v44  }
0xd2: {  	v51 =	vld.idx.msk [tilespmem:v3+s17+$0x450 ss:$0x1], $0xffff;
	v45 =	vadd.s32 v10, v44  }
0xd3: {  	v52 =	vshra.s32 v48, $0x10;
	[tilespmem:v5+s11+$0x0] =	vst.idx.add.f32.msk $0xffff, v2;
	v5 =	vshll.u32 v34, $0x10  }
0xd4: {  	v53 =	vadd.s32 v7, v52;
	[tilespmem:v41+s11+$0x0] =	vst.idx.add.f32.msk $0xffff, v5;
	v5 =	vshra.s32 v42, $0x10  }
0xd5: {  	v17 =	vld.idx.msk [tilespmem:v3+s17+$0x470 ss:$0x1], $0xffff;
	v47 =	vadd.s32 v7, v5  }
0xd6: {  	v5 =	vadd.s32 v10, v5;
	[tilespmem:v4+s11+$0x0] =	vst.idx.add.f32.msk $0xffff, v2;
	v4 =	vshll.u32 v39, $0x10  }
0xd7: {  	v35 =	vadd.s32 v10, v33;
	[tilespmem:v45+s11+$0x0] =	vst.idx.add.f32.msk $0xffff, v4;
	v4 =	vshra.s32 v46, $0x10  }
0xd8: {  	v16 =	vld.idx.msk [tilespmem:v3+s17+$0x460 ss:$0x1], $0xffff;
	v50 =	vadd.s32 v7, v4  }
0xd9: {  	[tilespmem:v53+s11+$0x0] =	vst.idx.add.f32.msk $0xffff, v2;
	v4 =	vadd.s32 v10, v4  }
0xda: {  	v8 =	vshll.u32 v42, $0x10;
	v6 =	vadd.s32 v10, v28;
	[tilespmem:v47+s11+$0x0] =	vst.idx.add.f32.msk $0xffff, v2  }
0xdb: {  	v54 =	vshra.s32 v49, $0x10;
	v11 =	vshll.u32 v29, $0x10;
	[tilespmem:v5+s11+$0x0] =	vst.idx.add.f32.msk $0xffff, v8;
	v5 =	vadd.s32 v10, v52  }
0xdc: {  	v61 =	vshra.s32 v17, $0x10;
	v55 =	vadd.s32 v7, v54;
	[tilespmem:v35+s11+$0x0] =	vst.idx.add.f32.msk $0xffff, v11  }
0xdd: {  	v56 =	vshra.s32 v51, $0x10;
	v62 =	vadd.s32 v7, v61;
	v11 =	vshll.u32 v46, $0x10;
	[tilespmem:v50+s11+$0x0] =	vst.idx.add.f32.msk $0xffff, v2  }
0xde: {  	v13 =	vshll.u32 v13, $0x10;
	[tilespmem:v4+s11+$0x0] =	vst.idx.add.f32.msk $0xffff, v11;
	v4 =	vadd.s32 v7, v56  }
0xdf: {  	v57 =	vshll.u32 v48, $0x10;
	v58 =	vshra.s32 v16, $0x10;
	[tilespmem:v6+s11+$0x0] =	vst.idx.add.f32.msk $0xffff, v13;
	v6 =	vadd.s32 v10, v54  }
0xe0: {  	[tilespmem:v5+s11+$0x0] =	vst.idx.add.f32.msk $0xffff, v57;
	v5 =	vadd.s32 v7, v58  }
0xe1: {  	[tilespmem:v55+s11+$0x0] =	vst.idx.add.f32.msk $0xffff, v2;
	v9 =	vadd.s32 v10, v56  }
0xe2: {  	v60 =	vadd.s32 v10, v58;
	[tilespmem:v62+s11+$0x0] =	vst.idx.add.f32.msk $0xffff, v2  }
0xe3: {  	p1 =	por p0, p0;
	v59 =	vshll.u32 v49, $0x10;
	[tilespmem:v4+s11+$0x0] =	vst.idx.add.f32.msk $0xffff, v2;
	v4 =	vadd.s32 v10, v61  }
.Ltmp6:
0xe4: {  	[tilespmem:v6+s11+$0x0] =	vst.idx.add.f32.msk $0xffff, v59;
	(pc) =	sbr.rel @p1 .LBB2_15-.Ltmp6, $4  }
0xe5: {  	v63 =	vshll.u32 v51, $0x10;
	[tilespmem:v5+s11+$0x0] =	vst.idx.add.f32.msk $0xffff, v2  }
0xe6: {  	v5 =	vshll.u32 v16, $0x10;
	[tilespmem:v9+s11+$0x0] =	vst.idx.add.f32.msk $0xffff, v63  }
0xe7: {  	[tilespmem:v60+s11+$0x0] =	vst.idx.add.f32.msk $0xffff, v5;
	v5 =	vshll.u32 v17, $0x10  }
0xe8: {  	p0 =	por $0x0, $0x0;
	s17 =	simm.s32 $0x2000;
	[tilespmem:v4+s11+$0x0] =	vst.idx.add.f32.msk $0xffff, v5  }
0xe9: {  	s15 =	sadd.s32 $0x1, s15  }
0xea: {  	p0 =	sne.s32 s15, $0x10  }
.Ltmp7:
0xeb: {  	_ = 	snop;
	(pc) =	sbr.rel @p0 .LBB2_14-.Ltmp7, $1  }
0xec: {  	_ =	sdelay $0x3  }
0xed: {  	s15 =	simm.s32 $0x4000  }
0xee: {  	v3 =	vld [tilespmem:s15+$0x10]  }
0xef: {  	v4 =	vld [tilespmem:s15+$0x1811]  }
0xf0: {  	v5 =	vld [tilespmem:s15+$0x1801]  }
0xf1: {  	v6 =	vld [tilespmem:s15+$0x3012]  }
0xf2: {  	v7 =	vld [tilespmem:s15+$0x0]  }
0xf3: {  	v8 =	vld [tilespmem:s15+$0x4813]  }
0xf4: {  	v9 =	vld [tilespmem:s15+$0x3002];
	v3 =	vadd.f32 v4, v3  }
0xf5: {  	v4 =	vld [tilespmem:s15+$0x6014]  }
0xf6: {  	v10 =	vld [tilespmem:s15+$0x4803];
	v3 =	vadd.f32 v6, v3  }
0xf7: {  	v5 =	vadd.f32 v5, v7;
	v6 =	vld [tilespmem:s15+$0x7815]  }
0xf8: {  	v7 =	vld [tilespmem:s15+$0x6004];
	v3 =	vadd.f32 v8, v3  }
0xf9: {  	v5 =	vadd.f32 v9, v5;
	v8 =	vld [tilespmem:s15+$0x9016]  }
0xfa: {  	v9 =	vld [tilespmem:s15+$0x7805];
	v3 =	vadd.f32 v4, v3  }
0xfb: {  	v4 =	vadd.f32 v10, v5;
	v5 =	vld [tilespmem:s15+$0xA817]  }
0xfc: {  	v10 =	vld [tilespmem:s15+$0x9006];
	v3 =	vadd.f32 v6, v3  }
0xfd: {  	v4 =	vadd.f32 v7, v4;
	v6 =	vld [tilespmem:s15+$0xC018]  }
0xfe: {  	v7 =	vld [tilespmem:s15+$0xA807];
	v3 =	vadd.f32 v8, v3  }
0xff: {  	v4 =	vadd.f32 v9, v4;
	v8 =	vld [tilespmem:s15+$0xD819]  }
0x100: {  	v9 =	vld [tilespmem:s15+$0xC008];
	v3 =	vadd.f32 v5, v3  }
0x101: {  	v4 =	vadd.f32 v10, v4;
	v5 =	vld [tilespmem:s15+$0xF01A]  }
0x102: {  	v10 =	vld [tilespmem:s15+$0xD809];
	v3 =	vadd.f32 v6, v3  }
0x103: {  	v4 =	vadd.f32 v7, v4;
	v6 =	vld [tilespmem:s15+$0x1081B]  }
0x104: {  	v7 =	vld [tilespmem:s15+$0xF00A];
	v3 =	vadd.f32 v8, v3  }
0x105: {  	v4 =	vadd.f32 v9, v4;
	v8 =	vld [tilespmem:s15+$0x1201C]  }
0x106: {  	v9 =	vld [tilespmem:s15+$0x1080B];
	v3 =	vadd.f32 v5, v3  }
0x107: {  	v4 =	vadd.f32 v10, v4;
	v10 =	vld [tilespmem:s15+$0x1381D]  }
0x108: {  	v11 =	vld [tilespmem:s15+$0x1200C];
	v5 =	vadd.f32 v6, v3  }
0x109: {  	v6 =	vadd.f32 v7, v4;
	v3 =	vld [tilespmem:s15+$0x1501E]  }
0x10a: {  	v4 =	vld [tilespmem:s15+$0x1380D];
	v7 =	vadd.f32 v8, v5  }
0x10b: {  	v9 =	vadd.f32 v9, v6;
	v5 =	vld [tilespmem:s15+$0x1681F]  }
0x10c: {  	v6 =	vld [tilespmem:s15+$0x1500E];
	v8 =	vadd.f32 v10, v7  }
0x10d: {  	s16 =	simm.s32 $0x0;
	s17 =	simm.s32 $0x4020;
	v9 =	vadd.f32 v11, v9;
	v7 =	vld [tilespmem:s15+$0x1680F]  }
.LBB2_18:
0x10e: {  	v10 =	vld [tilespmem:s17+$0x10];
	v3 =	vadd.f32 v3, v8  }
0x10f: {  	s16 =	sadd.s32 $0x2, s16;
	v8 =	vld [tilespmem:s17+$0x1811];
	v4 =	vadd.f32 v4, v9  }
0x110: {  	p0 =	slt.u32 s16, $0x17E;
	v9 =	vld [tilespmem:s17+$0x1801];
	v3 =	vadd.f32 v5, v3  }
0x111: {  	v5 =	vld [tilespmem:s17+$0x3012];
	v4 =	vadd.f32 v6, v4  }
0x112: {  	v6 =	vld [tilespmem:s17+$0x0];
	[tilespmem:s15+$0x10] =	vst v3  }
0x113: {  	v3 =	vld [tilespmem:s17+$0x4813];
	v4 =	vadd.f32 v7, v4  }
0x114: {  	v7 =	vld [tilespmem:s17+$0x3002];
	v8 =	vadd.f32 v8, v10  }
0x115: {  	v10 =	vld [tilespmem:s17+$0x6014];
	[tilespmem:s15+$0x0] =	vst v4;
	s15 =	smov.u32 s17  }
0x116: {  	v4 =	vld [tilespmem:s17+$0x4803];
	v5 =	vadd.f32 v5, v8  }
0x117: {  	v6 =	vadd.f32 v9, v6;
	v8 =	vld [tilespmem:s17+$0x7815]  }
0x118: {  	v9 =	vld [tilespmem:s17+$0x6004];
	v3 =	vadd.f32 v3, v5  }
0x119: {  	v5 =	vadd.f32 v7, v6;
	v6 =	vld [tilespmem:s17+$0x9016]  }
0x11a: {  	v7 =	vld [tilespmem:s17+$0x7805];
	v3 =	vadd.f32 v10, v3  }
0x11b: {  	v4 =	vadd.f32 v4, v5;
	v5 =	vld [tilespmem:s17+$0xA817]  }
0x11c: {  	v10 =	vld [tilespmem:s17+$0x9006];
	v3 =	vadd.f32 v8, v3  }
0x11d: {  	v4 =	vadd.f32 v9, v4;
	v8 =	vld [tilespmem:s17+$0xC018]  }
0x11e: {  	v9 =	vld [tilespmem:s17+$0xA807];
	v3 =	vadd.f32 v6, v3  }
0x11f: {  	v4 =	vadd.f32 v7, v4;
	v6 =	vld [tilespmem:s17+$0xD819]  }
0x120: {  	v7 =	vld [tilespmem:s17+$0xC008];
	v3 =	vadd.f32 v5, v3  }
0x121: {  	v4 =	vadd.f32 v10, v4;
	v5 =	vld [tilespmem:s17+$0xF01A]  }
0x122: {  	v10 =	vld [tilespmem:s17+$0xD809];
	v3 =	vadd.f32 v8, v3  }
0x123: {  	v4 =	vadd.f32 v9, v4;
	v8 =	vld [tilespmem:s17+$0x1081B]  }
0x124: {  	v9 =	vld [tilespmem:s17+$0xF00A];
	v3 =	vadd.f32 v6, v3  }
0x125: {  	v4 =	vadd.f32 v7, v4;
	v6 =	vld [tilespmem:s17+$0x1201C]  }
0x126: {  	v7 =	vld [tilespmem:s17+$0x1080B];
	v3 =	vadd.f32 v5, v3  }
0x127: {  	v4 =	vadd.f32 v10, v4;
	v10 =	vld [tilespmem:s17+$0x1381D]  }
0x128: {  	v11 =	vld [tilespmem:s17+$0x1200C];
	v5 =	vadd.f32 v8, v3  }
.Ltmp8:
0x129: {  	v8 =	vadd.f32 v9, v4;
	v3 =	vld [tilespmem:s17+$0x1501E];
	(pc) =	sbr.rel @p0 .LBB2_18-.Ltmp8, $4  }
0x12a: {  	v4 =	vld [tilespmem:s17+$0x1380D];
	v9 =	vadd.f32 v6, v5  }
0x12b: {  	v7 =	vadd.f32 v7, v8;
	v5 =	vld [tilespmem:s17+$0x1681F]  }
0x12c: {  	v6 =	vld [tilespmem:s17+$0x1500E];
	v8 =	vadd.f32 v10, v9  }
0x12d: {  	s17 =	sadd.s32 $0x20, s17;
	v9 =	vadd.f32 v11, v7;
	v7 =	vld [tilespmem:s15+$0x1680F]  }
0x12e: {  	_ = 	snop  }
0x12f: {  	v4 =	vadd.f32 v4, v9  }
0x130: {  	v3 =	vadd.f32 v3, v8  }
0x131: {  	v4 =	vadd.f32 v6, v4  }
0x132: {  	v3 =	vadd.f32 v5, v3  }
0x133: {  	s14 =	sadd.s32 $0x1, s14;
	v4 =	vadd.f32 v7, v4  }
0x134: {  	p0 =	sne.s32 s14, s8;
	[tilespmem:s15+$0x10] =	vst v3  }
.Ltmp9:
0x135: {  	[tilespmem:s15+$0x0] =	vst v4;
	(pc) =	sbr.rel @p0 .LBB2_1-.Ltmp9, $4  }
0x136: {  	[hbm4b:s7+s2] =	stream.linear.scatter [tilespmem:s11], [sflag:$0x3], $0x1800, $0x38;
	[tilespmem:$0x1C080] =	vst v63  }
0x137: {  	_ =	swait.ge [sflag:s13], $0x1800  }
0x138: {  	[sflag:s13] =	ssyncset.done $0x0  }
0x139: {  	[sflag:s13] =	ssyncadd.s32 $0xFFFFE800  }
0x13a: {  	_ =	sfence.sel $0x180000  }
0x13b: {  	[bflag:$0x0] =	sbarrier.arrive $0xFFFF  }
0x13c: {  	p0 =	sne.s32 s0, $0x0;
	_ =	strace $0x9000004D  }
0x13d: {  	s0 =	sadd.s32 @!p0 $0x100000, s1;
	[bflag:$0x2] =	sbarrier.arrive $0xFFFF  }
0x13e: {  	[sflag:s0] =	ssyncadd.tile.s32 @!p0 $0x1;
	_ =	shalt  }
.Lfunc_end2:
_tile_overlayer_lowered:
.L_overlay_start_2:
0x13f: {  	(tag) =	ssettag $0x2  }
0x140: {  	s0 =	rddreg [dreg:$0x0];
	s2 =	stileid.u32  }
0x141: {  	s1 =	rddreg [dreg:$0x1];
	p0 =	sne.s32 s2, $0x0  }
0x142: {  	s3 =	rddreg [dreg:$0x2];
	[bflag:$0x3] =	sbarrier.arrive $0xFFFF;
	s2 =	simm.s32 @!p0 $0x1C03  }
0x143: {  	[timem:s3], [sflag:s2] =	dma.local @!p0 [hbm:s0], s1  }
0x144: {  	s0 =	simm.s32 @!p0 $0x3  }
0x145: {  	_ =	swait.ge @!p0 [sflag:s0], s1  }
0x146: {  	s1 =	ssub.s32 @!p0 $0x0, s1;
	[sflag:s0] =	ssyncset.done @!p0 $0x0  }
0x147: {  	[sflag:s0] =	ssyncadd.s32 @!p0 s1  }
0x148: {  	[bflag:$0x3] =	sbarrier.arrive $0xFFFF  }
0x149: {  	_ =	shalt  }

// kernel: kernel.17.cloned.1.call-start
scs
__scs_entry_jumppad:
0x0: {  	(pc) =	sbr.rel $0x88, $3  }
0x1: {  	(tag) =	ssettag $0x0;
	lr =	simm.s32 $0x1  }
0x2: {  	[smem:$0x3F9F] =	sst lr;
	_ =	strace $0xD0000000  }
0x3: {  	_ = 	snop  }
0x4: {  	_ = 	snop  }
0x5: {  	_ = 	snop  }
0x6: {  	_ = 	snop  }
0x7: {  	_ = 	snop  }
__scs_overlays_trampoline_lowered:
0x8: {  	[smem:$0x3FAE] =	sst s0  }
0x9: {  	[smem:$0x3FAF] =	sst s1  }
0xa: {  	[smem:$0x3FB0] =	sst s2  }
0xb: {  	[smem:$0x3FB1] =	sst s3  }
0xc: {  	[smem:$0x3FB2] =	sst s4  }
0xd: {  	[smem:$0x3FB3] =	sst s5  }
0xe: {  	[smem:$0x3FB4] =	sst s6  }
0xf: {  	[smem:$0x3FB5] =	sst s7  }
0x10: {  	[smem:$0x3FB6] =	sst s8  }
0x11: {  	[smem:$0x3FB7] =	sst s9;
	s0 =	simm.s32 @!p0 $0x0  }
0x12: {  	s1 =	sld [smem:$0x3F9D];
	s0 =	simm.s32 @p0 $0x1  }
0x13: {  	[smem:$0x3FB8] =	sst s0;
	s0 =	simm.s32 @!p1 $0x0  }
0x14: {  	s2 =	sld [smem:$0x3F9C];
	s0 =	simm.s32 @p1 $0x1  }
0x15: {  	[smem:$0x3FB9] =	sst s0;
	s0 =	simm.s32 @!p2 $0x0  }
0x16: {  	s3 =	sld [smem:$0x3FDB];
	s0 =	simm.s32 @p2 $0x1  }
0x17: {  	s4 =	simm.s32 $0x1BF5;
	[smem:$0x3FBB] =	sst s0  }
0x18: {  	s0 =	sld [smem:$0x3F9E];
	_ =	swait.ge [sflag:s4], $0x0  }
0x19: {  	s7 =	sld [smem:$0x3F9F]  }
0x1a: {  	s8 =	sadd.s32 $0xFFFFE003, lr  }
0x1b: {  	s9 =	sadd.s32 $0xFFFFFEF7, lr;
	s5 =	simm.s32 $0xFFFFFFFF;
	p2 =	slt.u32 s8, $0xFFFFF086  }
0x1c: {  	p1 =	slt.u32 s9, $0xF7A;
	s5 =	simm.s32 @!p2 $0x0  }
0x1d: {  	s5 =	simm.s32 @p1 $0x1;
	p0 =	seq.s32 s7, s2  }
0x1e: {  	s7 =	smul.u32 @!p0 $0xF7A, s2;
	p2 =	seq.s32 @!p0 s5, $0x0  }
0x1f: {  	s9 =	smul.u32 $0xF7A, s1;
	s8 =	simm.s32 @!p0 $0x1BF5;
	p2 =	por !p2, p0  }
0x20: {  	[sflag:s8] =	ssyncset.s32 @!p0 $0xFFFFF086;
	s6 =	sadd.s32 @!p0 s3, s7;
	s7 =	simm.s32 @!p0 $0x108  }
0x21: {  	s3 =	sadd.s32 s3, s9;
	s6 =	sadd.s32 @!p0 $0x88, s6;
	s7 =	simm.s32 @p2 $0x1082  }
0x22: {  	[simem:s7], [sflag:s8] =	dma.local @!p0 [hbm:s6], $0xF7A  }
0x23: {  	s9 =	sor.u32 $0xD0000000, s2;
	s6 =	simm.s32 $0x108;
	_ =	swait.ge @!p0 [sflag:s8], $0x0  }
0x24: {  	s3 =	sadd.s32 $0x88, s3;
	s6 =	simm.s32 @!p1 $0x1082;
	[sflag:s4] =	ssyncset.s32 $0xFFFFF086  }
0x25: {  	[simem:s6], [sflag:s4] =	dma.local [hbm:s3], $0xF7A  }
0x26: {  	[smem:$0x3F9F] =	sst s1;
	(tag) =	ssettag s2;
	_ =	strace s9  }
0x27: {  	s1 =	sld [smem:$0x3FAF]  }
0x28: {  	s2 =	sld [smem:$0x3FB0]  }
0x29: {  	s4 =	sld [smem:$0x3FB2]  }
0x2a: {  	p0 =	seq.s32 s5, $0x0;
	s5 =	sld [smem:$0x3FB3]  }
0x2b: {  	s6 =	sld [smem:$0x3FB4]  }
0x2c: {  	s7 =	sld [smem:$0x3FB5]  }
0x2d: {  	s3 =	simm.s32 $0x108;
	s8 =	sld [smem:$0x3FB6]  }
0x2e: {  	s3 =	simm.s32 @!p0 $0x1082;
	s9 =	sld [smem:$0x3FB7]  }
0x2f: {  	lr =	sadd.s32 s0, s3;
	s0 =	sld [smem:$0x3FAE]  }
0x30: {  	s3 =	sld [smem:$0x3FB1]  }
0x31: {  	[smem:$0x3FBA] =	sst s10  }
0x32: {  	s10 =	sld [smem:$0x3FB8];
	_ =	sdelay $0x3  }
0x33: {  	p0 =	seq.s32 s10, $0x1;
	s10 =	sld [smem:$0x3FBA];
	_ =	sdelay $0x3  }
0x34: {  	[smem:$0x3FBA] =	sst s10  }
0x35: {  	s10 =	sld [smem:$0x3FB9];
	_ =	sdelay $0x3  }
0x36: {  	p1 =	seq.s32 s10, $0x1;
	s10 =	sld [smem:$0x3FBA];
	_ =	sdelay $0x3  }
0x37: {  	[smem:$0x3FBA] =	sst s10  }
0x38: {  	s10 =	sld [smem:$0x3FBB]  }
0x39: {  	_ = 	snop;
	(pc) =	sbr.ind lr, $3  }
0x3a: {  	_ = 	snop  }
0x3b: {  	_ = 	snop  }
0x3c: {  	p2 =	seq.s32 s10, $0x1;
	s10 =	sld [smem:$0x3FBA]  }
0x3d: {  	_ =	shalt  }
0x3e: {  	_ =	shalt  }
0x3f: {  	_ =	shalt  }
0x40: {  	_ =	shalt  }
0x41: {  	_ =	shalt  }
0x42: {  	_ =	shalt  }
0x43: {  	_ =	shalt  }
0x44: {  	_ =	shalt  }
0x45: {  	_ =	shalt  }
0x46: {  	_ =	shalt  }
0x47: {  	_ =	shalt  }
0x48: {  	_ =	shalt  }
0x49: {  	_ =	shalt  }
0x4a: {  	_ =	shalt  }
0x4b: {  	_ =	shalt  }
0x4c: {  	_ =	shalt  }
0x4d: {  	_ =	shalt  }
0x4e: {  	_ =	shalt  }
0x4f: {  	_ =	shalt  }
0x50: {  	_ =	shalt  }
0x51: {  	_ =	shalt  }
0x52: {  	_ =	shalt  }
0x53: {  	_ =	shalt  }
0x54: {  	_ =	shalt  }
0x55: {  	_ =	shalt  }
0x56: {  	_ =	shalt  }
0x57: {  	_ =	shalt  }
0x58: {  	_ =	shalt  }
0x59: {  	_ =	shalt  }
0x5a: {  	_ =	shalt  }
0x5b: {  	_ =	shalt  }
0x5c: {  	_ =	shalt  }
0x5d: {  	_ =	shalt  }
0x5e: {  	_ =	shalt  }
0x5f: {  	_ =	shalt  }
0x60: {  	_ =	shalt  }
0x61: {  	_ =	shalt  }
0x62: {  	_ =	shalt  }
0x63: {  	_ =	shalt  }
0x64: {  	_ =	shalt  }
0x65: {  	_ =	shalt  }
0x66: {  	_ =	shalt  }
0x67: {  	_ =	shalt  }
0x68: {  	_ =	shalt  }
0x69: {  	_ =	shalt  }
0x6a: {  	_ =	shalt  }
0x6b: {  	_ =	shalt  }
0x6c: {  	_ =	shalt  }
0x6d: {  	_ =	shalt  }
0x6e: {  	_ =	shalt  }
0x6f: {  	_ =	shalt  }
0x70: {  	_ =	shalt  }
0x71: {  	_ =	shalt  }
0x72: {  	_ =	shalt  }
0x73: {  	_ =	shalt  }
0x74: {  	_ =	shalt  }
0x75: {  	_ =	shalt  }
0x76: {  	_ =	shalt  }
0x77: {  	_ =	shalt  }
0x78: {  	_ =	shalt  }
0x79: {  	_ =	shalt  }
0x7a: {  	_ =	shalt  }
0x7b: {  	_ =	shalt  }
0x7c: {  	_ =	shalt  }
0x7d: {  	_ =	shalt  }
0x7e: {  	_ =	shalt  }
0x7f: {  	_ =	shalt  }
0x80: {  	_ =	shalt  }
0x81: {  	_ =	shalt  }
0x82: {  	_ =	shalt  }
0x83: {  	_ =	shalt  }
0x84: {  	_ =	shalt  }
0x85: {  	_ =	shalt  }
0x86: {  	_ =	shalt  }
0x87: {  	_ =	shalt  }
.Lfunc_end0:
.L_simem_size_0:
called_computation.2_lowered:
.L_overlay_start_0:
0x88: {  	s2 =	sld [smem:$0x3FD9]  }
0x89: {  	s3 =	sld [smem:$0x3FFE];
	_ =	sdelay $0x1  }
0x8a: {  	s1 =	srdreg.scid  }
0x8b: {  	s0 =	sand.u32 $0x1, s1  }
0x8c: {  	s17 =	sshll.u32 s0, $0xA;
	s2 =	sadd.s32 s3, s2  }
0x8d: {  	s2 =	sadd.s32 s2, s17  }
0x8e: {  	[smem:$0x3FC6] =	sst s2  }
0x8f: {  	_ = 	snop  }
0x90: {  	(tm) =	ssettm $0x1  }
0x91: {  	s18 =	sld [smem:$0x3FFB];
	_ =	sdelay $0x3  }
0x92: {  	_ =	strace s18  }
0x93: {  	s2 =	sld [smem:$0x3FFC];
	_ =	sdelay $0x3  }
0x94: {  	_ =	strace s2  }
0x95: {  	s2 =	sld [smem:$0x3FFD];
	_ =	sdelay $0x3  }
0x96: {  	_ =	strace s2  }
0x97: {  	_ =	strace $0x8FFFFFFF  }
0x98: {  	s19 =	sld [smem:$0x3FDB];
	_ =	sdelay $0x1  }
0x99: {  	s20 =	simm.s32 $_scs_section_size  }
0x9a: {  	s4 =	simm.s32 $_size__tile_overlayer_lowered;
	s5 =	simm.s32 $_tile_overlayer_lowered  }
0x9b: {  	s6 =	simm.s32 $0x1BFF;
	s21 =	sshll.u32 s5, $0x1;
	s3 =	sadd.s32 s20, s19  }
0x9c: {  	s22 =	simm.s32 $0x0;
	s4 =	sshll.u32 s4, $0x1;
	s5 =	sadd.s32 s21, s3  }
0x9d: {  	[timem:s22], [sflag:s6] =	dma.local [hbm:s5], s4  }
0x9e: {  	_ =	swait.ge [sflag:s6], s4  }
0x9f: {  	s4 =	ssub.s32 $0x0, s4;
	[sflag:s6] =	ssyncset.done $0x0  }
0xa0: {  	[sflag:s6] =	ssyncadd.s32 s4;
	_ =	sdelay $0x1  }
0xa1: {  	s23 =	simm.s32 $0x1B8B  }
0xa2: {  	_ =	swait.ge [sflag:s23], $0x1  }
0xa3: {  	[sflag:s23] =	ssyncset.done $0x0  }
0xa4: {  	[sflag:s23] =	ssyncadd.s32 $0xFFFFFFFF  }
0xa5: {  	s4 =	sld [smem:$0x0]  }
0xa6: {  	s5 =	sand.u32 $0xFFFFFFFE, s1  }
0xa7: {  	p0 =	sne.s32 s1, s5  }
0xa8: {  	s5 =	sshll.u32 @p0 s5, $0xE  }
0xa9: {  	s5 =	sadd.s32 @p0 $0x11B8D, s5;
	s6 =	sshll.u32 @p0 s4, $0x11  }
0xaa: {  	s5 =	sor.u32 @p0 s6, s5  }
0xab: {  	[sflag:s5] =	ssyncadd.remote.s32 @p0 $0x1;
	_ =	sdelay $0x1  }
0xac: {  	s5 =	simm.s32 @p0 $0x1B8D  }
0xad: {  	_ =	swait.eq @p0 [sflag:s5], $0x1  }
0xae: {  	[sflag:s5] =	ssyncadd.s32 @p0 $0xFFFFFFFF  }
0xaf: {  	s6 =	sshll.u32 @!p0 s1, $0xE  }
0xb0: {  	s6 =	sor.u32 @!p0 $0x4000, s6;
	s5 =	simm.s32 @!p0 $0x1B8D  }
0xb1: {  	s4 =	sshll.u32 @!p0 s4, $0x11;
	s6 =	sadd.s32 @!p0 $0x11B8D, s6;
	_ =	swait.eq @!p0 [sflag:s5], $0x1  }
0xb2: {  	s4 =	sor.u32 @!p0 s4, s6;
	[sflag:s5] =	ssyncadd.s32 @!p0 $0xFFFFFFFF  }
0xb3: {  	s25 =	simm.s32 $0x1B8E;
	s24 =	sld [smem:$0x3FFE];
	[sflag:s4] =	ssyncadd.remote.s32 @!p0 $0x1  }
0xb4: {  	s26 =	simm.s32 $execute0_lowered;
	[smem:$0x3FD2] =	sst s25  }
0xb5: {  	s5 =	sshll.u32 s26, $0x1;
	_ =	strace $0x80000049;
	[dreg:$0x1] =	wrdreg $0xFFFFFFFF  }
0xb6: {  	s28 =	simm.s32 $_size_execute0_lowered;
	s3 =	sadd.s32 s3, s5;
	[dreg:$0x0] =	wrdreg $0x0  }
0xb7: {  	s5 =	sshll.u32 s28, $0x1;
	[dreg:$0x2] =	wrdreg s3  }
0xb8: {  	[dreg:$0x3] =	wrdreg s5  }
0xb9: {  	[dreg:$0x4] =	wrdreg $0xC0  }
0xba: {  	_ =	task [dreg:s22], $0x5FFFF  }
0xbb: {  	[dreg:$0x1] =	wrdreg $0xFFFFFFFF  }
0xbc: {  	[dreg:$0x0] =	wrdreg $0x60  }
0xbd: {  	[dreg:$0x2] =	wrdreg s24  }
0xbe: {  	[dreg:$0x3] =	wrdreg $0xB  }
0xbf: {  	_ =	task.clear_ibuf [dreg:s22], $0x4FFFF;
	_ =	strace $0x90000049  }
0xc0: {  	s29 =	simm.s32 $0xB;
	_ =	strace $0x8000004B  }
0xc1: {  	_ =	swait.ge [sflag:s29], $0x1  }
0xc2: {  	[sflag:s29] =	ssyncadd.s32 $0xFFFFFFFF  }
0xc3: {  	_ =	strace $0x9000004B  }
0xc4: {  	_ =	sfence  }
0xc5: {  	s30 =	sld [smem:$0x0];
	_ =	sdelay $0x2  }
0xc6: {  	s31 =	sshll.u32 s1, $0xD;
	s1 =	sshrl.u32 s1, $0x2  }
0xc7: {  	s4 =	sand.u32 $0x4000, s31;
	s1 =	sadd.s32 s1, s30  }
0xc8: {  	s0 =	sor.u32 s4, s0;
	s1 =	sshll.u32 s1, $0x11  }
0xc9: {  	s0 =	sor.u32 s1, s0  }
0xca: {  	s0 =	sadd.s32 $0x8F2B, s0  }
0xcb: {  	[sflag:s0] =	ssyncadd.remote.s32 $0x1  }
0xcc: {  	_ =	sfence.sel $0xFFFF  }
0xcd: {  	[dreg:$0x0] =	wrdreg $0xFFFFFFFF;
	(pc) =	sbr.abs _section_cstart, $3  }
0xce: {  	[dreg:$0x1] =	wrdreg $0xFFFFFFFF  }
0xcf: {  	_ =	task.clear_ibuf [dreg:s22], $0x2FFFF;
	_ =	strace $0x9FFFFFFF  }
0xd0: {  	(tm) =	ssettm $0x7FFFFFFF  }
0xd1: {  	_ =	shalt  }
tec
execute0_lowered:
.L_overlay_start_1:
0x0: {  	(tag) =	ssettag $0x1  }
0x1: {  	s1 =	srdreg.scid  }
0x2: {  	s0 =	stileid.u32;
	s4 =	rddreg [dreg:$0x0];
	s2 =	simm.s32 $0x0  }
0x3: {  	s10 =	simm.s32 $0x1;
	s11 =	simm.s32 $0x4000;
	s12 =	simm.s32 $0x2  }
0x4: {  	s13 =	simm.s32 $0x3;
	s5 =	sand.u32 $0x1, s1;
	s1 =	rddreg [dreg:$0x1]  }
0x5: {  	s14 =	simm.s32 $0x0;
	s3 =	sshll.u32 s0, $0x1;
	[smem:$0x7FF] =	sst s2  }
0x6: {  	s6 =	sor.u32 s5, s3;
	s3 =	sadd.s32 $0xAF200, s4;
	s5 =	ssub.s32 $0x2, s5  }
0x7: {  	s7 =	smul.u32 $0x300, s6;
	s31 =	sshrl.u32 s5, $0x1;
	s8 =	sshll.u32 s6, $0xA  }
0x8: {  	_ =	strace $0x8000004A;
	s9 =	ssub.s32 s5, s31;
	s5 =	sadd.s32 s3, s8  }
0x9: {  	v1 =	vlaneseq.u32;
	s7 =	sadd.s32 s7, s4;
	s4 =	sshll.u32 s6, $0xD;
	s8 =	smax.u32 s9, $0x1  }
0xa: {  	v0 =	vimm.f32 $0.0e+00;
	v2 =	vimm.f32 $1.000000000e+00;
	v1 =	vmul.u32 $0x1801, v1;
	s9 =	simm.s32 $0x2000;
	s6 =	sor.u32 $0x80000, s4;
	s7 =	sadd.s32 $0x157200, s7  }
.LBB2_1:
0xb: {  	s15 =	simm.s32 $0x4040  }
0xc: {  	[tilespmem:s15+$0xFFFFFFC0] =	vst v0  }
0xd: {  	[tilespmem:s15+$0x30] =	vst v0  }
0xe: {  	[tilespmem:s15+$0x20] =	vst v0  }
0xf: {  	[tilespmem:s15+$0x10] =	vst v0  }
0x10: {  	[tilespmem:s15+$0x0] =	vst v0  }
0x11: {  	[tilespmem:s15+$0xFFFFFFF0] =	vst v0  }
0x12: {  	s16 =	simm.s32 $0x0;
	[tilespmem:s15+$0xFFFFFFE0] =	vst v0  }
.LBB2_2:
0x13: {  	s16 =	sadd.s32 $0x8, s16;
	[tilespmem:s15+$0xFFFFFFD0] =	vst v0;
	s15 =	sadd.s32 $0x80, s15  }
0x14: {  	[tilespmem:s15+$0xFFFFFFC0] =	vst v0;
	p0 =	slt.u32 s16, $0x17F8  }
0x15: {  	[tilespmem:s15+$0x30] =	vst v0  }
.Ltmp0:
0x16: {  	[tilespmem:s15+$0x20] =	vst v0;
	(pc) =	sbr.rel @p0 .LBB2_2-.Ltmp0, $4  }
0x17: {  	[tilespmem:s15+$0x10] =	vst v0  }
0x18: {  	[tilespmem:s15+$0x0] =	vst v0  }
0x19: {  	[tilespmem:s15+$0xFFFFFFF0] =	vst v0  }
0x1a: {  	[tilespmem:s15+$0xFFFFFFE0] =	vst v0  }
0x1b: {  	[tilespmem:s15+$0xFFFFFFD0] =	vst v0  }
0x1c: {  	s15 =	simm.s32 $0x0;
	s16 =	simm.s32 $0x0;
	[tilespmem:$0x1C000] =	vst v0  }
0x1d: {  	[tilespmem:s15], [sflag:$0x1] =	stream.linear.gather [hbm4b:s5+s15], $0x2000, $0x38;
	[tilespmem:$0x1C080] =	vst v63  }
.LBB2_4:
0x1e: {  	s17 =	sshllo.u32 s16, $0x1  }
0x1f: {  	s18 =	sshll.u32 s17, $0x12  }
0x20: {  	s18 =	sor.u32 s4, s18  }
0x21: {  	s18 =	sshrl.u32 s18, $0x3  }
0x22: {  	s18 =	sadd.s32 s3, s18  }
0x23: {  	[tilespmem:s9], [sflag:$0x2] =	stream.linear.gather [hbm4b:s18+s15], $0x2000, $0x38;
	[tilespmem:$0x1C080] =	vst v63  }
0x24: {  	_ =	swait.ge [sflag:s10], $0x2000  }
0x25: {  	s31 =	sshll.u32 s16, $0x9;
	[sflag:s10] =	ssyncset.done $0x0  }
0x26: {  	v3 =	vadd.s32 s31, v1;
	s18 =	simm.s32 $0x0;
	[sflag:s10] =	ssyncadd.s32 $0xFFFFE000  }
.LBB2_5:
0x27: {  	s19 =	sshll.u32 s18, $0x7  }
0x28: {  	s21 =	sand.u32 $0x380, s19  }
0x29: {  	v4 =	vmov s21  }
0x2a: {  	s20 =	sshll.u32 s18, $0x9  }
0x2b: {  	p0 =	por $0x1, $0x1;
	s19 =	sand.u32 $0x1000, s20;
	s20 =	simm.s32 $0x0  }
.LBB2_6:
0x2c: {  	s20 =	sshra.s32 s20, $0x2  }
0x2d: {  	s20 =	sadd.s32 s20, s19  }
0x2e: {  	v5 =	vld.idx.msk [tilespmem:v4+s20+$0x0 ss:$0x1], $0xffff;
	_ =	sdelay $0x3  }
0x2f: {  	v6 =	vld.idx.msk [tilespmem:v4+s20+$0x10 ss:$0x1], $0xffff  }
0x30: {  	v7 =	vshra.s32 v5, $0x10  }
0x31: {  	v7 =	vadd.s32 v3, v7  }
0x32: {  	v8 =	vld.idx.msk [tilespmem:v4+s20+$0x20 ss:$0x1], $0xffff  }
0x33: {  	v11 =	vld.idx.msk [tilespmem:v4+s20+$0x30 ss:$0x1], $0xffff  }
0x34: {  	v13 =	vld.idx.msk [tilespmem:v4+s20+$0x40 ss:$0x1], $0xffff;
	v10 =	vshra.s32 v6, $0x10;
	v9 =	vadd.s32 $0x80, v7  }
0x35: {  	v40 =	vld.idx.msk [tilespmem:v4+s20+$0x50 ss:$0x1], $0xffff;
	v10 =	vadd.s32 v3, v10  }
0x36: {  	[tilespmem:v7+s11+$0x0] =	vst.idx.add.f32.msk $0xffff, v2;
	v7 =	vadd.s32 $0x80, v10  }
0x37: {  	v42 =	vld.idx.msk [tilespmem:v4+s20+$0x60 ss:$0x1], $0xffff;
	v12 =	vshra.s32 v8, $0x10  }
0x38: {  	v14 =	vld.idx.msk [tilespmem:v4+s20+$0x70 ss:$0x1], $0xffff;
	v5 =	vshll.u32 v5, $0x10;
	v12 =	vadd.s32 v3, v12  }
0x39: {  	[tilespmem:v9+s11+$0x0] =	vst.idx.add.f32.msk $0xffff, v5;
	v5 =	vadd.s32 $0x80, v12  }
0x3a: {  	v6 =	vshll.u32 v6, $0x10;
	v39 =	vshra.s32 v11, $0x10;
	[tilespmem:v10+s11+$0x0] =	vst.idx.add.f32.msk $0xffff, v2  }
0x3b: {  	[tilespmem:v7+s11+$0x0] =	vst.idx.add.f32.msk $0xffff, v6;
	v6 =	vadd.s32 v3, v39  }
0x3c: {  	v46 =	vld.idx.msk [tilespmem:v4+s20+$0x400 ss:$0x1], $0xffff;
	v41 =	vshra.s32 v13, $0x10;
	v7 =	vadd.s32 $0x80, v6  }
0x3d: {  	v8 =	vshll.u32 v8, $0x10;
	[tilespmem:v12+s11+$0x0] =	vst.idx.add.f32.msk $0xffff, v2;
	v9 =	vadd.s32 v3, v41  }
0x3e: {  	[tilespmem:v5+s11+$0x0] =	vst.idx.add.f32.msk $0xffff, v8;
	v5 =	vadd.s32 $0x80, v9  }
0x3f: {  	v48 =	vld.idx.msk [tilespmem:v4+s20+$0x410 ss:$0x1], $0xffff;
	v43 =	vshra.s32 v40, $0x10  }
0x40: {  	v11 =	vshll.u32 v11, $0x10;
	[tilespmem:v6+s11+$0x0] =	vst.idx.add.f32.msk $0xffff, v2;
	v6 =	vadd.s32 v3, v43  }
0x41: {  	v44 =	vshra.s32 v42, $0x10;
	[tilespmem:v7+s11+$0x0] =	vst.idx.add.f32.msk $0xffff, v11;
	v7 =	vadd.s32 $0x80, v6  }
0x42: {  	v45 =	vshll.u32 v13, $0x10;
	[tilespmem:v9+s11+$0x0] =	vst.idx.add.f32.msk $0xffff, v2;
	v8 =	vadd.s32 v3, v44  }
0x43: {  	[tilespmem:v5+s11+$0x0] =	vst.idx.add.f32.msk $0xffff, v45;
	v5 =	vadd.s32 $0x80, v8  }
0x44: {  	v51 =	vld.idx.msk [tilespmem:v4+s20+$0x420 ss:$0x1], $0xffff;
	v47 =	vshra.s32 v14, $0x10  }
0x45: {  	v10 =	vshll.u32 v40, $0x10;
	[tilespmem:v6+s11+$0x0] =	vst.idx.add.f32.msk $0xffff, v2;
	v6 =	vadd.s32 v3, v47  }
0x46: {  	[tilespmem:v7+s11+$0x0] =	vst.idx.add.f32.msk $0xffff, v10;
	v7 =	vadd.s32 $0x80, v6  }
0x47: {  	v49 =	vshll.u32 v42, $0x10;
	v50 =	vshra.s32 v46, $0x10;
	[tilespmem:v8+s11+$0x0] =	vst.idx.add.f32.msk $0xffff, v2  }
0x48: {  	[tilespmem:v5+s11+$0x0] =	vst.idx.add.f32.msk $0xffff, v49;
	v5 =	vadd.s32 v3, v50  }
0x49: {  	v53 =	vld.idx.msk [tilespmem:v4+s20+$0x440 ss:$0x1], $0xffff;
	v8 =	vadd.s32 $0x80, v5  }
0x4a: {  	[tilespmem:v6+s11+$0x0] =	vst.idx.add.f32.msk $0xffff, v2;
	v6 =	vshll.u32 v14, $0x10  }
0x4b: {  	[tilespmem:v7+s11+$0x0] =	vst.idx.add.f32.msk $0xffff, v6;
	v6 =	vshra.s32 v48, $0x10  }
0x4c: {  	v7 =	vld.idx.msk [tilespmem:v4+s20+$0x430 ss:$0x1], $0xffff;
	v6 =	vadd.s32 v3, v6  }
0x4d: {  	[tilespmem:v5+s11+$0x0] =	vst.idx.add.f32.msk $0xffff, v2;
	v5 =	vshll.u32 v46, $0x10  }
0x4e: {  	[tilespmem:v8+s11+$0x0] =	vst.idx.add.f32.msk $0xffff, v5;
	v5 =	vshra.s32 v51, $0x10  }
0x4f: {  	v58 =	vshra.s32 v53, $0x10;
	v5 =	vadd.s32 v3, v5  }
0x50: {  	v54 =	vld.idx.msk [tilespmem:v4+s20+$0x450 ss:$0x1], $0xffff;
	v11 =	vadd.s32 v3, v58  }
0x51: {  	v52 =	vadd.s32 $0x80, v6;
	v55 =	vshra.s32 v7, $0x10;
	[tilespmem:v6+s11+$0x0] =	vst.idx.add.f32.msk $0xffff, v2;
	v6 =	vadd.s32 $0x80, v5  }
0x52: {  	v56 =	vld.idx.msk [tilespmem:v4+s20+$0x460 ss:$0x1], $0xffff;
	v13 =	vadd.s32 v3, v55  }
0x53: {  	v15 =	vld.idx.msk [tilespmem:v4+s20+$0x470 ss:$0x1], $0xffff;
	v57 =	vadd.s32 $0x80, v13  }
0x54: {  	[tilespmem:v5+s11+$0x0] =	vst.idx.add.f32.msk $0xffff, v2;
	v5 =	vadd.s32 $0x80, v11  }
0x55: {  	v16 =	vshra.s32 v54, $0x10;
	v10 =	vshll.u32 v51, $0x10;
	[tilespmem:v11+s11+$0x0] =	vst.idx.add.f32.msk $0xffff, v2  }
0x56: {  	[tilespmem:v6+s11+$0x0] =	vst.idx.add.f32.msk $0xffff, v10;
	v6 =	vadd.s32 v3, v16  }
0x57: {  	v60 =	vshra.s32 v56, $0x10;
	v7 =	vshll.u32 v7, $0x10;
	[tilespmem:v13+s11+$0x0] =	vst.idx.add.f32.msk $0xffff, v2;
	v59 =	vadd.s32 $0x80, v6  }
0x58: {  	v61 =	vshll.u32 v53, $0x10;
	v63 =	vshra.s32 v15, $0x10;
	[tilespmem:v57+s11+$0x0] =	vst.idx.add.f32.msk $0xffff, v7;
	v7 =	vadd.s32 v3, v60  }
0x59: {  	v9 =	vshll.u32 v48, $0x10;
	[tilespmem:v5+s11+$0x0] =	vst.idx.add.f32.msk $0xffff, v61;
	v5 =	vadd.s32 v3, v63  }
0x5a: {  	[tilespmem:v52+s11+$0x0] =	vst.idx.add.f32.msk $0xffff, v9;
	v62 =	vadd.s32 $0x80, v7  }
0x5b: {  	p1 =	por p0, p0;
	v8 =	vshll.u32 v54, $0x10;
	[tilespmem:v6+s11+$0x0] =	vst.idx.add.f32.msk $0xffff, v2;
	v6 =	vadd.s32 $0x80, v5  }
.Ltmp1:
0x5c: {  	[tilespmem:v59+s11+$0x0] =	vst.idx.add.f32.msk $0xffff, v8;
	(pc) =	sbr.rel @p1 .LBB2_6-.Ltmp1, $4  }
0x5d: {  	[tilespmem:v7+s11+$0x0] =	vst.idx.add.f32.msk $0xffff, v2  }
0x5e: {  	v7 =	vshll.u32 v56, $0x10;
	[tilespmem:v5+s11+$0x0] =	vst.idx.add.f32.msk $0xffff, v2  }
0x5f: {  	v5 =	vshll.u32 v15, $0x10;
	[tilespmem:v62+s11+$0x0] =	vst.idx.add.f32.msk $0xffff, v7  }
0x60: {  	p0 =	por $0x0, $0x0;
	s20 =	simm.s32 $0x2000;
	[tilespmem:v6+s11+$0x0] =	vst.idx.add.f32.msk $0xffff, v5  }
0x61: {  	s18 =	sadd.s32 $0x1, s18  }
0x62: {  	p0 =	sne.s32 s18, $0x10  }
.Ltmp2:
0x63: {  	_ = 	snop;
	(pc) =	sbr.rel @p0 .LBB2_5-.Ltmp2, $1  }
0x64: {  	_ =	sdelay $0x3  }
0x65: {  	s18 =	sshll.u32 s16, $0x13  }
0x66: {  	s18 =	sadd.s32 s6, s18  }
0x67: {  	s18 =	sshrl.u32 s18, $0x3  }
0x68: {  	s19 =	sadd.s32 s3, s18;
	s18 =	simm.s32 $0x0  }
0x69: {  	[tilespmem:s18], [sflag:$0x1] =	stream.linear.gather [hbm4b:s19+s18], $0x2000, $0x38;
	[tilespmem:$0x1C080] =	vst v63  }
0x6a: {  	_ =	swait.ge [sflag:s12], $0x2000  }
0x6b: {  	s17 =	sshll.u32 s17, $0x8;
	[sflag:s12] =	ssyncset.done $0x0  }
0x6c: {  	v3 =	vadd.s32 s17, v1;
	[sflag:s12] =	ssyncadd.s32 $0xFFFFE000  }
.LBB2_9:
0x6d: {  	s19 =	sshll.u32 s18, $0x7  }
0x6e: {  	s19 =	sand.u32 $0x380, s19  }
0x6f: {  	s17 =	sshll.u32 s18, $0x9;
	v4 =	vmov s19  }
0x70: {  	s17 =	sand.u32 $0x1000, s17  }
0x71: {  	p0 =	por $0x1, $0x1;
	s17 =	sor.u32 $0x2000, s17;
	s19 =	simm.s32 $0x0  }
.LBB2_10:
0x72: {  	s19 =	sshra.s32 s19, $0x2  }
0x73: {  	s19 =	sadd.s32 s19, s17  }
0x74: {  	v5 =	vld.idx.msk [tilespmem:v4+s19+$0x0 ss:$0x1], $0xffff;
	_ =	sdelay $0x3  }
0x75: {  	v6 =	vld.idx.msk [tilespmem:v4+s19+$0x10 ss:$0x1], $0xffff  }
0x76: {  	v7 =	vshra.s32 v5, $0x10  }
0x77: {  	v7 =	vadd.s32 v3, v7  }
0x78: {  	v8 =	vld.idx.msk [tilespmem:v4+s19+$0x20 ss:$0x1], $0xffff  }
0x79: {  	v11 =	vld.idx.msk [tilespmem:v4+s19+$0x30 ss:$0x1], $0xffff  }
0x7a: {  	v13 =	vld.idx.msk [tilespmem:v4+s19+$0x40 ss:$0x1], $0xffff;
	v10 =	vshra.s32 v6, $0x10;
	v9 =	vadd.s32 $0x80, v7  }
0x7b: {  	v40 =	vld.idx.msk [tilespmem:v4+s19+$0x50 ss:$0x1], $0xffff;
	v10 =	vadd.s32 v3, v10  }
0x7c: {  	[tilespmem:v7+s11+$0x0] =	vst.idx.add.f32.msk $0xffff, v2;
	v7 =	vadd.s32 $0x80, v10  }
0x7d: {  	v42 =	vld.idx.msk [tilespmem:v4+s19+$0x60 ss:$0x1], $0xffff;
	v12 =	vshra.s32 v8, $0x10  }
0x7e: {  	v14 =	vld.idx.msk [tilespmem:v4+s19+$0x70 ss:$0x1], $0xffff;
	v5 =	vshll.u32 v5, $0x10;
	v12 =	vadd.s32 v3, v12  }
0x7f: {  	[tilespmem:v9+s11+$0x0] =	vst.idx.add.f32.msk $0xffff, v5;
	v5 =	vadd.s32 $0x80, v12  }
0x80: {  	v6 =	vshll.u32 v6, $0x10;
	v39 =	vshra.s32 v11, $0x10;
	[tilespmem:v10+s11+$0x0] =	vst.idx.add.f32.msk $0xffff, v2  }
0x81: {  	[tilespmem:v7+s11+$0x0] =	vst.idx.add.f32.msk $0xffff, v6;
	v6 =	vadd.s32 v3, v39  }
0x82: {  	v46 =	vld.idx.msk [tilespmem:v4+s19+$0x400 ss:$0x1], $0xffff;
	v41 =	vshra.s32 v13, $0x10;
	v7 =	vadd.s32 $0x80, v6  }
0x83: {  	v8 =	vshll.u32 v8, $0x10;
	[tilespmem:v12+s11+$0x0] =	vst.idx.add.f32.msk $0xffff, v2;
	v9 =	vadd.s32 v3, v41  }
0x84: {  	[tilespmem:v5+s11+$0x0] =	vst.idx.add.f32.msk $0xffff, v8;
	v5 =	vadd.s32 $0x80, v9  }
0x85: {  	v48 =	vld.idx.msk [tilespmem:v4+s19+$0x410 ss:$0x1], $0xffff;
	v43 =	vshra.s32 v40, $0x10  }
0x86: {  	v11 =	vshll.u32 v11, $0x10;
	[tilespmem:v6+s11+$0x0] =	vst.idx.add.f32.msk $0xffff, v2;
	v6 =	vadd.s32 v3, v43  }
0x87: {  	v44 =	vshra.s32 v42, $0x10;
	[tilespmem:v7+s11+$0x0] =	vst.idx.add.f32.msk $0xffff, v11;
	v7 =	vadd.s32 $0x80, v6  }
0x88: {  	v45 =	vshll.u32 v13, $0x10;
	[tilespmem:v9+s11+$0x0] =	vst.idx.add.f32.msk $0xffff, v2;
	v8 =	vadd.s32 v3, v44  }
0x89: {  	[tilespmem:v5+s11+$0x0] =	vst.idx.add.f32.msk $0xffff, v45;
	v5 =	vadd.s32 $0x80, v8  }
0x8a: {  	v51 =	vld.idx.msk [tilespmem:v4+s19+$0x420 ss:$0x1], $0xffff;
	v47 =	vshra.s32 v14, $0x10  }
0x8b: {  	v10 =	vshll.u32 v40, $0x10;
	[tilespmem:v6+s11+$0x0] =	vst.idx.add.f32.msk $0xffff, v2;
	v6 =	vadd.s32 v3, v47  }
0x8c: {  	[tilespmem:v7+s11+$0x0] =	vst.idx.add.f32.msk $0xffff, v10;
	v7 =	vadd.s32 $0x80, v6  }
0x8d: {  	v49 =	vshll.u32 v42, $0x10;
	v50 =	vshra.s32 v46, $0x10;
	[tilespmem:v8+s11+$0x0] =	vst.idx.add.f32.msk $0xffff, v2  }
0x8e: {  	[tilespmem:v5+s11+$0x0] =	vst.idx.add.f32.msk $0xffff, v49;
	v5 =	vadd.s32 v3, v50  }
0x8f: {  	v53 =	vld.idx.msk [tilespmem:v4+s19+$0x440 ss:$0x1], $0xffff;
	v8 =	vadd.s32 $0x80, v5  }
0x90: {  	[tilespmem:v6+s11+$0x0] =	vst.idx.add.f32.msk $0xffff, v2;
	v6 =	vshll.u32 v14, $0x10  }
0x91: {  	[tilespmem:v7+s11+$0x0] =	vst.idx.add.f32.msk $0xffff, v6;
	v6 =	vshra.s32 v48, $0x10  }
0x92: {  	v7 =	vld.idx.msk [tilespmem:v4+s19+$0x430 ss:$0x1], $0xffff;
	v6 =	vadd.s32 v3, v6  }
0x93: {  	[tilespmem:v5+s11+$0x0] =	vst.idx.add.f32.msk $0xffff, v2;
	v5 =	vshll.u32 v46, $0x10  }
0x94: {  	[tilespmem:v8+s11+$0x0] =	vst.idx.add.f32.msk $0xffff, v5;
	v5 =	vshra.s32 v51, $0x10  }
0x95: {  	v58 =	vshra.s32 v53, $0x10;
	v5 =	vadd.s32 v3, v5  }
0x96: {  	v54 =	vld.idx.msk [tilespmem:v4+s19+$0x450 ss:$0x1], $0xffff;
	v11 =	vadd.s32 v3, v58  }
0x97: {  	v52 =	vadd.s32 $0x80, v6;
	v55 =	vshra.s32 v7, $0x10;
	[tilespmem:v6+s11+$0x0] =	vst.idx.add.f32.msk $0xffff, v2;
	v6 =	vadd.s32 $0x80, v5  }
0x98: {  	v56 =	vld.idx.msk [tilespmem:v4+s19+$0x460 ss:$0x1], $0xffff;
	v13 =	vadd.s32 v3, v55  }
0x99: {  	v15 =	vld.idx.msk [tilespmem:v4+s19+$0x470 ss:$0x1], $0xffff;
	v57 =	vadd.s32 $0x80, v13  }
0x9a: {  	[tilespmem:v5+s11+$0x0] =	vst.idx.add.f32.msk $0xffff, v2;
	v5 =	vadd.s32 $0x80, v11  }
0x9b: {  	v16 =	vshra.s32 v54, $0x10;
	v10 =	vshll.u32 v51, $0x10;
	[tilespmem:v11+s11+$0x0] =	vst.idx.add.f32.msk $0xffff, v2  }
0x9c: {  	[tilespmem:v6+s11+$0x0] =	vst.idx.add.f32.msk $0xffff, v10;
	v6 =	vadd.s32 v3, v16  }
0x9d: {  	v60 =	vshra.s32 v56, $0x10;
	v7 =	vshll.u32 v7, $0x10;
	[tilespmem:v13+s11+$0x0] =	vst.idx.add.f32.msk $0xffff, v2;
	v59 =	vadd.s32 $0x80, v6  }
0x9e: {  	v61 =	vshll.u32 v53, $0x10;
	v63 =	vshra.s32 v15, $0x10;
	[tilespmem:v57+s11+$0x0] =	vst.idx.add.f32.msk $0xffff, v7;
	v7 =	vadd.s32 v3, v60  }
0x9f: {  	v9 =	vshll.u32 v48, $0x10;
	[tilespmem:v5+s11+$0x0] =	vst.idx.add.f32.msk $0xffff, v61;
	v5 =	vadd.s32 v3, v63  }
0xa0: {  	[tilespmem:v52+s11+$0x0] =	vst.idx.add.f32.msk $0xffff, v9;
	v62 =	vadd.s32 $0x80, v7  }
0xa1: {  	p1 =	por p0, p0;
	v8 =	vshll.u32 v54, $0x10;
	[tilespmem:v6+s11+$0x0] =	vst.idx.add.f32.msk $0xffff, v2;
	v6 =	vadd.s32 $0x80, v5  }
.Ltmp3:
0xa2: {  	[tilespmem:v59+s11+$0x0] =	vst.idx.add.f32.msk $0xffff, v8;
	(pc) =	sbr.rel @p1 .LBB2_10-.Ltmp3, $4  }
0xa3: {  	[tilespmem:v7+s11+$0x0] =	vst.idx.add.f32.msk $0xffff, v2  }
0xa4: {  	v7 =	vshll.u32 v56, $0x10;
	[tilespmem:v5+s11+$0x0] =	vst.idx.add.f32.msk $0xffff, v2  }
0xa5: {  	v5 =	vshll.u32 v15, $0x10;
	[tilespmem:v62+s11+$0x0] =	vst.idx.add.f32.msk $0xffff, v7  }
0xa6: {  	p0 =	por $0x0, $0x0;
	s19 =	simm.s32 $0x2000;
	[tilespmem:v6+s11+$0x0] =	vst.idx.add.f32.msk $0xffff, v5  }
0xa7: {  	s18 =	sadd.s32 $0x1, s18  }
0xa8: {  	p0 =	sne.s32 s18, $0x10  }
.Ltmp4:
0xa9: {  	_ = 	snop;
	(pc) =	sbr.rel @p0 .LBB2_9-.Ltmp4, $1  }
0xaa: {  	_ =	sdelay $0x3  }
0xab: {  	s16 =	sadd.s32 $0x1, s16  }
0xac: {  	p0 =	sne.s32 s16, $0xA  }
.Ltmp5:
0xad: {  	_ = 	snop;
	(pc) =	sbr.rel @p0 .LBB2_4-.Ltmp5, $1  }
0xae: {  	_ =	sdelay $0x3  }
0xaf: {  	_ =	swait.ge [sflag:s10], $0x2000  }
0xb0: {  	[sflag:s10] =	ssyncset.done $0x0  }
0xb1: {  	s15 =	simm.s32 $0x0;
	[sflag:s10] =	ssyncadd.s32 $0xFFFFE000  }
.LBB2_14:
0xb2: {  	s16 =	sshll.u32 s15, $0x7  }
0xb3: {  	s18 =	sand.u32 $0x380, s16  }
0xb4: {  	v3 =	vmov s18  }
0xb5: {  	s17 =	sshll.u32 s15, $0x9  }
0xb6: {  	p0 =	por $0x1, $0x1;
	s16 =	sand.u32 $0x1000, s17;
	s17 =	simm.s32 $0x0  }
.LBB2_15:
0xb7: {  	s17 =	sshra.s32 s17, $0x2  }
0xb8: {  	s17 =	sadd.s32 s17, s16  }
0xb9: {  	v4 =	vld.idx.msk [tilespmem:v3+s17+$0x0 ss:$0x1], $0xffff;
	_ =	sdelay $0x1  }
0xba: {  	v5 =	vld.idx.msk [tilespmem:v3+s17+$0x10 ss:$0x1], $0xffff;
	_ =	sdelay $0x2  }
0xbb: {  	v7 =	vadd.s32 $0x1400, v1;
	v9 =	vld.idx.msk [tilespmem:v3+s17+$0x20 ss:$0x1], $0xffff;
	v6 =	vshra.s32 v4, $0x10  }
0xbc: {  	v10 =	vadd.s32 $0x1480, v1;
	v13 =	vld.idx.msk [tilespmem:v3+s17+$0x30 ss:$0x1], $0xffff;
	v8 =	vadd.s32 v7, v6  }
0xbd: {  	v15 =	vld.idx.msk [tilespmem:v3+s17+$0x40 ss:$0x1], $0xffff;
	v11 =	vshra.s32 v5, $0x10;
	v6 =	vadd.s32 v10, v6  }
0xbe: {  	v29 =	vld.idx.msk [tilespmem:v3+s17+$0x50 ss:$0x1], $0xffff;
	v12 =	vadd.s32 v7, v11  }
0xbf: {  	v32 =	vld.idx.msk [tilespmem:v3+s17+$0x60 ss:$0x1], $0xffff;
	v26 =	vadd.s32 v10, v11  }
0xc0: {  	v34 =	vld.idx.msk [tilespmem:v3+s17+$0x70 ss:$0x1], $0xffff;
	v27 =	vshra.s32 v9, $0x10  }
0xc1: {  	v4 =	vshll.u32 v4, $0x10;
	v14 =	vadd.s32 v7, v27;
	[tilespmem:v8+s11+$0x0] =	vst.idx.add.f32.msk $0xffff, v2  }
0xc2: {  	[tilespmem:v6+s11+$0x0] =	vst.idx.add.f32.msk $0xffff, v4;
	v4 =	vadd.s32 v10, v27  }
0xc3: {  	v5 =	vshll.u32 v5, $0x10;
	v28 =	vshra.s32 v13, $0x10;
	[tilespmem:v12+s11+$0x0] =	vst.idx.add.f32.msk $0xffff, v2  }
0xc4: {  	[tilespmem:v26+s11+$0x0] =	vst.idx.add.f32.msk $0xffff, v5;
	v5 =	vadd.s32 v7, v28  }
0xc5: {  	v39 =	vld.idx.msk [tilespmem:v3+s17+$0x400 ss:$0x1], $0xffff;
	v30 =	vshra.s32 v15, $0x10  }
0xc6: {  	v9 =	vshll.u32 v9, $0x10;
	v31 =	vadd.s32 v7, v30;
	[tilespmem:v14+s11+$0x0] =	vst.idx.add.f32.msk $0xffff, v2  }
0xc7: {  	[tilespmem:v4+s11+$0x0] =	vst.idx.add.f32.msk $0xffff, v9;
	v4 =	vadd.s32 v10, v30  }
0xc8: {  	v42 =	vld.idx.msk [tilespmem:v3+s17+$0x410 ss:$0x1], $0xffff;
	v33 =	vshra.s32 v29, $0x10  }
0xc9: {  	[tilespmem:v5+s11+$0x0] =	vst.idx.add.f32.msk $0xffff, v2;
	v5 =	vadd.s32 v7, v33  }
0xca: {  	v46 =	vld.idx.msk [tilespmem:v3+s17+$0x420 ss:$0x1], $0xffff;
	v36 =	vshra.s32 v32, $0x10  }
0xcb: {  	v37 =	vshll.u32 v15, $0x10;
	v38 =	vadd.s32 v7, v36;
	[tilespmem:v31+s11+$0x0] =	vst.idx.add.f32.msk $0xffff, v2  }
0xcc: {  	[tilespmem:v4+s11+$0x0] =	vst.idx.add.f32.msk $0xffff, v37;
	v4 =	vadd.s32 v10, v36  }
0xcd: {  	v48 =	vld.idx.msk [tilespmem:v3+s17+$0x430 ss:$0x1], $0xffff;
	v40 =	vshra.s32 v34, $0x10  }
0xce: {  	[tilespmem:v5+s11+$0x0] =	vst.idx.add.f32.msk $0xffff, v2;
	v5 =	vadd.s32 v7, v40  }
0xcf: {  	v49 =	vld.idx.msk [tilespmem:v3+s17+$0x440 ss:$0x1], $0xffff;
	v41 =	vadd.s32 v10, v40  }
0xd0: {  	v43 =	vshll.u32 v32, $0x10;
	v44 =	vshra.s32 v39, $0x10;
	[tilespmem:v38+s11+$0x0] =	vst.idx.add.f32.msk $0xffff, v2  }
0xd1: {  	[tilespmem:v4+s11+$0x0] =	vst.idx.add.f32.msk $0xffff, v43;
	v4 =	vadd.s32 v7, v44  }
0xd2: {  	v51 =	vld.idx.msk [tilespmem:v3+s17+$0x450 ss:$0x1], $0xffff;
	v45 =	vadd.s32 v10, v44  }
0xd3: {  	v52 =	vshra.s32 v48, $0x10;
	[tilespmem:v5+s11+$0x0] =	vst.idx.add.f32.msk $0xffff, v2;
	v5 =	vshll.u32 v34, $0x10  }
0xd4: {  	v53 =	vadd.s32 v7, v52;
	[tilespmem:v41+s11+$0x0] =	vst.idx.add.f32.msk $0xffff, v5;
	v5 =	vshra.s32 v42, $0x10  }
0xd5: {  	v17 =	vld.idx.msk [tilespmem:v3+s17+$0x470 ss:$0x1], $0xffff;
	v47 =	vadd.s32 v7, v5  }
0xd6: {  	v5 =	vadd.s32 v10, v5;
	[tilespmem:v4+s11+$0x0] =	vst.idx.add.f32.msk $0xffff, v2;
	v4 =	vshll.u32 v39, $0x10  }
0xd7: {  	v35 =	vadd.s32 v10, v33;
	[tilespmem:v45+s11+$0x0] =	vst.idx.add.f32.msk $0xffff, v4;
	v4 =	vshra.s32 v46, $0x10  }
0xd8: {  	v16 =	vld.idx.msk [tilespmem:v3+s17+$0x460 ss:$0x1], $0xffff;
	v50 =	vadd.s32 v7, v4  }
0xd9: {  	[tilespmem:v53+s11+$0x0] =	vst.idx.add.f32.msk $0xffff, v2;
	v4 =	vadd.s32 v10, v4  }
0xda: {  	v8 =	vshll.u32 v42, $0x10;
	v6 =	vadd.s32 v10, v28;
	[tilespmem:v47+s11+$0x0] =	vst.idx.add.f32.msk $0xffff, v2  }
0xdb: {  	v54 =	vshra.s32 v49, $0x10;
	v11 =	vshll.u32 v29, $0x10;
	[tilespmem:v5+s11+$0x0] =	vst.idx.add.f32.msk $0xffff, v8;
	v5 =	vadd.s32 v10, v52  }
0xdc: {  	v61 =	vshra.s32 v17, $0x10;
	v55 =	vadd.s32 v7, v54;
	[tilespmem:v35+s11+$0x0] =	vst.idx.add.f32.msk $0xffff, v11  }
0xdd: {  	v56 =	vshra.s32 v51, $0x10;
	v62 =	vadd.s32 v7, v61;
	v11 =	vshll.u32 v46, $0x10;
	[tilespmem:v50+s11+$0x0] =	vst.idx.add.f32.msk $0xffff, v2  }
0xde: {  	v13 =	vshll.u32 v13, $0x10;
	[tilespmem:v4+s11+$0x0] =	vst.idx.add.f32.msk $0xffff, v11;
	v4 =	vadd.s32 v7, v56  }
0xdf: {  	v57 =	vshll.u32 v48, $0x10;
	v58 =	vshra.s32 v16, $0x10;
	[tilespmem:v6+s11+$0x0] =	vst.idx.add.f32.msk $0xffff, v13;
	v6 =	vadd.s32 v10, v54  }
0xe0: {  	[tilespmem:v5+s11+$0x0] =	vst.idx.add.f32.msk $0xffff, v57;
	v5 =	vadd.s32 v7, v58  }
0xe1: {  	[tilespmem:v55+s11+$0x0] =	vst.idx.add.f32.msk $0xffff, v2;
	v9 =	vadd.s32 v10, v56  }
0xe2: {  	v60 =	vadd.s32 v10, v58;
	[tilespmem:v62+s11+$0x0] =	vst.idx.add.f32.msk $0xffff, v2  }
0xe3: {  	p1 =	por p0, p0;
	v59 =	vshll.u32 v49, $0x10;
	[tilespmem:v4+s11+$0x0] =	vst.idx.add.f32.msk $0xffff, v2;
	v4 =	vadd.s32 v10, v61  }
.Ltmp6:
0xe4: {  	[tilespmem:v6+s11+$0x0] =	vst.idx.add.f32.msk $0xffff, v59;
	(pc) =	sbr.rel @p1 .LBB2_15-.Ltmp6, $4  }
0xe5: {  	v63 =	vshll.u32 v51, $0x10;
	[tilespmem:v5+s11+$0x0] =	vst.idx.add.f32.msk $0xffff, v2  }
0xe6: {  	v5 =	vshll.u32 v16, $0x10;
	[tilespmem:v9+s11+$0x0] =	vst.idx.add.f32.msk $0xffff, v63  }
0xe7: {  	[tilespmem:v60+s11+$0x0] =	vst.idx.add.f32.msk $0xffff, v5;
	v5 =	vshll.u32 v17, $0x10  }
0xe8: {  	p0 =	por $0x0, $0x0;
	s17 =	simm.s32 $0x2000;
	[tilespmem:v4+s11+$0x0] =	vst.idx.add.f32.msk $0xffff, v5  }
0xe9: {  	s15 =	sadd.s32 $0x1, s15  }
0xea: {  	p0 =	sne.s32 s15, $0x10  }
.Ltmp7:
0xeb: {  	_ = 	snop;
	(pc) =	sbr.rel @p0 .LBB2_14-.Ltmp7, $1  }
0xec: {  	_ =	sdelay $0x3  }
0xed: {  	s15 =	simm.s32 $0x4000  }
0xee: {  	v3 =	vld [tilespmem:s15+$0x10]  }
0xef: {  	v4 =	vld [tilespmem:s15+$0x1811]  }
0xf0: {  	v5 =	vld [tilespmem:s15+$0x1801]  }
0xf1: {  	v6 =	vld [tilespmem:s15+$0x3012]  }
0xf2: {  	v7 =	vld [tilespmem:s15+$0x0]  }
0xf3: {  	v8 =	vld [tilespmem:s15+$0x4813]  }
0xf4: {  	v9 =	vld [tilespmem:s15+$0x3002];
	v3 =	vadd.f32 v4, v3  }
0xf5: {  	v4 =	vld [tilespmem:s15+$0x6014]  }
0xf6: {  	v10 =	vld [tilespmem:s15+$0x4803];
	v3 =	vadd.f32 v6, v3  }
0xf7: {  	v5 =	vadd.f32 v5, v7;
	v6 =	vld [tilespmem:s15+$0x7815]  }
0xf8: {  	v7 =	vld [tilespmem:s15+$0x6004];
	v3 =	vadd.f32 v8, v3  }
0xf9: {  	v5 =	vadd.f32 v9, v5;
	v8 =	vld [tilespmem:s15+$0x9016]  }
0xfa: {  	v9 =	vld [tilespmem:s15+$0x7805];
	v3 =	vadd.f32 v4, v3  }
0xfb: {  	v4 =	vadd.f32 v10, v5;
	v5 =	vld [tilespmem:s15+$0xA817]  }
0xfc: {  	v10 =	vld [tilespmem:s15+$0x9006];
	v3 =	vadd.f32 v6, v3  }
0xfd: {  	v4 =	vadd.f32 v7, v4;
	v6 =	vld [tilespmem:s15+$0xC018]  }
0xfe: {  	v7 =	vld [tilespmem:s15+$0xA807];
	v3 =	vadd.f32 v8, v3  }
0xff: {  	v4 =	vadd.f32 v9, v4;
	v8 =	vld [tilespmem:s15+$0xD819]  }
0x100: {  	v9 =	vld [tilespmem:s15+$0xC008];
	v3 =	vadd.f32 v5, v3  }
0x101: {  	v4 =	vadd.f32 v10, v4;
	v5 =	vld [tilespmem:s15+$0xF01A]  }
0x102: {  	v10 =	vld [tilespmem:s15+$0xD809];
	v3 =	vadd.f32 v6, v3  }
0x103: {  	v4 =	vadd.f32 v7, v4;
	v6 =	vld [tilespmem:s15+$0x1081B]  }
0x104: {  	v7 =	vld [tilespmem:s15+$0xF00A];
	v3 =	vadd.f32 v8, v3  }
0x105: {  	v4 =	vadd.f32 v9, v4;
	v8 =	vld [tilespmem:s15+$0x1201C]  }
0x106: {  	v9 =	vld [tilespmem:s15+$0x1080B];
	v3 =	vadd.f32 v5, v3  }
0x107: {  	v4 =	vadd.f32 v10, v4;
	v10 =	vld [tilespmem:s15+$0x1381D]  }
0x108: {  	v11 =	vld [tilespmem:s15+$0x1200C];
	v5 =	vadd.f32 v6, v3  }
0x109: {  	v6 =	vadd.f32 v7, v4;
	v3 =	vld [tilespmem:s15+$0x1501E]  }
0x10a: {  	v4 =	vld [tilespmem:s15+$0x1380D];
	v7 =	vadd.f32 v8, v5  }
0x10b: {  	v9 =	vadd.f32 v9, v6;
	v5 =	vld [tilespmem:s15+$0x1681F]  }
0x10c: {  	v6 =	vld [tilespmem:s15+$0x1500E];
	v8 =	vadd.f32 v10, v7  }
0x10d: {  	s16 =	simm.s32 $0x0;
	s17 =	simm.s32 $0x4020;
	v9 =	vadd.f32 v11, v9;
	v7 =	vld [tilespmem:s15+$0x1680F]  }
.LBB2_18:
0x10e: {  	v10 =	vld [tilespmem:s17+$0x10];
	v3 =	vadd.f32 v3, v8  }
0x10f: {  	s16 =	sadd.s32 $0x2, s16;
	v8 =	vld [tilespmem:s17+$0x1811];
	v4 =	vadd.f32 v4, v9  }
0x110: {  	p0 =	slt.u32 s16, $0x17E;
	v9 =	vld [tilespmem:s17+$0x1801];
	v3 =	vadd.f32 v5, v3  }
0x111: {  	v5 =	vld [tilespmem:s17+$0x3012];
	v4 =	vadd.f32 v6, v4  }
0x112: {  	v6 =	vld [tilespmem:s17+$0x0];
	[tilespmem:s15+$0x10] =	vst v3  }
0x113: {  	v3 =	vld [tilespmem:s17+$0x4813];
	v4 =	vadd.f32 v7, v4  }
0x114: {  	v7 =	vld [tilespmem:s17+$0x3002];
	v8 =	vadd.f32 v8, v10  }
0x115: {  	v10 =	vld [tilespmem:s17+$0x6014];
	[tilespmem:s15+$0x0] =	vst v4;
	s15 =	smov.u32 s17  }
0x116: {  	v4 =	vld [tilespmem:s17+$0x4803];
	v5 =	vadd.f32 v5, v8  }
0x117: {  	v6 =	vadd.f32 v9, v6;
	v8 =	vld [tilespmem:s17+$0x7815]  }
0x118: {  	v9 =	vld [tilespmem:s17+$0x6004];
	v3 =	vadd.f32 v3, v5  }
0x119: {  	v5 =	vadd.f32 v7, v6;
	v6 =	vld [tilespmem:s17+$0x9016]  }
0x11a: {  	v7 =	vld [tilespmem:s17+$0x7805];
	v3 =	vadd.f32 v10, v3  }
0x11b: {  	v4 =	vadd.f32 v4, v5;
	v5 =	vld [tilespmem:s17+$0xA817]  }
0x11c: {  	v10 =	vld [tilespmem:s17+$0x9006];
	v3 =	vadd.f32 v8, v3  }
0x11d: {  	v4 =	vadd.f32 v9, v4;
	v8 =	vld [tilespmem:s17+$0xC018]  }
0x11e: {  	v9 =	vld [tilespmem:s17+$0xA807];
	v3 =	vadd.f32 v6, v3  }
0x11f: {  	v4 =	vadd.f32 v7, v4;
	v6 =	vld [tilespmem:s17+$0xD819]  }
0x120: {  	v7 =	vld [tilespmem:s17+$0xC008];
	v3 =	vadd.f32 v5, v3  }
0x121: {  	v4 =	vadd.f32 v10, v4;
	v5 =	vld [tilespmem:s17+$0xF01A]  }
0x122: {  	v10 =	vld [tilespmem:s17+$0xD809];
	v3 =	vadd.f32 v8, v3  }
0x123: {  	v4 =	vadd.f32 v9, v4;
	v8 =	vld [tilespmem:s17+$0x1081B]  }
0x124: {  	v9 =	vld [tilespmem:s17+$0xF00A];
	v3 =	vadd.f32 v6, v3  }
0x125: {  	v4 =	vadd.f32 v7, v4;
	v6 =	vld [tilespmem:s17+$0x1201C]  }
0x126: {  	v7 =	vld [tilespmem:s17+$0x1080B];
	v3 =	vadd.f32 v5, v3  }
0x127: {  	v4 =	vadd.f32 v10, v4;
	v10 =	vld [tilespmem:s17+$0x1381D]  }
0x128: {  	v11 =	vld [tilespmem:s17+$0x1200C];
	v5 =	vadd.f32 v8, v3  }
.Ltmp8:
0x129: {  	v8 =	vadd.f32 v9, v4;
	v3 =	vld [tilespmem:s17+$0x1501E];
	(pc) =	sbr.rel @p0 .LBB2_18-.Ltmp8, $4  }
0x12a: {  	v4 =	vld [tilespmem:s17+$0x1380D];
	v9 =	vadd.f32 v6, v5  }
0x12b: {  	v7 =	vadd.f32 v7, v8;
	v5 =	vld [tilespmem:s17+$0x1681F]  }
0x12c: {  	v6 =	vld [tilespmem:s17+$0x1500E];
	v8 =	vadd.f32 v10, v9  }
0x12d: {  	s17 =	sadd.s32 $0x20, s17;
	v9 =	vadd.f32 v11, v7;
	v7 =	vld [tilespmem:s15+$0x1680F]  }
0x12e: {  	_ = 	snop  }
0x12f: {  	v4 =	vadd.f32 v4, v9  }
0x130: {  	v3 =	vadd.f32 v3, v8  }
0x131: {  	v4 =	vadd.f32 v6, v4  }
0x132: {  	v3 =	vadd.f32 v5, v3  }
0x133: {  	s14 =	sadd.s32 $0x1, s14;
	v4 =	vadd.f32 v7, v4  }
0x134: {  	p0 =	sne.s32 s14, s8;
	[tilespmem:s15+$0x10] =	vst v3  }
.Ltmp9:
0x135: {  	[tilespmem:s15+$0x0] =	vst v4;
	(pc) =	sbr.rel @p0 .LBB2_1-.Ltmp9, $4  }
0x136: {  	[hbm4b:s7+s2] =	stream.linear.scatter [tilespmem:s11], [sflag:$0x3], $0x1800, $0x38;
	[tilespmem:$0x1C080] =	vst v63  }
0x137: {  	_ =	swait.ge [sflag:s13], $0x1800  }
0x138: {  	[sflag:s13] =	ssyncset.done $0x0  }
0x139: {  	[sflag:s13] =	ssyncadd.s32 $0xFFFFE800  }
0x13a: {  	_ =	sfence.sel $0x180000  }
0x13b: {  	[bflag:$0x0] =	sbarrier.arrive $0xFFFF  }
0x13c: {  	p0 =	sne.s32 s0, $0x0;
	_ =	strace $0x9000004A  }
0x13d: {  	s0 =	sadd.s32 @!p0 $0x100000, s1;
	[bflag:$0x2] =	sbarrier.arrive $0xFFFF  }
0x13e: {  	[sflag:s0] =	ssyncadd.tile.s32 @!p0 $0x1;
	_ =	shalt  }
.Lfunc_end2:
_tile_overlayer_lowered:
.L_overlay_start_2:
0x13f: {  	(tag) =	ssettag $0x2  }
0x140: {  	s0 =	rddreg [dreg:$0x0];
	s2 =	stileid.u32  }
0x141: {  	s1 =	rddreg [dreg:$0x1];
	p0 =	sne.s32 s2, $0x0  }
0x142: {  	s3 =	rddreg [dreg:$0x2];
	[bflag:$0x3] =	sbarrier.arrive $0xFFFF;
	s2 =	simm.s32 @!p0 $0x1C03  }
0x143: {  	[timem:s3], [sflag:s2] =	dma.local @!p0 [hbm:s0], s1  }
0x144: {  	s0 =	simm.s32 @!p0 $0x3  }
0x145: {  	_ =	swait.ge @!p0 [sflag:s0], s1  }
0x146: {  	s1 =	ssub.s32 @!p0 $0x0, s1;
	[sflag:s0] =	ssyncset.done @!p0 $0x0  }
0x147: {  	[sflag:s0] =	ssyncadd.s32 @!p0 s1  }
0x148: {  	[bflag:$0x3] =	sbarrier.arrive $0xFFFF  }
0x149: {  	_ =	shalt  }

// kernel: kernel.20.cloned.1.call-start
scs
__scs_entry_jumppad:
0x0: {  	(pc) =	sbr.rel $0x88, $3  }
0x1: {  	(tag) =	ssettag $0x0;
	lr =	simm.s32 $0x1  }
0x2: {  	[smem:$0x3F9F] =	sst lr;
	_ =	strace $0xD0000000  }
0x3: {  	_ = 	snop  }
0x4: {  	_ = 	snop  }
0x5: {  	_ = 	snop  }
0x6: {  	_ = 	snop  }
0x7: {  	_ = 	snop  }
__scs_overlays_trampoline_lowered:
0x8: {  	[smem:$0x3FAE] =	sst s0  }
0x9: {  	[smem:$0x3FAF] =	sst s1  }
0xa: {  	[smem:$0x3FB0] =	sst s2  }
0xb: {  	[smem:$0x3FB1] =	sst s3  }
0xc: {  	[smem:$0x3FB2] =	sst s4  }
0xd: {  	[smem:$0x3FB3] =	sst s5  }
0xe: {  	[smem:$0x3FB4] =	sst s6  }
0xf: {  	[smem:$0x3FB5] =	sst s7  }
0x10: {  	[smem:$0x3FB6] =	sst s8  }
0x11: {  	[smem:$0x3FB7] =	sst s9;
	s0 =	simm.s32 @!p0 $0x0  }
0x12: {  	s1 =	sld [smem:$0x3F9D];
	s0 =	simm.s32 @p0 $0x1  }
0x13: {  	[smem:$0x3FB8] =	sst s0;
	s0 =	simm.s32 @!p1 $0x0  }
0x14: {  	s2 =	sld [smem:$0x3F9C];
	s0 =	simm.s32 @p1 $0x1  }
0x15: {  	[smem:$0x3FB9] =	sst s0;
	s0 =	simm.s32 @!p2 $0x0  }
0x16: {  	s3 =	sld [smem:$0x3FDB];
	s0 =	simm.s32 @p2 $0x1  }
0x17: {  	s4 =	simm.s32 $0x1BF5;
	[smem:$0x3FBB] =	sst s0  }
0x18: {  	s0 =	sld [smem:$0x3F9E];
	_ =	swait.ge [sflag:s4], $0x0  }
0x19: {  	s7 =	sld [smem:$0x3F9F]  }
0x1a: {  	s8 =	sadd.s32 $0xFFFFE003, lr  }
0x1b: {  	s9 =	sadd.s32 $0xFFFFFEF7, lr;
	s5 =	simm.s32 $0xFFFFFFFF;
	p2 =	slt.u32 s8, $0xFFFFF086  }
0x1c: {  	p1 =	slt.u32 s9, $0xF7A;
	s5 =	simm.s32 @!p2 $0x0  }
0x1d: {  	s5 =	simm.s32 @p1 $0x1;
	p0 =	seq.s32 s7, s2  }
0x1e: {  	s7 =	smul.u32 @!p0 $0xF7A, s2;
	p2 =	seq.s32 @!p0 s5, $0x0  }
0x1f: {  	s9 =	smul.u32 $0xF7A, s1;
	s8 =	simm.s32 @!p0 $0x1BF5;
	p2 =	por !p2, p0  }
0x20: {  	[sflag:s8] =	ssyncset.s32 @!p0 $0xFFFFF086;
	s6 =	sadd.s32 @!p0 s3, s7;
	s7 =	simm.s32 @!p0 $0x108  }
0x21: {  	s3 =	sadd.s32 s3, s9;
	s6 =	sadd.s32 @!p0 $0x88, s6;
	s7 =	simm.s32 @p2 $0x1082  }
0x22: {  	[simem:s7], [sflag:s8] =	dma.local @!p0 [hbm:s6], $0xF7A  }
0x23: {  	s9 =	sor.u32 $0xD0000000, s2;
	s6 =	simm.s32 $0x108;
	_ =	swait.ge @!p0 [sflag:s8], $0x0  }
0x24: {  	s3 =	sadd.s32 $0x88, s3;
	s6 =	simm.s32 @!p1 $0x1082;
	[sflag:s4] =	ssyncset.s32 $0xFFFFF086  }
0x25: {  	[simem:s6], [sflag:s4] =	dma.local [hbm:s3], $0xF7A  }
0x26: {  	[smem:$0x3F9F] =	sst s1;
	(tag) =	ssettag s2;
	_ =	strace s9  }
0x27: {  	s1 =	sld [smem:$0x3FAF]  }
0x28: {  	s2 =	sld [smem:$0x3FB0]  }
0x29: {  	s4 =	sld [smem:$0x3FB2]  }
0x2a: {  	p0 =	seq.s32 s5, $0x0;
	s5 =	sld [smem:$0x3FB3]  }
0x2b: {  	s6 =	sld [smem:$0x3FB4]  }
0x2c: {  	s7 =	sld [smem:$0x3FB5]  }
0x2d: {  	s3 =	simm.s32 $0x108;
	s8 =	sld [smem:$0x3FB6]  }
0x2e: {  	s3 =	simm.s32 @!p0 $0x1082;
	s9 =	sld [smem:$0x3FB7]  }
0x2f: {  	lr =	sadd.s32 s0, s3;
	s0 =	sld [smem:$0x3FAE]  }
0x30: {  	s3 =	sld [smem:$0x3FB1]  }
0x31: {  	[smem:$0x3FBA] =	sst s10  }
0x32: {  	s10 =	sld [smem:$0x3FB8];
	_ =	sdelay $0x3  }
0x33: {  	p0 =	seq.s32 s10, $0x1;
	s10 =	sld [smem:$0x3FBA];
	_ =	sdelay $0x3  }
0x34: {  	[smem:$0x3FBA] =	sst s10  }
0x35: {  	s10 =	sld [smem:$0x3FB9];
	_ =	sdelay $0x3  }
0x36: {  	p1 =	seq.s32 s10, $0x1;
	s10 =	sld [smem:$0x3FBA];
	_ =	sdelay $0x3  }
0x37: {  	[smem:$0x3FBA] =	sst s10  }
0x38: {  	s10 =	sld [smem:$0x3FBB]  }
0x39: {  	_ = 	snop;
	(pc) =	sbr.ind lr, $3  }
0x3a: {  	_ = 	snop  }
0x3b: {  	_ = 	snop  }
0x3c: {  	p2 =	seq.s32 s10, $0x1;
	s10 =	sld [smem:$0x3FBA]  }
0x3d: {  	_ =	shalt  }
0x3e: {  	_ =	shalt  }
0x3f: {  	_ =	shalt  }
0x40: {  	_ =	shalt  }
0x41: {  	_ =	shalt  }
0x42: {  	_ =	shalt  }
0x43: {  	_ =	shalt  }
0x44: {  	_ =	shalt  }
0x45: {  	_ =	shalt  }
0x46: {  	_ =	shalt  }
0x47: {  	_ =	shalt  }
0x48: {  	_ =	shalt  }
0x49: {  	_ =	shalt  }
0x4a: {  	_ =	shalt  }
0x4b: {  	_ =	shalt  }
0x4c: {  	_ =	shalt  }
0x4d: {  	_ =	shalt  }
0x4e: {  	_ =	shalt  }
0x4f: {  	_ =	shalt  }
0x50: {  	_ =	shalt  }
0x51: {  	_ =	shalt  }
0x52: {  	_ =	shalt  }
0x53: {  	_ =	shalt  }
0x54: {  	_ =	shalt  }
0x55: {  	_ =	shalt  }
0x56: {  	_ =	shalt  }
0x57: {  	_ =	shalt  }
0x58: {  	_ =	shalt  }
0x59: {  	_ =	shalt  }
0x5a: {  	_ =	shalt  }
0x5b: {  	_ =	shalt  }
0x5c: {  	_ =	shalt  }
0x5d: {  	_ =	shalt  }
0x5e: {  	_ =	shalt  }
0x5f: {  	_ =	shalt  }
0x60: {  	_ =	shalt  }
0x61: {  	_ =	shalt  }
0x62: {  	_ =	shalt  }
0x63: {  	_ =	shalt  }
0x64: {  	_ =	shalt  }
0x65: {  	_ =	shalt  }
0x66: {  	_ =	shalt  }
0x67: {  	_ =	shalt  }
0x68: {  	_ =	shalt  }
0x69: {  	_ =	shalt  }
0x6a: {  	_ =	shalt  }
0x6b: {  	_ =	shalt  }
0x6c: {  	_ =	shalt  }
0x6d: {  	_ =	shalt  }
0x6e: {  	_ =	shalt  }
0x6f: {  	_ =	shalt  }
0x70: {  	_ =	shalt  }
0x71: {  	_ =	shalt  }
0x72: {  	_ =	shalt  }
0x73: {  	_ =	shalt  }
0x74: {  	_ =	shalt  }
0x75: {  	_ =	shalt  }
0x76: {  	_ =	shalt  }
0x77: {  	_ =	shalt  }
0x78: {  	_ =	shalt  }
0x79: {  	_ =	shalt  }
0x7a: {  	_ =	shalt  }
0x7b: {  	_ =	shalt  }
0x7c: {  	_ =	shalt  }
0x7d: {  	_ =	shalt  }
0x7e: {  	_ =	shalt  }
0x7f: {  	_ =	shalt  }
0x80: {  	_ =	shalt  }
0x81: {  	_ =	shalt  }
0x82: {  	_ =	shalt  }
0x83: {  	_ =	shalt  }
0x84: {  	_ =	shalt  }
0x85: {  	_ =	shalt  }
0x86: {  	_ =	shalt  }
0x87: {  	_ =	shalt  }
.Lfunc_end0:
.L_simem_size_0:
called_computation.3_lowered:
.L_overlay_start_0:
0x88: {  	s2 =	sld [smem:$0x3FD9]  }
0x89: {  	s3 =	sld [smem:$0x3FFE];
	_ =	sdelay $0x1  }
0x8a: {  	s1 =	srdreg.scid  }
0x8b: {  	s0 =	sand.u32 $0x1, s1  }
0x8c: {  	s16 =	sshll.u32 s0, $0xA;
	s2 =	sadd.s32 s3, s2  }
0x8d: {  	s2 =	sadd.s32 s2, s16  }
0x8e: {  	[smem:$0x3FC6] =	sst s2  }
0x8f: {  	_ = 	snop  }
0x90: {  	(tm) =	ssettm $0x1  }
0x91: {  	s17 =	sld [smem:$0x3FFB];
	_ =	sdelay $0x3  }
0x92: {  	_ =	strace s17  }
0x93: {  	s2 =	sld [smem:$0x3FFC];
	_ =	sdelay $0x3  }
0x94: {  	_ =	strace s2  }
0x95: {  	s2 =	sld [smem:$0x3FFD];
	_ =	sdelay $0x3  }
0x96: {  	_ =	strace s2  }
0x97: {  	_ =	strace $0x8FFFFFFF  }
0x98: {  	s18 =	sld [smem:$0x3FDB];
	_ =	sdelay $0x1  }
0x99: {  	s19 =	simm.s32 $_scs_section_size  }
0x9a: {  	s4 =	simm.s32 $_size__tile_overlayer_lowered;
	s5 =	simm.s32 $_tile_overlayer_lowered  }
0x9b: {  	s22 =	simm.s32 $0x1BFF;
	s21 =	sshll.u32 s5, $0x1;
	s2 =	sadd.s32 s19, s18  }
0x9c: {  	s6 =	simm.s32 $0x0;
	s20 =	sshll.u32 s4, $0x1;
	s4 =	sadd.s32 s21, s2  }
0x9d: {  	[timem:s6], [sflag:s22] =	dma.local [hbm:s4], s20  }
0x9e: {  	_ =	swait.ge [sflag:s22], s20  }
0x9f: {  	s3 =	ssub.s32 $0x0, s20;
	[sflag:s22] =	ssyncset.done $0x0  }
0xa0: {  	[sflag:s22] =	ssyncadd.s32 s3;
	_ =	sdelay $0x1  }
0xa1: {  	s23 =	simm.s32 $0x1B8B  }
0xa2: {  	_ =	swait.ge [sflag:s23], $0x1  }
0xa3: {  	[sflag:s23] =	ssyncset.done $0x0  }
0xa4: {  	s25 =	simm.s32 $0x1B8E;
	s24 =	sld [smem:$0x3FFE];
	[sflag:s23] =	ssyncadd.s32 $0xFFFFFFFF  }
0xa5: {  	s26 =	simm.s32 $execute0_lowered;
	[smem:$0x3FD2] =	sst s25  }
0xa6: {  	s4 =	sshll.u32 s26, $0x1;
	_ =	strace $0x80000046;
	[dreg:$0x1] =	wrdreg $0xFFFFFFFF  }
0xa7: {  	s28 =	simm.s32 $_size_execute0_lowered;
	s2 =	sadd.s32 s2, s4;
	[dreg:$0x0] =	wrdreg $0x0  }
0xa8: {  	s4 =	sshll.u32 s28, $0x1;
	[dreg:$0x2] =	wrdreg s2  }
0xa9: {  	[dreg:$0x3] =	wrdreg s4  }
0xaa: {  	[dreg:$0x4] =	wrdreg $0xC0  }
0xab: {  	_ =	task [dreg:s6], $0x5FFFF  }
0xac: {  	[dreg:$0x1] =	wrdreg $0xFFFFFFFF  }
0xad: {  	[dreg:$0x0] =	wrdreg $0x60  }
0xae: {  	[dreg:$0x2] =	wrdreg s24  }
0xaf: {  	[dreg:$0x3] =	wrdreg $0xC  }
0xb0: {  	_ =	task.clear_ibuf [dreg:s6], $0x4FFFF;
	_ =	strace $0x90000046  }
0xb1: {  	s29 =	simm.s32 $0xC;
	_ =	strace $0x80000048  }
0xb2: {  	_ =	swait.ge [sflag:s29], $0x1  }
0xb3: {  	[sflag:s29] =	ssyncadd.s32 $0xFFFFFFFF  }
0xb4: {  	_ =	strace $0x90000048  }
0xb5: {  	_ =	sfence  }
0xb6: {  	s30 =	sld [smem:$0x0];
	_ =	sdelay $0x2  }
0xb7: {  	s31 =	sshll.u32 s1, $0xD;
	s1 =	sshrl.u32 s1, $0x2  }
0xb8: {  	s3 =	sand.u32 $0x4000, s31;
	s1 =	sadd.s32 s1, s30  }
0xb9: {  	s0 =	sor.u32 s3, s0;
	s1 =	sshll.u32 s1, $0x11  }
0xba: {  	s0 =	sor.u32 s1, s0  }
0xbb: {  	s0 =	sadd.s32 $0x8F2B, s0  }
0xbc: {  	[sflag:s0] =	ssyncadd.remote.s32 $0x1  }
0xbd: {  	_ =	sfence.sel $0xFFFF  }
0xbe: {  	[dreg:$0x0] =	wrdreg $0xFFFFFFFF;
	(pc) =	sbr.abs _section_cstart, $3  }
0xbf: {  	[dreg:$0x1] =	wrdreg $0xFFFFFFFF  }
0xc0: {  	_ =	task.clear_ibuf [dreg:s6], $0x2FFFF;
	_ =	strace $0x9FFFFFFF  }
0xc1: {  	(tm) =	ssettm $0x7FFFFFFF  }
tec
execute0_lowered:
.L_overlay_start_1:
0x0: {  	(tag) =	ssettag $0x1  }
0x1: {  	s1 =	srdreg.scid  }
0x2: {  	s0 =	stileid.u32;
	s4 =	rddreg [dreg:$0x0];
	s2 =	simm.s32 $0x0  }
0x3: {  	s10 =	simm.s32 $0x1;
	s11 =	simm.s32 $0x4000;
	s12 =	simm.s32 $0x2  }
0x4: {  	s13 =	simm.s32 $0x3;
	s5 =	sand.u32 $0x1, s1;
	s1 =	rddreg [dreg:$0x1]  }
0x5: {  	s14 =	simm.s32 $0x0;
	s3 =	sshll.u32 s0, $0x1;
	[smem:$0x7FF] =	sst s2  }
0x6: {  	s6 =	sor.u32 s5, s3;
	s3 =	sadd.s32 $0x1200, s4;
	s5 =	ssub.s32 $0x2, s5  }
0x7: {  	s7 =	smul.u32 $0x300, s6;
	s31 =	sshrl.u32 s5, $0x1;
	s8 =	sshll.u32 s6, $0xA  }
0x8: {  	_ =	strace $0x80000047;
	s9 =	ssub.s32 s5, s31;
	s5 =	sadd.s32 s3, s8  }
0x9: {  	v1 =	vlaneseq.u32;
	s7 =	sadd.s32 s7, s4;
	s4 =	sshll.u32 s6, $0xD;
	s8 =	smax.u32 s9, $0x1  }
0xa: {  	v0 =	vimm.f32 $0.0e+00;
	v2 =	vimm.f32 $1.000000000e+00;
	v1 =	vmul.u32 $0x1801, v1;
	s9 =	simm.s32 $0x2000;
	s6 =	sor.u32 $0x80000, s4;
	s7 =	sadd.s32 $0xA9200, s7  }
.LBB2_1:
0xb: {  	s15 =	simm.s32 $0x4040  }
0xc: {  	[tilespmem:s15+$0xFFFFFFC0] =	vst v0  }
0xd: {  	[tilespmem:s15+$0x30] =	vst v0  }
0xe: {  	[tilespmem:s15+$0x20] =	vst v0  }
0xf: {  	[tilespmem:s15+$0x10] =	vst v0  }
0x10: {  	[tilespmem:s15+$0x0] =	vst v0  }
0x11: {  	[tilespmem:s15+$0xFFFFFFF0] =	vst v0  }
0x12: {  	s16 =	simm.s32 $0x0;
	[tilespmem:s15+$0xFFFFFFE0] =	vst v0  }
.LBB2_2:
0x13: {  	s16 =	sadd.s32 $0x8, s16;
	[tilespmem:s15+$0xFFFFFFD0] =	vst v0;
	s15 =	sadd.s32 $0x80, s15  }
0x14: {  	[tilespmem:s15+$0xFFFFFFC0] =	vst v0;
	p0 =	slt.u32 s16, $0x17F8  }
0x15: {  	[tilespmem:s15+$0x30] =	vst v0  }
.Ltmp0:
0x16: {  	[tilespmem:s15+$0x20] =	vst v0;
	(pc) =	sbr.rel @p0 .LBB2_2-.Ltmp0, $4  }
0x17: {  	[tilespmem:s15+$0x10] =	vst v0  }
0x18: {  	[tilespmem:s15+$0x0] =	vst v0  }
0x19: {  	[tilespmem:s15+$0xFFFFFFF0] =	vst v0  }
0x1a: {  	[tilespmem:s15+$0xFFFFFFE0] =	vst v0  }
0x1b: {  	[tilespmem:s15+$0xFFFFFFD0] =	vst v0  }
0x1c: {  	s15 =	simm.s32 $0x0;
	s16 =	simm.s32 $0x0;
	[tilespmem:$0x1C000] =	vst v0  }
0x1d: {  	[tilespmem:s15], [sflag:$0x1] =	stream.linear.gather [hbm4b:s5+s15], $0x2000, $0x38;
	[tilespmem:$0x1C080] =	vst v63  }
.LBB2_4:
0x1e: {  	s17 =	sshllo.u32 s16, $0x1  }
0x1f: {  	s18 =	sshll.u32 s17, $0x12  }
0x20: {  	s18 =	sor.u32 s4, s18  }
0x21: {  	s18 =	sshrl.u32 s18, $0x3  }
0x22: {  	s18 =	sadd.s32 s3, s18  }
0x23: {  	[tilespmem:s9], [sflag:$0x2] =	stream.linear.gather [hbm4b:s18+s15], $0x2000, $0x38;
	[tilespmem:$0x1C080] =	vst v63  }
0x24: {  	_ =	swait.ge [sflag:s10], $0x2000  }
0x25: {  	s31 =	sshll.u32 s16, $0x9;
	[sflag:s10] =	ssyncset.done $0x0  }
0x26: {  	v3 =	vadd.s32 s31, v1;
	s18 =	simm.s32 $0x0;
	[sflag:s10] =	ssyncadd.s32 $0xFFFFE000  }
.LBB2_5:
0x27: {  	s19 =	sshll.u32 s18, $0x7  }
0x28: {  	s21 =	sand.u32 $0x380, s19  }
0x29: {  	v4 =	vmov s21  }
0x2a: {  	s20 =	sshll.u32 s18, $0x9  }
0x2b: {  	p0 =	por $0x1, $0x1;
	s19 =	sand.u32 $0x1000, s20;
	s20 =	simm.s32 $0x0  }
.LBB2_6:
0x2c: {  	s20 =	sshra.s32 s20, $0x2  }
0x2d: {  	s20 =	sadd.s32 s20, s19  }
0x2e: {  	v5 =	vld.idx.msk [tilespmem:v4+s20+$0x0 ss:$0x1], $0xffff;
	_ =	sdelay $0x3  }
0x2f: {  	v6 =	vld.idx.msk [tilespmem:v4+s20+$0x10 ss:$0x1], $0xffff  }
0x30: {  	v7 =	vshra.s32 v5, $0x10  }
0x31: {  	v7 =	vadd.s32 v3, v7  }
0x32: {  	v8 =	vld.idx.msk [tilespmem:v4+s20+$0x20 ss:$0x1], $0xffff  }
0x33: {  	v11 =	vld.idx.msk [tilespmem:v4+s20+$0x30 ss:$0x1], $0xffff  }
0x34: {  	v13 =	vld.idx.msk [tilespmem:v4+s20+$0x40 ss:$0x1], $0xffff;
	v10 =	vshra.s32 v6, $0x10;
	v9 =	vadd.s32 $0x80, v7  }
0x35: {  	v40 =	vld.idx.msk [tilespmem:v4+s20+$0x50 ss:$0x1], $0xffff;
	v10 =	vadd.s32 v3, v10  }
0x36: {  	[tilespmem:v7+s11+$0x0] =	vst.idx.add.f32.msk $0xffff, v2;
	v7 =	vadd.s32 $0x80, v10  }
0x37: {  	v42 =	vld.idx.msk [tilespmem:v4+s20+$0x60 ss:$0x1], $0xffff;
	v12 =	vshra.s32 v8, $0x10  }
0x38: {  	v14 =	vld.idx.msk [tilespmem:v4+s20+$0x70 ss:$0x1], $0xffff;
	v5 =	vshll.u32 v5, $0x10;
	v12 =	vadd.s32 v3, v12  }
0x39: {  	[tilespmem:v9+s11+$0x0] =	vst.idx.add.f32.msk $0xffff, v5;
	v5 =	vadd.s32 $0x80, v12  }
0x3a: {  	v6 =	vshll.u32 v6, $0x10;
	v39 =	vshra.s32 v11, $0x10;
	[tilespmem:v10+s11+$0x0] =	vst.idx.add.f32.msk $0xffff, v2  }
0x3b: {  	[tilespmem:v7+s11+$0x0] =	vst.idx.add.f32.msk $0xffff, v6;
	v6 =	vadd.s32 v3, v39  }
0x3c: {  	v46 =	vld.idx.msk [tilespmem:v4+s20+$0x400 ss:$0x1], $0xffff;
	v41 =	vshra.s32 v13, $0x10;
	v7 =	vadd.s32 $0x80, v6  }
0x3d: {  	v8 =	vshll.u32 v8, $0x10;
	[tilespmem:v12+s11+$0x0] =	vst.idx.add.f32.msk $0xffff, v2;
	v9 =	vadd.s32 v3, v41  }
0x3e: {  	[tilespmem:v5+s11+$0x0] =	vst.idx.add.f32.msk $0xffff, v8;
	v5 =	vadd.s32 $0x80, v9  }
0x3f: {  	v48 =	vld.idx.msk [tilespmem:v4+s20+$0x410 ss:$0x1], $0xffff;
	v43 =	vshra.s32 v40, $0x10  }
0x40: {  	v11 =	vshll.u32 v11, $0x10;
	[tilespmem:v6+s11+$0x0] =	vst.idx.add.f32.msk $0xffff, v2;
	v6 =	vadd.s32 v3, v43  }
0x41: {  	v44 =	vshra.s32 v42, $0x10;
	[tilespmem:v7+s11+$0x0] =	vst.idx.add.f32.msk $0xffff, v11;
	v7 =	vadd.s32 $0x80, v6  }
0x42: {  	v45 =	vshll.u32 v13, $0x10;
	[tilespmem:v9+s11+$0x0] =	vst.idx.add.f32.msk $0xffff, v2;
	v8 =	vadd.s32 v3, v44  }
0x43: {  	[tilespmem:v5+s11+$0x0] =	vst.idx.add.f32.msk $0xffff, v45;
	v5 =	vadd.s32 $0x80, v8  }
0x44: {  	v51 =	vld.idx.msk [tilespmem:v4+s20+$0x420 ss:$0x1], $0xffff;
	v47 =	vshra.s32 v14, $0x10  }
0x45: {  	v10 =	vshll.u32 v40, $0x10;
	[tilespmem:v6+s11+$0x0] =	vst.idx.add.f32.msk $0xffff, v2;
	v6 =	vadd.s32 v3, v47  }
0x46: {  	[tilespmem:v7+s11+$0x0] =	vst.idx.add.f32.msk $0xffff, v10;
	v7 =	vadd.s32 $0x80, v6  }
0x47: {  	v49 =	vshll.u32 v42, $0x10;
	v50 =	vshra.s32 v46, $0x10;
	[tilespmem:v8+s11+$0x0] =	vst.idx.add.f32.msk $0xffff, v2  }
0x48: {  	[tilespmem:v5+s11+$0x0] =	vst.idx.add.f32.msk $0xffff, v49;
	v5 =	vadd.s32 v3, v50  }
0x49: {  	v53 =	vld.idx.msk [tilespmem:v4+s20+$0x440 ss:$0x1], $0xffff;
	v8 =	vadd.s32 $0x80, v5  }
0x4a: {  	[tilespmem:v6+s11+$0x0] =	vst.idx.add.f32.msk $0xffff, v2;
	v6 =	vshll.u32 v14, $0x10  }
0x4b: {  	[tilespmem:v7+s11+$0x0] =	vst.idx.add.f32.msk $0xffff, v6;
	v6 =	vshra.s32 v48, $0x10  }
0x4c: {  	v7 =	vld.idx.msk [tilespmem:v4+s20+$0x430 ss:$0x1], $0xffff;
	v6 =	vadd.s32 v3, v6  }
0x4d: {  	[tilespmem:v5+s11+$0x0] =	vst.idx.add.f32.msk $0xffff, v2;
	v5 =	vshll.u32 v46, $0x10  }
0x4e: {  	[tilespmem:v8+s11+$0x0] =	vst.idx.add.f32.msk $0xffff, v5;
	v5 =	vshra.s32 v51, $0x10  }
0x4f: {  	v58 =	vshra.s32 v53, $0x10;
	v5 =	vadd.s32 v3, v5  }
0x50: {  	v54 =	vld.idx.msk [tilespmem:v4+s20+$0x450 ss:$0x1], $0xffff;
	v11 =	vadd.s32 v3, v58  }
0x51: {  	v52 =	vadd.s32 $0x80, v6;
	v55 =	vshra.s32 v7, $0x10;
	[tilespmem:v6+s11+$0x0] =	vst.idx.add.f32.msk $0xffff, v2;
	v6 =	vadd.s32 $0x80, v5  }
0x52: {  	v56 =	vld.idx.msk [tilespmem:v4+s20+$0x460 ss:$0x1], $0xffff;
	v13 =	vadd.s32 v3, v55  }
0x53: {  	v15 =	vld.idx.msk [tilespmem:v4+s20+$0x470 ss:$0x1], $0xffff;
	v57 =	vadd.s32 $0x80, v13  }
0x54: {  	[tilespmem:v5+s11+$0x0] =	vst.idx.add.f32.msk $0xffff, v2;
	v5 =	vadd.s32 $0x80, v11  }
0x55: {  	v16 =	vshra.s32 v54, $0x10;
	v10 =	vshll.u32 v51, $0x10;
	[tilespmem:v11+s11+$0x0] =	vst.idx.add.f32.msk $0xffff, v2  }
0x56: {  	[tilespmem:v6+s11+$0x0] =	vst.idx.add.f32.msk $0xffff, v10;
	v6 =	vadd.s32 v3, v16  }
0x57: {  	v60 =	vshra.s32 v56, $0x10;
	v7 =	vshll.u32 v7, $0x10;
	[tilespmem:v13+s11+$0x0] =	vst.idx.add.f32.msk $0xffff, v2;
	v59 =	vadd.s32 $0x80, v6  }
0x58: {  	v61 =	vshll.u32 v53, $0x10;
	v63 =	vshra.s32 v15, $0x10;
	[tilespmem:v57+s11+$0x0] =	vst.idx.add.f32.msk $0xffff, v7;
	v7 =	vadd.s32 v3, v60  }
0x59: {  	v9 =	vshll.u32 v48, $0x10;
	[tilespmem:v5+s11+$0x0] =	vst.idx.add.f32.msk $0xffff, v61;
	v5 =	vadd.s32 v3, v63  }
0x5a: {  	[tilespmem:v52+s11+$0x0] =	vst.idx.add.f32.msk $0xffff, v9;
	v62 =	vadd.s32 $0x80, v7  }
0x5b: {  	p1 =	por p0, p0;
	v8 =	vshll.u32 v54, $0x10;
	[tilespmem:v6+s11+$0x0] =	vst.idx.add.f32.msk $0xffff, v2;
	v6 =	vadd.s32 $0x80, v5  }
.Ltmp1:
0x5c: {  	[tilespmem:v59+s11+$0x0] =	vst.idx.add.f32.msk $0xffff, v8;
	(pc) =	sbr.rel @p1 .LBB2_6-.Ltmp1, $4  }
0x5d: {  	[tilespmem:v7+s11+$0x0] =	vst.idx.add.f32.msk $0xffff, v2  }
0x5e: {  	v7 =	vshll.u32 v56, $0x10;
	[tilespmem:v5+s11+$0x0] =	vst.idx.add.f32.msk $0xffff, v2  }
0x5f: {  	v5 =	vshll.u32 v15, $0x10;
	[tilespmem:v62+s11+$0x0] =	vst.idx.add.f32.msk $0xffff, v7  }
0x60: {  	p0 =	por $0x0, $0x0;
	s20 =	simm.s32 $0x2000;
	[tilespmem:v6+s11+$0x0] =	vst.idx.add.f32.msk $0xffff, v5  }
0x61: {  	s18 =	sadd.s32 $0x1, s18  }
0x62: {  	p0 =	sne.s32 s18, $0x10  }
.Ltmp2:
0x63: {  	_ = 	snop;
	(pc) =	sbr.rel @p0 .LBB2_5-.Ltmp2, $1  }
0x64: {  	_ =	sdelay $0x3  }
0x65: {  	s18 =	sshll.u32 s16, $0x13  }
0x66: {  	s18 =	sadd.s32 s6, s18  }
0x67: {  	s18 =	sshrl.u32 s18, $0x3  }
0x68: {  	s19 =	sadd.s32 s3, s18;
	s18 =	simm.s32 $0x0  }
0x69: {  	[tilespmem:s18], [sflag:$0x1] =	stream.linear.gather [hbm4b:s19+s18], $0x2000, $0x38;
	[tilespmem:$0x1C080] =	vst v63  }
0x6a: {  	_ =	swait.ge [sflag:s12], $0x2000  }
0x6b: {  	s17 =	sshll.u32 s17, $0x8;
	[sflag:s12] =	ssyncset.done $0x0  }
0x6c: {  	v3 =	vadd.s32 s17, v1;
	[sflag:s12] =	ssyncadd.s32 $0xFFFFE000  }
.LBB2_9:
0x6d: {  	s19 =	sshll.u32 s18, $0x7  }
0x6e: {  	s19 =	sand.u32 $0x380, s19  }
0x6f: {  	s17 =	sshll.u32 s18, $0x9;
	v4 =	vmov s19  }
0x70: {  	s17 =	sand.u32 $0x1000, s17  }
0x71: {  	p0 =	por $0x1, $0x1;
	s17 =	sor.u32 $0x2000, s17;
	s19 =	simm.s32 $0x0  }
.LBB2_10:
0x72: {  	s19 =	sshra.s32 s19, $0x2  }
0x73: {  	s19 =	sadd.s32 s19, s17  }
0x74: {  	v5 =	vld.idx.msk [tilespmem:v4+s19+$0x0 ss:$0x1], $0xffff;
	_ =	sdelay $0x3  }
0x75: {  	v6 =	vld.idx.msk [tilespmem:v4+s19+$0x10 ss:$0x1], $0xffff  }
0x76: {  	v7 =	vshra.s32 v5, $0x10  }
0x77: {  	v7 =	vadd.s32 v3, v7  }
0x78: {  	v8 =	vld.idx.msk [tilespmem:v4+s19+$0x20 ss:$0x1], $0xffff  }
0x79: {  	v11 =	vld.idx.msk [tilespmem:v4+s19+$0x30 ss:$0x1], $0xffff  }
0x7a: {  	v13 =	vld.idx.msk [tilespmem:v4+s19+$0x40 ss:$0x1], $0xffff;
	v10 =	vshra.s32 v6, $0x10;
	v9 =	vadd.s32 $0x80, v7  }
0x7b: {  	v40 =	vld.idx.msk [tilespmem:v4+s19+$0x50 ss:$0x1], $0xffff;
	v10 =	vadd.s32 v3, v10  }
0x7c: {  	[tilespmem:v7+s11+$0x0] =	vst.idx.add.f32.msk $0xffff, v2;
	v7 =	vadd.s32 $0x80, v10  }
0x7d: {  	v42 =	vld.idx.msk [tilespmem:v4+s19+$0x60 ss:$0x1], $0xffff;
	v12 =	vshra.s32 v8, $0x10  }
0x7e: {  	v14 =	vld.idx.msk [tilespmem:v4+s19+$0x70 ss:$0x1], $0xffff;
	v5 =	vshll.u32 v5, $0x10;
	v12 =	vadd.s32 v3, v12  }
0x7f: {  	[tilespmem:v9+s11+$0x0] =	vst.idx.add.f32.msk $0xffff, v5;
	v5 =	vadd.s32 $0x80, v12  }
0x80: {  	v6 =	vshll.u32 v6, $0x10;
	v39 =	vshra.s32 v11, $0x10;
	[tilespmem:v10+s11+$0x0] =	vst.idx.add.f32.msk $0xffff, v2  }
0x81: {  	[tilespmem:v7+s11+$0x0] =	vst.idx.add.f32.msk $0xffff, v6;
	v6 =	vadd.s32 v3, v39  }
0x82: {  	v46 =	vld.idx.msk [tilespmem:v4+s19+$0x400 ss:$0x1], $0xffff;
	v41 =	vshra.s32 v13, $0x10;
	v7 =	vadd.s32 $0x80, v6  }
0x83: {  	v8 =	vshll.u32 v8, $0x10;
	[tilespmem:v12+s11+$0x0] =	vst.idx.add.f32.msk $0xffff, v2;
	v9 =	vadd.s32 v3, v41  }
0x84: {  	[tilespmem:v5+s11+$0x0] =	vst.idx.add.f32.msk $0xffff, v8;
	v5 =	vadd.s32 $0x80, v9  }
0x85: {  	v48 =	vld.idx.msk [tilespmem:v4+s19+$0x410 ss:$0x1], $0xffff;
	v43 =	vshra.s32 v40, $0x10  }
0x86: {  	v11 =	vshll.u32 v11, $0x10;
	[tilespmem:v6+s11+$0x0] =	vst.idx.add.f32.msk $0xffff, v2;
	v6 =	vadd.s32 v3, v43  }
0x87: {  	v44 =	vshra.s32 v42, $0x10;
	[tilespmem:v7+s11+$0x0] =	vst.idx.add.f32.msk $0xffff, v11;
	v7 =	vadd.s32 $0x80, v6  }
0x88: {  	v45 =	vshll.u32 v13, $0x10;
	[tilespmem:v9+s11+$0x0] =	vst.idx.add.f32.msk $0xffff, v2;
	v8 =	vadd.s32 v3, v44  }
0x89: {  	[tilespmem:v5+s11+$0x0] =	vst.idx.add.f32.msk $0xffff, v45;
	v5 =	vadd.s32 $0x80, v8  }
0x8a: {  	v51 =	vld.idx.msk [tilespmem:v4+s19+$0x420 ss:$0x1], $0xffff;
	v47 =	vshra.s32 v14, $0x10  }
0x8b: {  	v10 =	vshll.u32 v40, $0x10;
	[tilespmem:v6+s11+$0x0] =	vst.idx.add.f32.msk $0xffff, v2;
	v6 =	vadd.s32 v3, v47  }
0x8c: {  	[tilespmem:v7+s11+$0x0] =	vst.idx.add.f32.msk $0xffff, v10;
	v7 =	vadd.s32 $0x80, v6  }
0x8d: {  	v49 =	vshll.u32 v42, $0x10;
	v50 =	vshra.s32 v46, $0x10;
	[tilespmem:v8+s11+$0x0] =	vst.idx.add.f32.msk $0xffff, v2  }
0x8e: {  	[tilespmem:v5+s11+$0x0] =	vst.idx.add.f32.msk $0xffff, v49;
	v5 =	vadd.s32 v3, v50  }
0x8f: {  	v53 =	vld.idx.msk [tilespmem:v4+s19+$0x440 ss:$0x1], $0xffff;
	v8 =	vadd.s32 $0x80, v5  }
0x90: {  	[tilespmem:v6+s11+$0x0] =	vst.idx.add.f32.msk $0xffff, v2;
	v6 =	vshll.u32 v14, $0x10  }
0x91: {  	[tilespmem:v7+s11+$0x0] =	vst.idx.add.f32.msk $0xffff, v6;
	v6 =	vshra.s32 v48, $0x10  }
0x92: {  	v7 =	vld.idx.msk [tilespmem:v4+s19+$0x430 ss:$0x1], $0xffff;
	v6 =	vadd.s32 v3, v6  }
0x93: {  	[tilespmem:v5+s11+$0x0] =	vst.idx.add.f32.msk $0xffff, v2;
	v5 =	vshll.u32 v46, $0x10  }
0x94: {  	[tilespmem:v8+s11+$0x0] =	vst.idx.add.f32.msk $0xffff, v5;
	v5 =	vshra.s32 v51, $0x10  }
0x95: {  	v58 =	vshra.s32 v53, $0x10;
	v5 =	vadd.s32 v3, v5  }
0x96: {  	v54 =	vld.idx.msk [tilespmem:v4+s19+$0x450 ss:$0x1], $0xffff;
	v11 =	vadd.s32 v3, v58  }
0x97: {  	v52 =	vadd.s32 $0x80, v6;
	v55 =	vshra.s32 v7, $0x10;
	[tilespmem:v6+s11+$0x0] =	vst.idx.add.f32.msk $0xffff, v2;
	v6 =	vadd.s32 $0x80, v5  }
0x98: {  	v56 =	vld.idx.msk [tilespmem:v4+s19+$0x460 ss:$0x1], $0xffff;
	v13 =	vadd.s32 v3, v55  }
0x99: {  	v15 =	vld.idx.msk [tilespmem:v4+s19+$0x470 ss:$0x1], $0xffff;
	v57 =	vadd.s32 $0x80, v13  }
0x9a: {  	[tilespmem:v5+s11+$0x0] =	vst.idx.add.f32.msk $0xffff, v2;
	v5 =	vadd.s32 $0x80, v11  }
0x9b: {  	v16 =	vshra.s32 v54, $0x10;
	v10 =	vshll.u32 v51, $0x10;
	[tilespmem:v11+s11+$0x0] =	vst.idx.add.f32.msk $0xffff, v2  }
0x9c: {  	[tilespmem:v6+s11+$0x0] =	vst.idx.add.f32.msk $0xffff, v10;
	v6 =	vadd.s32 v3, v16  }
0x9d: {  	v60 =	vshra.s32 v56, $0x10;
	v7 =	vshll.u32 v7, $0x10;
	[tilespmem:v13+s11+$0x0] =	vst.idx.add.f32.msk $0xffff, v2;
	v59 =	vadd.s32 $0x80, v6  }
0x9e: {  	v61 =	vshll.u32 v53, $0x10;
	v63 =	vshra.s32 v15, $0x10;
	[tilespmem:v57+s11+$0x0] =	vst.idx.add.f32.msk $0xffff, v7;
	v7 =	vadd.s32 v3, v60  }
0x9f: {  	v9 =	vshll.u32 v48, $0x10;
	[tilespmem:v5+s11+$0x0] =	vst.idx.add.f32.msk $0xffff, v61;
	v5 =	vadd.s32 v3, v63  }
0xa0: {  	[tilespmem:v52+s11+$0x0] =	vst.idx.add.f32.msk $0xffff, v9;
	v62 =	vadd.s32 $0x80, v7  }
0xa1: {  	p1 =	por p0, p0;
	v8 =	vshll.u32 v54, $0x10;
	[tilespmem:v6+s11+$0x0] =	vst.idx.add.f32.msk $0xffff, v2;
	v6 =	vadd.s32 $0x80, v5  }
.Ltmp3:
0xa2: {  	[tilespmem:v59+s11+$0x0] =	vst.idx.add.f32.msk $0xffff, v8;
	(pc) =	sbr.rel @p1 .LBB2_10-.Ltmp3, $4  }
0xa3: {  	[tilespmem:v7+s11+$0x0] =	vst.idx.add.f32.msk $0xffff, v2  }
0xa4: {  	v7 =	vshll.u32 v56, $0x10;
	[tilespmem:v5+s11+$0x0] =	vst.idx.add.f32.msk $0xffff, v2  }
0xa5: {  	v5 =	vshll.u32 v15, $0x10;
	[tilespmem:v62+s11+$0x0] =	vst.idx.add.f32.msk $0xffff, v7  }
0xa6: {  	p0 =	por $0x0, $0x0;
	s19 =	simm.s32 $0x2000;
	[tilespmem:v6+s11+$0x0] =	vst.idx.add.f32.msk $0xffff, v5  }
0xa7: {  	s18 =	sadd.s32 $0x1, s18  }
0xa8: {  	p0 =	sne.s32 s18, $0x10  }
.Ltmp4:
0xa9: {  	_ = 	snop;
	(pc) =	sbr.rel @p0 .LBB2_9-.Ltmp4, $1  }
0xaa: {  	_ =	sdelay $0x3  }
0xab: {  	s16 =	sadd.s32 $0x1, s16  }
0xac: {  	p0 =	sne.s32 s16, $0xA  }
.Ltmp5:
0xad: {  	_ = 	snop;
	(pc) =	sbr.rel @p0 .LBB2_4-.Ltmp5, $1  }
0xae: {  	_ =	sdelay $0x3  }
0xaf: {  	_ =	swait.ge [sflag:s10], $0x2000  }
0xb0: {  	[sflag:s10] =	ssyncset.done $0x0  }
0xb1: {  	s15 =	simm.s32 $0x0;
	[sflag:s10] =	ssyncadd.s32 $0xFFFFE000  }
.LBB2_14:
0xb2: {  	s16 =	sshll.u32 s15, $0x7  }
0xb3: {  	s18 =	sand.u32 $0x380, s16  }
0xb4: {  	v3 =	vmov s18  }
0xb5: {  	s17 =	sshll.u32 s15, $0x9  }
0xb6: {  	p0 =	por $0x1, $0x1;
	s16 =	sand.u32 $0x1000, s17;
	s17 =	simm.s32 $0x0  }
.LBB2_15:
0xb7: {  	s17 =	sshra.s32 s17, $0x2  }
0xb8: {  	s17 =	sadd.s32 s17, s16  }
0xb9: {  	v4 =	vld.idx.msk [tilespmem:v3+s17+$0x0 ss:$0x1], $0xffff;
	_ =	sdelay $0x1  }
0xba: {  	v5 =	vld.idx.msk [tilespmem:v3+s17+$0x10 ss:$0x1], $0xffff;
	_ =	sdelay $0x2  }
0xbb: {  	v7 =	vadd.s32 $0x1400, v1;
	v9 =	vld.idx.msk [tilespmem:v3+s17+$0x20 ss:$0x1], $0xffff;
	v6 =	vshra.s32 v4, $0x10  }
0xbc: {  	v10 =	vadd.s32 $0x1480, v1;
	v13 =	vld.idx.msk [tilespmem:v3+s17+$0x30 ss:$0x1], $0xffff;
	v8 =	vadd.s32 v7, v6  }
0xbd: {  	v15 =	vld.idx.msk [tilespmem:v3+s17+$0x40 ss:$0x1], $0xffff;
	v11 =	vshra.s32 v5, $0x10;
	v6 =	vadd.s32 v10, v6  }
0xbe: {  	v29 =	vld.idx.msk [tilespmem:v3+s17+$0x50 ss:$0x1], $0xffff;
	v12 =	vadd.s32 v7, v11  }
0xbf: {  	v32 =	vld.idx.msk [tilespmem:v3+s17+$0x60 ss:$0x1], $0xffff;
	v26 =	vadd.s32 v10, v11  }
0xc0: {  	v34 =	vld.idx.msk [tilespmem:v3+s17+$0x70 ss:$0x1], $0xffff;
	v27 =	vshra.s32 v9, $0x10  }
0xc1: {  	v4 =	vshll.u32 v4, $0x10;
	v14 =	vadd.s32 v7, v27;
	[tilespmem:v8+s11+$0x0] =	vst.idx.add.f32.msk $0xffff, v2  }
0xc2: {  	[tilespmem:v6+s11+$0x0] =	vst.idx.add.f32.msk $0xffff, v4;
	v4 =	vadd.s32 v10, v27  }
0xc3: {  	v5 =	vshll.u32 v5, $0x10;
	v28 =	vshra.s32 v13, $0x10;
	[tilespmem:v12+s11+$0x0] =	vst.idx.add.f32.msk $0xffff, v2  }
0xc4: {  	[tilespmem:v26+s11+$0x0] =	vst.idx.add.f32.msk $0xffff, v5;
	v5 =	vadd.s32 v7, v28  }
0xc5: {  	v39 =	vld.idx.msk [tilespmem:v3+s17+$0x400 ss:$0x1], $0xffff;
	v30 =	vshra.s32 v15, $0x10  }
0xc6: {  	v9 =	vshll.u32 v9, $0x10;
	v31 =	vadd.s32 v7, v30;
	[tilespmem:v14+s11+$0x0] =	vst.idx.add.f32.msk $0xffff, v2  }
0xc7: {  	[tilespmem:v4+s11+$0x0] =	vst.idx.add.f32.msk $0xffff, v9;
	v4 =	vadd.s32 v10, v30  }
0xc8: {  	v42 =	vld.idx.msk [tilespmem:v3+s17+$0x410 ss:$0x1], $0xffff;
	v33 =	vshra.s32 v29, $0x10  }
0xc9: {  	[tilespmem:v5+s11+$0x0] =	vst.idx.add.f32.msk $0xffff, v2;
	v5 =	vadd.s32 v7, v33  }
0xca: {  	v46 =	vld.idx.msk [tilespmem:v3+s17+$0x420 ss:$0x1], $0xffff;
	v36 =	vshra.s32 v32, $0x10  }
0xcb: {  	v37 =	vshll.u32 v15, $0x10;
	v38 =	vadd.s32 v7, v36;
	[tilespmem:v31+s11+$0x0] =	vst.idx.add.f32.msk $0xffff, v2  }
0xcc: {  	[tilespmem:v4+s11+$0x0] =	vst.idx.add.f32.msk $0xffff, v37;
	v4 =	vadd.s32 v10, v36  }
0xcd: {  	v48 =	vld.idx.msk [tilespmem:v3+s17+$0x430 ss:$0x1], $0xffff;
	v40 =	vshra.s32 v34, $0x10  }
0xce: {  	[tilespmem:v5+s11+$0x0] =	vst.idx.add.f32.msk $0xffff, v2;
	v5 =	vadd.s32 v7, v40  }
0xcf: {  	v49 =	vld.idx.msk [tilespmem:v3+s17+$0x440 ss:$0x1], $0xffff;
	v41 =	vadd.s32 v10, v40  }
0xd0: {  	v43 =	vshll.u32 v32, $0x10;
	v44 =	vshra.s32 v39, $0x10;
	[tilespmem:v38+s11+$0x0] =	vst.idx.add.f32.msk $0xffff, v2  }
0xd1: {  	[tilespmem:v4+s11+$0x0] =	vst.idx.add.f32.msk $0xffff, v43;
	v4 =	vadd.s32 v7, v44  }
0xd2: {  	v51 =	vld.idx.msk [tilespmem:v3+s17+$0x450 ss:$0x1], $0xffff;
	v45 =	vadd.s32 v10, v44  }
0xd3: {  	v52 =	vshra.s32 v48, $0x10;
	[tilespmem:v5+s11+$0x0] =	vst.idx.add.f32.msk $0xffff, v2;
	v5 =	vshll.u32 v34, $0x10  }
0xd4: {  	v53 =	vadd.s32 v7, v52;
	[tilespmem:v41+s11+$0x0] =	vst.idx.add.f32.msk $0xffff, v5;
	v5 =	vshra.s32 v42, $0x10  }
0xd5: {  	v17 =	vld.idx.msk [tilespmem:v3+s17+$0x470 ss:$0x1], $0xffff;
	v47 =	vadd.s32 v7, v5  }
0xd6: {  	v5 =	vadd.s32 v10, v5;
	[tilespmem:v4+s11+$0x0] =	vst.idx.add.f32.msk $0xffff, v2;
	v4 =	vshll.u32 v39, $0x10  }
0xd7: {  	v35 =	vadd.s32 v10, v33;
	[tilespmem:v45+s11+$0x0] =	vst.idx.add.f32.msk $0xffff, v4;
	v4 =	vshra.s32 v46, $0x10  }
0xd8: {  	v16 =	vld.idx.msk [tilespmem:v3+s17+$0x460 ss:$0x1], $0xffff;
	v50 =	vadd.s32 v7, v4  }
0xd9: {  	[tilespmem:v53+s11+$0x0] =	vst.idx.add.f32.msk $0xffff, v2;
	v4 =	vadd.s32 v10, v4  }
0xda: {  	v8 =	vshll.u32 v42, $0x10;
	v6 =	vadd.s32 v10, v28;
	[tilespmem:v47+s11+$0x0] =	vst.idx.add.f32.msk $0xffff, v2  }
0xdb: {  	v54 =	vshra.s32 v49, $0x10;
	v11 =	vshll.u32 v29, $0x10;
	[tilespmem:v5+s11+$0x0] =	vst.idx.add.f32.msk $0xffff, v8;
	v5 =	vadd.s32 v10, v52  }
0xdc: {  	v61 =	vshra.s32 v17, $0x10;
	v55 =	vadd.s32 v7, v54;
	[tilespmem:v35+s11+$0x0] =	vst.idx.add.f32.msk $0xffff, v11  }
0xdd: {  	v56 =	vshra.s32 v51, $0x10;
	v62 =	vadd.s32 v7, v61;
	v11 =	vshll.u32 v46, $0x10;
	[tilespmem:v50+s11+$0x0] =	vst.idx.add.f32.msk $0xffff, v2  }
0xde: {  	v13 =	vshll.u32 v13, $0x10;
	[tilespmem:v4+s11+$0x0] =	vst.idx.add.f32.msk $0xffff, v11;
	v4 =	vadd.s32 v7, v56  }
0xdf: {  	v57 =	vshll.u32 v48, $0x10;
	v58 =	vshra.s32 v16, $0x10;
	[tilespmem:v6+s11+$0x0] =	vst.idx.add.f32.msk $0xffff, v13;
	v6 =	vadd.s32 v10, v54  }
0xe0: {  	[tilespmem:v5+s11+$0x0] =	vst.idx.add.f32.msk $0xffff, v57;
	v5 =	vadd.s32 v7, v58  }
0xe1: {  	[tilespmem:v55+s11+$0x0] =	vst.idx.add.f32.msk $0xffff, v2;
	v9 =	vadd.s32 v10, v56  }
0xe2: {  	v60 =	vadd.s32 v10, v58;
	[tilespmem:v62+s11+$0x0] =	vst.idx.add.f32.msk $0xffff, v2  }
0xe3: {  	p1 =	por p0, p0;
	v59 =	vshll.u32 v49, $0x10;
	[tilespmem:v4+s11+$0x0] =	vst.idx.add.f32.msk $0xffff, v2;
	v4 =	vadd.s32 v10, v61  }
.Ltmp6:
0xe4: {  	[tilespmem:v6+s11+$0x0] =	vst.idx.add.f32.msk $0xffff, v59;
	(pc) =	sbr.rel @p1 .LBB2_15-.Ltmp6, $4  }
0xe5: {  	v63 =	vshll.u32 v51, $0x10;
	[tilespmem:v5+s11+$0x0] =	vst.idx.add.f32.msk $0xffff, v2  }
0xe6: {  	v5 =	vshll.u32 v16, $0x10;
	[tilespmem:v9+s11+$0x0] =	vst.idx.add.f32.msk $0xffff, v63  }
0xe7: {  	[tilespmem:v60+s11+$0x0] =	vst.idx.add.f32.msk $0xffff, v5;
	v5 =	vshll.u32 v17, $0x10  }
0xe8: {  	p0 =	por $0x0, $0x0;
	s17 =	simm.s32 $0x2000;
	[tilespmem:v4+s11+$0x0] =	vst.idx.add.f32.msk $0xffff, v5  }
0xe9: {  	s15 =	sadd.s32 $0x1, s15  }
0xea: {  	p0 =	sne.s32 s15, $0x10  }
.Ltmp7:
0xeb: {  	_ = 	snop;
	(pc) =	sbr.rel @p0 .LBB2_14-.Ltmp7, $1  }
0xec: {  	_ =	sdelay $0x3  }
0xed: {  	s15 =	simm.s32 $0x4000  }
0xee: {  	v3 =	vld [tilespmem:s15+$0x10]  }
0xef: {  	v4 =	vld [tilespmem:s15+$0x1811]  }
0xf0: {  	v5 =	vld [tilespmem:s15+$0x1801]  }
0xf1: {  	v6 =	vld [tilespmem:s15+$0x3012]  }
0xf2: {  	v7 =	vld [tilespmem:s15+$0x0]  }
0xf3: {  	v8 =	vld [tilespmem:s15+$0x4813]  }
0xf4: {  	v9 =	vld [tilespmem:s15+$0x3002];
	v3 =	vadd.f32 v4, v3  }
0xf5: {  	v4 =	vld [tilespmem:s15+$0x6014]  }
0xf6: {  	v10 =	vld [tilespmem:s15+$0x4803];
	v3 =	vadd.f32 v6, v3  }
0xf7: {  	v5 =	vadd.f32 v5, v7;
	v6 =	vld [tilespmem:s15+$0x7815]  }
0xf8: {  	v7 =	vld [tilespmem:s15+$0x6004];
	v3 =	vadd.f32 v8, v3  }
0xf9: {  	v5 =	vadd.f32 v9, v5;
	v8 =	vld [tilespmem:s15+$0x9016]  }
0xfa: {  	v9 =	vld [tilespmem:s15+$0x7805];
	v3 =	vadd.f32 v4, v3  }
0xfb: {  	v4 =	vadd.f32 v10, v5;
	v5 =	vld [tilespmem:s15+$0xA817]  }
0xfc: {  	v10 =	vld [tilespmem:s15+$0x9006];
	v3 =	vadd.f32 v6, v3  }
0xfd: {  	v4 =	vadd.f32 v7, v4;
	v6 =	vld [tilespmem:s15+$0xC018]  }
0xfe: {  	v7 =	vld [tilespmem:s15+$0xA807];
	v3 =	vadd.f32 v8, v3  }
0xff: {  	v4 =	vadd.f32 v9, v4;
	v8 =	vld [tilespmem:s15+$0xD819]  }
0x100: {  	v9 =	vld [tilespmem:s15+$0xC008];
	v3 =	vadd.f32 v5, v3  }
0x101: {  	v4 =	vadd.f32 v10, v4;
	v5 =	vld [tilespmem:s15+$0xF01A]  }
0x102: {  	v10 =	vld [tilespmem:s15+$0xD809];
	v3 =	vadd.f32 v6, v3  }
0x103: {  	v4 =	vadd.f32 v7, v4;
	v6 =	vld [tilespmem:s15+$0x1081B]  }
0x104: {  	v7 =	vld [tilespmem:s15+$0xF00A];
	v3 =	vadd.f32 v8, v3  }
0x105: {  	v4 =	vadd.f32 v9, v4;
	v8 =	vld [tilespmem:s15+$0x1201C]  }
0x106: {  	v9 =	vld [tilespmem:s15+$0x1080B];
	v3 =	vadd.f32 v5, v3  }
0x107: {  	v4 =	vadd.f32 v10, v4;
	v10 =	vld [tilespmem:s15+$0x1381D]  }
0x108: {  	v11 =	vld [tilespmem:s15+$0x1200C];
	v5 =	vadd.f32 v6, v3  }
0x109: {  	v6 =	vadd.f32 v7, v4;
	v3 =	vld [tilespmem:s15+$0x1501E]  }
0x10a: {  	v4 =	vld [tilespmem:s15+$0x1380D];
	v7 =	vadd.f32 v8, v5  }
0x10b: {  	v9 =	vadd.f32 v9, v6;
	v5 =	vld [tilespmem:s15+$0x1681F]  }
0x10c: {  	v6 =	vld [tilespmem:s15+$0x1500E];
	v8 =	vadd.f32 v10, v7  }
0x10d: {  	s16 =	simm.s32 $0x0;
	s17 =	simm.s32 $0x4020;
	v9 =	vadd.f32 v11, v9;
	v7 =	vld [tilespmem:s15+$0x1680F]  }
.LBB2_18:
0x10e: {  	v10 =	vld [tilespmem:s17+$0x10];
	v3 =	vadd.f32 v3, v8  }
0x10f: {  	s16 =	sadd.s32 $0x2, s16;
	v8 =	vld [tilespmem:s17+$0x1811];
	v4 =	vadd.f32 v4, v9  }
0x110: {  	p0 =	slt.u32 s16, $0x17E;
	v9 =	vld [tilespmem:s17+$0x1801];
	v3 =	vadd.f32 v5, v3  }
0x111: {  	v5 =	vld [tilespmem:s17+$0x3012];
	v4 =	vadd.f32 v6, v4  }
0x112: {  	v6 =	vld [tilespmem:s17+$0x0];
	[tilespmem:s15+$0x10] =	vst v3  }
0x113: {  	v3 =	vld [tilespmem:s17+$0x4813];
	v4 =	vadd.f32 v7, v4  }
0x114: {  	v7 =	vld [tilespmem:s17+$0x3002];
	v8 =	vadd.f32 v8, v10  }
0x115: {  	v10 =	vld [tilespmem:s17+$0x6014];
	[tilespmem:s15+$0x0] =	vst v4;
	s15 =	smov.u32 s17  }
0x116: {  	v4 =	vld [tilespmem:s17+$0x4803];
	v5 =	vadd.f32 v5, v8  }
0x117: {  	v6 =	vadd.f32 v9, v6;
	v8 =	vld [tilespmem:s17+$0x7815]  }
0x118: {  	v9 =	vld [tilespmem:s17+$0x6004];
	v3 =	vadd.f32 v3, v5  }
0x119: {  	v5 =	vadd.f32 v7, v6;
	v6 =	vld [tilespmem:s17+$0x9016]  }
0x11a: {  	v7 =	vld [tilespmem:s17+$0x7805];
	v3 =	vadd.f32 v10, v3  }
0x11b: {  	v4 =	vadd.f32 v4, v5;
	v5 =	vld [tilespmem:s17+$0xA817]  }
0x11c: {  	v10 =	vld [tilespmem:s17+$0x9006];
	v3 =	vadd.f32 v8, v3  }
0x11d: {  	v4 =	vadd.f32 v9, v4;
	v8 =	vld [tilespmem:s17+$0xC018]  }
0x11e: {  	v9 =	vld [tilespmem:s17+$0xA807];
	v3 =	vadd.f32 v6, v3  }
0x11f: {  	v4 =	vadd.f32 v7, v4;
	v6 =	vld [tilespmem:s17+$0xD819]  }
0x120: {  	v7 =	vld [tilespmem:s17+$0xC008];
	v3 =	vadd.f32 v5, v3  }
0x121: {  	v4 =	vadd.f32 v10, v4;
	v5 =	vld [tilespmem:s17+$0xF01A]  }
0x122: {  	v10 =	vld [tilespmem:s17+$0xD809];
	v3 =	vadd.f32 v8, v3  }
0x123: {  	v4 =	vadd.f32 v9, v4;
	v8 =	vld [tilespmem:s17+$0x1081B]  }
0x124: {  	v9 =	vld [tilespmem:s17+$0xF00A];
	v3 =	vadd.f32 v6, v3  }
0x125: {  	v4 =	vadd.f32 v7, v4;
	v6 =	vld [tilespmem:s17+$0x1201C]  }
0x126: {  	v7 =	vld [tilespmem:s17+$0x1080B];
	v3 =	vadd.f32 v5, v3  }
0x127: {  	v4 =	vadd.f32 v10, v4;
	v10 =	vld [tilespmem:s17+$0x1381D]  }
0x128: {  	v11 =	vld [tilespmem:s17+$0x1200C];
	v5 =	vadd.f32 v8, v3  }
.Ltmp8:
0x129: {  	v8 =	vadd.f32 v9, v4;
	v3 =	vld [tilespmem:s17+$0x1501E];
	(pc) =	sbr.rel @p0 .LBB2_18-.Ltmp8, $4  }
0x12a: {  	v4 =	vld [tilespmem:s17+$0x1380D];
	v9 =	vadd.f32 v6, v5  }
0x12b: {  	v7 =	vadd.f32 v7, v8;
	v5 =	vld [tilespmem:s17+$0x1681F]  }
0x12c: {  	v6 =	vld [tilespmem:s17+$0x1500E];
	v8 =	vadd.f32 v10, v9  }
0x12d: {  	s17 =	sadd.s32 $0x20, s17;
	v9 =	vadd.f32 v11, v7;
	v7 =	vld [tilespmem:s15+$0x1680F]  }
0x12e: {  	_ = 	snop  }
0x12f: {  	v4 =	vadd.f32 v4, v9  }
0x130: {  	v3 =	vadd.f32 v3, v8  }
0x131: {  	v4 =	vadd.f32 v6, v4  }
0x132: {  	v3 =	vadd.f32 v5, v3  }
0x133: {  	s14 =	sadd.s32 $0x1, s14;
	v4 =	vadd.f32 v7, v4  }
0x134: {  	p0 =	sne.s32 s14, s8;
	[tilespmem:s15+$0x10] =	vst v3  }
.Ltmp9:
0x135: {  	[tilespmem:s15+$0x0] =	vst v4;
	(pc) =	sbr.rel @p0 .LBB2_1-.Ltmp9, $4  }
0x136: {  	[hbm4b:s7+s2] =	stream.linear.scatter [tilespmem:s11], [sflag:$0x3], $0x1800, $0x38;
	[tilespmem:$0x1C080] =	vst v63  }
0x137: {  	_ =	swait.ge [sflag:s13], $0x1800  }
0x138: {  	[sflag:s13] =	ssyncset.done $0x0  }
0x139: {  	[sflag:s13] =	ssyncadd.s32 $0xFFFFE800  }
0x13a: {  	_ =	sfence.sel $0x180000  }
0x13b: {  	[bflag:$0x0] =	sbarrier.arrive $0xFFFF  }
0x13c: {  	p0 =	sne.s32 s0, $0x0;
	_ =	strace $0x90000047  }
0x13d: {  	s0 =	sadd.s32 @!p0 $0x100000, s1;
	[bflag:$0x2] =	sbarrier.arrive $0xFFFF  }
0x13e: {  	[sflag:s0] =	ssyncadd.tile.s32 @!p0 $0x1;
	_ =	shalt  }
.Lfunc_end2:
_tile_overlayer_lowered:
.L_overlay_start_2:
0x13f: {  	(tag) =	ssettag $0x2  }
0x140: {  	s0 =	rddreg [dreg:$0x0];
	s2 =	stileid.u32  }
0x141: {  	s1 =	rddreg [dreg:$0x1];
	p0 =	sne.s32 s2, $0x0  }
0x142: {  	s3 =	rddreg [dreg:$0x2];
	[bflag:$0x3] =	sbarrier.arrive $0xFFFF;
	s2 =	simm.s32 @!p0 $0x1C03  }
0x143: {  	[timem:s3], [sflag:s2] =	dma.local @!p0 [hbm:s0], s1  }
0x144: {  	s0 =	simm.s32 @!p0 $0x3  }
0x145: {  	_ =	swait.ge @!p0 [sflag:s0], s1  }
0x146: {  	s1 =	ssub.s32 @!p0 $0x0, s1;
	[sflag:s0] =	ssyncset.done @!p0 $0x0  }
0x147: {  	[sflag:s0] =	ssyncadd.s32 @!p0 s1  }
0x148: {  	[bflag:$0x3] =	sbarrier.arrive $0xFFFF  }
0x149: {  	_ =	shalt  }

</sc_bundles>
